<compile_context>
chip_gen: v7x
topology: tpu7x:2x2x1
jax: 0.10.2.dev20260603
libtpu: 0.0.44.dev20260713+nightly
codegen_flags: <defaults>
</compile_context>

<pallas_src>
import dataclasses
import functools

import jax
import jax.numpy as jnp
import numpy as np
from jax import lax
from jax.experimental import pallas as pl
from jax.experimental.pallas import tpu as pltpu
from jax.experimental.pallas import tpu_sc as plsc

N = 10000
E = 320000
D = 128

NC = 2
NS = 16
L = 16
NW = NC * NS
EPW = E // NW
K = 64
NBF = 156
TAIL = EPW - NBF * K
RPT = 624

_HIGH = jax.lax.Precision.HIGHEST



BM = 1000
NGB = N // BM


def _pre_body(x_ref, wn_ref, bn_ref, hraw_ref, stats_ref, acc_ref):
    i = pl.program_id(0)
    h = jnp.dot(x_ref[...], wn_ref[...], preferred_element_type=jnp.float32,
                precision=_HIGH) + bn_ref[...]
    hraw_ref[...] = h

    @pl.when(i == 0)
    def _():
        acc_ref[...] = jnp.zeros_like(acc_ref)

    acc_ref[0:1, :] += jnp.sum(h, axis=0, keepdims=True)
    acc_ref[1:2, :] += jnp.sum(h * h, axis=0, keepdims=True)

    @pl.when(i == NGB - 1)
    def _():
        stats_ref[...] = acc_ref[...]


def _post_body(hraw_ref, stats_ref, g_ref, be_ref, wa_ref, bm1_ref, wb_ref,
               h_ref, a_ref, b_ref):
    mu = stats_ref[0:1, :] * (1.0 / N)
    var = stats_ref[1:2, :] * (1.0 / N) - mu * mu
    hn = (hraw_ref[...] - mu) * jax.lax.rsqrt(var + 1e-5) * g_ref[...] \
        + be_ref[...]
    hr = jnp.maximum(hn, 0.0)
    h_ref[...] = hr
    a_ref[...] = jnp.dot(hr, wa_ref[...], preferred_element_type=jnp.float32,
                         precision=_HIGH) + bm1_ref[...]
    b_ref[...] = jnp.dot(hr, wb_ref[...], preferred_element_type=jnp.float32,
                         precision=_HIGH)


def _node_stage(x, W_node, b_node, gamma, beta, Wm1a, b_m1, Wm1b):
    blk = lambda: pl.BlockSpec((BM, D), lambda i: (i, 0))
    full = lambda r: pl.BlockSpec((r, D), lambda i: (0, 0))
    hraw, stats = pl.pallas_call(
        _pre_body,
        grid=(NGB,),
        in_specs=[blk(), full(D), full(1)],
        out_specs=[blk(), full(8)],
        out_shape=[jax.ShapeDtypeStruct((N, D), jnp.float32),
                   jax.ShapeDtypeStruct((8, D), jnp.float32)],
        scratch_shapes=[pltpu.VMEM((8, D), jnp.float32)],
    )(x, W_node, b_node.reshape(1, D))
    return pl.pallas_call(
        _post_body,
        grid=(NGB,),
        in_specs=[blk(), full(8), full(1), full(1), full(D), full(1),
                  full(D)],
        out_specs=[blk(), blk(), blk()],
        out_shape=[jax.ShapeDtypeStruct((N, D), jnp.float32)] * 3,
    )(hraw, stats, gamma.reshape(1, D), beta.reshape(1, D), Wm1a,
      b_m1.reshape(1, D), Wm1b)



def _sc_compiler_params():
    cp = pltpu.CompilerParams()
    if "needs_layout_passes" in pltpu.CompilerParams.__dataclass_fields__:
        cp = dataclasses.replace(cp, needs_layout_passes=False)
    return cp


def _edge_stage(A, B, dst, src, ea, wattr):
    mesh = plsc.VectorSubcoreMesh(core_axis_name="c", subcore_axis_name="s")

    @functools.partial(
        pl.kernel,
        compiler_params=_sc_compiler_params(),
        out_type=[
            jax.ShapeDtypeStruct((NC * N, D), jnp.float32),
            jax.ShapeDtypeStruct((NW, N), jnp.float32),
        ],
        mesh=mesh,
        scratch_types=[
            pltpu.VMEM_SHARED((N, D), jnp.float32),
            pltpu.VMEM((K, D), jnp.float32),
            pltpu.VMEM((K, D), jnp.float32),
            pltpu.VMEM((K, D), jnp.float32),
            pltpu.VMEM((K, D), jnp.float32),
            pltpu.VMEM((K,), jnp.int32),
            pltpu.VMEM((K,), jnp.int32),
            pltpu.VMEM((K,), jnp.int32),
            pltpu.VMEM((K,), jnp.int32),
            pltpu.VMEM((K,), jnp.float32),
            pltpu.VMEM((K,), jnp.float32),
            pltpu.VMEM((K,), jnp.int32),
            pltpu.VMEM((K,), jnp.int32),
            pltpu.VMEM((K,), jnp.float32),
            pltpu.VMEM((K,), jnp.float32),
            pltpu.VMEM((TAIL,), jnp.int32),
            pltpu.VMEM((TAIL,), jnp.int32),
            pltpu.VMEM((TAIL,), jnp.float32),
            pltpu.VMEM((N,), jnp.float32),
            pltpu.VMEM((D,), jnp.float32),
        ] + [pltpu.SemaphoreType.DMA] * 8,
    )
    def edge_kernel(a_hbm, b_hbm, dst_hbm, src_hbm, ea_hbm, wattr_hbm,
                    s_out, cnt_out,
                    s_sh, ba0, ba1, bb0, bb1, d0, d1, sr0, sr1,
                    e0, e1, c0, c1, ce0, ce1, td, ts, te, hist, wv,
                    sa0, sa1, sb0, sb1, si0, si1, ss0, ss1):
        c = lax.axis_index("c")
        s = lax.axis_index("s")
        w = c * NS + s
        ebase = w * EPW
        buf_a = (ba0, ba1)
        buf_b = (bb0, bb1)
        dd = (d0, d1)
        ssr = (sr0, sr1)
        ee = (e0, e1)
        cc = (c0, c1)
        cee = (ce0, ce1)
        sem_a = (sa0, sa1)
        sem_b = (sb0, sb1)
        sem_i = (si0, si1)
        sem_s = (ss0, ss1)

        pltpu.sync_copy(wattr_hbm, wv)

        zeros = jnp.zeros((L,), jnp.float32)
        ones = jnp.full((L,), 1.0, jnp.float32)

        @pl.loop(0, N // L)
        def _zh(i):
            hist[pl.ds(i * L, L)] = zeros

        @pl.loop(0, K)
        def _zb(j):
            for ch in range(D // L):
                ba0[j, pl.ds(ch * L, L)] = zeros

        row0 = s * RPT
        for t in range(RPT // K):
            pltpu.sync_copy(ba0, s_sh.at[pl.ds(row0 + t * K, K)])
        pltpu.sync_copy(ba0.at[pl.ds(0, RPT % K)],
                        s_sh.at[pl.ds(row0 + (RPT // K) * K, RPT % K)])

        @pl.when(s == NS - 1)
        def _ztail():
            pltpu.sync_copy(ba0.at[pl.ds(0, TAIL)],
                            s_sh.at[pl.ds(NS * RPT, TAIL)])

        plsc.subcore_barrier()

        wch = [wv[pl.ds(i * L, L)] for i in range(D // L)]

        def idx_issue(i, p):
            base = ebase + i * K
            pltpu.async_copy(dst_hbm.at[pl.ds(base, K)], dd[p], sem_i[p])
            pltpu.async_copy(src_hbm.at[pl.ds(base, K)], ssr[p], sem_i[p])
            pltpu.async_copy(ea_hbm.at[pl.ds(base, K)], ee[p], sem_i[p])

        def idx_wait(p):
            pltpu.make_async_copy(dst_hbm.at[pl.ds(0, K)], dd[p],
                                  sem_i[p]).wait()
            pltpu.make_async_copy(src_hbm.at[pl.ds(0, K)], ssr[p],
                                  sem_i[p]).wait()
            pltpu.make_async_copy(ea_hbm.at[pl.ds(0, K)], ee[p],
                                  sem_i[p]).wait()

        def gather_issue(p):
            pltpu.async_copy(a_hbm.at[dd[p]], buf_a[p], sem_a[p])
            pltpu.async_copy(b_hbm.at[ssr[p]], buf_b[p], sem_b[p])

        def gather_wait(p):
            pltpu.make_async_copy(a_hbm.at[dd[p]], buf_a[p], sem_a[p]).wait()
            pltpu.make_async_copy(b_hbm.at[ssr[p]], buf_b[p], sem_b[p]).wait()

        def copy_scidx(p):
            for g in range(K // L):
                sl = pl.ds(g * L, L)
                cc[p][sl] = dd[p][sl]
                cee[p][sl] = ee[p][sl]

        def compute_block(p):
            a = buf_a[p]
            b = buf_b[p]
            eref = cee[p]

            @plsc.parallel_loop(0, K, unroll=8)
            def _e(j):
                eab = plsc.load_gather(eref, [jnp.full((L,), j, jnp.int32)])
                for ch in range(D // L):
                    sl = pl.ds(ch * L, L)
                    r = a[j, sl] + b[j, sl] + eab * wch[ch]
                    a[j, sl] = jnp.maximum(r, 0.0)

        def hist_update(p):
            for g in range(K // L):
                dv = cc[p][pl.ds(g * L, L)]
                plsc.addupdate_scatter(hist, [dv], ones)

        def scatter_issue(p):
            pltpu.async_copy(buf_a[p], s_sh.at[cc[p]], sem_s[p], add=True)

        def scatter_wait(p):
            pltpu.make_async_copy(buf_a[p], s_sh.at[cc[p]], sem_s[p]).wait()

        pltpu.sync_copy(dst_hbm.at[pl.ds(ebase, K)], d0)
        pltpu.sync_copy(src_hbm.at[pl.ds(ebase, K)], sr0)
        pltpu.sync_copy(ea_hbm.at[pl.ds(ebase, K)], e0)
        gather_issue(0)
        idx_issue(1, 1)

        @pl.loop(0, NBF // 2)
        def _pair(ii):
            for p in (0, 1):
                q = 1 - p
                i = ii * 2 + p

                @pl.when(i >= 1)
                def _ws():
                    scatter_wait(q)

                @pl.when(i + 1 < NBF)
                def _ig():
                    idx_wait(q)
                    gather_issue(q)

                gather_wait(p)
                copy_scidx(p)

                @pl.when(i + 2 < NBF)
                def _ii():
                    idx_issue(i + 2, p)

                compute_block(p)
                hist_update(p)
                scatter_issue(p)

        scatter_wait(1)

        tbase = ebase + NBF * K
        pltpu.sync_copy(dst_hbm.at[pl.ds(tbase, TAIL)], td)
        pltpu.sync_copy(src_hbm.at[pl.ds(tbase, TAIL)], ts)
        pltpu.sync_copy(ea_hbm.at[pl.ds(tbase, TAIL)], te)
        pltpu.sync_copy(a_hbm.at[td], ba0.at[pl.ds(0, TAIL)])
        pltpu.sync_copy(b_hbm.at[ts], bb0.at[pl.ds(0, TAIL)])

        @plsc.parallel_loop(0, TAIL, unroll=4)
        def _te(j):
            eab = plsc.load_gather(te, [jnp.full((L,), j, jnp.int32)])
            for ch in range(D // L):
                sl = pl.ds(ch * L, L)
                r = ba0[j, sl] + bb0[j, sl] + eab * wch[ch]
                ba0[j, sl] = jnp.maximum(r, 0.0)

        tdv = td[pl.ds(0, L)]
        plsc.addupdate_scatter(hist, [tdv], ones)
        pltpu.sync_copy(ba0.at[pl.ds(0, TAIL)], s_sh.at[td], add=True)

        plsc.subcore_barrier()

        pltpu.sync_copy(s_sh.at[pl.ds(row0, RPT)],
                        s_out.at[pl.ds(c * N + row0, RPT)])

        @pl.when(s == NS - 1)
        def _otail():
            pltpu.sync_copy(s_sh.at[pl.ds(NS * RPT, TAIL)],
                            s_out.at[pl.ds(c * N + NS * RPT, TAIL)])

        pltpu.sync_copy(hist, cnt_out.at[w])

    return edge_kernel(A, B, dst, src, ea, wattr)



def _update_stage_body(s0_ref, s1_ref, cnt_ref, h_ref, wm2_ref, bm2_ref,
                       wu1a_ref, wu1b_ref, bu1_ref, wu2_ref, bu2_ref,
                       out_ref):
    s_sum = s0_ref[...] + s1_ref[...]
    ones = jnp.full((NW, 1), 1.0, jnp.float32)
    cnt = lax.dot_general(cnt_ref[0], ones, (((0,), (0,)), ((), ())),
                          preferred_element_type=jnp.float32,
                          precision=_HIGH)
    agg = jnp.dot(s_sum, wm2_ref[...], preferred_element_type=jnp.float32,
                  precision=_HIGH) + cnt * bm2_ref[...]
    aggr = agg / jnp.maximum(cnt, 1.0)
    u = jnp.dot(h_ref[...], wu1a_ref[...], preferred_element_type=jnp.float32,
                precision=_HIGH)
    u = u + jnp.dot(aggr, wu1b_ref[...], preferred_element_type=jnp.float32,
                    precision=_HIGH) + bu1_ref[...]
    u = jnp.maximum(u, 0.0)
    out_ref[...] = jnp.dot(u, wu2_ref[...], preferred_element_type=jnp.float32,
                           precision=_HIGH) + bu2_ref[...]


def _update_stage(s_part, cnt_part, h, W_m2, b_m2, Wu1a, Wu1b, b_u1, W_u2,
                  b_u2):
    blk = lambda: pl.BlockSpec((BM, D), lambda i: (i, 0))
    full = lambda r: pl.BlockSpec((r, D), lambda i: (0, 0))
    return pl.pallas_call(
        _update_stage_body,
        grid=(NGB,),
        in_specs=[
            pl.BlockSpec((BM, D), lambda i: (i, 0)),
            pl.BlockSpec((BM, D), lambda i: (NGB + i, 0)),
            pl.BlockSpec((1, NW, BM), lambda i: (i, 0, 0)),
            blk(), full(D), full(1), full(D), full(D), full(1), full(D),
            full(1),
        ],
        out_specs=blk(),
        out_shape=jax.ShapeDtypeStruct((N, D), jnp.float32),
    )(s_part, s_part, cnt_part.reshape(NW, NGB, BM).swapaxes(0, 1), h,
      W_m2, b_m2.reshape(1, D), Wu1a, Wu1b,
      b_u1.reshape(1, D), W_u2, b_u2.reshape(1, D))



def kernel(x, edge_index, edge_attr, W_node, b_node, gamma, beta,
           W_m1, b_m1, W_m2, b_m2, W_u1, b_u1, W_u2, b_u2):
    ea = edge_attr[:, 0]
    Wm1a = W_m1[:D]
    Wm1b = W_m1[D:2 * D]
    wattr = W_m1[2 * D]

    h, A, B = _node_stage(x, W_node, b_node, gamma, beta, Wm1a, b_m1, Wm1b)
    src = edge_index[0].astype(jnp.int32)
    dst = edge_index[1].astype(jnp.int32)
    s_part, cnt_part = _edge_stage(A, B, dst, src, ea, wattr)
    return _update_stage(s_part, cnt_part, h, W_m2, b_m2,
                         W_u1[:D], W_u1[D:], b_u1, W_u2, b_u2)

# --- scband reference (transcript-rebuilt; emitter-appended) ---
"""Pipeline reference for scband-geometric-graph-conv-73100343378529 (READ-ONLY COPY).

The authoritative reference and input builder live on the scoring server;
editing this copy changes nothing except your own understanding.
"""

import jax, jax.numpy as jnp
import numpy as np

N = 10000
E = 320000
D = 128


def setup_inputs(seed: int = 0) -> dict:
    key = jax.random.key(seed)
    ks = jax.random.split(key, 16)
    x = jax.random.normal(ks[0], (N, D), dtype=jnp.float32)
    edge_index = jax.random.randint(ks[1], (2, E), 0, N)
    edge_attr = jax.random.normal(ks[2], (E, 1), dtype=jnp.float32)
    # node_mlp: Linear(D, D) + BatchNorm1d(D) + ReLU
    W_node = jax.random.normal(ks[3], (D, D), dtype=jnp.float32) / np.sqrt(D)
    b_node = jnp.zeros((D,), dtype=jnp.float32)
    gamma = jnp.ones((D,), dtype=jnp.float32)
    beta = jnp.zeros((D,), dtype=jnp.float32)
    # message_mlp: Linear(2*D + 1, D) -> ReLU -> Linear(D, D)   (edge_dim=1 default)
    W_m1 = jax.random.normal(ks[4], (2 * D + 1, D), dtype=jnp.float32) / np.sqrt(2 * D + 1)
    b_m1 = jnp.zeros((D,), dtype=jnp.float32)
    W_m2 = jax.random.normal(ks[5], (D, D), dtype=jnp.float32) / np.sqrt(D)
    b_m2 = jnp.zeros((D,), dtype=jnp.float32)
    # update_mlp: Linear(2*D, D) -> ReLU -> Linear(D, D)
    W_u1 = jax.random.normal(ks[6], (2 * D, D), dtype=jnp.float32) / np.sqrt(2 * D)
    b_u1 = jnp.zeros((D,), dtype=jnp.float32)
    W_u2 = jax.random.normal(ks[7], (D, D), dtype=jnp.float32) / np.sqrt(D)
    b_u2 = jnp.zeros((D,), dtype=jnp.float32)
    return {"x": x, "edge_index": edge_index, "edge_attr": edge_attr,
            "W_node": W_node, "b_node": b_node, "gamma": gamma, "beta": beta,
            "W_m1": W_m1, "b_m1": b_m1, "W_m2": W_m2, "b_m2": b_m2,
            "W_u1": W_u1, "b_u1": b_u1, "W_u2": W_u2, "b_u2": b_u2}


def reference(x, edge_index, edge_attr, W_node, b_node, gamma, beta,
              W_m1, b_m1, W_m2, b_m2, W_u1, b_u1, W_u2, b_u2):
    # node_mlp: Linear -> BatchNorm1d (training-mode batch stats, eps=1e-5) -> ReLU
    h = x @ W_node + b_node
    mu = jnp.mean(h, axis=0)
    var = jnp.var(h, axis=0)  # biased variance, matching torch BN normalization
    h = (h - mu) / jnp.sqrt(var + 1e-5) * gamma + beta
    h = jax.nn.relu(h)
    # use_edge_features=False -> edge_attr (dim=1) is passed straight to the conv
    src = edge_index[0]
    dst = edge_index[1]
    # PyG MessagePassing: x_i = target features, x_j = source features
    x_i = h[dst]
    x_j = h[src]
    msg_in = jnp.concatenate([x_i, x_j, edge_attr], axis=-1)
    m = jax.nn.relu(msg_in @ W_m1 + b_m1)
    m = m @ W_m2 + b_m2
    # aggr='mean' over destination nodes
    agg_sum = jax.ops.segment_sum(m, dst, num_segments=N)
    cnt = jax.ops.segment_sum(jnp.ones((m.shape[0], 1), dtype=m.dtype), dst, num_segments=N)
    aggr_out = agg_sum / jnp.maximum(cnt, 1.0)
    # update: MLP on [x, aggr_out]
    upd_in = jnp.concatenate([h, aggr_out], axis=-1)
    out = jax.nn.relu(upd_in @ W_u1 + b_u1)
    out = out @ W_u2 + b_u2
    return out

if __name__ == "__main__":
    import jax
    _d = setup_inputs()
    print(jax.jit(kernel)(*tuple(_d.values())))

</pallas_src>

<mosaic_0001>
#map = affine_map<(d0, d1) -> (0, 0)>
#map1 = affine_map<(d0, d1) -> (0)>
module attributes {stable_mosaic.version = 14 : i64} {
  func.func @edge_kernel(%arg0: i32, %arg1: i32, %arg2: memref<10000x128xf32, #tpu.memory_space<hbm>>, %arg3: memref<10000x128xf32, #tpu.memory_space<hbm>>, %arg4: memref<320000xi32, #tpu.memory_space<hbm>>, %arg5: memref<320000xi32, #tpu.memory_space<hbm>>, %arg6: memref<320000xf32, #tpu.memory_space<hbm>>, %arg7: memref<128xf32, #tpu.memory_space<hbm>>, %arg8: memref<20000x128xf32, #tpu.memory_space<hbm>>, %arg9: memref<32x10000xf32, #tpu.memory_space<hbm>>, %arg10: memref<10000x128xf32, #tpu.memory_space<vmem_shared>>, %arg11: memref<64x128xf32, #tpu.memory_space<vmem>>, %arg12: memref<64x128xf32, #tpu.memory_space<vmem>>, %arg13: memref<64x128xf32, #tpu.memory_space<vmem>>, %arg14: memref<64x128xf32, #tpu.memory_space<vmem>>, %arg15: memref<64xi32, #tpu.memory_space<vmem>>, %arg16: memref<64xi32, #tpu.memory_space<vmem>>, %arg17: memref<64xi32, #tpu.memory_space<vmem>>, %arg18: memref<64xi32, #tpu.memory_space<vmem>>, %arg19: memref<64xf32, #tpu.memory_space<vmem>>, %arg20: memref<64xf32, #tpu.memory_space<vmem>>, %arg21: memref<64xi32, #tpu.memory_space<vmem>>, %arg22: memref<64xi32, #tpu.memory_space<vmem>>, %arg23: memref<64xf32, #tpu.memory_space<vmem>>, %arg24: memref<64xf32, #tpu.memory_space<vmem>>, %arg25: memref<16xi32, #tpu.memory_space<vmem>>, %arg26: memref<16xi32, #tpu.memory_space<vmem>>, %arg27: memref<16xf32, #tpu.memory_space<vmem>>, %arg28: memref<10000xf32, #tpu.memory_space<vmem>>, %arg29: memref<128xf32, #tpu.memory_space<vmem>>, %arg30: memref<!tpu.dma_semaphore, #tpu.memory_space<semaphore_mem>>, %arg31: memref<!tpu.dma_semaphore, #tpu.memory_space<semaphore_mem>>, %arg32: memref<!tpu.dma_semaphore, #tpu.memory_space<semaphore_mem>>, %arg33: memref<!tpu.dma_semaphore, #tpu.memory_space<semaphore_mem>>, %arg34: memref<!tpu.dma_semaphore, #tpu.memory_space<semaphore_mem>>, %arg35: memref<!tpu.dma_semaphore, #tpu.memory_space<semaphore_mem>>, %arg36: memref<!tpu.dma_semaphore, #tpu.memory_space<semaphore_mem>>, %arg37: memref<!tpu.dma_semaphore, #tpu.memory_space<semaphore_mem>>) attributes {dimension_semantics = [#tpu.dimension_semantics<core_parallel>, #tpu.dimension_semantics<subcore_parallel>], iteration_bounds = array<i64: 2, 16>, scalar_prefetch = 0 : i64, scratch_operands = 28 : i64, tpu.core_type = #tpu.core_type<sc_vector_subcore>, window_params = [{transform_indices = #map}, {transform_indices = #map}, {transform_indices = #map1}, {transform_indices = #map1}, {transform_indices = #map1}, {transform_indices = #map1}, {transform_indices = #map}, {transform_indices = #map}]} {
    %mul3A = arith.constant 16 : i32
    %mul3A_0 = arith.muli %arg0, %mul3A : i32
    %add3A = arith.addi %mul3A_0, %arg1 : i32
    %mul3A_1 = arith.constant 10000 : i32
    %mul3A_2 = arith.muli %add3A, %mul3A_1 : i32
    "tpu.region"() ({
      %run_scoped3A = tpu.sem_alloc : memref<!tpu.dma_semaphore, #tpu.memory_space<semaphore_mem>>
      tpu.enqueue_dma source(%arg7 : memref<128xf32, #tpu.memory_space<hbm>>) target(%arg29 : memref<128xf32, #tpu.memory_space<vmem>>) target_semaphore(%run_scoped3A : memref<!tpu.dma_semaphore, #tpu.memory_space<semaphore_mem>>)
      tpu.wait_dma2 semaphore(%run_scoped3A : memref<!tpu.dma_semaphore, #tpu.memory_space<semaphore_mem>>) src(%arg7 : memref<128xf32, #tpu.memory_space<hbm>>) dst(%arg29 : memref<128xf32, #tpu.memory_space<vmem>>)
      tpu.yield
    }) : () -> ()
    %broadcast_in_dim3A = arith.constant 0.000000e+00 : f32
    %broadcast_in_dim3A_3 = vector.broadcast %broadcast_in_dim3A : f32 to vector<16xf32>
    %broadcast_in_dim3A_4 = arith.constant 1.000000e+00 : f32
    %broadcast_in_dim3A_5 = vector.broadcast %broadcast_in_dim3A_4 : f32 to vector<16xf32>
    %scan3A = arith.constant 0 : i32
    %scan3A_6 = arith.constant 625 : i32
    %scan3A_7 = arith.addi %scan3A, %scan3A_6 : i32
    %scan3A_8 = arith.constant 1 : i32
    scf.for %scan3A_89 = %scan3A to %scan3A_7 step %scan3A_8  : i32 {
      %mul3A_90 = arith.constant 1 : i32
      %mul3A_91 = arith.muli %scan3A_89, %mul3A_90 : i32
      %add3A_92 = arith.constant 0 : i32
      %add3A_93 = arith.addi %add3A_92, %mul3A_91 : i32
      %mul3A_94 = arith.constant 16 : i32
      %mul3A_95 = arith.muli %add3A_93, %mul3A_94 : i32
      %swap3A = arith.index_cast %mul3A_95 : i32 to index
      %swap3A_96 = tpu.vector_load %arg28[%swap3A] {strides = array<i32>} : memref<10000xf32, #tpu.memory_space<vmem>>, vector<16xf32>,
      tpu.vector_store %arg28[%swap3A], %broadcast_in_dim3A_3 {strides = array<i32>} : memref<10000xf32, #tpu.memory_space<vmem>>, vector<16xf32>,
    }
    %scan3A_9 = arith.constant 625 : i32
    %scan3A_10 = arith.constant 0 : i32
    %scan3A_11 = arith.constant 64 : i32
    %scan3A_12 = arith.addi %scan3A_10, %scan3A_11 : i32
    %scan3A_13 = arith.constant 1 : i32
    scf.for %scan3A_89 = %scan3A_10 to %scan3A_12 step %scan3A_13  : i32 {
      %mul3A_90 = arith.constant 1 : i32
      %mul3A_91 = arith.muli %scan3A_89, %mul3A_90 : i32
      %add3A_92 = arith.constant 0 : i32
      %add3A_93 = arith.addi %add3A_92, %mul3A_91 : i32
      %swap3A = arith.index_cast %add3A_93 : i32 to index
      %swap3A_94 = arith.constant 0 : index
      %swap3A_95 = tpu.vector_load %arg11[%swap3A, %swap3A_94] {strides = array<i32>} : memref<64x128xf32, #tpu.memory_space<vmem>>, vector<16xf32>,
      tpu.vector_store %arg11[%swap3A, %swap3A_94], %broadcast_in_dim3A_3 {strides = array<i32>} : memref<64x128xf32, #tpu.memory_space<vmem>>, vector<16xf32>,
      %swap3A_96 = arith.index_cast %add3A_93 : i32 to index
      %swap3A_97 = arith.constant 16 : index
      %swap3A_98 = tpu.vector_load %arg11[%swap3A_96, %swap3A_97] {strides = array<i32>} : memref<64x128xf32, #tpu.memory_space<vmem>>, vector<16xf32>,
      tpu.vector_store %arg11[%swap3A_96, %swap3A_97], %broadcast_in_dim3A_3 {strides = array<i32>} : memref<64x128xf32, #tpu.memory_space<vmem>>, vector<16xf32>,
      %swap3A_99 = arith.index_cast %add3A_93 : i32 to index
      %swap3A_100 = arith.constant 32 : index
      %swap3A_101 = tpu.vector_load %arg11[%swap3A_99, %swap3A_100] {strides = array<i32>} : memref<64x128xf32, #tpu.memory_space<vmem>>, vector<16xf32>,
      tpu.vector_store %arg11[%swap3A_99, %swap3A_100], %broadcast_in_dim3A_3 {strides = array<i32>} : memref<64x128xf32, #tpu.memory_space<vmem>>, vector<16xf32>,
      %swap3A_102 = arith.index_cast %add3A_93 : i32 to index
      %swap3A_103 = arith.constant 48 : index
      %swap3A_104 = tpu.vector_load %arg11[%swap3A_102, %swap3A_103] {strides = array<i32>} : memref<64x128xf32, #tpu.memory_space<vmem>>, vector<16xf32>,
      tpu.vector_store %arg11[%swap3A_102, %swap3A_103], %broadcast_in_dim3A_3 {strides = array<i32>} : memref<64x128xf32, #tpu.memory_space<vmem>>, vector<16xf32>,
      %swap3A_105 = arith.index_cast %add3A_93 : i32 to index
      %swap3A_106 = arith.constant 64 : index
      %swap3A_107 = tpu.vector_load %arg11[%swap3A_105, %swap3A_106] {strides = array<i32>} : memref<64x128xf32, #tpu.memory_space<vmem>>, vector<16xf32>,
      tpu.vector_store %arg11[%swap3A_105, %swap3A_106], %broadcast_in_dim3A_3 {strides = array<i32>} : memref<64x128xf32, #tpu.memory_space<vmem>>, vector<16xf32>,
      %swap3A_108 = arith.index_cast %add3A_93 : i32 to index
      %swap3A_109 = arith.constant 80 : index
      %swap3A_110 = tpu.vector_load %arg11[%swap3A_108, %swap3A_109] {strides = array<i32>} : memref<64x128xf32, #tpu.memory_space<vmem>>, vector<16xf32>,
      tpu.vector_store %arg11[%swap3A_108, %swap3A_109], %broadcast_in_dim3A_3 {strides = array<i32>} : memref<64x128xf32, #tpu.memory_space<vmem>>, vector<16xf32>,
      %swap3A_111 = arith.index_cast %add3A_93 : i32 to index
      %swap3A_112 = arith.constant 96 : index
      %swap3A_113 = tpu.vector_load %arg11[%swap3A_111, %swap3A_112] {strides = array<i32>} : memref<64x128xf32, #tpu.memory_space<vmem>>, vector<16xf32>,
      tpu.vector_store %arg11[%swap3A_111, %swap3A_112], %broadcast_in_dim3A_3 {strides = array<i32>} : memref<64x128xf32, #tpu.memory_space<vmem>>, vector<16xf32>,
      %swap3A_114 = arith.index_cast %add3A_93 : i32 to index
      %swap3A_115 = arith.constant 112 : index
      %swap3A_116 = tpu.vector_load %arg11[%swap3A_114, %swap3A_115] {strides = array<i32>} : memref<64x128xf32, #tpu.memory_space<vmem>>, vector<16xf32>,
      tpu.vector_store %arg11[%swap3A_114, %swap3A_115], %broadcast_in_dim3A_3 {strides = array<i32>} : memref<64x128xf32, #tpu.memory_space<vmem>>, vector<16xf32>,
    }
    %scan3A_14 = arith.constant 64 : i32
    %mul3A_15 = arith.constant 624 : i32
    %mul3A_16 = arith.muli %arg1, %mul3A_15 : i32
    %add3A_17 = arith.constant 0 : i32
    %add3A_18 = arith.addi %mul3A_16, %add3A_17 : i32
    "tpu.region"() ({
      %run_scoped3A = tpu.sem_alloc : memref<!tpu.dma_semaphore, #tpu.memory_space<semaphore_mem>>
      %dma_start3A_89 = arith.constant 0 : i32
      %dma_start3A_90 = tpu.memref_slice %arg10[%add3A_18, %dma_start3A_89] : memref<10000x128xf32, #tpu.memory_space<vmem_shared>> -> memref<64x128xf32, #tpu.memory_space<vmem_shared>>
      %dma_start3A_91 = arith.constant 0 : i32
      %dma_start3A_92 = tpu.memref_slice %arg10[%add3A_18, %dma_start3A_91] : memref<10000x128xf32, #tpu.memory_space<vmem_shared>> -> memref<64x128xf32, #tpu.memory_space<vmem_shared>>
      tpu.enqueue_dma source(%arg11 : memref<64x128xf32, #tpu.memory_space<vmem>>) target(%dma_start3A_92 : memref<64x128xf32, #tpu.memory_space<vmem_shared>>) target_semaphore(%run_scoped3A : memref<!tpu.dma_semaphore, #tpu.memory_space<semaphore_mem>>)
      %dma_wait3A_93 = arith.constant 0 : i32
      %dma_wait3A_94 = tpu.memref_slice %arg10[%add3A_18, %dma_wait3A_93] : memref<10000x128xf32, #tpu.memory_space<vmem_shared>> -> memref<64x128xf32, #tpu.memory_space<vmem_shared>>
      %dma_wait3A_95 = arith.constant 0 : i32
      %dma_wait3A_96 = tpu.memref_slice %arg10[%add3A_18, %dma_wait3A_95] : memref<10000x128xf32, #tpu.memory_space<vmem_shared>> -> memref<64x128xf32, #tpu.memory_space<vmem_shared>>
      tpu.wait_dma2 semaphore(%run_scoped3A : memref<!tpu.dma_semaphore, #tpu.memory_space<semaphore_mem>>) src(%arg11 : memref<64x128xf32, #tpu.memory_space<vmem>>) dst(%dma_wait3A_96 : memref<64x128xf32, #tpu.memory_space<vmem_shared>>)
      tpu.yield
    }) : () -> ()
    %add3A_19 = arith.constant 64 : i32
    %add3A_20 = arith.addi %mul3A_16, %add3A_19 : i32
    "tpu.region"() ({
      %run_scoped3A = tpu.sem_alloc : memref<!tpu.dma_semaphore, #tpu.memory_space<semaphore_mem>>
      %dma_start3A_89 = arith.constant 0 : i32
      %dma_start3A_90 = tpu.memref_slice %arg10[%add3A_20, %dma_start3A_89] : memref<10000x128xf32, #tpu.memory_space<vmem_shared>> -> memref<64x128xf32, #tpu.memory_space<vmem_shared>>
      %dma_start3A_91 = arith.constant 0 : i32
      %dma_start3A_92 = tpu.memref_slice %arg10[%add3A_20, %dma_start3A_91] : memref<10000x128xf32, #tpu.memory_space<vmem_shared>> -> memref<64x128xf32, #tpu.memory_space<vmem_shared>>
      tpu.enqueue_dma source(%arg11 : memref<64x128xf32, #tpu.memory_space<vmem>>) target(%dma_start3A_92 : memref<64x128xf32, #tpu.memory_space<vmem_shared>>) target_semaphore(%run_scoped3A : memref<!tpu.dma_semaphore, #tpu.memory_space<semaphore_mem>>)
      %dma_wait3A_93 = arith.constant 0 : i32
      %dma_wait3A_94 = tpu.memref_slice %arg10[%add3A_20, %dma_wait3A_93] : memref<10000x128xf32, #tpu.memory_space<vmem_shared>> -> memref<64x128xf32, #tpu.memory_space<vmem_shared>>
      %dma_wait3A_95 = arith.constant 0 : i32
      %dma_wait3A_96 = tpu.memref_slice %arg10[%add3A_20, %dma_wait3A_95] : memref<10000x128xf32, #tpu.memory_space<vmem_shared>> -> memref<64x128xf32, #tpu.memory_space<vmem_shared>>
      tpu.wait_dma2 semaphore(%run_scoped3A : memref<!tpu.dma_semaphore, #tpu.memory_space<semaphore_mem>>) src(%arg11 : memref<64x128xf32, #tpu.memory_space<vmem>>) dst(%dma_wait3A_96 : memref<64x128xf32, #tpu.memory_space<vmem_shared>>)
      tpu.yield
    }) : () -> ()
    %add3A_21 = arith.constant 128 : i32
    %add3A_22 = arith.addi %mul3A_16, %add3A_21 : i32
    "tpu.region"() ({
      %run_scoped3A = tpu.sem_alloc : memref<!tpu.dma_semaphore, #tpu.memory_space<semaphore_mem>>
      %dma_start3A_89 = arith.constant 0 : i32
      %dma_start3A_90 = tpu.memref_slice %arg10[%add3A_22, %dma_start3A_89] : memref<10000x128xf32, #tpu.memory_space<vmem_shared>> -> memref<64x128xf32, #tpu.memory_space<vmem_shared>>
      %dma_start3A_91 = arith.constant 0 : i32
      %dma_start3A_92 = tpu.memref_slice %arg10[%add3A_22, %dma_start3A_91] : memref<10000x128xf32, #tpu.memory_space<vmem_shared>> -> memref<64x128xf32, #tpu.memory_space<vmem_shared>>
      tpu.enqueue_dma source(%arg11 : memref<64x128xf32, #tpu.memory_space<vmem>>) target(%dma_start3A_92 : memref<64x128xf32, #tpu.memory_space<vmem_shared>>) target_semaphore(%run_scoped3A : memref<!tpu.dma_semaphore, #tpu.memory_space<semaphore_mem>>)
      %dma_wait3A_93 = arith.constant 0 : i32
      %dma_wait3A_94 = tpu.memref_slice %arg10[%add3A_22, %dma_wait3A_93] : memref<10000x128xf32, #tpu.memory_space<vmem_shared>> -> memref<64x128xf32, #tpu.memory_space<vmem_shared>>
      %dma_wait3A_95 = arith.constant 0 : i32
      %dma_wait3A_96 = tpu.memref_slice %arg10[%add3A_22, %dma_wait3A_95] : memref<10000x128xf32, #tpu.memory_space<vmem_shared>> -> memref<64x128xf32, #tpu.memory_space<vmem_shared>>
      tpu.wait_dma2 semaphore(%run_scoped3A : memref<!tpu.dma_semaphore, #tpu.memory_space<semaphore_mem>>) src(%arg11 : memref<64x128xf32, #tpu.memory_space<vmem>>) dst(%dma_wait3A_96 : memref<64x128xf32, #tpu.memory_space<vmem_shared>>)
      tpu.yield
    }) : () -> ()
    %add3A_23 = arith.constant 192 : i32
    %add3A_24 = arith.addi %mul3A_16, %add3A_23 : i32
    "tpu.region"() ({
      %run_scoped3A = tpu.sem_alloc : memref<!tpu.dma_semaphore, #tpu.memory_space<semaphore_mem>>
      %dma_start3A_89 = arith.constant 0 : i32
      %dma_start3A_90 = tpu.memref_slice %arg10[%add3A_24, %dma_start3A_89] : memref<10000x128xf32, #tpu.memory_space<vmem_shared>> -> memref<64x128xf32, #tpu.memory_space<vmem_shared>>
      %dma_start3A_91 = arith.constant 0 : i32
      %dma_start3A_92 = tpu.memref_slice %arg10[%add3A_24, %dma_start3A_91] : memref<10000x128xf32, #tpu.memory_space<vmem_shared>> -> memref<64x128xf32, #tpu.memory_space<vmem_shared>>
      tpu.enqueue_dma source(%arg11 : memref<64x128xf32, #tpu.memory_space<vmem>>) target(%dma_start3A_92 : memref<64x128xf32, #tpu.memory_space<vmem_shared>>) target_semaphore(%run_scoped3A : memref<!tpu.dma_semaphore, #tpu.memory_space<semaphore_mem>>)
      %dma_wait3A_93 = arith.constant 0 : i32
      %dma_wait3A_94 = tpu.memref_slice %arg10[%add3A_24, %dma_wait3A_93] : memref<10000x128xf32, #tpu.memory_space<vmem_shared>> -> memref<64x128xf32, #tpu.memory_space<vmem_shared>>
      %dma_wait3A_95 = arith.constant 0 : i32
      %dma_wait3A_96 = tpu.memref_slice %arg10[%add3A_24, %dma_wait3A_95] : memref<10000x128xf32, #tpu.memory_space<vmem_shared>> -> memref<64x128xf32, #tpu.memory_space<vmem_shared>>
      tpu.wait_dma2 semaphore(%run_scoped3A : memref<!tpu.dma_semaphore, #tpu.memory_space<semaphore_mem>>) src(%arg11 : memref<64x128xf32, #tpu.memory_space<vmem>>) dst(%dma_wait3A_96 : memref<64x128xf32, #tpu.memory_space<vmem_shared>>)
      tpu.yield
    }) : () -> ()
    %add3A_25 = arith.constant 256 : i32
    %add3A_26 = arith.addi %mul3A_16, %add3A_25 : i32
    "tpu.region"() ({
      %run_scoped3A = tpu.sem_alloc : memref<!tpu.dma_semaphore, #tpu.memory_space<semaphore_mem>>
      %dma_start3A_89 = arith.constant 0 : i32
      %dma_start3A_90 = tpu.memref_slice %arg10[%add3A_26, %dma_start3A_89] : memref<10000x128xf32, #tpu.memory_space<vmem_shared>> -> memref<64x128xf32, #tpu.memory_space<vmem_shared>>
      %dma_start3A_91 = arith.constant 0 : i32
      %dma_start3A_92 = tpu.memref_slice %arg10[%add3A_26, %dma_start3A_91] : memref<10000x128xf32, #tpu.memory_space<vmem_shared>> -> memref<64x128xf32, #tpu.memory_space<vmem_shared>>
      tpu.enqueue_dma source(%arg11 : memref<64x128xf32, #tpu.memory_space<vmem>>) target(%dma_start3A_92 : memref<64x128xf32, #tpu.memory_space<vmem_shared>>) target_semaphore(%run_scoped3A : memref<!tpu.dma_semaphore, #tpu.memory_space<semaphore_mem>>)
      %dma_wait3A_93 = arith.constant 0 : i32
      %dma_wait3A_94 = tpu.memref_slice %arg10[%add3A_26, %dma_wait3A_93] : memref<10000x128xf32, #tpu.memory_space<vmem_shared>> -> memref<64x128xf32, #tpu.memory_space<vmem_shared>>
      %dma_wait3A_95 = arith.constant 0 : i32
      %dma_wait3A_96 = tpu.memref_slice %arg10[%add3A_26, %dma_wait3A_95] : memref<10000x128xf32, #tpu.memory_space<vmem_shared>> -> memref<64x128xf32, #tpu.memory_space<vmem_shared>>
      tpu.wait_dma2 semaphore(%run_scoped3A : memref<!tpu.dma_semaphore, #tpu.memory_space<semaphore_mem>>) src(%arg11 : memref<64x128xf32, #tpu.memory_space<vmem>>) dst(%dma_wait3A_96 : memref<64x128xf32, #tpu.memory_space<vmem_shared>>)
      tpu.yield
    }) : () -> ()
    %add3A_27 = arith.constant 320 : i32
    %add3A_28 = arith.addi %mul3A_16, %add3A_27 : i32
    "tpu.region"() ({
      %run_scoped3A = tpu.sem_alloc : memref<!tpu.dma_semaphore, #tpu.memory_space<semaphore_mem>>
      %dma_start3A_89 = arith.constant 0 : i32
      %dma_start3A_90 = tpu.memref_slice %arg10[%add3A_28, %dma_start3A_89] : memref<10000x128xf32, #tpu.memory_space<vmem_shared>> -> memref<64x128xf32, #tpu.memory_space<vmem_shared>>
      %dma_start3A_91 = arith.constant 0 : i32
      %dma_start3A_92 = tpu.memref_slice %arg10[%add3A_28, %dma_start3A_91] : memref<10000x128xf32, #tpu.memory_space<vmem_shared>> -> memref<64x128xf32, #tpu.memory_space<vmem_shared>>
      tpu.enqueue_dma source(%arg11 : memref<64x128xf32, #tpu.memory_space<vmem>>) target(%dma_start3A_92 : memref<64x128xf32, #tpu.memory_space<vmem_shared>>) target_semaphore(%run_scoped3A : memref<!tpu.dma_semaphore, #tpu.memory_space<semaphore_mem>>)
      %dma_wait3A_93 = arith.constant 0 : i32
      %dma_wait3A_94 = tpu.memref_slice %arg10[%add3A_28, %dma_wait3A_93] : memref<10000x128xf32, #tpu.memory_space<vmem_shared>> -> memref<64x128xf32, #tpu.memory_space<vmem_shared>>
      %dma_wait3A_95 = arith.constant 0 : i32
      %dma_wait3A_96 = tpu.memref_slice %arg10[%add3A_28, %dma_wait3A_95] : memref<10000x128xf32, #tpu.memory_space<vmem_shared>> -> memref<64x128xf32, #tpu.memory_space<vmem_shared>>
      tpu.wait_dma2 semaphore(%run_scoped3A : memref<!tpu.dma_semaphore, #tpu.memory_space<semaphore_mem>>) src(%arg11 : memref<64x128xf32, #tpu.memory_space<vmem>>) dst(%dma_wait3A_96 : memref<64x128xf32, #tpu.memory_space<vmem_shared>>)
      tpu.yield
    }) : () -> ()
    %add3A_29 = arith.constant 384 : i32
    %add3A_30 = arith.addi %mul3A_16, %add3A_29 : i32
    "tpu.region"() ({
      %run_scoped3A = tpu.sem_alloc : memref<!tpu.dma_semaphore, #tpu.memory_space<semaphore_mem>>
      %dma_start3A_89 = arith.constant 0 : i32
      %dma_start3A_90 = tpu.memref_slice %arg10[%add3A_30, %dma_start3A_89] : memref<10000x128xf32, #tpu.memory_space<vmem_shared>> -> memref<64x128xf32, #tpu.memory_space<vmem_shared>>
      %dma_start3A_91 = arith.constant 0 : i32
      %dma_start3A_92 = tpu.memref_slice %arg10[%add3A_30, %dma_start3A_91] : memref<10000x128xf32, #tpu.memory_space<vmem_shared>> -> memref<64x128xf32, #tpu.memory_space<vmem_shared>>
      tpu.enqueue_dma source(%arg11 : memref<64x128xf32, #tpu.memory_space<vmem>>) target(%dma_start3A_92 : memref<64x128xf32, #tpu.memory_space<vmem_shared>>) target_semaphore(%run_scoped3A : memref<!tpu.dma_semaphore, #tpu.memory_space<semaphore_mem>>)
      %dma_wait3A_93 = arith.constant 0 : i32
      %dma_wait3A_94 = tpu.memref_slice %arg10[%add3A_30, %dma_wait3A_93] : memref<10000x128xf32, #tpu.memory_space<vmem_shared>> -> memref<64x128xf32, #tpu.memory_space<vmem_shared>>
      %dma_wait3A_95 = arith.constant 0 : i32
      %dma_wait3A_96 = tpu.memref_slice %arg10[%add3A_30, %dma_wait3A_95] : memref<10000x128xf32, #tpu.memory_space<vmem_shared>> -> memref<64x128xf32, #tpu.memory_space<vmem_shared>>
      tpu.wait_dma2 semaphore(%run_scoped3A : memref<!tpu.dma_semaphore, #tpu.memory_space<semaphore_mem>>) src(%arg11 : memref<64x128xf32, #tpu.memory_space<vmem>>) dst(%dma_wait3A_96 : memref<64x128xf32, #tpu.memory_space<vmem_shared>>)
      tpu.yield
    }) : () -> ()
    %add3A_31 = arith.constant 448 : i32
    %add3A_32 = arith.addi %mul3A_16, %add3A_31 : i32
    "tpu.region"() ({
      %run_scoped3A = tpu.sem_alloc : memref<!tpu.dma_semaphore, #tpu.memory_space<semaphore_mem>>
      %dma_start3A_89 = arith.constant 0 : i32
      %dma_start3A_90 = tpu.memref_slice %arg10[%add3A_32, %dma_start3A_89] : memref<10000x128xf32, #tpu.memory_space<vmem_shared>> -> memref<64x128xf32, #tpu.memory_space<vmem_shared>>
      %dma_start3A_91 = arith.constant 0 : i32
      %dma_start3A_92 = tpu.memref_slice %arg10[%add3A_32, %dma_start3A_91] : memref<10000x128xf32, #tpu.memory_space<vmem_shared>> -> memref<64x128xf32, #tpu.memory_space<vmem_shared>>
      tpu.enqueue_dma source(%arg11 : memref<64x128xf32, #tpu.memory_space<vmem>>) target(%dma_start3A_92 : memref<64x128xf32, #tpu.memory_space<vmem_shared>>) target_semaphore(%run_scoped3A : memref<!tpu.dma_semaphore, #tpu.memory_space<semaphore_mem>>)
      %dma_wait3A_93 = arith.constant 0 : i32
      %dma_wait3A_94 = tpu.memref_slice %arg10[%add3A_32, %dma_wait3A_93] : memref<10000x128xf32, #tpu.memory_space<vmem_shared>> -> memref<64x128xf32, #tpu.memory_space<vmem_shared>>
      %dma_wait3A_95 = arith.constant 0 : i32
      %dma_wait3A_96 = tpu.memref_slice %arg10[%add3A_32, %dma_wait3A_95] : memref<10000x128xf32, #tpu.memory_space<vmem_shared>> -> memref<64x128xf32, #tpu.memory_space<vmem_shared>>
      tpu.wait_dma2 semaphore(%run_scoped3A : memref<!tpu.dma_semaphore, #tpu.memory_space<semaphore_mem>>) src(%arg11 : memref<64x128xf32, #tpu.memory_space<vmem>>) dst(%dma_wait3A_96 : memref<64x128xf32, #tpu.memory_space<vmem_shared>>)
      tpu.yield
    }) : () -> ()
    %add3A_33 = arith.constant 512 : i32
    %add3A_34 = arith.addi %mul3A_16, %add3A_33 : i32
    "tpu.region"() ({
      %run_scoped3A = tpu.sem_alloc : memref<!tpu.dma_semaphore, #tpu.memory_space<semaphore_mem>>
      %dma_start3A_89 = arith.constant 0 : i32
      %dma_start3A_90 = tpu.memref_slice %arg10[%add3A_34, %dma_start3A_89] : memref<10000x128xf32, #tpu.memory_space<vmem_shared>> -> memref<64x128xf32, #tpu.memory_space<vmem_shared>>
      %dma_start3A_91 = arith.constant 0 : i32
      %dma_start3A_92 = tpu.memref_slice %arg10[%add3A_34, %dma_start3A_91] : memref<10000x128xf32, #tpu.memory_space<vmem_shared>> -> memref<64x128xf32, #tpu.memory_space<vmem_shared>>
      tpu.enqueue_dma source(%arg11 : memref<64x128xf32, #tpu.memory_space<vmem>>) target(%dma_start3A_92 : memref<64x128xf32, #tpu.memory_space<vmem_shared>>) target_semaphore(%run_scoped3A : memref<!tpu.dma_semaphore, #tpu.memory_space<semaphore_mem>>)
      %dma_wait3A_93 = arith.constant 0 : i32
      %dma_wait3A_94 = tpu.memref_slice %arg10[%add3A_34, %dma_wait3A_93] : memref<10000x128xf32, #tpu.memory_space<vmem_shared>> -> memref<64x128xf32, #tpu.memory_space<vmem_shared>>
      %dma_wait3A_95 = arith.constant 0 : i32
      %dma_wait3A_96 = tpu.memref_slice %arg10[%add3A_34, %dma_wait3A_95] : memref<10000x128xf32, #tpu.memory_space<vmem_shared>> -> memref<64x128xf32, #tpu.memory_space<vmem_shared>>
      tpu.wait_dma2 semaphore(%run_scoped3A : memref<!tpu.dma_semaphore, #tpu.memory_space<semaphore_mem>>) src(%arg11 : memref<64x128xf32, #tpu.memory_space<vmem>>) dst(%dma_wait3A_96 : memref<64x128xf32, #tpu.memory_space<vmem_shared>>)
      tpu.yield
    }) : () -> ()
    %add3A_35 = arith.constant 576 : i32
    %add3A_36 = arith.addi %mul3A_16, %add3A_35 : i32
    "tpu.region"() ({
      %run_scoped3A = tpu.sem_alloc : memref<!tpu.dma_semaphore, #tpu.memory_space<semaphore_mem>>
      %dma_start3A_89 = arith.constant 0 : i32
      %dma_start3A_90 = arith.constant 0 : i32
      %dma_start3A_91 = tpu.memref_slice %arg11[%dma_start3A_89, %dma_start3A_90] : memref<64x128xf32, #tpu.memory_space<vmem>> -> memref<48x128xf32, #tpu.memory_space<vmem>>
      %dma_start3A_92 = arith.constant 0 : i32
      %dma_start3A_93 = tpu.memref_slice %arg10[%add3A_36, %dma_start3A_92] : memref<10000x128xf32, #tpu.memory_space<vmem_shared>> -> memref<48x128xf32, #tpu.memory_space<vmem_shared>>
      %dma_start3A_94 = arith.constant 0 : i32
      %dma_start3A_95 = tpu.memref_slice %arg10[%add3A_36, %dma_start3A_94] : memref<10000x128xf32, #tpu.memory_space<vmem_shared>> -> memref<48x128xf32, #tpu.memory_space<vmem_shared>>
      %dma_start3A_96 = arith.constant 0 : i32
      %dma_start3A_97 = arith.constant 0 : i32
      %dma_start3A_98 = tpu.memref_slice %arg11[%dma_start3A_96, %dma_start3A_97] : memref<64x128xf32, #tpu.memory_space<vmem>> -> memref<48x128xf32, #tpu.memory_space<vmem>>
      tpu.enqueue_dma source(%dma_start3A_98 : memref<48x128xf32, #tpu.memory_space<vmem>>) target(%dma_start3A_95 : memref<48x128xf32, #tpu.memory_space<vmem_shared>>) target_semaphore(%run_scoped3A : memref<!tpu.dma_semaphore, #tpu.memory_space<semaphore_mem>>)
      %dma_wait3A_99 = arith.constant 0 : i32
      %dma_wait3A_100 = arith.constant 0 : i32
      %dma_wait3A_101 = tpu.memref_slice %arg11[%dma_wait3A_99, %dma_wait3A_100] : memref<64x128xf32, #tpu.memory_space<vmem>> -> memref<48x128xf32, #tpu.memory_space<vmem>>
      %dma_wait3A_102 = arith.constant 0 : i32
      %dma_wait3A_103 = tpu.memref_slice %arg10[%add3A_36, %dma_wait3A_102] : memref<10000x128xf32, #tpu.memory_space<vmem_shared>> -> memref<48x128xf32, #tpu.memory_space<vmem_shared>>
      %dma_wait3A_104 = arith.constant 0 : i32
      %dma_wait3A_105 = tpu.memref_slice %arg10[%add3A_36, %dma_wait3A_104] : memref<10000x128xf32, #tpu.memory_space<vmem_shared>> -> memref<48x128xf32, #tpu.memory_space<vmem_shared>>
      %dma_wait3A_106 = arith.constant 0 : i32
      %dma_wait3A_107 = arith.constant 0 : i32
      %dma_wait3A_108 = tpu.memref_slice %arg11[%dma_wait3A_106, %dma_wait3A_107] : memref<64x128xf32, #tpu.memory_space<vmem>> -> memref<48x128xf32, #tpu.memory_space<vmem>>
      tpu.wait_dma2 semaphore(%run_scoped3A : memref<!tpu.dma_semaphore, #tpu.memory_space<semaphore_mem>>) src(%dma_wait3A_108 : memref<48x128xf32, #tpu.memory_space<vmem>>) dst(%dma_wait3A_105 : memref<48x128xf32, #tpu.memory_space<vmem_shared>>)
      tpu.yield
    }) : () -> ()
    %eq3A = arith.constant 15 : i32
    %eq3A_37 = arith.cmpi eq, %arg1, %eq3A : i32
    %convert_element_type3A = arith.extui %eq3A_37 : i1 to i32
    %cond3A = arith.constant 0 : i32
    %cond3A_38 = arith.cmpi ne, %convert_element_type3A, %cond3A : i32
    scf.if %cond3A_38 {
      "tpu.region"() ({
        %run_scoped3A = tpu.sem_alloc : memref<!tpu.dma_semaphore, #tpu.memory_space<semaphore_mem>>
        %dma_start3A_89 = arith.constant 0 : i32
        %dma_start3A_90 = arith.constant 0 : i32
        %dma_start3A_91 = tpu.memref_slice %arg11[%dma_start3A_89, %dma_start3A_90] : memref<64x128xf32, #tpu.memory_space<vmem>> -> memref<16x128xf32, #tpu.memory_space<vmem>>
        %dma_start3A_92 = arith.constant 9984 : i32
        %dma_start3A_93 = arith.constant 0 : i32
        %dma_start3A_94 = tpu.memref_slice %arg10[%dma_start3A_92, %dma_start3A_93] : memref<10000x128xf32, #tpu.memory_space<vmem_shared>> -> memref<16x128xf32, #tpu.memory_space<vmem_shared>>
        %dma_start3A_95 = arith.constant 9984 : i32
        %dma_start3A_96 = arith.constant 0 : i32
        %dma_start3A_97 = tpu.memref_slice %arg10[%dma_start3A_95, %dma_start3A_96] : memref<10000x128xf32, #tpu.memory_space<vmem_shared>> -> memref<16x128xf32, #tpu.memory_space<vmem_shared>>
        %dma_start3A_98 = arith.constant 0 : i32
        %dma_start3A_99 = arith.constant 0 : i32
        %dma_start3A_100 = tpu.memref_slice %arg11[%dma_start3A_98, %dma_start3A_99] : memref<64x128xf32, #tpu.memory_space<vmem>> -> memref<16x128xf32, #tpu.memory_space<vmem>>
        tpu.enqueue_dma source(%dma_start3A_100 : memref<16x128xf32, #tpu.memory_space<vmem>>) target(%dma_start3A_97 : memref<16x128xf32, #tpu.memory_space<vmem_shared>>) target_semaphore(%run_scoped3A : memref<!tpu.dma_semaphore, #tpu.memory_space<semaphore_mem>>)
        %dma_wait3A_101 = arith.constant 0 : i32
        %dma_wait3A_102 = arith.constant 0 : i32
        %dma_wait3A_103 = tpu.memref_slice %arg11[%dma_wait3A_101, %dma_wait3A_102] : memref<64x128xf32, #tpu.memory_space<vmem>> -> memref<16x128xf32, #tpu.memory_space<vmem>>
        %dma_wait3A_104 = arith.constant 9984 : i32
        %dma_wait3A_105 = arith.constant 0 : i32
        %dma_wait3A_106 = tpu.memref_slice %arg10[%dma_wait3A_104, %dma_wait3A_105] : memref<10000x128xf32, #tpu.memory_space<vmem_shared>> -> memref<16x128xf32, #tpu.memory_space<vmem_shared>>
        %dma_wait3A_107 = arith.constant 9984 : i32
        %dma_wait3A_108 = arith.constant 0 : i32
        %dma_wait3A_109 = tpu.memref_slice %arg10[%dma_wait3A_107, %dma_wait3A_108] : memref<10000x128xf32, #tpu.memory_space<vmem_shared>> -> memref<16x128xf32, #tpu.memory_space<vmem_shared>>
        %dma_wait3A_110 = arith.constant 0 : i32
        %dma_wait3A_111 = arith.constant 0 : i32
        %dma_wait3A_112 = tpu.memref_slice %arg11[%dma_wait3A_110, %dma_wait3A_111] : memref<64x128xf32, #tpu.memory_space<vmem>> -> memref<16x128xf32, #tpu.memory_space<vmem>>
        tpu.wait_dma2 semaphore(%run_scoped3A : memref<!tpu.dma_semaphore, #tpu.memory_space<semaphore_mem>>) src(%dma_wait3A_112 : memref<16x128xf32, #tpu.memory_space<vmem>>) dst(%dma_wait3A_109 : memref<16x128xf32, #tpu.memory_space<vmem_shared>>)
        tpu.yield
      }) : () -> ()
    } else {
    }
    %barrier3A = arith.constant 0 : index
    tpu.barrier barrier_id(%barrier3A)
    %get3A = arith.constant 0 : index
    %get3A_39 = tpu.vector_load %arg29[%get3A] {strides = array<i32>} : memref<128xf32, #tpu.memory_space<vmem>>, vector<16xf32>,
    %get3A_40 = arith.constant 16 : index
    %get3A_41 = tpu.vector_load %arg29[%get3A_40] {strides = array<i32>} : memref<128xf32, #tpu.memory_space<vmem>>, vector<16xf32>,
    %get3A_42 = arith.constant 32 : index
    %get3A_43 = tpu.vector_load %arg29[%get3A_42] {strides = array<i32>} : memref<128xf32, #tpu.memory_space<vmem>>, vector<16xf32>,
    %get3A_44 = arith.constant 48 : index
    %get3A_45 = tpu.vector_load %arg29[%get3A_44] {strides = array<i32>} : memref<128xf32, #tpu.memory_space<vmem>>, vector<16xf32>,
    %get3A_46 = arith.constant 64 : index
    %get3A_47 = tpu.vector_load %arg29[%get3A_46] {strides = array<i32>} : memref<128xf32, #tpu.memory_space<vmem>>, vector<16xf32>,
    %get3A_48 = arith.constant 80 : index
    %get3A_49 = tpu.vector_load %arg29[%get3A_48] {strides = array<i32>} : memref<128xf32, #tpu.memory_space<vmem>>, vector<16xf32>,
    %get3A_50 = arith.constant 96 : index
    %get3A_51 = tpu.vector_load %arg29[%get3A_50] {strides = array<i32>} : memref<128xf32, #tpu.memory_space<vmem>>, vector<16xf32>,
    %get3A_52 = arith.constant 112 : index
    %get3A_53 = tpu.vector_load %arg29[%get3A_52] {strides = array<i32>} : memref<128xf32, #tpu.memory_space<vmem>>, vector<16xf32>,
    "tpu.region"() ({
      %run_scoped3A = tpu.sem_alloc : memref<!tpu.dma_semaphore, #tpu.memory_space<semaphore_mem>>
      %dma_start3A_89 = tpu.memref_slice %arg4[%mul3A_2] : memref<320000xi32, #tpu.memory_space<hbm>> -> memref<64xi32, #tpu.memory_space<hbm>>
      %dma_start3A_90 = tpu.memref_slice %arg4[%mul3A_2] : memref<320000xi32, #tpu.memory_space<hbm>> -> memref<64xi32, #tpu.memory_space<hbm>>
      tpu.enqueue_dma source(%dma_start3A_90 : memref<64xi32, #tpu.memory_space<hbm>>) target(%arg15 : memref<64xi32, #tpu.memory_space<vmem>>) target_semaphore(%run_scoped3A : memref<!tpu.dma_semaphore, #tpu.memory_space<semaphore_mem>>)
      %dma_wait3A_91 = tpu.memref_slice %arg4[%mul3A_2] : memref<320000xi32, #tpu.memory_space<hbm>> -> memref<64xi32, #tpu.memory_space<hbm>>
      %dma_wait3A_92 = tpu.memref_slice %arg4[%mul3A_2] : memref<320000xi32, #tpu.memory_space<hbm>> -> memref<64xi32, #tpu.memory_space<hbm>>
      tpu.wait_dma2 semaphore(%run_scoped3A : memref<!tpu.dma_semaphore, #tpu.memory_space<semaphore_mem>>) src(%dma_wait3A_92 : memref<64xi32, #tpu.memory_space<hbm>>) dst(%arg15 : memref<64xi32, #tpu.memory_space<vmem>>)
      tpu.yield
    }) : () -> ()
    "tpu.region"() ({
      %run_scoped3A = tpu.sem_alloc : memref<!tpu.dma_semaphore, #tpu.memory_space<semaphore_mem>>
      %dma_start3A_89 = tpu.memref_slice %arg5[%mul3A_2] : memref<320000xi32, #tpu.memory_space<hbm>> -> memref<64xi32, #tpu.memory_space<hbm>>
      %dma_start3A_90 = tpu.memref_slice %arg5[%mul3A_2] : memref<320000xi32, #tpu.memory_space<hbm>> -> memref<64xi32, #tpu.memory_space<hbm>>
      tpu.enqueue_dma source(%dma_start3A_90 : memref<64xi32, #tpu.memory_space<hbm>>) target(%arg17 : memref<64xi32, #tpu.memory_space<vmem>>) target_semaphore(%run_scoped3A : memref<!tpu.dma_semaphore, #tpu.memory_space<semaphore_mem>>)
      %dma_wait3A_91 = tpu.memref_slice %arg5[%mul3A_2] : memref<320000xi32, #tpu.memory_space<hbm>> -> memref<64xi32, #tpu.memory_space<hbm>>
      %dma_wait3A_92 = tpu.memref_slice %arg5[%mul3A_2] : memref<320000xi32, #tpu.memory_space<hbm>> -> memref<64xi32, #tpu.memory_space<hbm>>
      tpu.wait_dma2 semaphore(%run_scoped3A : memref<!tpu.dma_semaphore, #tpu.memory_space<semaphore_mem>>) src(%dma_wait3A_92 : memref<64xi32, #tpu.memory_space<hbm>>) dst(%arg17 : memref<64xi32, #tpu.memory_space<vmem>>)
      tpu.yield
    }) : () -> ()
    "tpu.region"() ({
      %run_scoped3A = tpu.sem_alloc : memref<!tpu.dma_semaphore, #tpu.memory_space<semaphore_mem>>
      %dma_start3A_89 = tpu.memref_slice %arg6[%mul3A_2] : memref<320000xf32, #tpu.memory_space<hbm>> -> memref<64xf32, #tpu.memory_space<hbm>>
      %dma_start3A_90 = tpu.memref_slice %arg6[%mul3A_2] : memref<320000xf32, #tpu.memory_space<hbm>> -> memref<64xf32, #tpu.memory_space<hbm>>
      tpu.enqueue_dma source(%dma_start3A_90 : memref<64xf32, #tpu.memory_space<hbm>>) target(%arg19 : memref<64xf32, #tpu.memory_space<vmem>>) target_semaphore(%run_scoped3A : memref<!tpu.dma_semaphore, #tpu.memory_space<semaphore_mem>>)
      %dma_wait3A_91 = tpu.memref_slice %arg6[%mul3A_2] : memref<320000xf32, #tpu.memory_space<hbm>> -> memref<64xf32, #tpu.memory_space<hbm>>
      %dma_wait3A_92 = tpu.memref_slice %arg6[%mul3A_2] : memref<320000xf32, #tpu.memory_space<hbm>> -> memref<64xf32, #tpu.memory_space<hbm>>
      tpu.wait_dma2 semaphore(%run_scoped3A : memref<!tpu.dma_semaphore, #tpu.memory_space<semaphore_mem>>) src(%dma_wait3A_92 : memref<64xf32, #tpu.memory_space<hbm>>) dst(%arg19 : memref<64xf32, #tpu.memory_space<vmem>>)
      tpu.yield
    }) : () -> ()
    %dma_start3A = arith.constant 0 : i32
    %dma_start3A_54 = arith.constant 0 : i32
    %dma_start3A_55 = tpu.memref_slice %arg2[%dma_start3A, %dma_start3A_54] : memref<10000x128xf32, #tpu.memory_space<hbm>> -> memref<10000x128xf32, #tpu.memory_space<hbm>>
    tpu.enqueue_indirect_dma source(%dma_start3A_55 : memref<10000x128xf32, #tpu.memory_space<hbm>>) target(%arg11 : memref<64x128xf32, #tpu.memory_space<vmem>>) offsets(%arg15 : memref<64xi32, #tpu.memory_space<vmem>>) semaphore(%arg30 : memref<!tpu.dma_semaphore, #tpu.memory_space<semaphore_mem>>)
    %dma_start3A_56 = arith.constant 0 : i32
    %dma_start3A_57 = arith.constant 0 : i32
    %dma_start3A_58 = tpu.memref_slice %arg3[%dma_start3A_56, %dma_start3A_57] : memref<10000x128xf32, #tpu.memory_space<hbm>> -> memref<10000x128xf32, #tpu.memory_space<hbm>>
    tpu.enqueue_indirect_dma source(%dma_start3A_58 : memref<10000x128xf32, #tpu.memory_space<hbm>>) target(%arg13 : memref<64x128xf32, #tpu.memory_space<vmem>>) offsets(%arg17 : memref<64xi32, #tpu.memory_space<vmem>>) semaphore(%arg32 : memref<!tpu.dma_semaphore, #tpu.memory_space<semaphore_mem>>)
    %add3A_59 = arith.constant 64 : i32
    %add3A_60 = arith.addi %mul3A_2, %add3A_59 : i32
    %dma_start3A_61 = tpu.memref_slice %arg4[%add3A_60] : memref<320000xi32, #tpu.memory_space<hbm>> -> memref<64xi32, #tpu.memory_space<hbm>>
    %dma_start3A_62 = tpu.memref_slice %arg4[%add3A_60] : memref<320000xi32, #tpu.memory_space<hbm>> -> memref<64xi32, #tpu.memory_space<hbm>>
    tpu.enqueue_dma source(%dma_start3A_62 : memref<64xi32, #tpu.memory_space<hbm>>) target(%arg16 : memref<64xi32, #tpu.memory_space<vmem>>) target_semaphore(%arg35 : memref<!tpu.dma_semaphore, #tpu.memory_space<semaphore_mem>>)
    %dma_start3A_63 = tpu.memref_slice %arg5[%add3A_60] : memref<320000xi32, #tpu.memory_space<hbm>> -> memref<64xi32, #tpu.memory_space<hbm>>
    %dma_start3A_64 = tpu.memref_slice %arg5[%add3A_60] : memref<320000xi32, #tpu.memory_space<hbm>> -> memref<64xi32, #tpu.memory_space<hbm>>
    tpu.enqueue_dma source(%dma_start3A_64 : memref<64xi32, #tpu.memory_space<hbm>>) target(%arg18 : memref<64xi32, #tpu.memory_space<vmem>>) target_semaphore(%arg35 : memref<!tpu.dma_semaphore, #tpu.memory_space<semaphore_mem>>)
    %dma_start3A_65 = tpu.memref_slice %arg6[%add3A_60] : memref<320000xf32, #tpu.memory_space<hbm>> -> memref<64xf32, #tpu.memory_space<hbm>>
    %dma_start3A_66 = tpu.memref_slice %arg6[%add3A_60] : memref<320000xf32, #tpu.memory_space<hbm>> -> memref<64xf32, #tpu.memory_space<hbm>>
    tpu.enqueue_dma source(%dma_start3A_66 : memref<64xf32, #tpu.memory_space<hbm>>) target(%arg20 : memref<64xf32, #tpu.memory_space<vmem>>) target_semaphore(%arg35 : memref<!tpu.dma_semaphore, #tpu.memory_space<semaphore_mem>>)
    %scan3A_67 = arith.constant 0 : i32
    %scan3A_68 = arith.constant 78 : i32
    %scan3A_69 = arith.addi %scan3A_67, %scan3A_68 : i32
    %scan3A_70 = arith.constant 1 : i32
    scf.for %scan3A_89 = %scan3A_67 to %scan3A_69 step %scan3A_70  : i32 {
      %mul3A_90 = arith.constant 1 : i32
      %mul3A_91 = arith.muli %scan3A_89, %mul3A_90 : i32
      %add3A_92 = arith.constant 0 : i32
      %add3A_93 = arith.addi %add3A_92, %mul3A_91 : i32
      %mul3A_94 = arith.constant 2 : i32
      %mul3A_95 = arith.muli %add3A_93, %mul3A_94 : i32
      %add3A_96 = arith.constant 0 : i32
      %add3A_97 = arith.addi %mul3A_95, %add3A_96 : i32
      %ge3A = arith.constant 1 : i32
      %ge3A_98 = arith.cmpi sge, %add3A_97, %ge3A : i32
      %convert_element_type3A_99 = arith.extui %ge3A_98 : i1 to i32
      %cond3A_100 = arith.constant 0 : i32
      %cond3A_101 = arith.cmpi ne, %convert_element_type3A_99, %cond3A_100 : i32
      scf.if %cond3A_101 {
        %dma_wait3A_241 = arith.constant 0 : i32
        %dma_wait3A_242 = arith.constant 0 : i32
        %dma_wait3A_243 = tpu.memref_slice %arg10[%dma_wait3A_241, %dma_wait3A_242] : memref<10000x128xf32, #tpu.memory_space<vmem_shared>> -> memref<10000x128xf32, #tpu.memory_space<vmem_shared>>
        tpu.wait_indirect_dma semaphore(%arg37 : memref<!tpu.dma_semaphore, #tpu.memory_space<semaphore_mem>>) src(%arg12 : memref<64x128xf32, #tpu.memory_space<vmem>>) dst(%dma_wait3A_243 : memref<10000x128xf32, #tpu.memory_space<vmem_shared>>)
      } else {
      }
      %add3A_102 = arith.constant 1 : i32
      %add3A_103 = arith.addi %add3A_97, %add3A_102 : i32
      %lt3A = arith.constant 156 : i32
      %lt3A_104 = arith.cmpi slt, %add3A_103, %lt3A : i32
      %convert_element_type3A_105 = arith.extui %lt3A_104 : i1 to i32
      %cond3A_106 = arith.constant 0 : i32
      %cond3A_107 = arith.cmpi ne, %convert_element_type3A_105, %cond3A_106 : i32
      scf.if %cond3A_107 {
        %dma_wait3A_241 = arith.constant 0 : i32
        %dma_wait3A_242 = tpu.memref_slice %arg4[%dma_wait3A_241] : memref<320000xi32, #tpu.memory_space<hbm>> -> memref<64xi32, #tpu.memory_space<hbm>>
        %dma_wait3A_243 = arith.constant 0 : i32
        %dma_wait3A_244 = tpu.memref_slice %arg4[%dma_wait3A_243] : memref<320000xi32, #tpu.memory_space<hbm>> -> memref<64xi32, #tpu.memory_space<hbm>>
        tpu.wait_dma2 semaphore(%arg35 : memref<!tpu.dma_semaphore, #tpu.memory_space<semaphore_mem>>) src(%dma_wait3A_244 : memref<64xi32, #tpu.memory_space<hbm>>) dst(%arg16 : memref<64xi32, #tpu.memory_space<vmem>>)
        %dma_wait3A_245 = arith.constant 0 : i32
        %dma_wait3A_246 = tpu.memref_slice %arg5[%dma_wait3A_245] : memref<320000xi32, #tpu.memory_space<hbm>> -> memref<64xi32, #tpu.memory_space<hbm>>
        %dma_wait3A_247 = arith.constant 0 : i32
        %dma_wait3A_248 = tpu.memref_slice %arg5[%dma_wait3A_247] : memref<320000xi32, #tpu.memory_space<hbm>> -> memref<64xi32, #tpu.memory_space<hbm>>
        tpu.wait_dma2 semaphore(%arg35 : memref<!tpu.dma_semaphore, #tpu.memory_space<semaphore_mem>>) src(%dma_wait3A_248 : memref<64xi32, #tpu.memory_space<hbm>>) dst(%arg18 : memref<64xi32, #tpu.memory_space<vmem>>)
        %dma_wait3A_249 = arith.constant 0 : i32
        %dma_wait3A_250 = tpu.memref_slice %arg6[%dma_wait3A_249] : memref<320000xf32, #tpu.memory_space<hbm>> -> memref<64xf32, #tpu.memory_space<hbm>>
        %dma_wait3A_251 = arith.constant 0 : i32
        %dma_wait3A_252 = tpu.memref_slice %arg6[%dma_wait3A_251] : memref<320000xf32, #tpu.memory_space<hbm>> -> memref<64xf32, #tpu.memory_space<hbm>>
        tpu.wait_dma2 semaphore(%arg35 : memref<!tpu.dma_semaphore, #tpu.memory_space<semaphore_mem>>) src(%dma_wait3A_252 : memref<64xf32, #tpu.memory_space<hbm>>) dst(%arg20 : memref<64xf32, #tpu.memory_space<vmem>>)
        %dma_start3A_253 = arith.constant 0 : i32
        %dma_start3A_254 = arith.constant 0 : i32
        %dma_start3A_255 = tpu.memref_slice %arg2[%dma_start3A_253, %dma_start3A_254] : memref<10000x128xf32, #tpu.memory_space<hbm>> -> memref<10000x128xf32, #tpu.memory_space<hbm>>
        tpu.enqueue_indirect_dma source(%dma_start3A_255 : memref<10000x128xf32, #tpu.memory_space<hbm>>) target(%arg12 : memref<64x128xf32, #tpu.memory_space<vmem>>) offsets(%arg16 : memref<64xi32, #tpu.memory_space<vmem>>) semaphore(%arg31 : memref<!tpu.dma_semaphore, #tpu.memory_space<semaphore_mem>>)
        %dma_start3A_256 = arith.constant 0 : i32
        %dma_start3A_257 = arith.constant 0 : i32
        %dma_start3A_258 = tpu.memref_slice %arg3[%dma_start3A_256, %dma_start3A_257] : memref<10000x128xf32, #tpu.memory_space<hbm>> -> memref<10000x128xf32, #tpu.memory_space<hbm>>
        tpu.enqueue_indirect_dma source(%dma_start3A_258 : memref<10000x128xf32, #tpu.memory_space<hbm>>) target(%arg14 : memref<64x128xf32, #tpu.memory_space<vmem>>) offsets(%arg18 : memref<64xi32, #tpu.memory_space<vmem>>) semaphore(%arg33 : memref<!tpu.dma_semaphore, #tpu.memory_space<semaphore_mem>>)
      } else {
      }
      %dma_wait3A_108 = arith.constant 0 : i32
      %dma_wait3A_109 = arith.constant 0 : i32
      %dma_wait3A_110 = tpu.memref_slice %arg2[%dma_wait3A_108, %dma_wait3A_109] : memref<10000x128xf32, #tpu.memory_space<hbm>> -> memref<10000x128xf32, #tpu.memory_space<hbm>>
      tpu.wait_indirect_dma semaphore(%arg30 : memref<!tpu.dma_semaphore, #tpu.memory_space<semaphore_mem>>) src(%dma_wait3A_110 : memref<10000x128xf32, #tpu.memory_space<hbm>>) dst(%arg11 : memref<64x128xf32, #tpu.memory_space<vmem>>)
      %dma_wait3A_111 = arith.constant 0 : i32
      %dma_wait3A_112 = arith.constant 0 : i32
      %dma_wait3A_113 = tpu.memref_slice %arg3[%dma_wait3A_111, %dma_wait3A_112] : memref<10000x128xf32, #tpu.memory_space<hbm>> -> memref<10000x128xf32, #tpu.memory_space<hbm>>
      tpu.wait_indirect_dma semaphore(%arg32 : memref<!tpu.dma_semaphore, #tpu.memory_space<semaphore_mem>>) src(%dma_wait3A_113 : memref<10000x128xf32, #tpu.memory_space<hbm>>) dst(%arg13 : memref<64x128xf32, #tpu.memory_space<vmem>>)
      %get3A_114 = arith.constant 0 : index
      %get3A_115 = tpu.vector_load %arg15[%get3A_114] {strides = array<i32>} : memref<64xi32, #tpu.memory_space<vmem>>, vector<16xi32>,
      %swap3A = arith.constant 0 : index
      %swap3A_116 = tpu.vector_load %arg21[%swap3A] {strides = array<i32>} : memref<64xi32, #tpu.memory_space<vmem>>, vector<16xi32>,
      tpu.vector_store %arg21[%swap3A], %get3A_115 {strides = array<i32>} : memref<64xi32, #tpu.memory_space<vmem>>, vector<16xi32>,
      %get3A_117 = arith.constant 0 : index
      %get3A_118 = tpu.vector_load %arg19[%get3A_117] {strides = array<i32>} : memref<64xf32, #tpu.memory_space<vmem>>, vector<16xf32>,
      %swap3A_119 = arith.constant 0 : index
      %swap3A_120 = tpu.vector_load %arg23[%swap3A_119] {strides = array<i32>} : memref<64xf32, #tpu.memory_space<vmem>>, vector<16xf32>,
      tpu.vector_store %arg23[%swap3A_119], %get3A_118 {strides = array<i32>} : memref<64xf32, #tpu.memory_space<vmem>>, vector<16xf32>,
      %get3A_121 = arith.constant 16 : index
      %get3A_122 = tpu.vector_load %arg15[%get3A_121] {strides = array<i32>} : memref<64xi32, #tpu.memory_space<vmem>>, vector<16xi32>,
      %swap3A_123 = arith.constant 16 : index
      %swap3A_124 = tpu.vector_load %arg21[%swap3A_123] {strides = array<i32>} : memref<64xi32, #tpu.memory_space<vmem>>, vector<16xi32>,
      tpu.vector_store %arg21[%swap3A_123], %get3A_122 {strides = array<i32>} : memref<64xi32, #tpu.memory_space<vmem>>, vector<16xi32>,
      %get3A_125 = arith.constant 16 : index
      %get3A_126 = tpu.vector_load %arg19[%get3A_125] {strides = array<i32>} : memref<64xf32, #tpu.memory_space<vmem>>, vector<16xf32>,
      %swap3A_127 = arith.constant 16 : index
      %swap3A_128 = tpu.vector_load %arg23[%swap3A_127] {strides = array<i32>} : memref<64xf32, #tpu.memory_space<vmem>>, vector<16xf32>,
      tpu.vector_store %arg23[%swap3A_127], %get3A_126 {strides = array<i32>} : memref<64xf32, #tpu.memory_space<vmem>>, vector<16xf32>,
      %get3A_129 = arith.constant 32 : index
      %get3A_130 = tpu.vector_load %arg15[%get3A_129] {strides = array<i32>} : memref<64xi32, #tpu.memory_space<vmem>>, vector<16xi32>,
      %swap3A_131 = arith.constant 32 : index
      %swap3A_132 = tpu.vector_load %arg21[%swap3A_131] {strides = array<i32>} : memref<64xi32, #tpu.memory_space<vmem>>, vector<16xi32>,
      tpu.vector_store %arg21[%swap3A_131], %get3A_130 {strides = array<i32>} : memref<64xi32, #tpu.memory_space<vmem>>, vector<16xi32>,
      %get3A_133 = arith.constant 32 : index
      %get3A_134 = tpu.vector_load %arg19[%get3A_133] {strides = array<i32>} : memref<64xf32, #tpu.memory_space<vmem>>, vector<16xf32>,
      %swap3A_135 = arith.constant 32 : index
      %swap3A_136 = tpu.vector_load %arg23[%swap3A_135] {strides = array<i32>} : memref<64xf32, #tpu.memory_space<vmem>>, vector<16xf32>,
      tpu.vector_store %arg23[%swap3A_135], %get3A_134 {strides = array<i32>} : memref<64xf32, #tpu.memory_space<vmem>>, vector<16xf32>,
      %get3A_137 = arith.constant 48 : index
      %get3A_138 = tpu.vector_load %arg15[%get3A_137] {strides = array<i32>} : memref<64xi32, #tpu.memory_space<vmem>>, vector<16xi32>,
      %swap3A_139 = arith.constant 48 : index
      %swap3A_140 = tpu.vector_load %arg21[%swap3A_139] {strides = array<i32>} : memref<64xi32, #tpu.memory_space<vmem>>, vector<16xi32>,
      tpu.vector_store %arg21[%swap3A_139], %get3A_138 {strides = array<i32>} : memref<64xi32, #tpu.memory_space<vmem>>, vector<16xi32>,
      %get3A_141 = arith.constant 48 : index
      %get3A_142 = tpu.vector_load %arg19[%get3A_141] {strides = array<i32>} : memref<64xf32, #tpu.memory_space<vmem>>, vector<16xf32>,
      %swap3A_143 = arith.constant 48 : index
      %swap3A_144 = tpu.vector_load %arg23[%swap3A_143] {strides = array<i32>} : memref<64xf32, #tpu.memory_space<vmem>>, vector<16xf32>,
      tpu.vector_store %arg23[%swap3A_143], %get3A_142 {strides = array<i32>} : memref<64xf32, #tpu.memory_space<vmem>>, vector<16xf32>,
      %add3A_145 = arith.constant 2 : i32
      %add3A_146 = arith.addi %add3A_97, %add3A_145 : i32
      %lt3A_147 = arith.constant 156 : i32
      %lt3A_148 = arith.cmpi slt, %add3A_146, %lt3A_147 : i32
      %convert_element_type3A_149 = arith.extui %lt3A_148 : i1 to i32
      %cond3A_150 = arith.constant 0 : i32
      %cond3A_151 = arith.cmpi ne, %convert_element_type3A_149, %cond3A_150 : i32
      scf.if %cond3A_151 {
        %add3A_241 = arith.constant 2 : i32
        %add3A_242 = arith.addi %add3A_97, %add3A_241 : i32
        %mul3A_243 = arith.constant 64 : i32
        %mul3A_244 = arith.muli %add3A_242, %mul3A_243 : i32
        %add3A_245 = arith.addi %mul3A_2, %mul3A_244 : i32
        %dma_start3A_246 = tpu.memref_slice %arg4[%add3A_245] : memref<320000xi32, #tpu.memory_space<hbm>> -> memref<64xi32, #tpu.memory_space<hbm>>
        %dma_start3A_247 = tpu.memref_slice %arg4[%add3A_245] : memref<320000xi32, #tpu.memory_space<hbm>> -> memref<64xi32, #tpu.memory_space<hbm>>
        tpu.enqueue_dma source(%dma_start3A_247 : memref<64xi32, #tpu.memory_space<hbm>>) target(%arg15 : memref<64xi32, #tpu.memory_space<vmem>>) target_semaphore(%arg34 : memref<!tpu.dma_semaphore, #tpu.memory_space<semaphore_mem>>)
        %dma_start3A_248 = tpu.memref_slice %arg5[%add3A_245] : memref<320000xi32, #tpu.memory_space<hbm>> -> memref<64xi32, #tpu.memory_space<hbm>>
        %dma_start3A_249 = tpu.memref_slice %arg5[%add3A_245] : memref<320000xi32, #tpu.memory_space<hbm>> -> memref<64xi32, #tpu.memory_space<hbm>>
        tpu.enqueue_dma source(%dma_start3A_249 : memref<64xi32, #tpu.memory_space<hbm>>) target(%arg17 : memref<64xi32, #tpu.memory_space<vmem>>) target_semaphore(%arg34 : memref<!tpu.dma_semaphore, #tpu.memory_space<semaphore_mem>>)
        %dma_start3A_250 = tpu.memref_slice %arg6[%add3A_245] : memref<320000xf32, #tpu.memory_space<hbm>> -> memref<64xf32, #tpu.memory_space<hbm>>
        %dma_start3A_251 = tpu.memref_slice %arg6[%add3A_245] : memref<320000xf32, #tpu.memory_space<hbm>> -> memref<64xf32, #tpu.memory_space<hbm>>
        tpu.enqueue_dma source(%dma_start3A_251 : memref<64xf32, #tpu.memory_space<hbm>>) target(%arg19 : memref<64xf32, #tpu.memory_space<vmem>>) target_semaphore(%arg34 : memref<!tpu.dma_semaphore, #tpu.memory_space<semaphore_mem>>)
      } else {
      }
      %parallel_loop3A_152 = arith.constant 0 : i32
      %parallel_loop3A_153 = arith.constant 64 : i32
      %parallel_loop3A_154 = arith.constant 1 : i32
      scf.for %parallel_loop3A_241 = %parallel_loop3A_152 to %parallel_loop3A_153 step %parallel_loop3A_154  : i32 {
        %parallel_loop3A_242 = vector.broadcast %parallel_loop3A_241 : i32 to vector<16xi32>
        %parallel_loop3A_243 = tpu.vector_load_idx %arg23[%parallel_loop3A_242] : memref<64xf32, #tpu.memory_space<vmem>>[vector<16xi32>], vector<16xf32>,
        %parallel_loop3A_244 = arith.index_cast %parallel_loop3A_241 : i32 to index
        %parallel_loop3A_245 = arith.constant 0 : index
        %parallel_loop3A_246 = tpu.vector_load %arg11[%parallel_loop3A_244, %parallel_loop3A_245] {strides = array<i32>} : memref<64x128xf32, #tpu.memory_space<vmem>>, vector<16xf32>,
        %parallel_loop3A_247 = arith.index_cast %parallel_loop3A_241 : i32 to index
        %parallel_loop3A_248 = arith.constant 0 : index
        %parallel_loop3A_249 = tpu.vector_load %arg13[%parallel_loop3A_247, %parallel_loop3A_248] {strides = array<i32>} : memref<64x128xf32, #tpu.memory_space<vmem>>, vector<16xf32>,
        %parallel_loop3A_250 = arith.addf %parallel_loop3A_246, %parallel_loop3A_249 : vector<16xf32>
        %parallel_loop3A_251 = arith.mulf %parallel_loop3A_243, %get3A_39 : vector<16xf32>
        %parallel_loop3A_252 = arith.addf %parallel_loop3A_250, %parallel_loop3A_251 : vector<16xf32>
        %parallel_loop3A_253 = arith.constant 0.000000e+00 : f32
        %parallel_loop3A_254 = vector.broadcast %parallel_loop3A_253 : f32 to vector<16xf32>
        %parallel_loop3A_255 = arith.maximumf %parallel_loop3A_252, %parallel_loop3A_254 : vector<16xf32>
        %parallel_loop3A_256 = arith.index_cast %parallel_loop3A_241 : i32 to index
        %parallel_loop3A_257 = arith.constant 0 : index
        %parallel_loop3A_258 = tpu.vector_load %arg11[%parallel_loop3A_256, %parallel_loop3A_257] {strides = array<i32>} : memref<64x128xf32, #tpu.memory_space<vmem>>, vector<16xf32>,
        tpu.vector_store %arg11[%parallel_loop3A_256, %parallel_loop3A_257], %parallel_loop3A_255 {strides = array<i32>} : memref<64x128xf32, #tpu.memory_space<vmem>>, vector<16xf32>,
        %parallel_loop3A_259 = arith.index_cast %parallel_loop3A_241 : i32 to index
        %parallel_loop3A_260 = arith.constant 16 : index
        %parallel_loop3A_261 = tpu.vector_load %arg11[%parallel_loop3A_259, %parallel_loop3A_260] {strides = array<i32>} : memref<64x128xf32, #tpu.memory_space<vmem>>, vector<16xf32>,
        %parallel_loop3A_262 = arith.index_cast %parallel_loop3A_241 : i32 to index
        %parallel_loop3A_263 = arith.constant 16 : index
        %parallel_loop3A_264 = tpu.vector_load %arg13[%parallel_loop3A_262, %parallel_loop3A_263] {strides = array<i32>} : memref<64x128xf32, #tpu.memory_space<vmem>>, vector<16xf32>,
        %parallel_loop3A_265 = arith.addf %parallel_loop3A_261, %parallel_loop3A_264 : vector<16xf32>
        %parallel_loop3A_266 = arith.mulf %parallel_loop3A_243, %get3A_41 : vector<16xf32>
        %parallel_loop3A_267 = arith.addf %parallel_loop3A_265, %parallel_loop3A_266 : vector<16xf32>
        %parallel_loop3A_268 = arith.constant 0.000000e+00 : f32
        %parallel_loop3A_269 = vector.broadcast %parallel_loop3A_268 : f32 to vector<16xf32>
        %parallel_loop3A_270 = arith.maximumf %parallel_loop3A_267, %parallel_loop3A_269 : vector<16xf32>
        %parallel_loop3A_271 = arith.index_cast %parallel_loop3A_241 : i32 to index
        %parallel_loop3A_272 = arith.constant 16 : index
        %parallel_loop3A_273 = tpu.vector_load %arg11[%parallel_loop3A_271, %parallel_loop3A_272] {strides = array<i32>} : memref<64x128xf32, #tpu.memory_space<vmem>>, vector<16xf32>,
        tpu.vector_store %arg11[%parallel_loop3A_271, %parallel_loop3A_272], %parallel_loop3A_270 {strides = array<i32>} : memref<64x128xf32, #tpu.memory_space<vmem>>, vector<16xf32>,
        %parallel_loop3A_274 = arith.index_cast %parallel_loop3A_241 : i32 to index
        %parallel_loop3A_275 = arith.constant 32 : index
        %parallel_loop3A_276 = tpu.vector_load %arg11[%parallel_loop3A_274, %parallel_loop3A_275] {strides = array<i32>} : memref<64x128xf32, #tpu.memory_space<vmem>>, vector<16xf32>,
        %parallel_loop3A_277 = arith.index_cast %parallel_loop3A_241 : i32 to index
        %parallel_loop3A_278 = arith.constant 32 : index
        %parallel_loop3A_279 = tpu.vector_load %arg13[%parallel_loop3A_277, %parallel_loop3A_278] {strides = array<i32>} : memref<64x128xf32, #tpu.memory_space<vmem>>, vector<16xf32>,
        %parallel_loop3A_280 = arith.addf %parallel_loop3A_276, %parallel_loop3A_279 : vector<16xf32>
        %parallel_loop3A_281 = arith.mulf %parallel_loop3A_243, %get3A_43 : vector<16xf32>
        %parallel_loop3A_282 = arith.addf %parallel_loop3A_280, %parallel_loop3A_281 : vector<16xf32>
        %parallel_loop3A_283 = arith.constant 0.000000e+00 : f32
        %parallel_loop3A_284 = vector.broadcast %parallel_loop3A_283 : f32 to vector<16xf32>
        %parallel_loop3A_285 = arith.maximumf %parallel_loop3A_282, %parallel_loop3A_284 : vector<16xf32>
        %parallel_loop3A_286 = arith.index_cast %parallel_loop3A_241 : i32 to index
        %parallel_loop3A_287 = arith.constant 32 : index
        %parallel_loop3A_288 = tpu.vector_load %arg11[%parallel_loop3A_286, %parallel_loop3A_287] {strides = array<i32>} : memref<64x128xf32, #tpu.memory_space<vmem>>, vector<16xf32>,
        tpu.vector_store %arg11[%parallel_loop3A_286, %parallel_loop3A_287], %parallel_loop3A_285 {strides = array<i32>} : memref<64x128xf32, #tpu.memory_space<vmem>>, vector<16xf32>,
        %parallel_loop3A_289 = arith.index_cast %parallel_loop3A_241 : i32 to index
        %parallel_loop3A_290 = arith.constant 48 : index
        %parallel_loop3A_291 = tpu.vector_load %arg11[%parallel_loop3A_289, %parallel_loop3A_290] {strides = array<i32>} : memref<64x128xf32, #tpu.memory_space<vmem>>, vector<16xf32>,
        %parallel_loop3A_292 = arith.index_cast %parallel_loop3A_241 : i32 to index
        %parallel_loop3A_293 = arith.constant 48 : index
        %parallel_loop3A_294 = tpu.vector_load %arg13[%parallel_loop3A_292, %parallel_loop3A_293] {strides = array<i32>} : memref<64x128xf32, #tpu.memory_space<vmem>>, vector<16xf32>,
        %parallel_loop3A_295 = arith.addf %parallel_loop3A_291, %parallel_loop3A_294 : vector<16xf32>
        %parallel_loop3A_296 = arith.mulf %parallel_loop3A_243, %get3A_45 : vector<16xf32>
        %parallel_loop3A_297 = arith.addf %parallel_loop3A_295, %parallel_loop3A_296 : vector<16xf32>
        %parallel_loop3A_298 = arith.constant 0.000000e+00 : f32
        %parallel_loop3A_299 = vector.broadcast %parallel_loop3A_298 : f32 to vector<16xf32>
        %parallel_loop3A_300 = arith.maximumf %parallel_loop3A_297, %parallel_loop3A_299 : vector<16xf32>
        %parallel_loop3A_301 = arith.index_cast %parallel_loop3A_241 : i32 to index
        %parallel_loop3A_302 = arith.constant 48 : index
        %parallel_loop3A_303 = tpu.vector_load %arg11[%parallel_loop3A_301, %parallel_loop3A_302] {strides = array<i32>} : memref<64x128xf32, #tpu.memory_space<vmem>>, vector<16xf32>,
        tpu.vector_store %arg11[%parallel_loop3A_301, %parallel_loop3A_302], %parallel_loop3A_300 {strides = array<i32>} : memref<64x128xf32, #tpu.memory_space<vmem>>, vector<16xf32>,
        %parallel_loop3A_304 = arith.index_cast %parallel_loop3A_241 : i32 to index
        %parallel_loop3A_305 = arith.constant 64 : index
        %parallel_loop3A_306 = tpu.vector_load %arg11[%parallel_loop3A_304, %parallel_loop3A_305] {strides = array<i32>} : memref<64x128xf32, #tpu.memory_space<vmem>>, vector<16xf32>,
        %parallel_loop3A_307 = arith.index_cast %parallel_loop3A_241 : i32 to index
        %parallel_loop3A_308 = arith.constant 64 : index
        %parallel_loop3A_309 = tpu.vector_load %arg13[%parallel_loop3A_307, %parallel_loop3A_308] {strides = array<i32>} : memref<64x128xf32, #tpu.memory_space<vmem>>, vector<16xf32>,
        %parallel_loop3A_310 = arith.addf %parallel_loop3A_306, %parallel_loop3A_309 : vector<16xf32>
        %parallel_loop3A_311 = arith.mulf %parallel_loop3A_243, %get3A_47 : vector<16xf32>
        %parallel_loop3A_312 = arith.addf %parallel_loop3A_310, %parallel_loop3A_311 : vector<16xf32>
        %parallel_loop3A_313 = arith.constant 0.000000e+00 : f32
        %parallel_loop3A_314 = vector.broadcast %parallel_loop3A_313 : f32 to vector<16xf32>
        %parallel_loop3A_315 = arith.maximumf %parallel_loop3A_312, %parallel_loop3A_314 : vector<16xf32>
        %parallel_loop3A_316 = arith.index_cast %parallel_loop3A_241 : i32 to index
        %parallel_loop3A_317 = arith.constant 64 : index
        %parallel_loop3A_318 = tpu.vector_load %arg11[%parallel_loop3A_316, %parallel_loop3A_317] {strides = array<i32>} : memref<64x128xf32, #tpu.memory_space<vmem>>, vector<16xf32>,
        tpu.vector_store %arg11[%parallel_loop3A_316, %parallel_loop3A_317], %parallel_loop3A_315 {strides = array<i32>} : memref<64x128xf32, #tpu.memory_space<vmem>>, vector<16xf32>,
        %parallel_loop3A_319 = arith.index_cast %parallel_loop3A_241 : i32 to index
        %parallel_loop3A_320 = arith.constant 80 : index
        %parallel_loop3A_321 = tpu.vector_load %arg11[%parallel_loop3A_319, %parallel_loop3A_320] {strides = array<i32>} : memref<64x128xf32, #tpu.memory_space<vmem>>, vector<16xf32>,
        %parallel_loop3A_322 = arith.index_cast %parallel_loop3A_241 : i32 to index
        %parallel_loop3A_323 = arith.constant 80 : index
        %parallel_loop3A_324 = tpu.vector_load %arg13[%parallel_loop3A_322, %parallel_loop3A_323] {strides = array<i32>} : memref<64x128xf32, #tpu.memory_space<vmem>>, vector<16xf32>,
        %parallel_loop3A_325 = arith.addf %parallel_loop3A_321, %parallel_loop3A_324 : vector<16xf32>
        %parallel_loop3A_326 = arith.mulf %parallel_loop3A_243, %get3A_49 : vector<16xf32>
        %parallel_loop3A_327 = arith.addf %parallel_loop3A_325, %parallel_loop3A_326 : vector<16xf32>
        %parallel_loop3A_328 = arith.constant 0.000000e+00 : f32
        %parallel_loop3A_329 = vector.broadcast %parallel_loop3A_328 : f32 to vector<16xf32>
        %parallel_loop3A_330 = arith.maximumf %parallel_loop3A_327, %parallel_loop3A_329 : vector<16xf32>
        %parallel_loop3A_331 = arith.index_cast %parallel_loop3A_241 : i32 to index
        %parallel_loop3A_332 = arith.constant 80 : index
        %parallel_loop3A_333 = tpu.vector_load %arg11[%parallel_loop3A_331, %parallel_loop3A_332] {strides = array<i32>} : memref<64x128xf32, #tpu.memory_space<vmem>>, vector<16xf32>,
        tpu.vector_store %arg11[%parallel_loop3A_331, %parallel_loop3A_332], %parallel_loop3A_330 {strides = array<i32>} : memref<64x128xf32, #tpu.memory_space<vmem>>, vector<16xf32>,
        %parallel_loop3A_334 = arith.index_cast %parallel_loop3A_241 : i32 to index
        %parallel_loop3A_335 = arith.constant 96 : index
        %parallel_loop3A_336 = tpu.vector_load %arg11[%parallel_loop3A_334, %parallel_loop3A_335] {strides = array<i32>} : memref<64x128xf32, #tpu.memory_space<vmem>>, vector<16xf32>,
        %parallel_loop3A_337 = arith.index_cast %parallel_loop3A_241 : i32 to index
        %parallel_loop3A_338 = arith.constant 96 : index
        %parallel_loop3A_339 = tpu.vector_load %arg13[%parallel_loop3A_337, %parallel_loop3A_338] {strides = array<i32>} : memref<64x128xf32, #tpu.memory_space<vmem>>, vector<16xf32>,
        %parallel_loop3A_340 = arith.addf %parallel_loop3A_336, %parallel_loop3A_339 : vector<16xf32>
        %parallel_loop3A_341 = arith.mulf %parallel_loop3A_243, %get3A_51 : vector<16xf32>
        %parallel_loop3A_342 = arith.addf %parallel_loop3A_340, %parallel_loop3A_341 : vector<16xf32>
        %parallel_loop3A_343 = arith.constant 0.000000e+00 : f32
        %parallel_loop3A_344 = vector.broadcast %parallel_loop3A_343 : f32 to vector<16xf32>
        %parallel_loop3A_345 = arith.maximumf %parallel_loop3A_342, %parallel_loop3A_344 : vector<16xf32>
        %parallel_loop3A_346 = arith.index_cast %parallel_loop3A_241 : i32 to index
        %parallel_loop3A_347 = arith.constant 96 : index
        %parallel_loop3A_348 = tpu.vector_load %arg11[%parallel_loop3A_346, %parallel_loop3A_347] {strides = array<i32>} : memref<64x128xf32, #tpu.memory_space<vmem>>, vector<16xf32>,
        tpu.vector_store %arg11[%parallel_loop3A_346, %parallel_loop3A_347], %parallel_loop3A_345 {strides = array<i32>} : memref<64x128xf32, #tpu.memory_space<vmem>>, vector<16xf32>,
        %parallel_loop3A_349 = arith.index_cast %parallel_loop3A_241 : i32 to index
        %parallel_loop3A_350 = arith.constant 112 : index
        %parallel_loop3A_351 = tpu.vector_load %arg11[%parallel_loop3A_349, %parallel_loop3A_350] {strides = array<i32>} : memref<64x128xf32, #tpu.memory_space<vmem>>, vector<16xf32>,
        %parallel_loop3A_352 = arith.index_cast %parallel_loop3A_241 : i32 to index
        %parallel_loop3A_353 = arith.constant 112 : index
        %parallel_loop3A_354 = tpu.vector_load %arg13[%parallel_loop3A_352, %parallel_loop3A_353] {strides = array<i32>} : memref<64x128xf32, #tpu.memory_space<vmem>>, vector<16xf32>,
        %parallel_loop3A_355 = arith.addf %parallel_loop3A_351, %parallel_loop3A_354 : vector<16xf32>
        %parallel_loop3A_356 = arith.mulf %parallel_loop3A_243, %get3A_53 : vector<16xf32>
        %parallel_loop3A_357 = arith.addf %parallel_loop3A_355, %parallel_loop3A_356 : vector<16xf32>
        %parallel_loop3A_358 = arith.constant 0.000000e+00 : f32
        %parallel_loop3A_359 = vector.broadcast %parallel_loop3A_358 : f32 to vector<16xf32>
        %parallel_loop3A_360 = arith.maximumf %parallel_loop3A_357, %parallel_loop3A_359 : vector<16xf32>
        %parallel_loop3A_361 = arith.index_cast %parallel_loop3A_241 : i32 to index
        %parallel_loop3A_362 = arith.constant 112 : index
        %parallel_loop3A_363 = tpu.vector_load %arg11[%parallel_loop3A_361, %parallel_loop3A_362] {strides = array<i32>} : memref<64x128xf32, #tpu.memory_space<vmem>>, vector<16xf32>,
        tpu.vector_store %arg11[%parallel_loop3A_361, %parallel_loop3A_362], %parallel_loop3A_360 {strides = array<i32>} : memref<64x128xf32, #tpu.memory_space<vmem>>, vector<16xf32>,
      } {sc.loop_unroll_factor = 8 : i64, sc.parallel_access}
      %get3A_155 = arith.constant 0 : index
      %get3A_156 = tpu.vector_load %arg21[%get3A_155] {strides = array<i32>} : memref<64xi32, #tpu.memory_space<vmem>>, vector<16xi32>,
      tpu.vector_store_idx %arg28[%get3A_156], %broadcast_in_dim3A_5 {add = true} : memref<10000xf32, #tpu.memory_space<vmem>>[vector<16xi32>], vector<16xf32>,
      %get3A_157 = arith.constant 16 : index
      %get3A_158 = tpu.vector_load %arg21[%get3A_157] {strides = array<i32>} : memref<64xi32, #tpu.memory_space<vmem>>, vector<16xi32>,
      tpu.vector_store_idx %arg28[%get3A_158], %broadcast_in_dim3A_5 {add = true} : memref<10000xf32, #tpu.memory_space<vmem>>[vector<16xi32>], vector<16xf32>,
      %get3A_159 = arith.constant 32 : index
      %get3A_160 = tpu.vector_load %arg21[%get3A_159] {strides = array<i32>} : memref<64xi32, #tpu.memory_space<vmem>>, vector<16xi32>,
      tpu.vector_store_idx %arg28[%get3A_160], %broadcast_in_dim3A_5 {add = true} : memref<10000xf32, #tpu.memory_space<vmem>>[vector<16xi32>], vector<16xf32>,
      %get3A_161 = arith.constant 48 : index
      %get3A_162 = tpu.vector_load %arg21[%get3A_161] {strides = array<i32>} : memref<64xi32, #tpu.memory_space<vmem>>, vector<16xi32>,
      tpu.vector_store_idx %arg28[%get3A_162], %broadcast_in_dim3A_5 {add = true} : memref<10000xf32, #tpu.memory_space<vmem>>[vector<16xi32>], vector<16xf32>,
      %dma_start3A_163 = arith.constant 0 : i32
      %dma_start3A_164 = arith.constant 0 : i32
      %dma_start3A_165 = tpu.memref_slice %arg10[%dma_start3A_163, %dma_start3A_164] : memref<10000x128xf32, #tpu.memory_space<vmem_shared>> -> memref<10000x128xf32, #tpu.memory_space<vmem_shared>>
      tpu.enqueue_indirect_dma source(%arg11 : memref<64x128xf32, #tpu.memory_space<vmem>>) target(%dma_start3A_165 : memref<10000x128xf32, #tpu.memory_space<vmem_shared>>) offsets(%arg21 : memref<64xi32, #tpu.memory_space<vmem>>) semaphore(%arg36 : memref<!tpu.dma_semaphore, #tpu.memory_space<semaphore_mem>>) {add = true}
      %mul3A_166 = arith.constant 2 : i32
      %mul3A_167 = arith.muli %add3A_93, %mul3A_166 : i32
      %add3A_168 = arith.constant 1 : i32
      %add3A_169 = arith.addi %mul3A_167, %add3A_168 : i32
      %ge3A_170 = arith.constant 1 : i32
      %ge3A_171 = arith.cmpi sge, %add3A_169, %ge3A_170 : i32
      %convert_element_type3A_172 = arith.extui %ge3A_171 : i1 to i32
      %cond3A_173 = arith.constant 0 : i32
      %cond3A_174 = arith.cmpi ne, %convert_element_type3A_172, %cond3A_173 : i32
      scf.if %cond3A_174 {
        %dma_wait3A_241 = arith.constant 0 : i32
        %dma_wait3A_242 = arith.constant 0 : i32
        %dma_wait3A_243 = tpu.memref_slice %arg10[%dma_wait3A_241, %dma_wait3A_242] : memref<10000x128xf32, #tpu.memory_space<vmem_shared>> -> memref<10000x128xf32, #tpu.memory_space<vmem_shared>>
        tpu.wait_indirect_dma semaphore(%arg36 : memref<!tpu.dma_semaphore, #tpu.memory_space<semaphore_mem>>) src(%arg11 : memref<64x128xf32, #tpu.memory_space<vmem>>) dst(%dma_wait3A_243 : memref<10000x128xf32, #tpu.memory_space<vmem_shared>>)
      } else {
      }
      %add3A_175 = arith.constant 1 : i32
      %add3A_176 = arith.addi %add3A_169, %add3A_175 : i32
      %lt3A_177 = arith.constant 156 : i32
      %lt3A_178 = arith.cmpi slt, %add3A_176, %lt3A_177 : i32
      %convert_element_type3A_179 = arith.extui %lt3A_178 : i1 to i32
      %cond3A_180 = arith.constant 0 : i32
      %cond3A_181 = arith.cmpi ne, %convert_element_type3A_179, %cond3A_180 : i32
      scf.if %cond3A_181 {
        %dma_wait3A_241 = arith.constant 0 : i32
        %dma_wait3A_242 = tpu.memref_slice %arg4[%dma_wait3A_241] : memref<320000xi32, #tpu.memory_space<hbm>> -> memref<64xi32, #tpu.memory_space<hbm>>
        %dma_wait3A_243 = arith.constant 0 : i32
        %dma_wait3A_244 = tpu.memref_slice %arg4[%dma_wait3A_243] : memref<320000xi32, #tpu.memory_space<hbm>> -> memref<64xi32, #tpu.memory_space<hbm>>
        tpu.wait_dma2 semaphore(%arg34 : memref<!tpu.dma_semaphore, #tpu.memory_space<semaphore_mem>>) src(%dma_wait3A_244 : memref<64xi32, #tpu.memory_space<hbm>>) dst(%arg15 : memref<64xi32, #tpu.memory_space<vmem>>)
        %dma_wait3A_245 = arith.constant 0 : i32
        %dma_wait3A_246 = tpu.memref_slice %arg5[%dma_wait3A_245] : memref<320000xi32, #tpu.memory_space<hbm>> -> memref<64xi32, #tpu.memory_space<hbm>>
        %dma_wait3A_247 = arith.constant 0 : i32
        %dma_wait3A_248 = tpu.memref_slice %arg5[%dma_wait3A_247] : memref<320000xi32, #tpu.memory_space<hbm>> -> memref<64xi32, #tpu.memory_space<hbm>>
        tpu.wait_dma2 semaphore(%arg34 : memref<!tpu.dma_semaphore, #tpu.memory_space<semaphore_mem>>) src(%dma_wait3A_248 : memref<64xi32, #tpu.memory_space<hbm>>) dst(%arg17 : memref<64xi32, #tpu.memory_space<vmem>>)
        %dma_wait3A_249 = arith.constant 0 : i32
        %dma_wait3A_250 = tpu.memref_slice %arg6[%dma_wait3A_249] : memref<320000xf32, #tpu.memory_space<hbm>> -> memref<64xf32, #tpu.memory_space<hbm>>
        %dma_wait3A_251 = arith.constant 0 : i32
        %dma_wait3A_252 = tpu.memref_slice %arg6[%dma_wait3A_251] : memref<320000xf32, #tpu.memory_space<hbm>> -> memref<64xf32, #tpu.memory_space<hbm>>
        tpu.wait_dma2 semaphore(%arg34 : memref<!tpu.dma_semaphore, #tpu.memory_space<semaphore_mem>>) src(%dma_wait3A_252 : memref<64xf32, #tpu.memory_space<hbm>>) dst(%arg19 : memref<64xf32, #tpu.memory_space<vmem>>)
        %dma_start3A_253 = arith.constant 0 : i32
        %dma_start3A_254 = arith.constant 0 : i32
        %dma_start3A_255 = tpu.memref_slice %arg2[%dma_start3A_253, %dma_start3A_254] : memref<10000x128xf32, #tpu.memory_space<hbm>> -> memref<10000x128xf32, #tpu.memory_space<hbm>>
        tpu.enqueue_indirect_dma source(%dma_start3A_255 : memref<10000x128xf32, #tpu.memory_space<hbm>>) target(%arg11 : memref<64x128xf32, #tpu.memory_space<vmem>>) offsets(%arg15 : memref<64xi32, #tpu.memory_space<vmem>>) semaphore(%arg30 : memref<!tpu.dma_semaphore, #tpu.memory_space<semaphore_mem>>)
        %dma_start3A_256 = arith.constant 0 : i32
        %dma_start3A_257 = arith.constant 0 : i32
        %dma_start3A_258 = tpu.memref_slice %arg3[%dma_start3A_256, %dma_start3A_257] : memref<10000x128xf32, #tpu.memory_space<hbm>> -> memref<10000x128xf32, #tpu.memory_space<hbm>>
        tpu.enqueue_indirect_dma source(%dma_start3A_258 : memref<10000x128xf32, #tpu.memory_space<hbm>>) target(%arg13 : memref<64x128xf32, #tpu.memory_space<vmem>>) offsets(%arg17 : memref<64xi32, #tpu.memory_space<vmem>>) semaphore(%arg32 : memref<!tpu.dma_semaphore, #tpu.memory_space<semaphore_mem>>)
      } else {
      }
      %dma_wait3A_182 = arith.constant 0 : i32
      %dma_wait3A_183 = arith.constant 0 : i32
      %dma_wait3A_184 = tpu.memref_slice %arg2[%dma_wait3A_182, %dma_wait3A_183] : memref<10000x128xf32, #tpu.memory_space<hbm>> -> memref<10000x128xf32, #tpu.memory_space<hbm>>
      tpu.wait_indirect_dma semaphore(%arg31 : memref<!tpu.dma_semaphore, #tpu.memory_space<semaphore_mem>>) src(%dma_wait3A_184 : memref<10000x128xf32, #tpu.memory_space<hbm>>) dst(%arg12 : memref<64x128xf32, #tpu.memory_space<vmem>>)
      %dma_wait3A_185 = arith.constant 0 : i32
      %dma_wait3A_186 = arith.constant 0 : i32
      %dma_wait3A_187 = tpu.memref_slice %arg3[%dma_wait3A_185, %dma_wait3A_186] : memref<10000x128xf32, #tpu.memory_space<hbm>> -> memref<10000x128xf32, #tpu.memory_space<hbm>>
      tpu.wait_indirect_dma semaphore(%arg33 : memref<!tpu.dma_semaphore, #tpu.memory_space<semaphore_mem>>) src(%dma_wait3A_187 : memref<10000x128xf32, #tpu.memory_space<hbm>>) dst(%arg14 : memref<64x128xf32, #tpu.memory_space<vmem>>)
      %get3A_188 = arith.constant 0 : index
      %get3A_189 = tpu.vector_load %arg16[%get3A_188] {strides = array<i32>} : memref<64xi32, #tpu.memory_space<vmem>>, vector<16xi32>,
      %swap3A_190 = arith.constant 0 : index
      %swap3A_191 = tpu.vector_load %arg22[%swap3A_190] {strides = array<i32>} : memref<64xi32, #tpu.memory_space<vmem>>, vector<16xi32>,
      tpu.vector_store %arg22[%swap3A_190], %get3A_189 {strides = array<i32>} : memref<64xi32, #tpu.memory_space<vmem>>, vector<16xi32>,
      %get3A_192 = arith.constant 0 : index
      %get3A_193 = tpu.vector_load %arg20[%get3A_192] {strides = array<i32>} : memref<64xf32, #tpu.memory_space<vmem>>, vector<16xf32>,
      %swap3A_194 = arith.constant 0 : index
      %swap3A_195 = tpu.vector_load %arg24[%swap3A_194] {strides = array<i32>} : memref<64xf32, #tpu.memory_space<vmem>>, vector<16xf32>,
      tpu.vector_store %arg24[%swap3A_194], %get3A_193 {strides = array<i32>} : memref<64xf32, #tpu.memory_space<vmem>>, vector<16xf32>,
      %get3A_196 = arith.constant 16 : index
      %get3A_197 = tpu.vector_load %arg16[%get3A_196] {strides = array<i32>} : memref<64xi32, #tpu.memory_space<vmem>>, vector<16xi32>,
      %swap3A_198 = arith.constant 16 : index
      %swap3A_199 = tpu.vector_load %arg22[%swap3A_198] {strides = array<i32>} : memref<64xi32, #tpu.memory_space<vmem>>, vector<16xi32>,
      tpu.vector_store %arg22[%swap3A_198], %get3A_197 {strides = array<i32>} : memref<64xi32, #tpu.memory_space<vmem>>, vector<16xi32>,
      %get3A_200 = arith.constant 16 : index
      %get3A_201 = tpu.vector_load %arg20[%get3A_200] {strides = array<i32>} : memref<64xf32, #tpu.memory_space<vmem>>, vector<16xf32>,
      %swap3A_202 = arith.constant 16 : index
      %swap3A_203 = tpu.vector_load %arg24[%swap3A_202] {strides = array<i32>} : memref<64xf32, #tpu.memory_space<vmem>>, vector<16xf32>,
      tpu.vector_store %arg24[%swap3A_202], %get3A_201 {strides = array<i32>} : memref<64xf32, #tpu.memory_space<vmem>>, vector<16xf32>,
      %get3A_204 = arith.constant 32 : index
      %get3A_205 = tpu.vector_load %arg16[%get3A_204] {strides = array<i32>} : memref<64xi32, #tpu.memory_space<vmem>>, vector<16xi32>,
      %swap3A_206 = arith.constant 32 : index
      %swap3A_207 = tpu.vector_load %arg22[%swap3A_206] {strides = array<i32>} : memref<64xi32, #tpu.memory_space<vmem>>, vector<16xi32>,
      tpu.vector_store %arg22[%swap3A_206], %get3A_205 {strides = array<i32>} : memref<64xi32, #tpu.memory_space<vmem>>, vector<16xi32>,
      %get3A_208 = arith.constant 32 : index
      %get3A_209 = tpu.vector_load %arg20[%get3A_208] {strides = array<i32>} : memref<64xf32, #tpu.memory_space<vmem>>, vector<16xf32>,
      %swap3A_210 = arith.constant 32 : index
      %swap3A_211 = tpu.vector_load %arg24[%swap3A_210] {strides = array<i32>} : memref<64xf32, #tpu.memory_space<vmem>>, vector<16xf32>,
      tpu.vector_store %arg24[%swap3A_210], %get3A_209 {strides = array<i32>} : memref<64xf32, #tpu.memory_space<vmem>>, vector<16xf32>,
      %get3A_212 = arith.constant 48 : index
      %get3A_213 = tpu.vector_load %arg16[%get3A_212] {strides = array<i32>} : memref<64xi32, #tpu.memory_space<vmem>>, vector<16xi32>,
      %swap3A_214 = arith.constant 48 : index
      %swap3A_215 = tpu.vector_load %arg22[%swap3A_214] {strides = array<i32>} : memref<64xi32, #tpu.memory_space<vmem>>, vector<16xi32>,
      tpu.vector_store %arg22[%swap3A_214], %get3A_213 {strides = array<i32>} : memref<64xi32, #tpu.memory_space<vmem>>, vector<16xi32>,
      %get3A_216 = arith.constant 48 : index
      %get3A_217 = tpu.vector_load %arg20[%get3A_216] {strides = array<i32>} : memref<64xf32, #tpu.memory_space<vmem>>, vector<16xf32>,
      %swap3A_218 = arith.constant 48 : index
      %swap3A_219 = tpu.vector_load %arg24[%swap3A_218] {strides = array<i32>} : memref<64xf32, #tpu.memory_space<vmem>>, vector<16xf32>,
      tpu.vector_store %arg24[%swap3A_218], %get3A_217 {strides = array<i32>} : memref<64xf32, #tpu.memory_space<vmem>>, vector<16xf32>,
      %add3A_220 = arith.constant 2 : i32
      %add3A_221 = arith.addi %add3A_169, %add3A_220 : i32
      %lt3A_222 = arith.constant 156 : i32
      %lt3A_223 = arith.cmpi slt, %add3A_221, %lt3A_222 : i32
      %convert_element_type3A_224 = arith.extui %lt3A_223 : i1 to i32
      %cond3A_225 = arith.constant 0 : i32
      %cond3A_226 = arith.cmpi ne, %convert_element_type3A_224, %cond3A_225 : i32
      scf.if %cond3A_226 {
        %add3A_241 = arith.constant 2 : i32
        %add3A_242 = arith.addi %add3A_169, %add3A_241 : i32
        %mul3A_243 = arith.constant 64 : i32
        %mul3A_244 = arith.muli %add3A_242, %mul3A_243 : i32
        %add3A_245 = arith.addi %mul3A_2, %mul3A_244 : i32
        %dma_start3A_246 = tpu.memref_slice %arg4[%add3A_245] : memref<320000xi32, #tpu.memory_space<hbm>> -> memref<64xi32, #tpu.memory_space<hbm>>
        %dma_start3A_247 = tpu.memref_slice %arg4[%add3A_245] : memref<320000xi32, #tpu.memory_space<hbm>> -> memref<64xi32, #tpu.memory_space<hbm>>
        tpu.enqueue_dma source(%dma_start3A_247 : memref<64xi32, #tpu.memory_space<hbm>>) target(%arg16 : memref<64xi32, #tpu.memory_space<vmem>>) target_semaphore(%arg35 : memref<!tpu.dma_semaphore, #tpu.memory_space<semaphore_mem>>)
        %dma_start3A_248 = tpu.memref_slice %arg5[%add3A_245] : memref<320000xi32, #tpu.memory_space<hbm>> -> memref<64xi32, #tpu.memory_space<hbm>>
        %dma_start3A_249 = tpu.memref_slice %arg5[%add3A_245] : memref<320000xi32, #tpu.memory_space<hbm>> -> memref<64xi32, #tpu.memory_space<hbm>>
        tpu.enqueue_dma source(%dma_start3A_249 : memref<64xi32, #tpu.memory_space<hbm>>) target(%arg18 : memref<64xi32, #tpu.memory_space<vmem>>) target_semaphore(%arg35 : memref<!tpu.dma_semaphore, #tpu.memory_space<semaphore_mem>>)
        %dma_start3A_250 = tpu.memref_slice %arg6[%add3A_245] : memref<320000xf32, #tpu.memory_space<hbm>> -> memref<64xf32, #tpu.memory_space<hbm>>
        %dma_start3A_251 = tpu.memref_slice %arg6[%add3A_245] : memref<320000xf32, #tpu.memory_space<hbm>> -> memref<64xf32, #tpu.memory_space<hbm>>
        tpu.enqueue_dma source(%dma_start3A_251 : memref<64xf32, #tpu.memory_space<hbm>>) target(%arg20 : memref<64xf32, #tpu.memory_space<vmem>>) target_semaphore(%arg35 : memref<!tpu.dma_semaphore, #tpu.memory_space<semaphore_mem>>)
      } else {
      }
      %parallel_loop3A_227 = arith.constant 0 : i32
      %parallel_loop3A_228 = arith.constant 64 : i32
      %parallel_loop3A_229 = arith.constant 1 : i32
      scf.for %parallel_loop3A_241 = %parallel_loop3A_227 to %parallel_loop3A_228 step %parallel_loop3A_229  : i32 {
        %parallel_loop3A_242 = vector.broadcast %parallel_loop3A_241 : i32 to vector<16xi32>
        %parallel_loop3A_243 = tpu.vector_load_idx %arg24[%parallel_loop3A_242] : memref<64xf32, #tpu.memory_space<vmem>>[vector<16xi32>], vector<16xf32>,
        %parallel_loop3A_244 = arith.index_cast %parallel_loop3A_241 : i32 to index
        %parallel_loop3A_245 = arith.constant 0 : index
        %parallel_loop3A_246 = tpu.vector_load %arg12[%parallel_loop3A_244, %parallel_loop3A_245] {strides = array<i32>} : memref<64x128xf32, #tpu.memory_space<vmem>>, vector<16xf32>,
        %parallel_loop3A_247 = arith.index_cast %parallel_loop3A_241 : i32 to index
        %parallel_loop3A_248 = arith.constant 0 : index
        %parallel_loop3A_249 = tpu.vector_load %arg14[%parallel_loop3A_247, %parallel_loop3A_248] {strides = array<i32>} : memref<64x128xf32, #tpu.memory_space<vmem>>, vector<16xf32>,
        %parallel_loop3A_250 = arith.addf %parallel_loop3A_246, %parallel_loop3A_249 : vector<16xf32>
        %parallel_loop3A_251 = arith.mulf %parallel_loop3A_243, %get3A_39 : vector<16xf32>
        %parallel_loop3A_252 = arith.addf %parallel_loop3A_250, %parallel_loop3A_251 : vector<16xf32>
        %parallel_loop3A_253 = arith.constant 0.000000e+00 : f32
        %parallel_loop3A_254 = vector.broadcast %parallel_loop3A_253 : f32 to vector<16xf32>
        %parallel_loop3A_255 = arith.maximumf %parallel_loop3A_252, %parallel_loop3A_254 : vector<16xf32>
        %parallel_loop3A_256 = arith.index_cast %parallel_loop3A_241 : i32 to index
        %parallel_loop3A_257 = arith.constant 0 : index
        %parallel_loop3A_258 = tpu.vector_load %arg12[%parallel_loop3A_256, %parallel_loop3A_257] {strides = array<i32>} : memref<64x128xf32, #tpu.memory_space<vmem>>, vector<16xf32>,
        tpu.vector_store %arg12[%parallel_loop3A_256, %parallel_loop3A_257], %parallel_loop3A_255 {strides = array<i32>} : memref<64x128xf32, #tpu.memory_space<vmem>>, vector<16xf32>,
        %parallel_loop3A_259 = arith.index_cast %parallel_loop3A_241 : i32 to index
        %parallel_loop3A_260 = arith.constant 16 : index
        %parallel_loop3A_261 = tpu.vector_load %arg12[%parallel_loop3A_259, %parallel_loop3A_260] {strides = array<i32>} : memref<64x128xf32, #tpu.memory_space<vmem>>, vector<16xf32>,
        %parallel_loop3A_262 = arith.index_cast %parallel_loop3A_241 : i32 to index
        %parallel_loop3A_263 = arith.constant 16 : index
        %parallel_loop3A_264 = tpu.vector_load %arg14[%parallel_loop3A_262, %parallel_loop3A_263] {strides = array<i32>} : memref<64x128xf32, #tpu.memory_space<vmem>>, vector<16xf32>,
        %parallel_loop3A_265 = arith.addf %parallel_loop3A_261, %parallel_loop3A_264 : vector<16xf32>
        %parallel_loop3A_266 = arith.mulf %parallel_loop3A_243, %get3A_41 : vector<16xf32>
        %parallel_loop3A_267 = arith.addf %parallel_loop3A_265, %parallel_loop3A_266 : vector<16xf32>
        %parallel_loop3A_268 = arith.constant 0.000000e+00 : f32
        %parallel_loop3A_269 = vector.broadcast %parallel_loop3A_268 : f32 to vector<16xf32>
        %parallel_loop3A_270 = arith.maximumf %parallel_loop3A_267, %parallel_loop3A_269 : vector<16xf32>
        %parallel_loop3A_271 = arith.index_cast %parallel_loop3A_241 : i32 to index
        %parallel_loop3A_272 = arith.constant 16 : index
        %parallel_loop3A_273 = tpu.vector_load %arg12[%parallel_loop3A_271, %parallel_loop3A_272] {strides = array<i32>} : memref<64x128xf32, #tpu.memory_space<vmem>>, vector<16xf32>,
        tpu.vector_store %arg12[%parallel_loop3A_271, %parallel_loop3A_272], %parallel_loop3A_270 {strides = array<i32>} : memref<64x128xf32, #tpu.memory_space<vmem>>, vector<16xf32>,
        %parallel_loop3A_274 = arith.index_cast %parallel_loop3A_241 : i32 to index
        %parallel_loop3A_275 = arith.constant 32 : index
        %parallel_loop3A_276 = tpu.vector_load %arg12[%parallel_loop3A_274, %parallel_loop3A_275] {strides = array<i32>} : memref<64x128xf32, #tpu.memory_space<vmem>>, vector<16xf32>,
        %parallel_loop3A_277 = arith.index_cast %parallel_loop3A_241 : i32 to index
        %parallel_loop3A_278 = arith.constant 32 : index
        %parallel_loop3A_279 = tpu.vector_load %arg14[%parallel_loop3A_277, %parallel_loop3A_278] {strides = array<i32>} : memref<64x128xf32, #tpu.memory_space<vmem>>, vector<16xf32>,
        %parallel_loop3A_280 = arith.addf %parallel_loop3A_276, %parallel_loop3A_279 : vector<16xf32>
        %parallel_loop3A_281 = arith.mulf %parallel_loop3A_243, %get3A_43 : vector<16xf32>
        %parallel_loop3A_282 = arith.addf %parallel_loop3A_280, %parallel_loop3A_281 : vector<16xf32>
        %parallel_loop3A_283 = arith.constant 0.000000e+00 : f32
        %parallel_loop3A_284 = vector.broadcast %parallel_loop3A_283 : f32 to vector<16xf32>
        %parallel_loop3A_285 = arith.maximumf %parallel_loop3A_282, %parallel_loop3A_284 : vector<16xf32>
        %parallel_loop3A_286 = arith.index_cast %parallel_loop3A_241 : i32 to index
        %parallel_loop3A_287 = arith.constant 32 : index
        %parallel_loop3A_288 = tpu.vector_load %arg12[%parallel_loop3A_286, %parallel_loop3A_287] {strides = array<i32>} : memref<64x128xf32, #tpu.memory_space<vmem>>, vector<16xf32>,
        tpu.vector_store %arg12[%parallel_loop3A_286, %parallel_loop3A_287], %parallel_loop3A_285 {strides = array<i32>} : memref<64x128xf32, #tpu.memory_space<vmem>>, vector<16xf32>,
        %parallel_loop3A_289 = arith.index_cast %parallel_loop3A_241 : i32 to index
        %parallel_loop3A_290 = arith.constant 48 : index
        %parallel_loop3A_291 = tpu.vector_load %arg12[%parallel_loop3A_289, %parallel_loop3A_290] {strides = array<i32>} : memref<64x128xf32, #tpu.memory_space<vmem>>, vector<16xf32>,
        %parallel_loop3A_292 = arith.index_cast %parallel_loop3A_241 : i32 to index
        %parallel_loop3A_293 = arith.constant 48 : index
        %parallel_loop3A_294 = tpu.vector_load %arg14[%parallel_loop3A_292, %parallel_loop3A_293] {strides = array<i32>} : memref<64x128xf32, #tpu.memory_space<vmem>>, vector<16xf32>,
        %parallel_loop3A_295 = arith.addf %parallel_loop3A_291, %parallel_loop3A_294 : vector<16xf32>
        %parallel_loop3A_296 = arith.mulf %parallel_loop3A_243, %get3A_45 : vector<16xf32>
        %parallel_loop3A_297 = arith.addf %parallel_loop3A_295, %parallel_loop3A_296 : vector<16xf32>
        %parallel_loop3A_298 = arith.constant 0.000000e+00 : f32
        %parallel_loop3A_299 = vector.broadcast %parallel_loop3A_298 : f32 to vector<16xf32>
        %parallel_loop3A_300 = arith.maximumf %parallel_loop3A_297, %parallel_loop3A_299 : vector<16xf32>
        %parallel_loop3A_301 = arith.index_cast %parallel_loop3A_241 : i32 to index
        %parallel_loop3A_302 = arith.constant 48 : index
        %parallel_loop3A_303 = tpu.vector_load %arg12[%parallel_loop3A_301, %parallel_loop3A_302] {strides = array<i32>} : memref<64x128xf32, #tpu.memory_space<vmem>>, vector<16xf32>,
        tpu.vector_store %arg12[%parallel_loop3A_301, %parallel_loop3A_302], %parallel_loop3A_300 {strides = array<i32>} : memref<64x128xf32, #tpu.memory_space<vmem>>, vector<16xf32>,
        %parallel_loop3A_304 = arith.index_cast %parallel_loop3A_241 : i32 to index
        %parallel_loop3A_305 = arith.constant 64 : index
        %parallel_loop3A_306 = tpu.vector_load %arg12[%parallel_loop3A_304, %parallel_loop3A_305] {strides = array<i32>} : memref<64x128xf32, #tpu.memory_space<vmem>>, vector<16xf32>,
        %parallel_loop3A_307 = arith.index_cast %parallel_loop3A_241 : i32 to index
        %parallel_loop3A_308 = arith.constant 64 : index
        %parallel_loop3A_309 = tpu.vector_load %arg14[%parallel_loop3A_307, %parallel_loop3A_308] {strides = array<i32>} : memref<64x128xf32, #tpu.memory_space<vmem>>, vector<16xf32>,
        %parallel_loop3A_310 = arith.addf %parallel_loop3A_306, %parallel_loop3A_309 : vector<16xf32>
        %parallel_loop3A_311 = arith.mulf %parallel_loop3A_243, %get3A_47 : vector<16xf32>
        %parallel_loop3A_312 = arith.addf %parallel_loop3A_310, %parallel_loop3A_311 : vector<16xf32>
        %parallel_loop3A_313 = arith.constant 0.000000e+00 : f32
        %parallel_loop3A_314 = vector.broadcast %parallel_loop3A_313 : f32 to vector<16xf32>
        %parallel_loop3A_315 = arith.maximumf %parallel_loop3A_312, %parallel_loop3A_314 : vector<16xf32>
        %parallel_loop3A_316 = arith.index_cast %parallel_loop3A_241 : i32 to index
        %parallel_loop3A_317 = arith.constant 64 : index
        %parallel_loop3A_318 = tpu.vector_load %arg12[%parallel_loop3A_316, %parallel_loop3A_317] {strides = array<i32>} : memref<64x128xf32, #tpu.memory_space<vmem>>, vector<16xf32>,
        tpu.vector_store %arg12[%parallel_loop3A_316, %parallel_loop3A_317], %parallel_loop3A_315 {strides = array<i32>} : memref<64x128xf32, #tpu.memory_space<vmem>>, vector<16xf32>,
        %parallel_loop3A_319 = arith.index_cast %parallel_loop3A_241 : i32 to index
        %parallel_loop3A_320 = arith.constant 80 : index
        %parallel_loop3A_321 = tpu.vector_load %arg12[%parallel_loop3A_319, %parallel_loop3A_320] {strides = array<i32>} : memref<64x128xf32, #tpu.memory_space<vmem>>, vector<16xf32>,
        %parallel_loop3A_322 = arith.index_cast %parallel_loop3A_241 : i32 to index
        %parallel_loop3A_323 = arith.constant 80 : index
        %parallel_loop3A_324 = tpu.vector_load %arg14[%parallel_loop3A_322, %parallel_loop3A_323] {strides = array<i32>} : memref<64x128xf32, #tpu.memory_space<vmem>>, vector<16xf32>,
        %parallel_loop3A_325 = arith.addf %parallel_loop3A_321, %parallel_loop3A_324 : vector<16xf32>
        %parallel_loop3A_326 = arith.mulf %parallel_loop3A_243, %get3A_49 : vector<16xf32>
        %parallel_loop3A_327 = arith.addf %parallel_loop3A_325, %parallel_loop3A_326 : vector<16xf32>
        %parallel_loop3A_328 = arith.constant 0.000000e+00 : f32
        %parallel_loop3A_329 = vector.broadcast %parallel_loop3A_328 : f32 to vector<16xf32>
        %parallel_loop3A_330 = arith.maximumf %parallel_loop3A_327, %parallel_loop3A_329 : vector<16xf32>
        %parallel_loop3A_331 = arith.index_cast %parallel_loop3A_241 : i32 to index
        %parallel_loop3A_332 = arith.constant 80 : index
        %parallel_loop3A_333 = tpu.vector_load %arg12[%parallel_loop3A_331, %parallel_loop3A_332] {strides = array<i32>} : memref<64x128xf32, #tpu.memory_space<vmem>>, vector<16xf32>,
        tpu.vector_store %arg12[%parallel_loop3A_331, %parallel_loop3A_332], %parallel_loop3A_330 {strides = array<i32>} : memref<64x128xf32, #tpu.memory_space<vmem>>, vector<16xf32>,
        %parallel_loop3A_334 = arith.index_cast %parallel_loop3A_241 : i32 to index
        %parallel_loop3A_335 = arith.constant 96 : index
        %parallel_loop3A_336 = tpu.vector_load %arg12[%parallel_loop3A_334, %parallel_loop3A_335] {strides = array<i32>} : memref<64x128xf32, #tpu.memory_space<vmem>>, vector<16xf32>,
        %parallel_loop3A_337 = arith.index_cast %parallel_loop3A_241 : i32 to index
        %parallel_loop3A_338 = arith.constant 96 : index
        %parallel_loop3A_339 = tpu.vector_load %arg14[%parallel_loop3A_337, %parallel_loop3A_338] {strides = array<i32>} : memref<64x128xf32, #tpu.memory_space<vmem>>, vector<16xf32>,
        %parallel_loop3A_340 = arith.addf %parallel_loop3A_336, %parallel_loop3A_339 : vector<16xf32>
        %parallel_loop3A_341 = arith.mulf %parallel_loop3A_243, %get3A_51 : vector<16xf32>
        %parallel_loop3A_342 = arith.addf %parallel_loop3A_340, %parallel_loop3A_341 : vector<16xf32>
        %parallel_loop3A_343 = arith.constant 0.000000e+00 : f32
        %parallel_loop3A_344 = vector.broadcast %parallel_loop3A_343 : f32 to vector<16xf32>
        %parallel_loop3A_345 = arith.maximumf %parallel_loop3A_342, %parallel_loop3A_344 : vector<16xf32>
        %parallel_loop3A_346 = arith.index_cast %parallel_loop3A_241 : i32 to index
        %parallel_loop3A_347 = arith.constant 96 : index
        %parallel_loop3A_348 = tpu.vector_load %arg12[%parallel_loop3A_346, %parallel_loop3A_347] {strides = array<i32>} : memref<64x128xf32, #tpu.memory_space<vmem>>, vector<16xf32>,
        tpu.vector_store %arg12[%parallel_loop3A_346, %parallel_loop3A_347], %parallel_loop3A_345 {strides = array<i32>} : memref<64x128xf32, #tpu.memory_space<vmem>>, vector<16xf32>,
        %parallel_loop3A_349 = arith.index_cast %parallel_loop3A_241 : i32 to index
        %parallel_loop3A_350 = arith.constant 112 : index
        %parallel_loop3A_351 = tpu.vector_load %arg12[%parallel_loop3A_349, %parallel_loop3A_350] {strides = array<i32>} : memref<64x128xf32, #tpu.memory_space<vmem>>, vector<16xf32>,
        %parallel_loop3A_352 = arith.index_cast %parallel_loop3A_241 : i32 to index
        %parallel_loop3A_353 = arith.constant 112 : index
        %parallel_loop3A_354 = tpu.vector_load %arg14[%parallel_loop3A_352, %parallel_loop3A_353] {strides = array<i32>} : memref<64x128xf32, #tpu.memory_space<vmem>>, vector<16xf32>,
        %parallel_loop3A_355 = arith.addf %parallel_loop3A_351, %parallel_loop3A_354 : vector<16xf32>
        %parallel_loop3A_356 = arith.mulf %parallel_loop3A_243, %get3A_53 : vector<16xf32>
        %parallel_loop3A_357 = arith.addf %parallel_loop3A_355, %parallel_loop3A_356 : vector<16xf32>
        %parallel_loop3A_358 = arith.constant 0.000000e+00 : f32
        %parallel_loop3A_359 = vector.broadcast %parallel_loop3A_358 : f32 to vector<16xf32>
        %parallel_loop3A_360 = arith.maximumf %parallel_loop3A_357, %parallel_loop3A_359 : vector<16xf32>
        %parallel_loop3A_361 = arith.index_cast %parallel_loop3A_241 : i32 to index
        %parallel_loop3A_362 = arith.constant 112 : index
        %parallel_loop3A_363 = tpu.vector_load %arg12[%parallel_loop3A_361, %parallel_loop3A_362] {strides = array<i32>} : memref<64x128xf32, #tpu.memory_space<vmem>>, vector<16xf32>,
        tpu.vector_store %arg12[%parallel_loop3A_361, %parallel_loop3A_362], %parallel_loop3A_360 {strides = array<i32>} : memref<64x128xf32, #tpu.memory_space<vmem>>, vector<16xf32>,
      } {sc.loop_unroll_factor = 8 : i64, sc.parallel_access}
      %get3A_230 = arith.constant 0 : index
      %get3A_231 = tpu.vector_load %arg22[%get3A_230] {strides = array<i32>} : memref<64xi32, #tpu.memory_space<vmem>>, vector<16xi32>,
      tpu.vector_store_idx %arg28[%get3A_231], %broadcast_in_dim3A_5 {add = true} : memref<10000xf32, #tpu.memory_space<vmem>>[vector<16xi32>], vector<16xf32>,
      %get3A_232 = arith.constant 16 : index
      %get3A_233 = tpu.vector_load %arg22[%get3A_232] {strides = array<i32>} : memref<64xi32, #tpu.memory_space<vmem>>, vector<16xi32>,
      tpu.vector_store_idx %arg28[%get3A_233], %broadcast_in_dim3A_5 {add = true} : memref<10000xf32, #tpu.memory_space<vmem>>[vector<16xi32>], vector<16xf32>,
      %get3A_234 = arith.constant 32 : index
      %get3A_235 = tpu.vector_load %arg22[%get3A_234] {strides = array<i32>} : memref<64xi32, #tpu.memory_space<vmem>>, vector<16xi32>,
      tpu.vector_store_idx %arg28[%get3A_235], %broadcast_in_dim3A_5 {add = true} : memref<10000xf32, #tpu.memory_space<vmem>>[vector<16xi32>], vector<16xf32>,
      %get3A_236 = arith.constant 48 : index
      %get3A_237 = tpu.vector_load %arg22[%get3A_236] {strides = array<i32>} : memref<64xi32, #tpu.memory_space<vmem>>, vector<16xi32>,
      tpu.vector_store_idx %arg28[%get3A_237], %broadcast_in_dim3A_5 {add = true} : memref<10000xf32, #tpu.memory_space<vmem>>[vector<16xi32>], vector<16xf32>,
      %dma_start3A_238 = arith.constant 0 : i32
      %dma_start3A_239 = arith.constant 0 : i32
      %dma_start3A_240 = tpu.memref_slice %arg10[%dma_start3A_238, %dma_start3A_239] : memref<10000x128xf32, #tpu.memory_space<vmem_shared>> -> memref<10000x128xf32, #tpu.memory_space<vmem_shared>>
      tpu.enqueue_indirect_dma source(%arg12 : memref<64x128xf32, #tpu.memory_space<vmem>>) target(%dma_start3A_240 : memref<10000x128xf32, #tpu.memory_space<vmem_shared>>) offsets(%arg22 : memref<64xi32, #tpu.memory_space<vmem>>) semaphore(%arg37 : memref<!tpu.dma_semaphore, #tpu.memory_space<semaphore_mem>>) {add = true}
    }
    %scan3A_71 = arith.constant 78 : i32
    %dma_wait3A = arith.constant 0 : i32
    %dma_wait3A_72 = arith.constant 0 : i32
    %dma_wait3A_73 = tpu.memref_slice %arg10[%dma_wait3A, %dma_wait3A_72] : memref<10000x128xf32, #tpu.memory_space<vmem_shared>> -> memref<10000x128xf32, #tpu.memory_space<vmem_shared>>
    tpu.wait_indirect_dma semaphore(%arg37 : memref<!tpu.dma_semaphore, #tpu.memory_space<semaphore_mem>>) src(%arg12 : memref<64x128xf32, #tpu.memory_space<vmem>>) dst(%dma_wait3A_73 : memref<10000x128xf32, #tpu.memory_space<vmem_shared>>)
    %add3A_74 = arith.constant 9984 : i32
    %add3A_75 = arith.addi %mul3A_2, %add3A_74 : i32
    "tpu.region"() ({
      %run_scoped3A = tpu.sem_alloc : memref<!tpu.dma_semaphore, #tpu.memory_space<semaphore_mem>>
      %dma_start3A_89 = tpu.memref_slice %arg4[%add3A_75] : memref<320000xi32, #tpu.memory_space<hbm>> -> memref<16xi32, #tpu.memory_space<hbm>>
      %dma_start3A_90 = tpu.memref_slice %arg4[%add3A_75] : memref<320000xi32, #tpu.memory_space<hbm>> -> memref<16xi32, #tpu.memory_space<hbm>>
      tpu.enqueue_dma source(%dma_start3A_90 : memref<16xi32, #tpu.memory_space<hbm>>) target(%arg25 : memref<16xi32, #tpu.memory_space<vmem>>) target_semaphore(%run_scoped3A : memref<!tpu.dma_semaphore, #tpu.memory_space<semaphore_mem>>)
      %dma_wait3A_91 = tpu.memref_slice %arg4[%add3A_75] : memref<320000xi32, #tpu.memory_space<hbm>> -> memref<16xi32, #tpu.memory_space<hbm>>
      %dma_wait3A_92 = tpu.memref_slice %arg4[%add3A_75] : memref<320000xi32, #tpu.memory_space<hbm>> -> memref<16xi32, #tpu.memory_space<hbm>>
      tpu.wait_dma2 semaphore(%run_scoped3A : memref<!tpu.dma_semaphore, #tpu.memory_space<semaphore_mem>>) src(%dma_wait3A_92 : memref<16xi32, #tpu.memory_space<hbm>>) dst(%arg25 : memref<16xi32, #tpu.memory_space<vmem>>)
      tpu.yield
    }) : () -> ()
    "tpu.region"() ({
      %run_scoped3A = tpu.sem_alloc : memref<!tpu.dma_semaphore, #tpu.memory_space<semaphore_mem>>
      %dma_start3A_89 = tpu.memref_slice %arg5[%add3A_75] : memref<320000xi32, #tpu.memory_space<hbm>> -> memref<16xi32, #tpu.memory_space<hbm>>
      %dma_start3A_90 = tpu.memref_slice %arg5[%add3A_75] : memref<320000xi32, #tpu.memory_space<hbm>> -> memref<16xi32, #tpu.memory_space<hbm>>
      tpu.enqueue_dma source(%dma_start3A_90 : memref<16xi32, #tpu.memory_space<hbm>>) target(%arg26 : memref<16xi32, #tpu.memory_space<vmem>>) target_semaphore(%run_scoped3A : memref<!tpu.dma_semaphore, #tpu.memory_space<semaphore_mem>>)
      %dma_wait3A_91 = tpu.memref_slice %arg5[%add3A_75] : memref<320000xi32, #tpu.memory_space<hbm>> -> memref<16xi32, #tpu.memory_space<hbm>>
      %dma_wait3A_92 = tpu.memref_slice %arg5[%add3A_75] : memref<320000xi32, #tpu.memory_space<hbm>> -> memref<16xi32, #tpu.memory_space<hbm>>
      tpu.wait_dma2 semaphore(%run_scoped3A : memref<!tpu.dma_semaphore, #tpu.memory_space<semaphore_mem>>) src(%dma_wait3A_92 : memref<16xi32, #tpu.memory_space<hbm>>) dst(%arg26 : memref<16xi32, #tpu.memory_space<vmem>>)
      tpu.yield
    }) : () -> ()
    "tpu.region"() ({
      %run_scoped3A = tpu.sem_alloc : memref<!tpu.dma_semaphore, #tpu.memory_space<semaphore_mem>>
      %dma_start3A_89 = tpu.memref_slice %arg6[%add3A_75] : memref<320000xf32, #tpu.memory_space<hbm>> -> memref<16xf32, #tpu.memory_space<hbm>>
      %dma_start3A_90 = tpu.memref_slice %arg6[%add3A_75] : memref<320000xf32, #tpu.memory_space<hbm>> -> memref<16xf32, #tpu.memory_space<hbm>>
      tpu.enqueue_dma source(%dma_start3A_90 : memref<16xf32, #tpu.memory_space<hbm>>) target(%arg27 : memref<16xf32, #tpu.memory_space<vmem>>) target_semaphore(%run_scoped3A : memref<!tpu.dma_semaphore, #tpu.memory_space<semaphore_mem>>)
      %dma_wait3A_91 = tpu.memref_slice %arg6[%add3A_75] : memref<320000xf32, #tpu.memory_space<hbm>> -> memref<16xf32, #tpu.memory_space<hbm>>
      %dma_wait3A_92 = tpu.memref_slice %arg6[%add3A_75] : memref<320000xf32, #tpu.memory_space<hbm>> -> memref<16xf32, #tpu.memory_space<hbm>>
      tpu.wait_dma2 semaphore(%run_scoped3A : memref<!tpu.dma_semaphore, #tpu.memory_space<semaphore_mem>>) src(%dma_wait3A_92 : memref<16xf32, #tpu.memory_space<hbm>>) dst(%arg27 : memref<16xf32, #tpu.memory_space<vmem>>)
      tpu.yield
    }) : () -> ()
    "tpu.region"() ({
      %run_scoped3A = tpu.sem_alloc : memref<!tpu.dma_semaphore, #tpu.memory_space<semaphore_mem>>
      %dma_start3A_89 = arith.constant 0 : i32
      %dma_start3A_90 = arith.constant 0 : i32
      %dma_start3A_91 = tpu.memref_slice %arg11[%dma_start3A_89, %dma_start3A_90] : memref<64x128xf32, #tpu.memory_space<vmem>> -> memref<16x128xf32, #tpu.memory_space<vmem>>
      %dma_start3A_92 = arith.constant 0 : i32
      %dma_start3A_93 = arith.constant 0 : i32
      %dma_start3A_94 = tpu.memref_slice %arg2[%dma_start3A_92, %dma_start3A_93] : memref<10000x128xf32, #tpu.memory_space<hbm>> -> memref<10000x128xf32, #tpu.memory_space<hbm>>
      tpu.enqueue_indirect_dma source(%dma_start3A_94 : memref<10000x128xf32, #tpu.memory_space<hbm>>) target(%dma_start3A_91 : memref<16x128xf32, #tpu.memory_space<vmem>>) offsets(%arg25 : memref<16xi32, #tpu.memory_space<vmem>>) semaphore(%run_scoped3A : memref<!tpu.dma_semaphore, #tpu.memory_space<semaphore_mem>>)
      %dma_wait3A_95 = arith.constant 0 : i32
      %dma_wait3A_96 = arith.constant 0 : i32
      %dma_wait3A_97 = tpu.memref_slice %arg11[%dma_wait3A_95, %dma_wait3A_96] : memref<64x128xf32, #tpu.memory_space<vmem>> -> memref<16x128xf32, #tpu.memory_space<vmem>>
      %dma_wait3A_98 = arith.constant 0 : i32
      %dma_wait3A_99 = arith.constant 0 : i32
      %dma_wait3A_100 = tpu.memref_slice %arg2[%dma_wait3A_98, %dma_wait3A_99] : memref<10000x128xf32, #tpu.memory_space<hbm>> -> memref<10000x128xf32, #tpu.memory_space<hbm>>
      tpu.wait_indirect_dma semaphore(%run_scoped3A : memref<!tpu.dma_semaphore, #tpu.memory_space<semaphore_mem>>) src(%dma_wait3A_100 : memref<10000x128xf32, #tpu.memory_space<hbm>>) dst(%dma_wait3A_97 : memref<16x128xf32, #tpu.memory_space<vmem>>)
      tpu.yield
    }) : () -> ()
    "tpu.region"() ({
      %run_scoped3A = tpu.sem_alloc : memref<!tpu.dma_semaphore, #tpu.memory_space<semaphore_mem>>
      %dma_start3A_89 = arith.constant 0 : i32
      %dma_start3A_90 = arith.constant 0 : i32
      %dma_start3A_91 = tpu.memref_slice %arg13[%dma_start3A_89, %dma_start3A_90] : memref<64x128xf32, #tpu.memory_space<vmem>> -> memref<16x128xf32, #tpu.memory_space<vmem>>
      %dma_start3A_92 = arith.constant 0 : i32
      %dma_start3A_93 = arith.constant 0 : i32
      %dma_start3A_94 = tpu.memref_slice %arg3[%dma_start3A_92, %dma_start3A_93] : memref<10000x128xf32, #tpu.memory_space<hbm>> -> memref<10000x128xf32, #tpu.memory_space<hbm>>
      tpu.enqueue_indirect_dma source(%dma_start3A_94 : memref<10000x128xf32, #tpu.memory_space<hbm>>) target(%dma_start3A_91 : memref<16x128xf32, #tpu.memory_space<vmem>>) offsets(%arg26 : memref<16xi32, #tpu.memory_space<vmem>>) semaphore(%run_scoped3A : memref<!tpu.dma_semaphore, #tpu.memory_space<semaphore_mem>>)
      %dma_wait3A_95 = arith.constant 0 : i32
      %dma_wait3A_96 = arith.constant 0 : i32
      %dma_wait3A_97 = tpu.memref_slice %arg13[%dma_wait3A_95, %dma_wait3A_96] : memref<64x128xf32, #tpu.memory_space<vmem>> -> memref<16x128xf32, #tpu.memory_space<vmem>>
      %dma_wait3A_98 = arith.constant 0 : i32
      %dma_wait3A_99 = arith.constant 0 : i32
      %dma_wait3A_100 = tpu.memref_slice %arg3[%dma_wait3A_98, %dma_wait3A_99] : memref<10000x128xf32, #tpu.memory_space<hbm>> -> memref<10000x128xf32, #tpu.memory_space<hbm>>
      tpu.wait_indirect_dma semaphore(%run_scoped3A : memref<!tpu.dma_semaphore, #tpu.memory_space<semaphore_mem>>) src(%dma_wait3A_100 : memref<10000x128xf32, #tpu.memory_space<hbm>>) dst(%dma_wait3A_97 : memref<16x128xf32, #tpu.memory_space<vmem>>)
      tpu.yield
    }) : () -> ()
    %parallel_loop3A = arith.constant 0 : i32
    %parallel_loop3A_76 = arith.constant 16 : i32
    %parallel_loop3A_77 = arith.constant 1 : i32
    scf.for %parallel_loop3A_89 = %parallel_loop3A to %parallel_loop3A_76 step %parallel_loop3A_77  : i32 {
      %parallel_loop3A_90 = vector.broadcast %parallel_loop3A_89 : i32 to vector<16xi32>
      %parallel_loop3A_91 = tpu.vector_load_idx %arg27[%parallel_loop3A_90] : memref<16xf32, #tpu.memory_space<vmem>>[vector<16xi32>], vector<16xf32>,
      %parallel_loop3A_92 = arith.index_cast %parallel_loop3A_89 : i32 to index
      %parallel_loop3A_93 = arith.constant 0 : index
      %parallel_loop3A_94 = tpu.vector_load %arg11[%parallel_loop3A_92, %parallel_loop3A_93] {strides = array<i32>} : memref<64x128xf32, #tpu.memory_space<vmem>>, vector<16xf32>,
      %parallel_loop3A_95 = arith.index_cast %parallel_loop3A_89 : i32 to index
      %parallel_loop3A_96 = arith.constant 0 : index
      %parallel_loop3A_97 = tpu.vector_load %arg13[%parallel_loop3A_95, %parallel_loop3A_96] {strides = array<i32>} : memref<64x128xf32, #tpu.memory_space<vmem>>, vector<16xf32>,
      %parallel_loop3A_98 = arith.addf %parallel_loop3A_94, %parallel_loop3A_97 : vector<16xf32>
      %parallel_loop3A_99 = arith.mulf %parallel_loop3A_91, %get3A_39 : vector<16xf32>
      %parallel_loop3A_100 = arith.addf %parallel_loop3A_98, %parallel_loop3A_99 : vector<16xf32>
      %parallel_loop3A_101 = arith.constant 0.000000e+00 : f32
      %parallel_loop3A_102 = vector.broadcast %parallel_loop3A_101 : f32 to vector<16xf32>
      %parallel_loop3A_103 = arith.maximumf %parallel_loop3A_100, %parallel_loop3A_102 : vector<16xf32>
      %parallel_loop3A_104 = arith.index_cast %parallel_loop3A_89 : i32 to index
      %parallel_loop3A_105 = arith.constant 0 : index
      %parallel_loop3A_106 = tpu.vector_load %arg11[%parallel_loop3A_104, %parallel_loop3A_105] {strides = array<i32>} : memref<64x128xf32, #tpu.memory_space<vmem>>, vector<16xf32>,
      tpu.vector_store %arg11[%parallel_loop3A_104, %parallel_loop3A_105], %parallel_loop3A_103 {strides = array<i32>} : memref<64x128xf32, #tpu.memory_space<vmem>>, vector<16xf32>,
      %parallel_loop3A_107 = arith.index_cast %parallel_loop3A_89 : i32 to index
      %parallel_loop3A_108 = arith.constant 16 : index
      %parallel_loop3A_109 = tpu.vector_load %arg11[%parallel_loop3A_107, %parallel_loop3A_108] {strides = array<i32>} : memref<64x128xf32, #tpu.memory_space<vmem>>, vector<16xf32>,
      %parallel_loop3A_110 = arith.index_cast %parallel_loop3A_89 : i32 to index
      %parallel_loop3A_111 = arith.constant 16 : index
      %parallel_loop3A_112 = tpu.vector_load %arg13[%parallel_loop3A_110, %parallel_loop3A_111] {strides = array<i32>} : memref<64x128xf32, #tpu.memory_space<vmem>>, vector<16xf32>,
      %parallel_loop3A_113 = arith.addf %parallel_loop3A_109, %parallel_loop3A_112 : vector<16xf32>
      %parallel_loop3A_114 = arith.mulf %parallel_loop3A_91, %get3A_41 : vector<16xf32>
      %parallel_loop3A_115 = arith.addf %parallel_loop3A_113, %parallel_loop3A_114 : vector<16xf32>
      %parallel_loop3A_116 = arith.constant 0.000000e+00 : f32
      %parallel_loop3A_117 = vector.broadcast %parallel_loop3A_116 : f32 to vector<16xf32>
      %parallel_loop3A_118 = arith.maximumf %parallel_loop3A_115, %parallel_loop3A_117 : vector<16xf32>
      %parallel_loop3A_119 = arith.index_cast %parallel_loop3A_89 : i32 to index
      %parallel_loop3A_120 = arith.constant 16 : index
      %parallel_loop3A_121 = tpu.vector_load %arg11[%parallel_loop3A_119, %parallel_loop3A_120] {strides = array<i32>} : memref<64x128xf32, #tpu.memory_space<vmem>>, vector<16xf32>,
      tpu.vector_store %arg11[%parallel_loop3A_119, %parallel_loop3A_120], %parallel_loop3A_118 {strides = array<i32>} : memref<64x128xf32, #tpu.memory_space<vmem>>, vector<16xf32>,
      %parallel_loop3A_122 = arith.index_cast %parallel_loop3A_89 : i32 to index
      %parallel_loop3A_123 = arith.constant 32 : index
      %parallel_loop3A_124 = tpu.vector_load %arg11[%parallel_loop3A_122, %parallel_loop3A_123] {strides = array<i32>} : memref<64x128xf32, #tpu.memory_space<vmem>>, vector<16xf32>,
      %parallel_loop3A_125 = arith.index_cast %parallel_loop3A_89 : i32 to index
      %parallel_loop3A_126 = arith.constant 32 : index
      %parallel_loop3A_127 = tpu.vector_load %arg13[%parallel_loop3A_125, %parallel_loop3A_126] {strides = array<i32>} : memref<64x128xf32, #tpu.memory_space<vmem>>, vector<16xf32>,
      %parallel_loop3A_128 = arith.addf %parallel_loop3A_124, %parallel_loop3A_127 : vector<16xf32>
      %parallel_loop3A_129 = arith.mulf %parallel_loop3A_91, %get3A_43 : vector<16xf32>
      %parallel_loop3A_130 = arith.addf %parallel_loop3A_128, %parallel_loop3A_129 : vector<16xf32>
      %parallel_loop3A_131 = arith.constant 0.000000e+00 : f32
      %parallel_loop3A_132 = vector.broadcast %parallel_loop3A_131 : f32 to vector<16xf32>
      %parallel_loop3A_133 = arith.maximumf %parallel_loop3A_130, %parallel_loop3A_132 : vector<16xf32>
      %parallel_loop3A_134 = arith.index_cast %parallel_loop3A_89 : i32 to index
      %parallel_loop3A_135 = arith.constant 32 : index
      %parallel_loop3A_136 = tpu.vector_load %arg11[%parallel_loop3A_134, %parallel_loop3A_135] {strides = array<i32>} : memref<64x128xf32, #tpu.memory_space<vmem>>, vector<16xf32>,
      tpu.vector_store %arg11[%parallel_loop3A_134, %parallel_loop3A_135], %parallel_loop3A_133 {strides = array<i32>} : memref<64x128xf32, #tpu.memory_space<vmem>>, vector<16xf32>,
      %parallel_loop3A_137 = arith.index_cast %parallel_loop3A_89 : i32 to index
      %parallel_loop3A_138 = arith.constant 48 : index
      %parallel_loop3A_139 = tpu.vector_load %arg11[%parallel_loop3A_137, %parallel_loop3A_138] {strides = array<i32>} : memref<64x128xf32, #tpu.memory_space<vmem>>, vector<16xf32>,
      %parallel_loop3A_140 = arith.index_cast %parallel_loop3A_89 : i32 to index
      %parallel_loop3A_141 = arith.constant 48 : index
      %parallel_loop3A_142 = tpu.vector_load %arg13[%parallel_loop3A_140, %parallel_loop3A_141] {strides = array<i32>} : memref<64x128xf32, #tpu.memory_space<vmem>>, vector<16xf32>,
      %parallel_loop3A_143 = arith.addf %parallel_loop3A_139, %parallel_loop3A_142 : vector<16xf32>
      %parallel_loop3A_144 = arith.mulf %parallel_loop3A_91, %get3A_45 : vector<16xf32>
      %parallel_loop3A_145 = arith.addf %parallel_loop3A_143, %parallel_loop3A_144 : vector<16xf32>
      %parallel_loop3A_146 = arith.constant 0.000000e+00 : f32
      %parallel_loop3A_147 = vector.broadcast %parallel_loop3A_146 : f32 to vector<16xf32>
      %parallel_loop3A_148 = arith.maximumf %parallel_loop3A_145, %parallel_loop3A_147 : vector<16xf32>
      %parallel_loop3A_149 = arith.index_cast %parallel_loop3A_89 : i32 to index
      %parallel_loop3A_150 = arith.constant 48 : index
      %parallel_loop3A_151 = tpu.vector_load %arg11[%parallel_loop3A_149, %parallel_loop3A_150] {strides = array<i32>} : memref<64x128xf32, #tpu.memory_space<vmem>>, vector<16xf32>,
      tpu.vector_store %arg11[%parallel_loop3A_149, %parallel_loop3A_150], %parallel_loop3A_148 {strides = array<i32>} : memref<64x128xf32, #tpu.memory_space<vmem>>, vector<16xf32>,
      %parallel_loop3A_152 = arith.index_cast %parallel_loop3A_89 : i32 to index
      %parallel_loop3A_153 = arith.constant 64 : index
      %parallel_loop3A_154 = tpu.vector_load %arg11[%parallel_loop3A_152, %parallel_loop3A_153] {strides = array<i32>} : memref<64x128xf32, #tpu.memory_space<vmem>>, vector<16xf32>,
      %parallel_loop3A_155 = arith.index_cast %parallel_loop3A_89 : i32 to index
      %parallel_loop3A_156 = arith.constant 64 : index
      %parallel_loop3A_157 = tpu.vector_load %arg13[%parallel_loop3A_155, %parallel_loop3A_156] {strides = array<i32>} : memref<64x128xf32, #tpu.memory_space<vmem>>, vector<16xf32>,
      %parallel_loop3A_158 = arith.addf %parallel_loop3A_154, %parallel_loop3A_157 : vector<16xf32>
      %parallel_loop3A_159 = arith.mulf %parallel_loop3A_91, %get3A_47 : vector<16xf32>
      %parallel_loop3A_160 = arith.addf %parallel_loop3A_158, %parallel_loop3A_159 : vector<16xf32>
      %parallel_loop3A_161 = arith.constant 0.000000e+00 : f32
      %parallel_loop3A_162 = vector.broadcast %parallel_loop3A_161 : f32 to vector<16xf32>
      %parallel_loop3A_163 = arith.maximumf %parallel_loop3A_160, %parallel_loop3A_162 : vector<16xf32>
      %parallel_loop3A_164 = arith.index_cast %parallel_loop3A_89 : i32 to index
      %parallel_loop3A_165 = arith.constant 64 : index
      %parallel_loop3A_166 = tpu.vector_load %arg11[%parallel_loop3A_164, %parallel_loop3A_165] {strides = array<i32>} : memref<64x128xf32, #tpu.memory_space<vmem>>, vector<16xf32>,
      tpu.vector_store %arg11[%parallel_loop3A_164, %parallel_loop3A_165], %parallel_loop3A_163 {strides = array<i32>} : memref<64x128xf32, #tpu.memory_space<vmem>>, vector<16xf32>,
      %parallel_loop3A_167 = arith.index_cast %parallel_loop3A_89 : i32 to index
      %parallel_loop3A_168 = arith.constant 80 : index
      %parallel_loop3A_169 = tpu.vector_load %arg11[%parallel_loop3A_167, %parallel_loop3A_168] {strides = array<i32>} : memref<64x128xf32, #tpu.memory_space<vmem>>, vector<16xf32>,
      %parallel_loop3A_170 = arith.index_cast %parallel_loop3A_89 : i32 to index
      %parallel_loop3A_171 = arith.constant 80 : index
      %parallel_loop3A_172 = tpu.vector_load %arg13[%parallel_loop3A_170, %parallel_loop3A_171] {strides = array<i32>} : memref<64x128xf32, #tpu.memory_space<vmem>>, vector<16xf32>,
      %parallel_loop3A_173 = arith.addf %parallel_loop3A_169, %parallel_loop3A_172 : vector<16xf32>
      %parallel_loop3A_174 = arith.mulf %parallel_loop3A_91, %get3A_49 : vector<16xf32>
      %parallel_loop3A_175 = arith.addf %parallel_loop3A_173, %parallel_loop3A_174 : vector<16xf32>
      %parallel_loop3A_176 = arith.constant 0.000000e+00 : f32
      %parallel_loop3A_177 = vector.broadcast %parallel_loop3A_176 : f32 to vector<16xf32>
      %parallel_loop3A_178 = arith.maximumf %parallel_loop3A_175, %parallel_loop3A_177 : vector<16xf32>
      %parallel_loop3A_179 = arith.index_cast %parallel_loop3A_89 : i32 to index
      %parallel_loop3A_180 = arith.constant 80 : index
      %parallel_loop3A_181 = tpu.vector_load %arg11[%parallel_loop3A_179, %parallel_loop3A_180] {strides = array<i32>} : memref<64x128xf32, #tpu.memory_space<vmem>>, vector<16xf32>,
      tpu.vector_store %arg11[%parallel_loop3A_179, %parallel_loop3A_180], %parallel_loop3A_178 {strides = array<i32>} : memref<64x128xf32, #tpu.memory_space<vmem>>, vector<16xf32>,
      %parallel_loop3A_182 = arith.index_cast %parallel_loop3A_89 : i32 to index
      %parallel_loop3A_183 = arith.constant 96 : index
      %parallel_loop3A_184 = tpu.vector_load %arg11[%parallel_loop3A_182, %parallel_loop3A_183] {strides = array<i32>} : memref<64x128xf32, #tpu.memory_space<vmem>>, vector<16xf32>,
      %parallel_loop3A_185 = arith.index_cast %parallel_loop3A_89 : i32 to index
      %parallel_loop3A_186 = arith.constant 96 : index
      %parallel_loop3A_187 = tpu.vector_load %arg13[%parallel_loop3A_185, %parallel_loop3A_186] {strides = array<i32>} : memref<64x128xf32, #tpu.memory_space<vmem>>, vector<16xf32>,
      %parallel_loop3A_188 = arith.addf %parallel_loop3A_184, %parallel_loop3A_187 : vector<16xf32>
      %parallel_loop3A_189 = arith.mulf %parallel_loop3A_91, %get3A_51 : vector<16xf32>
      %parallel_loop3A_190 = arith.addf %parallel_loop3A_188, %parallel_loop3A_189 : vector<16xf32>
      %parallel_loop3A_191 = arith.constant 0.000000e+00 : f32
      %parallel_loop3A_192 = vector.broadcast %parallel_loop3A_191 : f32 to vector<16xf32>
      %parallel_loop3A_193 = arith.maximumf %parallel_loop3A_190, %parallel_loop3A_192 : vector<16xf32>
      %parallel_loop3A_194 = arith.index_cast %parallel_loop3A_89 : i32 to index
      %parallel_loop3A_195 = arith.constant 96 : index
      %parallel_loop3A_196 = tpu.vector_load %arg11[%parallel_loop3A_194, %parallel_loop3A_195] {strides = array<i32>} : memref<64x128xf32, #tpu.memory_space<vmem>>, vector<16xf32>,
      tpu.vector_store %arg11[%parallel_loop3A_194, %parallel_loop3A_195], %parallel_loop3A_193 {strides = array<i32>} : memref<64x128xf32, #tpu.memory_space<vmem>>, vector<16xf32>,
      %parallel_loop3A_197 = arith.index_cast %parallel_loop3A_89 : i32 to index
      %parallel_loop3A_198 = arith.constant 112 : index
      %parallel_loop3A_199 = tpu.vector_load %arg11[%parallel_loop3A_197, %parallel_loop3A_198] {strides = array<i32>} : memref<64x128xf32, #tpu.memory_space<vmem>>, vector<16xf32>,
      %parallel_loop3A_200 = arith.index_cast %parallel_loop3A_89 : i32 to index
      %parallel_loop3A_201 = arith.constant 112 : index
      %parallel_loop3A_202 = tpu.vector_load %arg13[%parallel_loop3A_200, %parallel_loop3A_201] {strides = array<i32>} : memref<64x128xf32, #tpu.memory_space<vmem>>, vector<16xf32>,
      %parallel_loop3A_203 = arith.addf %parallel_loop3A_199, %parallel_loop3A_202 : vector<16xf32>
      %parallel_loop3A_204 = arith.mulf %parallel_loop3A_91, %get3A_53 : vector<16xf32>
      %parallel_loop3A_205 = arith.addf %parallel_loop3A_203, %parallel_loop3A_204 : vector<16xf32>
      %parallel_loop3A_206 = arith.constant 0.000000e+00 : f32
      %parallel_loop3A_207 = vector.broadcast %parallel_loop3A_206 : f32 to vector<16xf32>
      %parallel_loop3A_208 = arith.maximumf %parallel_loop3A_205, %parallel_loop3A_207 : vector<16xf32>
      %parallel_loop3A_209 = arith.index_cast %parallel_loop3A_89 : i32 to index
      %parallel_loop3A_210 = arith.constant 112 : index
      %parallel_loop3A_211 = tpu.vector_load %arg11[%parallel_loop3A_209, %parallel_loop3A_210] {strides = array<i32>} : memref<64x128xf32, #tpu.memory_space<vmem>>, vector<16xf32>,
      tpu.vector_store %arg11[%parallel_loop3A_209, %parallel_loop3A_210], %parallel_loop3A_208 {strides = array<i32>} : memref<64x128xf32, #tpu.memory_space<vmem>>, vector<16xf32>,
    } {sc.loop_unroll_factor = 4 : i64, sc.parallel_access}
    %get3A_78 = arith.constant 0 : index
    %get3A_79 = tpu.vector_load %arg25[%get3A_78] {strides = array<i32>} : memref<16xi32, #tpu.memory_space<vmem>>, vector<16xi32>,
    tpu.vector_store_idx %arg28[%get3A_79], %broadcast_in_dim3A_5 {add = true} : memref<10000xf32, #tpu.memory_space<vmem>>[vector<16xi32>], vector<16xf32>,
    "tpu.region"() ({
      %run_scoped3A = tpu.sem_alloc : memref<!tpu.dma_semaphore, #tpu.memory_space<semaphore_mem>>
      %dma_start3A_89 = arith.constant 0 : i32
      %dma_start3A_90 = arith.constant 0 : i32
      %dma_start3A_91 = tpu.memref_slice %arg11[%dma_start3A_89, %dma_start3A_90] : memref<64x128xf32, #tpu.memory_space<vmem>> -> memref<16x128xf32, #tpu.memory_space<vmem>>
      %dma_start3A_92 = arith.constant 0 : i32
      %dma_start3A_93 = arith.constant 0 : i32
      %dma_start3A_94 = tpu.memref_slice %arg10[%dma_start3A_92, %dma_start3A_93] : memref<10000x128xf32, #tpu.memory_space<vmem_shared>> -> memref<10000x128xf32, #tpu.memory_space<vmem_shared>>
      tpu.enqueue_indirect_dma source(%dma_start3A_91 : memref<16x128xf32, #tpu.memory_space<vmem>>) target(%dma_start3A_94 : memref<10000x128xf32, #tpu.memory_space<vmem_shared>>) offsets(%arg25 : memref<16xi32, #tpu.memory_space<vmem>>) semaphore(%run_scoped3A : memref<!tpu.dma_semaphore, #tpu.memory_space<semaphore_mem>>) {add = true}
      %dma_wait3A_95 = arith.constant 0 : i32
      %dma_wait3A_96 = arith.constant 0 : i32
      %dma_wait3A_97 = tpu.memref_slice %arg11[%dma_wait3A_95, %dma_wait3A_96] : memref<64x128xf32, #tpu.memory_space<vmem>> -> memref<16x128xf32, #tpu.memory_space<vmem>>
      %dma_wait3A_98 = arith.constant 0 : i32
      %dma_wait3A_99 = arith.constant 0 : i32
      %dma_wait3A_100 = tpu.memref_slice %arg10[%dma_wait3A_98, %dma_wait3A_99] : memref<10000x128xf32, #tpu.memory_space<vmem_shared>> -> memref<10000x128xf32, #tpu.memory_space<vmem_shared>>
      tpu.wait_indirect_dma semaphore(%run_scoped3A : memref<!tpu.dma_semaphore, #tpu.memory_space<semaphore_mem>>) src(%dma_wait3A_97 : memref<16x128xf32, #tpu.memory_space<vmem>>) dst(%dma_wait3A_100 : memref<10000x128xf32, #tpu.memory_space<vmem_shared>>)
      tpu.yield
    }) : () -> ()
    %barrier3A_80 = arith.constant 0 : index
    tpu.barrier barrier_id(%barrier3A_80)
    %mul3A_81 = arith.constant 10000 : i32
    %mul3A_82 = arith.muli %arg0, %mul3A_81 : i32
    %add3A_83 = arith.addi %mul3A_82, %mul3A_16 : i32
    "tpu.region"() ({
      %run_scoped3A = tpu.sem_alloc : memref<!tpu.dma_semaphore, #tpu.memory_space<semaphore_mem>>
      %dma_start3A_89 = arith.constant 0 : i32
      %dma_start3A_90 = tpu.memref_slice %arg8[%add3A_83, %dma_start3A_89] : memref<20000x128xf32, #tpu.memory_space<hbm>> -> memref<624x128xf32, #tpu.memory_space<hbm>>
      %dma_start3A_91 = arith.constant 0 : i32
      %dma_start3A_92 = tpu.memref_slice %arg10[%mul3A_16, %dma_start3A_91] : memref<10000x128xf32, #tpu.memory_space<vmem_shared>> -> memref<624x128xf32, #tpu.memory_space<vmem_shared>>
      tpu.enqueue_dma source(%dma_start3A_92 : memref<624x128xf32, #tpu.memory_space<vmem_shared>>) target(%dma_start3A_90 : memref<624x128xf32, #tpu.memory_space<hbm>>) target_semaphore(%run_scoped3A : memref<!tpu.dma_semaphore, #tpu.memory_space<semaphore_mem>>)
      %dma_wait3A_93 = arith.constant 0 : i32
      %dma_wait3A_94 = tpu.memref_slice %arg8[%add3A_83, %dma_wait3A_93] : memref<20000x128xf32, #tpu.memory_space<hbm>> -> memref<624x128xf32, #tpu.memory_space<hbm>>
      %dma_wait3A_95 = arith.constant 0 : i32
      %dma_wait3A_96 = tpu.memref_slice %arg10[%mul3A_16, %dma_wait3A_95] : memref<10000x128xf32, #tpu.memory_space<vmem_shared>> -> memref<624x128xf32, #tpu.memory_space<vmem_shared>>
      tpu.wait_dma2 semaphore(%run_scoped3A : memref<!tpu.dma_semaphore, #tpu.memory_space<semaphore_mem>>) src(%dma_wait3A_96 : memref<624x128xf32, #tpu.memory_space<vmem_shared>>) dst(%dma_wait3A_94 : memref<624x128xf32, #tpu.memory_space<hbm>>)
      tpu.yield
    }) : () -> ()
    %eq3A_84 = arith.constant 15 : i32
    %eq3A_85 = arith.cmpi eq, %arg1, %eq3A_84 : i32
    %convert_element_type3A_86 = arith.extui %eq3A_85 : i1 to i32
    %cond3A_87 = arith.constant 0 : i32
    %cond3A_88 = arith.cmpi ne, %convert_element_type3A_86, %cond3A_87 : i32
    scf.if %cond3A_88 {
      %mul3A_89 = arith.constant 10000 : i32
      %mul3A_90 = arith.muli %arg0, %mul3A_89 : i32
      %add3A_91 = arith.constant 9984 : i32
      %add3A_92 = arith.addi %mul3A_90, %add3A_91 : i32
      "tpu.region"() ({
        %run_scoped3A = tpu.sem_alloc : memref<!tpu.dma_semaphore, #tpu.memory_space<semaphore_mem>>
        %dma_start3A_93 = arith.constant 0 : i32
        %dma_start3A_94 = tpu.memref_slice %arg8[%add3A_92, %dma_start3A_93] : memref<20000x128xf32, #tpu.memory_space<hbm>> -> memref<16x128xf32, #tpu.memory_space<hbm>>
        %dma_start3A_95 = arith.constant 9984 : i32
        %dma_start3A_96 = arith.constant 0 : i32
        %dma_start3A_97 = tpu.memref_slice %arg10[%dma_start3A_95, %dma_start3A_96] : memref<10000x128xf32, #tpu.memory_space<vmem_shared>> -> memref<16x128xf32, #tpu.memory_space<vmem_shared>>
        tpu.enqueue_dma source(%dma_start3A_97 : memref<16x128xf32, #tpu.memory_space<vmem_shared>>) target(%dma_start3A_94 : memref<16x128xf32, #tpu.memory_space<hbm>>) target_semaphore(%run_scoped3A : memref<!tpu.dma_semaphore, #tpu.memory_space<semaphore_mem>>)
        %dma_wait3A_98 = arith.constant 0 : i32
        %dma_wait3A_99 = tpu.memref_slice %arg8[%add3A_92, %dma_wait3A_98] : memref<20000x128xf32, #tpu.memory_space<hbm>> -> memref<16x128xf32, #tpu.memory_space<hbm>>
        %dma_wait3A_100 = arith.constant 9984 : i32
        %dma_wait3A_101 = arith.constant 0 : i32
        %dma_wait3A_102 = tpu.memref_slice %arg10[%dma_wait3A_100, %dma_wait3A_101] : memref<10000x128xf32, #tpu.memory_space<vmem_shared>> -> memref<16x128xf32, #tpu.memory_space<vmem_shared>>
        tpu.wait_dma2 semaphore(%run_scoped3A : memref<!tpu.dma_semaphore, #tpu.memory_space<semaphore_mem>>) src(%dma_wait3A_102 : memref<16x128xf32, #tpu.memory_space<vmem_shared>>) dst(%dma_wait3A_99 : memref<16x128xf32, #tpu.memory_space<hbm>>)
        tpu.yield
      }) : () -> ()
    } else {
    }
    "tpu.region"() ({
      %run_scoped3A = tpu.sem_alloc : memref<!tpu.dma_semaphore, #tpu.memory_space<semaphore_mem>>
      %dma_start3A_89 = arith.constant 0 : i32
      %dma_start3A_90 = tpu.memref_slice %arg9[%add3A, %dma_start3A_89] : memref<32x10000xf32, #tpu.memory_space<hbm>> -> memref<1x10000xf32, #tpu.memory_space<hbm>>
      %dma_start3A_91 = tpu.memref_squeeze %dma_start3A_90 : memref<1x10000xf32, #tpu.memory_space<hbm>> -> memref<10000xf32, #tpu.memory_space<hbm>>
      %dma_start3A_92 = arith.constant 0 : i32
      %dma_start3A_93 = tpu.memref_slice %arg9[%add3A, %dma_start3A_92] : memref<32x10000xf32, #tpu.memory_space<hbm>> -> memref<1x10000xf32, #tpu.memory_space<hbm>>
      %dma_start3A_94 = tpu.memref_squeeze %dma_start3A_93 : memref<1x10000xf32, #tpu.memory_space<hbm>> -> memref<10000xf32, #tpu.memory_space<hbm>>
      tpu.enqueue_dma source(%arg28 : memref<10000xf32, #tpu.memory_space<vmem>>) target(%dma_start3A_94 : memref<10000xf32, #tpu.memory_space<hbm>>) target_semaphore(%run_scoped3A : memref<!tpu.dma_semaphore, #tpu.memory_space<semaphore_mem>>)
      %dma_wait3A_95 = arith.constant 0 : i32
      %dma_wait3A_96 = tpu.memref_slice %arg9[%add3A, %dma_wait3A_95] : memref<32x10000xf32, #tpu.memory_space<hbm>> -> memref<1x10000xf32, #tpu.memory_space<hbm>>
      %dma_wait3A_97 = tpu.memref_squeeze %dma_wait3A_96 : memref<1x10000xf32, #tpu.memory_space<hbm>> -> memref<10000xf32, #tpu.memory_space<hbm>>
      %dma_wait3A_98 = arith.constant 0 : i32
      %dma_wait3A_99 = tpu.memref_slice %arg9[%add3A, %dma_wait3A_98] : memref<32x10000xf32, #tpu.memory_space<hbm>> -> memref<1x10000xf32, #tpu.memory_space<hbm>>
      %dma_wait3A_100 = tpu.memref_squeeze %dma_wait3A_99 : memref<1x10000xf32, #tpu.memory_space<hbm>> -> memref<10000xf32, #tpu.memory_space<hbm>>
      tpu.wait_dma2 semaphore(%run_scoped3A : memref<!tpu.dma_semaphore, #tpu.memory_space<semaphore_mem>>) src(%arg28 : memref<10000xf32, #tpu.memory_space<vmem>>) dst(%dma_wait3A_100 : memref<10000xf32, #tpu.memory_space<hbm>>)
      tpu.yield
    }) : () -> ()
    return
  }
}

module attributes {stable_mosaic.version = 14 : i64} {
  func.func @_pre_body(%arg0: i32, %arg1: memref<1000x128xf32, #tpu.memory_space<vmem>>, %arg2: memref<128x128xf32, #tpu.memory_space<vmem>>, %arg3: memref<1x128xf32, #tpu.memory_space<vmem>>, %arg4: memref<1000x128xf32, #tpu.memory_space<vmem>>, %arg5: memref<8x128xf32, #tpu.memory_space<vmem>>, %arg6: memref<8x128xf32, #tpu.memory_space<vmem>>) attributes {dimension_semantics = [#tpu.dimension_semantics<arbitrary>], iteration_bounds = array<i64: 10>, scalar_prefetch = 0 : i64, scratch_operands = 1 : i64, tpu.core_type = #tpu.core_type<tc>, window_params = [{transform_indices = @transform_0, window_bounds = array<i64: 1000, 128>}, {pipeline_mode = #tpu.pipeline_mode<synchronous>, transform_indices = @transform_1, window_bounds = array<i64: 128, 128>}, {pipeline_mode = #tpu.pipeline_mode<synchronous>, transform_indices = @transform_2, window_bounds = array<i64: 1, 128>}, {transform_indices = @transform_3, window_bounds = array<i64: 1000, 128>}, {pipeline_mode = #tpu.pipeline_mode<synchronous>, transform_indices = @transform_4, window_bounds = array<i64: 8, 128>}]} {
    %get3A = arith.constant 0 : index
    %get3A_0 = arith.constant 0 : index
    %get3A_1 = vector.load %arg1[%get3A, %get3A_0] : memref<1000x128xf32, #tpu.memory_space<vmem>>, vector<1000x128xf32>
    %get3A_2 = arith.constant 0 : index
    %get3A_3 = arith.constant 0 : index
    %get3A_4 = vector.load %arg2[%get3A_2, %get3A_3] : memref<128x128xf32, #tpu.memory_space<vmem>>, vector<128x128xf32>
    %dot_general3A = arith.constant dense<0.000000e+00> : vector<1000x128xf32>
    %dot_general3A_5 = tpu.matmul %get3A_1, %get3A_4, %dot_general3A {dimension_numbers = #tpu.dot_dimension_numbers<[1], [0], [0], [1], [0, 0, 1, 1], [], []>, precision = #tpu.contract_precision<fp32>, transpose_lhs_hint = false} : vector<1000x128xf32>, vector<128x128xf32>, vector<1000x128xf32> -> vector<1000x128xf32>
    %get3A_6 = arith.constant 0 : index
    %get3A_7 = arith.constant 0 : index
    %get3A_8 = vector.load %arg3[%get3A_6, %get3A_7] : memref<1x128xf32, #tpu.memory_space<vmem>>, vector<1x128xf32>
    %add3A = vector.broadcast %get3A_8 : vector<1x128xf32> to vector<1000x128xf32>
    %add3A_9 = arith.addf %dot_general3A_5, %add3A : vector<1000x128xf32>
    %swap3A = arith.constant 0 : index
    %swap3A_10 = arith.constant 0 : index
    %swap3A_11 = vector.load %arg4[%swap3A, %swap3A_10] : memref<1000x128xf32, #tpu.memory_space<vmem>>, vector<1000x128xf32>
    tpu.vector_store %arg4[%swap3A, %swap3A_10], %add3A_9 {strides = array<i32>} : memref<1000x128xf32, #tpu.memory_space<vmem>>, vector<1000x128xf32>,
    %eq3A = arith.constant 0 : i32
    %eq3A_12 = arith.cmpi eq, %arg0, %eq3A : i32
    %convert_element_type3A = arith.extui %eq3A_12 : i1 to i32
    %cond3A = arith.constant 0 : i32
    %cond3A_13 = arith.cmpi ne, %convert_element_type3A, %cond3A : i32
    scf.if %cond3A_13 {
      %broadcast_in_dim3A_37 = arith.constant 0.000000e+00 : f32
      %broadcast_in_dim3A_38 = vector.broadcast %broadcast_in_dim3A_37 : f32 to vector<8x128xf32>
      %swap3A_39 = arith.constant 0 : index
      %swap3A_40 = arith.constant 0 : index
      %swap3A_41 = vector.load %arg6[%swap3A_39, %swap3A_40] : memref<8x128xf32, #tpu.memory_space<vmem>>, vector<8x128xf32>
      tpu.vector_store %arg6[%swap3A_39, %swap3A_40], %broadcast_in_dim3A_38 {strides = array<i32>} : memref<8x128xf32, #tpu.memory_space<vmem>>, vector<8x128xf32>,
    } else {
    }
    %get3A_14 = arith.constant 0 : index
    %get3A_15 = arith.constant 0 : index
    %get3A_16 = vector.load %arg6[%get3A_14, %get3A_15] : memref<8x128xf32, #tpu.memory_space<vmem>>, vector<1x128xf32>
    %reduce_sum3A = arith.constant dense<0.000000e+00> : vector<128xf32>
    %reduce_sum3A_17 = vector.multi_reduction <add>, %add3A_9, %reduce_sum3A [0] : vector<1000x128xf32> to vector<128xf32>
    %broadcast_in_dim3A = vector.shape_cast %reduce_sum3A_17 : vector<128xf32> to vector<1x128xf32>
    %add3A_18 = arith.addf %get3A_16, %broadcast_in_dim3A : vector<1x128xf32>
    %swap3A_19 = arith.constant 0 : index
    %swap3A_20 = arith.constant 0 : index
    %swap3A_21 = vector.load %arg6[%swap3A_19, %swap3A_20] : memref<8x128xf32, #tpu.memory_space<vmem>>, vector<1x128xf32>
    tpu.vector_store %arg6[%swap3A_19, %swap3A_20], %add3A_18 {strides = array<i32>} : memref<8x128xf32, #tpu.memory_space<vmem>>, vector<1x128xf32>,
    %get3A_22 = arith.constant 1 : index
    %get3A_23 = arith.constant 0 : index
    %get3A_24 = vector.load %arg6[%get3A_22, %get3A_23] : memref<8x128xf32, #tpu.memory_space<vmem>>, vector<1x128xf32>
    %mul3A = arith.mulf %add3A_9, %add3A_9 : vector<1000x128xf32>
    %reduce_sum3A_25 = arith.constant dense<0.000000e+00> : vector<128xf32>
    %reduce_sum3A_26 = vector.multi_reduction <add>, %mul3A, %reduce_sum3A_25 [0] : vector<1000x128xf32> to vector<128xf32>
    %broadcast_in_dim3A_27 = vector.shape_cast %reduce_sum3A_26 : vector<128xf32> to vector<1x128xf32>
    %add3A_28 = arith.addf %get3A_24, %broadcast_in_dim3A_27 : vector<1x128xf32>
    %swap3A_29 = arith.constant 1 : index
    %swap3A_30 = arith.constant 0 : index
    %swap3A_31 = vector.load %arg6[%swap3A_29, %swap3A_30] : memref<8x128xf32, #tpu.memory_space<vmem>>, vector<1x128xf32>
    tpu.vector_store %arg6[%swap3A_29, %swap3A_30], %add3A_28 {strides = array<i32>} : memref<8x128xf32, #tpu.memory_space<vmem>>, vector<1x128xf32>,
    %eq3A_32 = arith.constant 9 : i32
    %eq3A_33 = arith.cmpi eq, %arg0, %eq3A_32 : i32
    %convert_element_type3A_34 = arith.extui %eq3A_33 : i1 to i32
    %cond3A_35 = arith.constant 0 : i32
    %cond3A_36 = arith.cmpi ne, %convert_element_type3A_34, %cond3A_35 : i32
    scf.if %cond3A_36 {
      %get3A_37 = arith.constant 0 : index
      %get3A_38 = arith.constant 0 : index
      %get3A_39 = vector.load %arg6[%get3A_37, %get3A_38] : memref<8x128xf32, #tpu.memory_space<vmem>>, vector<8x128xf32>
      %swap3A_40 = arith.constant 0 : index
      %swap3A_41 = arith.constant 0 : index
      %swap3A_42 = vector.load %arg5[%swap3A_40, %swap3A_41] : memref<8x128xf32, #tpu.memory_space<vmem>>, vector<8x128xf32>
      tpu.vector_store %arg5[%swap3A_40, %swap3A_41], %get3A_39 {strides = array<i32>} : memref<8x128xf32, #tpu.memory_space<vmem>>, vector<8x128xf32>,
    } else {
    }
    return
  }
  func.func @transform_0(%arg0: i32) -> (i32, i32) {
    %c0_i32 = arith.constant 0 : i32
    %c0_i32_0 = arith.constant 0 : i32
    return %arg0, %c0_i32 : i32, i32
  }
  func.func @transform_1(%arg0: i32) -> (i32, i32) {
    %c0_i32 = arith.constant 0 : i32
    %c0_i32_0 = arith.constant 0 : i32
    %c0_i32_1 = arith.constant 0 : i32
    return %c0_i32, %c0_i32_0 : i32, i32
  }
  func.func @transform_2(%arg0: i32) -> (i32, i32) {
    %c0_i32 = arith.constant 0 : i32
    %c0_i32_0 = arith.constant 0 : i32
    %c0_i32_1 = arith.constant 0 : i32
    return %c0_i32, %c0_i32_0 : i32, i32
  }
  func.func @transform_3(%arg0: i32) -> (i32, i32) {
    %c0_i32 = arith.constant 0 : i32
    %c0_i32_0 = arith.constant 0 : i32
    return %arg0, %c0_i32 : i32, i32
  }
  func.func @transform_4(%arg0: i32) -> (i32, i32) {
    %c0_i32 = arith.constant 0 : i32
    %c0_i32_0 = arith.constant 0 : i32
    %c0_i32_1 = arith.constant 0 : i32
    return %c0_i32, %c0_i32_0 : i32, i32
  }
}

module attributes {stable_mosaic.version = 14 : i64} {
  func.func @_post_body(%arg0: i32, %arg1: memref<1000x128xf32, #tpu.memory_space<vmem>>, %arg2: memref<8x128xf32, #tpu.memory_space<vmem>>, %arg3: memref<1x128xf32, #tpu.memory_space<vmem>>, %arg4: memref<1x128xf32, #tpu.memory_space<vmem>>, %arg5: memref<128x128xf32, #tpu.memory_space<vmem>>, %arg6: memref<1x128xf32, #tpu.memory_space<vmem>>, %arg7: memref<128x128xf32, #tpu.memory_space<vmem>>, %arg8: memref<1000x128xf32, #tpu.memory_space<vmem>>, %arg9: memref<1000x128xf32, #tpu.memory_space<vmem>>, %arg10: memref<1000x128xf32, #tpu.memory_space<vmem>>) attributes {dimension_semantics = [#tpu.dimension_semantics<arbitrary>], iteration_bounds = array<i64: 10>, scalar_prefetch = 0 : i64, scratch_operands = 0 : i64, tpu.core_type = #tpu.core_type<tc>, window_params = [{transform_indices = @transform_0, window_bounds = array<i64: 1000, 128>}, {pipeline_mode = #tpu.pipeline_mode<synchronous>, transform_indices = @transform_1, window_bounds = array<i64: 8, 128>}, {pipeline_mode = #tpu.pipeline_mode<synchronous>, transform_indices = @transform_2, window_bounds = array<i64: 1, 128>}, {pipeline_mode = #tpu.pipeline_mode<synchronous>, transform_indices = @transform_3, window_bounds = array<i64: 1, 128>}, {pipeline_mode = #tpu.pipeline_mode<synchronous>, transform_indices = @transform_4, window_bounds = array<i64: 128, 128>}, {pipeline_mode = #tpu.pipeline_mode<synchronous>, transform_indices = @transform_5, window_bounds = array<i64: 1, 128>}, {pipeline_mode = #tpu.pipeline_mode<synchronous>, transform_indices = @transform_6, window_bounds = array<i64: 128, 128>}, {transform_indices = @transform_7, window_bounds = array<i64: 1000, 128>}, {transform_indices = @transform_8, window_bounds = array<i64: 1000, 128>}, {transform_indices = @transform_9, window_bounds = array<i64: 1000, 128>}]} {
    %get3A = arith.constant 0 : index
    %get3A_0 = arith.constant 0 : index
    %get3A_1 = vector.load %arg2[%get3A, %get3A_0] : memref<8x128xf32, #tpu.memory_space<vmem>>, vector<1x128xf32>
    %mul3A = arith.constant 9.99999974E-5 : f32
    %mul3A_2 = vector.broadcast %mul3A : f32 to vector<1x128xf32>
    %mul3A_3 = arith.mulf %get3A_1, %mul3A_2 : vector<1x128xf32>
    %get3A_4 = arith.constant 1 : index
    %get3A_5 = arith.constant 0 : index
    %get3A_6 = vector.load %arg2[%get3A_4, %get3A_5] : memref<8x128xf32, #tpu.memory_space<vmem>>, vector<1x128xf32>
    %mul3A_7 = arith.constant 9.99999974E-5 : f32
    %mul3A_8 = vector.broadcast %mul3A_7 : f32 to vector<1x128xf32>
    %mul3A_9 = arith.mulf %get3A_6, %mul3A_8 : vector<1x128xf32>
    %mul3A_10 = arith.mulf %mul3A_3, %mul3A_3 : vector<1x128xf32>
    %sub3A = arith.subf %mul3A_9, %mul3A_10 : vector<1x128xf32>
    %get3A_11 = arith.constant 0 : index
    %get3A_12 = arith.constant 0 : index
    %get3A_13 = vector.load %arg1[%get3A_11, %get3A_12] : memref<1000x128xf32, #tpu.memory_space<vmem>>, vector<1000x128xf32>
    %sub3A_14 = vector.broadcast %mul3A_3 : vector<1x128xf32> to vector<1000x128xf32>
    %sub3A_15 = arith.subf %get3A_13, %sub3A_14 : vector<1000x128xf32>
    %add3A = arith.constant 9.99999974E-6 : f32
    %add3A_16 = vector.broadcast %add3A : f32 to vector<1x128xf32>
    %add3A_17 = arith.addf %sub3A, %add3A_16 : vector<1x128xf32>
    %rsqrt3A = math.rsqrt %add3A_17 : vector<1x128xf32>
    %mul3A_18 = vector.broadcast %rsqrt3A : vector<1x128xf32> to vector<1000x128xf32>
    %mul3A_19 = arith.mulf %sub3A_15, %mul3A_18 : vector<1000x128xf32>
    %get3A_20 = arith.constant 0 : index
    %get3A_21 = arith.constant 0 : index
    %get3A_22 = vector.load %arg3[%get3A_20, %get3A_21] : memref<1x128xf32, #tpu.memory_space<vmem>>, vector<1x128xf32>
    %mul3A_23 = vector.broadcast %get3A_22 : vector<1x128xf32> to vector<1000x128xf32>
    %mul3A_24 = arith.mulf %mul3A_19, %mul3A_23 : vector<1000x128xf32>
    %get3A_25 = arith.constant 0 : index
    %get3A_26 = arith.constant 0 : index
    %get3A_27 = vector.load %arg4[%get3A_25, %get3A_26] : memref<1x128xf32, #tpu.memory_space<vmem>>, vector<1x128xf32>
    %add3A_28 = vector.broadcast %get3A_27 : vector<1x128xf32> to vector<1000x128xf32>
    %add3A_29 = arith.addf %mul3A_24, %add3A_28 : vector<1000x128xf32>
    %max3A = arith.constant 0.000000e+00 : f32
    %max3A_30 = vector.broadcast %max3A : f32 to vector<1000x128xf32>
    %max3A_31 = arith.maximumf %add3A_29, %max3A_30 : vector<1000x128xf32>
    %swap3A = arith.constant 0 : index
    %swap3A_32 = arith.constant 0 : index
    %swap3A_33 = vector.load %arg8[%swap3A, %swap3A_32] : memref<1000x128xf32, #tpu.memory_space<vmem>>, vector<1000x128xf32>
    tpu.vector_store %arg8[%swap3A, %swap3A_32], %max3A_31 {strides = array<i32>} : memref<1000x128xf32, #tpu.memory_space<vmem>>, vector<1000x128xf32>,
    %get3A_34 = arith.constant 0 : index
    %get3A_35 = arith.constant 0 : index
    %get3A_36 = vector.load %arg5[%get3A_34, %get3A_35] : memref<128x128xf32, #tpu.memory_space<vmem>>, vector<128x128xf32>
    %dot_general3A = arith.constant dense<0.000000e+00> : vector<1000x128xf32>
    %dot_general3A_37 = tpu.matmul %max3A_31, %get3A_36, %dot_general3A {dimension_numbers = #tpu.dot_dimension_numbers<[1], [0], [0], [1], [0, 0, 1, 1], [], []>, precision = #tpu.contract_precision<fp32>, transpose_lhs_hint = false} : vector<1000x128xf32>, vector<128x128xf32>, vector<1000x128xf32> -> vector<1000x128xf32>
    %get3A_38 = arith.constant 0 : index
    %get3A_39 = arith.constant 0 : index
    %get3A_40 = vector.load %arg6[%get3A_38, %get3A_39] : memref<1x128xf32, #tpu.memory_space<vmem>>, vector<1x128xf32>
    %add3A_41 = vector.broadcast %get3A_40 : vector<1x128xf32> to vector<1000x128xf32>
    %add3A_42 = arith.addf %dot_general3A_37, %add3A_41 : vector<1000x128xf32>
    %swap3A_43 = arith.constant 0 : index
    %swap3A_44 = arith.constant 0 : index
    %swap3A_45 = vector.load %arg9[%swap3A_43, %swap3A_44] : memref<1000x128xf32, #tpu.memory_space<vmem>>, vector<1000x128xf32>
    tpu.vector_store %arg9[%swap3A_43, %swap3A_44], %add3A_42 {strides = array<i32>} : memref<1000x128xf32, #tpu.memory_space<vmem>>, vector<1000x128xf32>,
    %get3A_46 = arith.constant 0 : index
    %get3A_47 = arith.constant 0 : index
    %get3A_48 = vector.load %arg7[%get3A_46, %get3A_47] : memref<128x128xf32, #tpu.memory_space<vmem>>, vector<128x128xf32>
    %dot_general3A_49 = arith.constant dense<0.000000e+00> : vector<1000x128xf32>
    %dot_general3A_50 = tpu.matmul %max3A_31, %get3A_48, %dot_general3A_49 {dimension_numbers = #tpu.dot_dimension_numbers<[1], [0], [0], [1], [0, 0, 1, 1], [], []>, precision = #tpu.contract_precision<fp32>, transpose_lhs_hint = false} : vector<1000x128xf32>, vector<128x128xf32>, vector<1000x128xf32> -> vector<1000x128xf32>
    %swap3A_51 = arith.constant 0 : index
    %swap3A_52 = arith.constant 0 : index
    %swap3A_53 = vector.load %arg10[%swap3A_51, %swap3A_52] : memref<1000x128xf32, #tpu.memory_space<vmem>>, vector<1000x128xf32>
    tpu.vector_store %arg10[%swap3A_51, %swap3A_52], %dot_general3A_50 {strides = array<i32>} : memref<1000x128xf32, #tpu.memory_space<vmem>>, vector<1000x128xf32>,
    return
  }
  func.func @transform_0(%arg0: i32) -> (i32, i32) {
    %c0_i32 = arith.constant 0 : i32
    %c0_i32_0 = arith.constant 0 : i32
    return %arg0, %c0_i32 : i32, i32
  }
  func.func @transform_1(%arg0: i32) -> (i32, i32) {
    %c0_i32 = arith.constant 0 : i32
    %c0_i32_0 = arith.constant 0 : i32
    %c0_i32_1 = arith.constant 0 : i32
    return %c0_i32, %c0_i32_0 : i32, i32
  }
  func.func @transform_2(%arg0: i32) -> (i32, i32) {
    %c0_i32 = arith.constant 0 : i32
    %c0_i32_0 = arith.constant 0 : i32
    %c0_i32_1 = arith.constant 0 : i32
    return %c0_i32, %c0_i32_0 : i32, i32
  }
  func.func @transform_3(%arg0: i32) -> (i32, i32) {
    %c0_i32 = arith.constant 0 : i32
    %c0_i32_0 = arith.constant 0 : i32
    %c0_i32_1 = arith.constant 0 : i32
    return %c0_i32, %c0_i32_0 : i32, i32
  }
  func.func @transform_4(%arg0: i32) -> (i32, i32) {
    %c0_i32 = arith.constant 0 : i32
    %c0_i32_0 = arith.constant 0 : i32
    %c0_i32_1 = arith.constant 0 : i32
    return %c0_i32, %c0_i32_0 : i32, i32
  }
  func.func @transform_5(%arg0: i32) -> (i32, i32) {
    %c0_i32 = arith.constant 0 : i32
    %c0_i32_0 = arith.constant 0 : i32
    %c0_i32_1 = arith.constant 0 : i32
    return %c0_i32, %c0_i32_0 : i32, i32
  }
  func.func @transform_6(%arg0: i32) -> (i32, i32) {
    %c0_i32 = arith.constant 0 : i32
    %c0_i32_0 = arith.constant 0 : i32
    %c0_i32_1 = arith.constant 0 : i32
    return %c0_i32, %c0_i32_0 : i32, i32
  }
  func.func @transform_7(%arg0: i32) -> (i32, i32) {
    %c0_i32 = arith.constant 0 : i32
    %c0_i32_0 = arith.constant 0 : i32
    return %arg0, %c0_i32 : i32, i32
  }
  func.func @transform_8(%arg0: i32) -> (i32, i32) {
    %c0_i32 = arith.constant 0 : i32
    %c0_i32_0 = arith.constant 0 : i32
    return %arg0, %c0_i32 : i32, i32
  }
  func.func @transform_9(%arg0: i32) -> (i32, i32) {
    %c0_i32 = arith.constant 0 : i32
    %c0_i32_0 = arith.constant 0 : i32
    return %arg0, %c0_i32 : i32, i32
  }
}

module attributes {stable_mosaic.version = 14 : i64} {
  func.func @_update_stage_body(%arg0: i32, %arg1: memref<1000x128xf32, #tpu.memory_space<vmem>>, %arg2: memref<1000x128xf32, #tpu.memory_space<vmem>>, %arg3: memref<1x32x1000xf32, #tpu.memory_space<vmem>>, %arg4: memref<1000x128xf32, #tpu.memory_space<vmem>>, %arg5: memref<128x128xf32, #tpu.memory_space<vmem>>, %arg6: memref<1x128xf32, #tpu.memory_space<vmem>>, %arg7: memref<128x128xf32, #tpu.memory_space<vmem>>, %arg8: memref<128x128xf32, #tpu.memory_space<vmem>>, %arg9: memref<1x128xf32, #tpu.memory_space<vmem>>, %arg10: memref<128x128xf32, #tpu.memory_space<vmem>>, %arg11: memref<1x128xf32, #tpu.memory_space<vmem>>, %arg12: memref<1000x128xf32, #tpu.memory_space<vmem>>) attributes {dimension_semantics = [#tpu.dimension_semantics<arbitrary>], iteration_bounds = array<i64: 10>, scalar_prefetch = 0 : i64, scratch_operands = 0 : i64, tpu.core_type = #tpu.core_type<tc>, window_params = [{transform_indices = @transform_0, window_bounds = array<i64: 1000, 128>}, {transform_indices = @transform_1, window_bounds = array<i64: 1000, 128>}, {transform_indices = @transform_2, window_bounds = array<i64: 1, 32, 1000>}, {transform_indices = @transform_3, window_bounds = array<i64: 1000, 128>}, {pipeline_mode = #tpu.pipeline_mode<synchronous>, transform_indices = @transform_4, window_bounds = array<i64: 128, 128>}, {pipeline_mode = #tpu.pipeline_mode<synchronous>, transform_indices = @transform_5, window_bounds = array<i64: 1, 128>}, {pipeline_mode = #tpu.pipeline_mode<synchronous>, transform_indices = @transform_6, window_bounds = array<i64: 128, 128>}, {pipeline_mode = #tpu.pipeline_mode<synchronous>, transform_indices = @transform_7, window_bounds = array<i64: 128, 128>}, {pipeline_mode = #tpu.pipeline_mode<synchronous>, transform_indices = @transform_8, window_bounds = array<i64: 1, 128>}, {pipeline_mode = #tpu.pipeline_mode<synchronous>, transform_indices = @transform_9, window_bounds = array<i64: 128, 128>}, {pipeline_mode = #tpu.pipeline_mode<synchronous>, transform_indices = @transform_10, window_bounds = array<i64: 1, 128>}, {transform_indices = @transform_11, window_bounds = array<i64: 1000, 128>}]} {
    %get3A = arith.constant 0 : index
    %get3A_0 = arith.constant 0 : index
    %get3A_1 = vector.load %arg1[%get3A, %get3A_0] : memref<1000x128xf32, #tpu.memory_space<vmem>>, vector<1000x128xf32>
    %get3A_2 = arith.constant 0 : index
    %get3A_3 = arith.constant 0 : index
    %get3A_4 = vector.load %arg2[%get3A_2, %get3A_3] : memref<1000x128xf32, #tpu.memory_space<vmem>>, vector<1000x128xf32>
    %add3A = arith.addf %get3A_1, %get3A_4 : vector<1000x128xf32>
    %broadcast_in_dim3A = arith.constant 1.000000e+00 : f32
    %broadcast_in_dim3A_5 = vector.broadcast %broadcast_in_dim3A : f32 to vector<32x1xf32>
    %get3A_6 = arith.constant 0 : index
    %get3A_7 = arith.constant 0 : index
    %get3A_8 = arith.constant 0 : index
    %get3A_9 = vector.load %arg3[%get3A_6, %get3A_7, %get3A_8] : memref<1x32x1000xf32, #tpu.memory_space<vmem>>, vector<1x32x1000xf32>
    %get3A_10 = vector.shape_cast %get3A_9 : vector<1x32x1000xf32> to vector<32x1000xf32>
    %dot_general3A = arith.constant dense<0.000000e+00> : vector<1000x1xf32>
    %dot_general3A_11 = tpu.matmul %get3A_10, %broadcast_in_dim3A_5, %dot_general3A {dimension_numbers = #tpu.dot_dimension_numbers<[0], [0], [1], [1], [0, 1, 1, 1], [], []>, precision = #tpu.contract_precision<fp32>, transpose_lhs_hint = false} : vector<32x1000xf32>, vector<32x1xf32>, vector<1000x1xf32> -> vector<1000x1xf32>
    %get3A_12 = arith.constant 0 : index
    %get3A_13 = arith.constant 0 : index
    %get3A_14 = vector.load %arg5[%get3A_12, %get3A_13] : memref<128x128xf32, #tpu.memory_space<vmem>>, vector<128x128xf32>
    %dot_general3A_15 = arith.constant dense<0.000000e+00> : vector<1000x128xf32>
    %dot_general3A_16 = tpu.matmul %add3A, %get3A_14, %dot_general3A_15 {dimension_numbers = #tpu.dot_dimension_numbers<[1], [0], [0], [1], [0, 0, 1, 1], [], []>, precision = #tpu.contract_precision<fp32>, transpose_lhs_hint = false} : vector<1000x128xf32>, vector<128x128xf32>, vector<1000x128xf32> -> vector<1000x128xf32>
    %get3A_17 = arith.constant 0 : index
    %get3A_18 = arith.constant 0 : index
    %get3A_19 = vector.load %arg6[%get3A_17, %get3A_18] : memref<1x128xf32, #tpu.memory_space<vmem>>, vector<1x128xf32>
    %mul3A = vector.broadcast %dot_general3A_11 : vector<1000x1xf32> to vector<1000x128xf32>
    %mul3A_20 = vector.broadcast %get3A_19 : vector<1x128xf32> to vector<1000x128xf32>
    %mul3A_21 = arith.mulf %mul3A, %mul3A_20 : vector<1000x128xf32>
    %add3A_22 = arith.addf %dot_general3A_16, %mul3A_21 : vector<1000x128xf32>
    %max3A = arith.constant 1.000000e+00 : f32
    %max3A_23 = vector.broadcast %max3A : f32 to vector<1000x1xf32>
    %max3A_24 = arith.maximumf %dot_general3A_11, %max3A_23 : vector<1000x1xf32>
    %div3A = vector.broadcast %max3A_24 : vector<1000x1xf32> to vector<1000x128xf32>
    %div3A_25 = arith.divf %add3A_22, %div3A : vector<1000x128xf32>
    %get3A_26 = arith.constant 0 : index
    %get3A_27 = arith.constant 0 : index
    %get3A_28 = vector.load %arg4[%get3A_26, %get3A_27] : memref<1000x128xf32, #tpu.memory_space<vmem>>, vector<1000x128xf32>
    %get3A_29 = arith.constant 0 : index
    %get3A_30 = arith.constant 0 : index
    %get3A_31 = vector.load %arg7[%get3A_29, %get3A_30] : memref<128x128xf32, #tpu.memory_space<vmem>>, vector<128x128xf32>
    %dot_general3A_32 = arith.constant dense<0.000000e+00> : vector<1000x128xf32>
    %dot_general3A_33 = tpu.matmul %get3A_28, %get3A_31, %dot_general3A_32 {dimension_numbers = #tpu.dot_dimension_numbers<[1], [0], [0], [1], [0, 0, 1, 1], [], []>, precision = #tpu.contract_precision<fp32>, transpose_lhs_hint = false} : vector<1000x128xf32>, vector<128x128xf32>, vector<1000x128xf32> -> vector<1000x128xf32>
    %get3A_34 = arith.constant 0 : index
    %get3A_35 = arith.constant 0 : index
    %get3A_36 = vector.load %arg8[%get3A_34, %get3A_35] : memref<128x128xf32, #tpu.memory_space<vmem>>, vector<128x128xf32>
    %dot_general3A_37 = arith.constant dense<0.000000e+00> : vector<1000x128xf32>
    %dot_general3A_38 = tpu.matmul %div3A_25, %get3A_36, %dot_general3A_37 {dimension_numbers = #tpu.dot_dimension_numbers<[1], [0], [0], [1], [0, 0, 1, 1], [], []>, precision = #tpu.contract_precision<fp32>, transpose_lhs_hint = false} : vector<1000x128xf32>, vector<128x128xf32>, vector<1000x128xf32> -> vector<1000x128xf32>
    %add3A_39 = arith.addf %dot_general3A_33, %dot_general3A_38 : vector<1000x128xf32>
    %get3A_40 = arith.constant 0 : index
    %get3A_41 = arith.constant 0 : index
    %get3A_42 = vector.load %arg9[%get3A_40, %get3A_41] : memref<1x128xf32, #tpu.memory_space<vmem>>, vector<1x128xf32>
    %add3A_43 = vector.broadcast %get3A_42 : vector<1x128xf32> to vector<1000x128xf32>
    %add3A_44 = arith.addf %add3A_39, %add3A_43 : vector<1000x128xf32>
    %max3A_45 = arith.constant 0.000000e+00 : f32
    %max3A_46 = vector.broadcast %max3A_45 : f32 to vector<1000x128xf32>
    %max3A_47 = arith.maximumf %add3A_44, %max3A_46 : vector<1000x128xf32>
    %get3A_48 = arith.constant 0 : index
    %get3A_49 = arith.constant 0 : index
    %get3A_50 = vector.load %arg10[%get3A_48, %get3A_49] : memref<128x128xf32, #tpu.memory_space<vmem>>, vector<128x128xf32>
    %dot_general3A_51 = arith.constant dense<0.000000e+00> : vector<1000x128xf32>
    %dot_general3A_52 = tpu.matmul %max3A_47, %get3A_50, %dot_general3A_51 {dimension_numbers = #tpu.dot_dimension_numbers<[1], [0], [0], [1], [0, 0, 1, 1], [], []>, precision = #tpu.contract_precision<fp32>, transpose_lhs_hint = false} : vector<1000x128xf32>, vector<128x128xf32>, vector<1000x128xf32> -> vector<1000x128xf32>
    %get3A_53 = arith.constant 0 : index
    %get3A_54 = arith.constant 0 : index
    %get3A_55 = vector.load %arg11[%get3A_53, %get3A_54] : memref<1x128xf32, #tpu.memory_space<vmem>>, vector<1x128xf32>
    %add3A_56 = vector.broadcast %get3A_55 : vector<1x128xf32> to vector<1000x128xf32>
    %add3A_57 = arith.addf %dot_general3A_52, %add3A_56 : vector<1000x128xf32>
    %swap3A = arith.constant 0 : index
    %swap3A_58 = arith.constant 0 : index
    %swap3A_59 = vector.load %arg12[%swap3A, %swap3A_58] : memref<1000x128xf32, #tpu.memory_space<vmem>>, vector<1000x128xf32>
    tpu.vector_store %arg12[%swap3A, %swap3A_58], %add3A_57 {strides = array<i32>} : memref<1000x128xf32, #tpu.memory_space<vmem>>, vector<1000x128xf32>,
    return
  }
  func.func @transform_0(%arg0: i32) -> (i32, i32) {
    %c0_i32 = arith.constant 0 : i32
    %c0_i32_0 = arith.constant 0 : i32
    return %arg0, %c0_i32 : i32, i32
  }
  func.func @transform_1(%arg0: i32) -> (i32, i32) {
    %add3A = arith.constant 10 : i32
    %add3A_0 = arith.addi %add3A, %arg0 : i32
    %c0_i32 = arith.constant 0 : i32
    %c0_i32_1 = arith.constant 0 : i32
    return %add3A_0, %c0_i32 : i32, i32
  }
  func.func @transform_2(%arg0: i32) -> (i32, i32, i32) {
    %c0_i32 = arith.constant 0 : i32
    %c0_i32_0 = arith.constant 0 : i32
    %c0_i32_1 = arith.constant 0 : i32
    return %arg0, %c0_i32, %c0_i32_0 : i32, i32, i32
  }
  func.func @transform_3(%arg0: i32) -> (i32, i32) {
    %c0_i32 = arith.constant 0 : i32
    %c0_i32_0 = arith.constant 0 : i32
    return %arg0, %c0_i32 : i32, i32
  }
  func.func @transform_4(%arg0: i32) -> (i32, i32) {
    %c0_i32 = arith.constant 0 : i32
    %c0_i32_0 = arith.constant 0 : i32
    %c0_i32_1 = arith.constant 0 : i32
    return %c0_i32, %c0_i32_0 : i32, i32
  }
  func.func @transform_5(%arg0: i32) -> (i32, i32) {
    %c0_i32 = arith.constant 0 : i32
    %c0_i32_0 = arith.constant 0 : i32
    %c0_i32_1 = arith.constant 0 : i32
    return %c0_i32, %c0_i32_0 : i32, i32
  }
  func.func @transform_6(%arg0: i32) -> (i32, i32) {
    %c0_i32 = arith.constant 0 : i32
    %c0_i32_0 = arith.constant 0 : i32
    %c0_i32_1 = arith.constant 0 : i32
    return %c0_i32, %c0_i32_0 : i32, i32
  }
  func.func @transform_7(%arg0: i32) -> (i32, i32) {
    %c0_i32 = arith.constant 0 : i32
    %c0_i32_0 = arith.constant 0 : i32
    %c0_i32_1 = arith.constant 0 : i32
    return %c0_i32, %c0_i32_0 : i32, i32
  }
  func.func @transform_8(%arg0: i32) -> (i32, i32) {
    %c0_i32 = arith.constant 0 : i32
    %c0_i32_0 = arith.constant 0 : i32
    %c0_i32_1 = arith.constant 0 : i32
    return %c0_i32, %c0_i32_0 : i32, i32
  }
  func.func @transform_9(%arg0: i32) -> (i32, i32) {
    %c0_i32 = arith.constant 0 : i32
    %c0_i32_0 = arith.constant 0 : i32
    %c0_i32_1 = arith.constant 0 : i32
    return %c0_i32, %c0_i32_0 : i32, i32
  }
  func.func @transform_10(%arg0: i32) -> (i32, i32) {
    %c0_i32 = arith.constant 0 : i32
    %c0_i32_0 = arith.constant 0 : i32
    %c0_i32_1 = arith.constant 0 : i32
    return %c0_i32, %c0_i32_0 : i32, i32
  }
  func.func @transform_11(%arg0: i32) -> (i32, i32) {
    %c0_i32 = arith.constant 0 : i32
    %c0_i32_0 = arith.constant 0 : i32
    return %arg0, %c0_i32 : i32, i32
  }
}

</mosaic_0001>

<sc_bundles>
// kernel: kernel.6.cloned.1.call-start
scs
__scs_entry_jumppad:
0x0: {  	(pc) =	sbr.rel $0x88, $3  }
0x1: {  	(tag) =	ssettag $0x0;
	lr =	simm.s32 $0x1  }
0x2: {  	[smem:$0x3F92] =	sst lr;
	_ =	strace $0xD0000000  }
0x3: {  	_ = 	snop  }
0x4: {  	_ = 	snop  }
0x5: {  	_ = 	snop  }
0x6: {  	_ = 	snop  }
0x7: {  	_ = 	snop  }
__scs_overlays_trampoline_lowered:
0x8: {  	[smem:$0x3FA1] =	sst s0  }
0x9: {  	[smem:$0x3FA2] =	sst s1  }
0xa: {  	[smem:$0x3FA3] =	sst s2  }
0xb: {  	[smem:$0x3FA4] =	sst s3  }
0xc: {  	[smem:$0x3FA5] =	sst s4  }
0xd: {  	[smem:$0x3FA6] =	sst s5  }
0xe: {  	[smem:$0x3FA7] =	sst s6  }
0xf: {  	[smem:$0x3FA8] =	sst s7  }
0x10: {  	[smem:$0x3FA9] =	sst s8  }
0x11: {  	[smem:$0x3FAA] =	sst s9;
	s0 =	simm.s32 @!p0 $0x0  }
0x12: {  	s1 =	sld [smem:$0x3F90];
	s0 =	simm.s32 @p0 $0x1  }
0x13: {  	[smem:$0x3FAB] =	sst s0;
	s0 =	simm.s32 @!p1 $0x0  }
0x14: {  	s2 =	sld [smem:$0x3F8F];
	s0 =	simm.s32 @p1 $0x1  }
0x15: {  	[smem:$0x3FAC] =	sst s0;
	s0 =	simm.s32 @!p2 $0x0  }
0x16: {  	s3 =	sld [smem:$0x3FDB];
	s0 =	simm.s32 @p2 $0x1  }
0x17: {  	s4 =	simm.s32 $0x1BF5;
	[smem:$0x3FAE] =	sst s0  }
0x18: {  	s0 =	sld [smem:$0x3F91];
	_ =	swait.ge [sflag:s4], $0x0  }
0x19: {  	s7 =	sld [smem:$0x3F92]  }
0x1a: {  	s8 =	sadd.s32 $0xFFFFE003, lr  }
0x1b: {  	s9 =	sadd.s32 $0xFFFFFEF7, lr;
	s5 =	simm.s32 $0xFFFFFFFF;
	p2 =	slt.u32 s8, $0xFFFFF086  }
0x1c: {  	p1 =	slt.u32 s9, $0xF7A;
	s5 =	simm.s32 @!p2 $0x0  }
0x1d: {  	s5 =	simm.s32 @p1 $0x1;
	p0 =	seq.s32 s7, s2  }
0x1e: {  	s7 =	smul.u32 @!p0 $0xF7A, s2;
	p2 =	seq.s32 @!p0 s5, $0x0  }
0x1f: {  	s9 =	smul.u32 $0xF7A, s1;
	s8 =	simm.s32 @!p0 $0x1BF5;
	p2 =	por !p2, p0  }
0x20: {  	[sflag:s8] =	ssyncset.s32 @!p0 $0xFFFFF086;
	s6 =	sadd.s32 @!p0 s3, s7;
	s7 =	simm.s32 @!p0 $0x108  }
0x21: {  	s3 =	sadd.s32 s3, s9;
	s6 =	sadd.s32 @!p0 $0x88, s6;
	s7 =	simm.s32 @p2 $0x1082  }
0x22: {  	[simem:s7], [sflag:s8] =	dma.local @!p0 [hbm:s6], $0xF7A  }
0x23: {  	s9 =	sor.u32 $0xD0000000, s2;
	s6 =	simm.s32 $0x108;
	_ =	swait.ge @!p0 [sflag:s8], $0x0  }
0x24: {  	s3 =	sadd.s32 $0x88, s3;
	s6 =	simm.s32 @!p1 $0x1082;
	[sflag:s4] =	ssyncset.s32 $0xFFFFF086  }
0x25: {  	[simem:s6], [sflag:s4] =	dma.local [hbm:s3], $0xF7A  }
0x26: {  	[smem:$0x3F92] =	sst s1;
	(tag) =	ssettag s2;
	_ =	strace s9  }
0x27: {  	s1 =	sld [smem:$0x3FA2]  }
0x28: {  	s2 =	sld [smem:$0x3FA3]  }
0x29: {  	s4 =	sld [smem:$0x3FA5]  }
0x2a: {  	p0 =	seq.s32 s5, $0x0;
	s5 =	sld [smem:$0x3FA6]  }
0x2b: {  	s6 =	sld [smem:$0x3FA7]  }
0x2c: {  	s7 =	sld [smem:$0x3FA8]  }
0x2d: {  	s3 =	simm.s32 $0x108;
	s8 =	sld [smem:$0x3FA9]  }
0x2e: {  	s3 =	simm.s32 @!p0 $0x1082;
	s9 =	sld [smem:$0x3FAA]  }
0x2f: {  	lr =	sadd.s32 s0, s3;
	s0 =	sld [smem:$0x3FA1]  }
0x30: {  	s3 =	sld [smem:$0x3FA4]  }
0x31: {  	[smem:$0x3FAD] =	sst s10  }
0x32: {  	s10 =	sld [smem:$0x3FAB];
	_ =	sdelay $0x3  }
0x33: {  	p0 =	seq.s32 s10, $0x1;
	s10 =	sld [smem:$0x3FAD];
	_ =	sdelay $0x3  }
0x34: {  	[smem:$0x3FAD] =	sst s10  }
0x35: {  	s10 =	sld [smem:$0x3FAC];
	_ =	sdelay $0x3  }
0x36: {  	p1 =	seq.s32 s10, $0x1;
	s10 =	sld [smem:$0x3FAD];
	_ =	sdelay $0x3  }
0x37: {  	[smem:$0x3FAD] =	sst s10  }
0x38: {  	s10 =	sld [smem:$0x3FAE]  }
0x39: {  	_ = 	snop;
	(pc) =	sbr.ind lr, $3  }
0x3a: {  	_ = 	snop  }
0x3b: {  	_ = 	snop  }
0x3c: {  	p2 =	seq.s32 s10, $0x1;
	s10 =	sld [smem:$0x3FAD]  }
0x3d: {  	_ =	shalt  }
0x3e: {  	_ =	shalt  }
0x3f: {  	_ =	shalt  }
0x40: {  	_ =	shalt  }
0x41: {  	_ =	shalt  }
0x42: {  	_ =	shalt  }
0x43: {  	_ =	shalt  }
0x44: {  	_ =	shalt  }
0x45: {  	_ =	shalt  }
0x46: {  	_ =	shalt  }
0x47: {  	_ =	shalt  }
0x48: {  	_ =	shalt  }
0x49: {  	_ =	shalt  }
0x4a: {  	_ =	shalt  }
0x4b: {  	_ =	shalt  }
0x4c: {  	_ =	shalt  }
0x4d: {  	_ =	shalt  }
0x4e: {  	_ =	shalt  }
0x4f: {  	_ =	shalt  }
0x50: {  	_ =	shalt  }
0x51: {  	_ =	shalt  }
0x52: {  	_ =	shalt  }
0x53: {  	_ =	shalt  }
0x54: {  	_ =	shalt  }
0x55: {  	_ =	shalt  }
0x56: {  	_ =	shalt  }
0x57: {  	_ =	shalt  }
0x58: {  	_ =	shalt  }
0x59: {  	_ =	shalt  }
0x5a: {  	_ =	shalt  }
0x5b: {  	_ =	shalt  }
0x5c: {  	_ =	shalt  }
0x5d: {  	_ =	shalt  }
0x5e: {  	_ =	shalt  }
0x5f: {  	_ =	shalt  }
0x60: {  	_ =	shalt  }
0x61: {  	_ =	shalt  }
0x62: {  	_ =	shalt  }
0x63: {  	_ =	shalt  }
0x64: {  	_ =	shalt  }
0x65: {  	_ =	shalt  }
0x66: {  	_ =	shalt  }
0x67: {  	_ =	shalt  }
0x68: {  	_ =	shalt  }
0x69: {  	_ =	shalt  }
0x6a: {  	_ =	shalt  }
0x6b: {  	_ =	shalt  }
0x6c: {  	_ =	shalt  }
0x6d: {  	_ =	shalt  }
0x6e: {  	_ =	shalt  }
0x6f: {  	_ =	shalt  }
0x70: {  	_ =	shalt  }
0x71: {  	_ =	shalt  }
0x72: {  	_ =	shalt  }
0x73: {  	_ =	shalt  }
0x74: {  	_ =	shalt  }
0x75: {  	_ =	shalt  }
0x76: {  	_ =	shalt  }
0x77: {  	_ =	shalt  }
0x78: {  	_ =	shalt  }
0x79: {  	_ =	shalt  }
0x7a: {  	_ =	shalt  }
0x7b: {  	_ =	shalt  }
0x7c: {  	_ =	shalt  }
0x7d: {  	_ =	shalt  }
0x7e: {  	_ =	shalt  }
0x7f: {  	_ =	shalt  }
0x80: {  	_ =	shalt  }
0x81: {  	_ =	shalt  }
0x82: {  	_ =	shalt  }
0x83: {  	_ =	shalt  }
0x84: {  	_ =	shalt  }
0x85: {  	_ =	shalt  }
0x86: {  	_ =	shalt  }
0x87: {  	_ =	shalt  }
.Lfunc_end0:
.L_simem_size_0:
called_computation_lowered:
.L_overlay_start_0:
0x88: {  	s2 =	sld [smem:$0x3FD9]  }
0x89: {  	s3 =	sld [smem:$0x3FFE];
	_ =	sdelay $0x1  }
0x8a: {  	s1 =	srdreg.scid  }
0x8b: {  	s0 =	sand.u32 $0x1, s1  }
0x8c: {  	s17 =	sshll.u32 s0, $0xA;
	s2 =	sadd.s32 s3, s2  }
0x8d: {  	s2 =	sadd.s32 s2, s17  }
0x8e: {  	[smem:$0x3FB9] =	sst s2  }
0x8f: {  	_ = 	snop  }
0x90: {  	s2 =	sld [smem:$0x3FD0];
	(tm) =	ssettm $0x1  }
0x91: {  	s18 =	sld [smem:$0x3FFB];
	_ =	sdelay $0x3  }
0x92: {  	_ =	strace s18  }
0x93: {  	s3 =	sld [smem:$0x3FFC];
	_ =	sdelay $0x3  }
0x94: {  	_ =	strace s3  }
0x95: {  	s3 =	sld [smem:$0x3FFD];
	_ =	sdelay $0x3  }
0x96: {  	_ =	strace s3  }
0x97: {  	_ =	strace $0x8FFFFFFF  }
0x98: {  	s19 =	sld [smem:$0x3FDB];
	_ =	sdelay $0x1  }
0x99: {  	s4 =	simm.s32 $_scs_section_size  }
0x9a: {  	s5 =	simm.s32 $_size__tile_overlayer_lowered;
	s6 =	simm.s32 $_tile_overlayer_lowered  }
0x9b: {  	s22 =	simm.s32 $0x1BFF;
	s21 =	sshll.u32 s6, $0x1;
	s3 =	sadd.s32 s4, s19  }
0x9c: {  	s7 =	simm.s32 $0x0;
	s20 =	sshll.u32 s5, $0x1;
	s5 =	sadd.s32 s21, s3  }
0x9d: {  	[timem:s7], [sflag:s22] =	dma.local [hbm:s5], s20  }
0x9e: {  	_ =	swait.ge [sflag:s22], s20  }
0x9f: {  	s4 =	ssub.s32 $0x0, s20;
	[sflag:s22] =	ssyncset.done $0x0  }
0xa0: {  	[sflag:s22] =	ssyncadd.s32 s4;
	_ =	sdelay $0x1  }
0xa1: {  	s23 =	simm.s32 $0x1B8B  }
0xa2: {  	_ =	swait.ge [sflag:s23], $0x1  }
0xa3: {  	[sflag:s23] =	ssyncset.done $0x0  }
0xa4: {  	s25 =	simm.s32 $0x1B8E;
	s24 =	sld [smem:$0x3FFE];
	[sflag:s23] =	ssyncadd.s32 $0xFFFFFFFF  }
0xa5: {  	s26 =	simm.s32 $execute0_lowered;
	[smem:$0x3FD2] =	sst s25  }
0xa6: {  	s5 =	sshll.u32 s26, $0x1;
	_ =	strace $0x80000046;
	[dreg:$0x1] =	wrdreg $0xFFFFFFFF  }
0xa7: {  	s28 =	simm.s32 $_size_execute0_lowered;
	s3 =	sadd.s32 s3, s5;
	[dreg:$0x0] =	wrdreg $0x0  }
0xa8: {  	s5 =	sshll.u32 s28, $0x1;
	[dreg:$0x2] =	wrdreg s3  }
0xa9: {  	[dreg:$0x3] =	wrdreg s5  }
0xaa: {  	[dreg:$0x4] =	wrdreg $0xC0  }
0xab: {  	_ =	task [dreg:s7], $0x5FFFF  }
0xac: {  	[dreg:$0x1] =	wrdreg $0xFFFFFFFF  }
0xad: {  	[dreg:$0x0] =	wrdreg $0x60  }
0xae: {  	[dreg:$0x2] =	wrdreg s2  }
0xaf: {  	[dreg:$0x3] =	wrdreg s24  }
0xb0: {  	[dreg:$0x4] =	wrdreg $0x0  }
0xb1: {  	[dreg:$0x5] =	wrdreg $0x9  }
0xb2: {  	_ =	task.clear_ibuf [dreg:s7], $0x6FFFF;
	_ =	strace $0x90000046  }
0xb3: {  	s29 =	simm.s32 $0x9;
	_ =	strace $0x80000048  }
0xb4: {  	_ =	swait.ge [sflag:s29], $0x1  }
0xb5: {  	[sflag:s29] =	ssyncadd.s32 $0xFFFFFFFF  }
0xb6: {  	_ =	strace $0x90000048  }
0xb7: {  	_ =	sfence  }
0xb8: {  	s30 =	sld [smem:$0x0];
	_ =	sdelay $0x2  }
0xb9: {  	s31 =	sshll.u32 s1, $0xD;
	s1 =	sshrl.u32 s1, $0x2  }
0xba: {  	s3 =	sand.u32 $0x4000, s31;
	s1 =	sadd.s32 s1, s30  }
0xbb: {  	s0 =	sor.u32 s3, s0;
	s1 =	sshll.u32 s1, $0x11  }
0xbc: {  	s0 =	sor.u32 s1, s0  }
0xbd: {  	s0 =	sadd.s32 $0x8F2B, s0  }
0xbe: {  	[sflag:s0] =	ssyncadd.remote.s32 $0x1  }
0xbf: {  	_ =	sfence.sel $0xFFFF  }
0xc0: {  	[dreg:$0x0] =	wrdreg $0xFFFFFFFF;
	(pc) =	sbr.abs _section_cstart, $3  }
0xc1: {  	[dreg:$0x1] =	wrdreg $0xFFFFFFFF  }
0xc2: {  	_ =	task.clear_ibuf [dreg:s7], $0x2FFFF;
	_ =	strace $0x9FFFFFFF  }
0xc3: {  	(tm) =	ssettm $0x7FFFFFFF  }
tec
execute0_lowered:
.L_overlay_start_1:
0x0: {  	(tag) =	ssettag $0x1  }
0x1: {  	s1 =	rddreg [dreg:$0x0]  }
0x2: {  	s0 =	rddreg [dreg:$0x1]  }
0x3: {  	s2 =	rddreg [dreg:$0x2]  }
0x4: {  	s3 =	srdreg.scid;
	s4 =	simm.s32 $0x0;
	s15 =	stileid.u32  }
0x5: {  	s3 =	sand.u32 $0x1, s3;
	[smem:$0x7FF] =	sst s4;
	s5 =	sadd.s32 $0x1FE00, s0  }
0x6: {  	s6 =	sadd.s32 $0xC200, s0;
	s7 =	sadd.s32 $0x2400, s0;
	s10 =	sshll.u32 s15, $0x7  }
0x7: {  	s11 =	sadd.s32 $0x2200, s0;
	s12 =	smul.u32 $0x4E000, s15;
	s13 =	sadd.s32 $0x50E00, s0  }
0x8: {  	s14 =	sshll.u32 s3, $0x4;
	_ =	strace $0x80000047;
	[dreg:$0x4] =	wrdreg s11  }
0x9: {  	s10 =	sand.u32 $0x380, s10;
	s4 =	sor.u32 s15, s14;
	s14 =	smul.u32 $0x27100, s3  }
0xa: {  	s16 =	ssub.s32 $0x2, s3;
	s8 =	sshrl.u32 s4, $0x3;
	s4 =	smul.u32 $0x2710, s4  }
0xb: {  	s17 =	sshrl.u32 s16, $0x1;
	s18 =	sshrl.u32 s12, $0x2;
	s3 =	smul.u32 $0x138800, s3  }
0xc: {  	s9 =	smul.u32 $0x13C00, s8;
	s8 =	sadd.s32 $0x16000, s0;
	s25 =	sadd.s32 $0x80, s4  }
0xd: {  	s19 =	sshrl.u32 s4, $0x3;
	s4 =	sadd.s32 $0xC0, s4;
	[dreg:$0xc] =	wrdreg s25  }
0xe: {  	s3 =	sshrl.u32 s3, $0x3;
	s20 =	sadd.s32 s6, s19;
	[dreg:$0xd] =	wrdreg s4  }
0xf: {  	s3 =	sadd.s32 s13, s3;
	s21 =	sadd.s32 s7, s19;
	[dreg:$0x6] =	wrdreg s20  }
0x10: {  	s9 =	sor.u32 s10, s9;
	s22 =	sadd.s32 s8, s19;
	[dreg:$0x7] =	wrdreg s21  }
0x11: {  	s23 =	sadd.s32 $0x8, s19;
	s3 =	sadd.s32 $0x27000, s3;
	[dreg:$0x8] =	wrdreg s22  }
0x12: {  	s10 =	smul.u32 $0x2700, s15;
	s24 =	sadd.s32 s7, s23;
	[dreg:$0x12] =	wrdreg s3  }
0x13: {  	s26 =	sadd.s32 $0x4E0, s19;
	s11 =	sadd.s32 s8, s23;
	[dreg:$0xa] =	wrdreg s24  }
0x14: {  	s9 =	sshrl.u32 s9, $0x3;
	s12 =	sadd.s32 s6, s26;
	[dreg:$0xb] =	wrdreg s11  }
0x15: {  	s4 =	sadd.s32 s8, s26;
	s0 =	sadd.s32 s9, s0;
	[dreg:$0xe] =	wrdreg s12  }
0x16: {  	s9 =	ssub.s32 s16, s17;
	s17 =	sadd.s32 s6, s23;
	[dreg:$0x11] =	wrdreg s4  }
0x17: {  	s10 =	sadd.s32 s10, s14;
	s14 =	sadd.s32 s7, s26;
	[dreg:$0x9] =	wrdreg s17  }
0x18: {  	s16 =	sadd.s32 s18, s2;
	[dreg:$0x10] =	wrdreg s14  }
0x19: {  	s10 =	sadd.s32 s13, s10;
	[dreg:$0x5] =	wrdreg s16  }
0x1a: {  	s0 =	sadd.s32 $0x47000, s0;
	[dreg:$0xf] =	wrdreg s10  }
0x1b: {  	s17 =	smax.u32 s9, $0x1;
	[dreg:$0x13] =	wrdreg s0  }
0x1c: {  	s18 =	sadd.s32 $0x2000, s16;
	[dreg:$0x14] =	wrdreg s17  }
0x1d: {  	s19 =	sadd.s32 $0x4000, s16;
	[dreg:$0x15] =	wrdreg s18  }
0x1e: {  	s28 =	simm.s32 $0x7;
	s20 =	sadd.s32 $0x6000, s16;
	[dreg:$0x16] =	wrdreg s19  }
0x1f: {  	s29 =	simm.s32 $0x2;
	s21 =	sadd.s32 $0x8000, s16;
	[dreg:$0x17] =	wrdreg s20  }
0x20: {  	s30 =	simm.s32 $0x4;
	s22 =	sadd.s32 $0xA000, s16;
	[dreg:$0x18] =	wrdreg s21  }
0x21: {  	s31 =	simm.s32 $0x1BD00;
	s23 =	sadd.s32 $0xC000, s16;
	[dreg:$0x19] =	wrdreg s22  }
0x22: {  	p0 =	sne.s32 s15, $0xF;
	s24 =	sadd.s32 $0xE000, s16;
	[dreg:$0x1a] =	wrdreg s23  }
0x23: {  	s3 =	simm.s32 $0x0;
	s25 =	sadd.s32 $0x10000, s16;
	[dreg:$0x1b] =	wrdreg s24  }
0x24: {  	s12 =	simm.s32 $0x9;
	s26 =	sadd.s32 $0x12000, s16;
	[dreg:$0x1c] =	wrdreg s25  }
0x25: {  	s14 =	simm.s32 $0x40;
	s9 =	simm.s32 $0x1BE80;
	[dreg:$0x1d] =	wrdreg s26  }
0x26: {  	s10 =	sadd.s32 $0x138000, s2;
	s21 =	simm.s32 $0x17880;
	s19 =	simm.s32 $0x6  }
0x27: {  	s20 =	simm.s32 $0x15880;
	s22 =	simm.s32 $0x1;
	s23 =	simm.s32 $0x3  }
0x28: {  	v62 =	vimm.f32 $0.0e+00;
	s24 =	simm.s32 $0x1BC80;
	s25 =	simm.s32 $0x1BF00;
	[dreg:$0x1e] =	wrdreg s10  }
.LBB2_1:
0x29: {  	[dreg:$0x1f] =	wrdreg s3  }
0x2a: {  	s0 =	simm.s32 $0x0;
	s26 =	rddreg [dreg:$0x4];
	s4 =	simm.s32 $0x1E680  }
0x2b: {  	[tilespmem:s4], [sflag:$0x9] =	stream.linear.gather [hbm4b:s26+s0], $0x80, $0x38;
	[tilespmem:$0x1E700] =	vst v63  }
0x2c: {  	_ =	swait.ge [sflag:s12], $0x80  }
0x2d: {  	[sflag:s12] =	ssyncset.done $0x0  }
0x2e: {  	s0 =	simm.s32 $0x0;
	[sflag:s12] =	ssyncadd.s32 $0xFFFFFF80  }
.LBB2_2:
0x2f: {  	p1 =	sne.s32 s0, $0x9C00  }
.Ltmp0:
0x30: {  	_ = 	snop;
	(pc) =	sbr.rel @p1 .LBB2_2-.Ltmp0, $3  }
0x31: {  	_ =	sdelay $0x1  }
0x32: {  	s3 =	sshra.s32 s0, $0x2  }
0x33: {  	s0 =	sadd.s32 $0x40, s0;
	[tilespmem:s3+$0x1BF00] =	vst v62  }
0x34: {  	s0 =	simm.s32 $0x0;
	s3 =	simm.s32 $0x200  }
.LBB2_4:
0x35: {  	p1 =	sne.s32 s3, $0x7E00;
	[tilespmem:s0+$0x138F0] =	vst v62  }
0x36: {  	[tilespmem:s0+$0x13880] =	vst v62  }
0x37: {  	[tilespmem:s0+$0x13890] =	vst v62  }
.Ltmp1:
0x38: {  	[tilespmem:s0+$0x138A0] =	vst v62;
	(pc) =	sbr.rel @p1 .LBB2_4-.Ltmp1, $4  }
0x39: {  	[tilespmem:s0+$0x138B0] =	vst v62  }
0x3a: {  	[tilespmem:s0+$0x138C0] =	vst v62  }
0x3b: {  	[tilespmem:s0+$0x138D0] =	vst v62  }
0x3c: {  	[tilespmem:s0+$0x138E0] =	vst v62;
	s0 =	sshra.s32 s3, $0x2;
	s3 =	sadd.s32 $0x200, s3  }
0x3d: {  	[tilespmem:s0+$0x138F0] =	vst v62  }
0x3e: {  	[tilespmem:s0+$0x13880] =	vst v62  }
0x3f: {  	[tilespmem:s0+$0x13890] =	vst v62  }
0x40: {  	[tilespmem:s0+$0x138A0] =	vst v62  }
0x41: {  	[tilespmem:s0+$0x138B0] =	vst v62  }
0x42: {  	[tilespmem:s0+$0x138C0] =	vst v62  }
0x43: {  	[tilespmem:s0+$0x138D0] =	vst v62  }
0x44: {  	[tilespmem:s0+$0x138E0] =	vst v62;
	s3 =	simm.s32 $0x13880  }
0x45: {  	[spmem:s16] =	stream.linear.scatter [tilespmem:s3], [sflag:$0x9], $0x2000, $0x38;
	[tilespmem:$0x1E700] =	vst v63  }
0x46: {  	_ =	swait.ge [sflag:s12], $0x2000  }
0x47: {  	[sflag:s12] =	ssyncset.done $0x0  }
0x48: {  	s15 =	rddreg [dreg:$0x15];
	[sflag:s12] =	ssyncadd.s32 $0xFFFFE000  }
0x49: {  	[spmem:s15] =	stream.linear.scatter [tilespmem:s3], [sflag:$0x9], $0x2000, $0x38;
	[tilespmem:$0x1E700] =	vst v63  }
0x4a: {  	_ =	swait.ge [sflag:s12], $0x2000  }
0x4b: {  	[sflag:s12] =	ssyncset.done $0x0  }
0x4c: {  	s16 =	rddreg [dreg:$0x16];
	[sflag:s12] =	ssyncadd.s32 $0xFFFFE000  }
0x4d: {  	[spmem:s16] =	stream.linear.scatter [tilespmem:s3], [sflag:$0x9], $0x2000, $0x38;
	[tilespmem:$0x1E700] =	vst v63  }
0x4e: {  	_ =	swait.ge [sflag:s12], $0x2000  }
0x4f: {  	[sflag:s12] =	ssyncset.done $0x0  }
0x50: {  	s17 =	rddreg [dreg:$0x17];
	[sflag:s12] =	ssyncadd.s32 $0xFFFFE000  }
0x51: {  	[spmem:s17] =	stream.linear.scatter [tilespmem:s3], [sflag:$0x9], $0x2000, $0x38;
	[tilespmem:$0x1E700] =	vst v63  }
0x52: {  	_ =	swait.ge [sflag:s12], $0x2000  }
0x53: {  	[sflag:s12] =	ssyncset.done $0x0  }
0x54: {  	s18 =	rddreg [dreg:$0x18];
	[sflag:s12] =	ssyncadd.s32 $0xFFFFE000  }
0x55: {  	[spmem:s18] =	stream.linear.scatter [tilespmem:s3], [sflag:$0x9], $0x2000, $0x38;
	[tilespmem:$0x1E700] =	vst v63  }
0x56: {  	_ =	swait.ge [sflag:s12], $0x2000  }
0x57: {  	[sflag:s12] =	ssyncset.done $0x0  }
0x58: {  	s26 =	rddreg [dreg:$0x19];
	[sflag:s12] =	ssyncadd.s32 $0xFFFFE000  }
0x59: {  	[spmem:s26] =	stream.linear.scatter [tilespmem:s3], [sflag:$0x9], $0x2000, $0x38;
	[tilespmem:$0x1E700] =	vst v63  }
0x5a: {  	_ =	swait.ge [sflag:s12], $0x2000  }
0x5b: {  	[sflag:s12] =	ssyncset.done $0x0  }
0x5c: {  	s4 =	rddreg [dreg:$0x1a];
	[sflag:s12] =	ssyncadd.s32 $0xFFFFE000  }
0x5d: {  	[spmem:s4] =	stream.linear.scatter [tilespmem:s3], [sflag:$0x9], $0x2000, $0x38;
	[tilespmem:$0x1E700] =	vst v63  }
0x5e: {  	_ =	swait.ge [sflag:s12], $0x2000  }
0x5f: {  	[sflag:s12] =	ssyncset.done $0x0  }
0x60: {  	s11 =	rddreg [dreg:$0x1b];
	[sflag:s12] =	ssyncadd.s32 $0xFFFFE000  }
0x61: {  	[spmem:s11] =	stream.linear.scatter [tilespmem:s3], [sflag:$0x9], $0x2000, $0x38;
	[tilespmem:$0x1E700] =	vst v63  }
0x62: {  	_ =	swait.ge [sflag:s12], $0x2000  }
0x63: {  	[sflag:s12] =	ssyncset.done $0x0  }
0x64: {  	s13 =	rddreg [dreg:$0x1c];
	[sflag:s12] =	ssyncadd.s32 $0xFFFFE000  }
0x65: {  	[spmem:s13] =	stream.linear.scatter [tilespmem:s3], [sflag:$0x9], $0x2000, $0x38;
	[tilespmem:$0x1E700] =	vst v63  }
0x66: {  	_ =	swait.ge [sflag:s12], $0x2000  }
0x67: {  	[sflag:s12] =	ssyncset.done $0x0  }
0x68: {  	s15 =	rddreg [dreg:$0x1d];
	[sflag:s12] =	ssyncadd.s32 $0xFFFFE000  }
0x69: {  	[spmem:s15] =	stream.linear.scatter [tilespmem:s3], [sflag:$0x9], $0x1800, $0x38;
	[tilespmem:$0x1E700] =	vst v63  }
0x6a: {  	_ =	swait.ge [sflag:s12], $0x1800  }
0x6b: {  	[sflag:s12] =	ssyncset.done $0x0  }
0x6c: {  	s0 =	simm.s32 @!p0 $0x13880;
	[sflag:s12] =	ssyncadd.s32 $0xFFFFE800  }
0x6d: {  	[spmem:s10] =	stream.linear.scatter @!p0 [tilespmem:s0], [sflag:$0x9], $0x800, $0x38;
	[tilespmem:$0x1E700] =	vst v63  }
0x6e: {  	s0 =	simm.s32 @!p0 $0x9  }
0x6f: {  	_ =	swait.ge @!p0 [sflag:s0], $0x800  }
0x70: {  	[sflag:s0] =	ssyncset.done @!p0 $0x0  }
0x71: {  	[sflag:s0] =	ssyncadd.s32 @!p0 $0xFFFFF800  }
0x72: {  	[bflag:$0x0] =	sbarrier.arrive $0xFFFF  }
0x73: {  	v5 =	vld [tilespmem:$0x1E680]  }
0x74: {  	v6 =	vld [tilespmem:$0x1E690]  }
0x75: {  	v7 =	vld [tilespmem:$0x1E6A0]  }
0x76: {  	v8 =	vld [tilespmem:$0x1E6B0]  }
0x77: {  	v9 =	vld [tilespmem:$0x1E6C0]  }
0x78: {  	v4 =	vld [tilespmem:$0x1E6D0]  }
0x79: {  	s17 =	simm.s32 $0x1B880;
	s4 =	simm.s32 $0x0;
	v3 =	vld [tilespmem:$0x1E6E0];
	s16 =	rddreg [dreg:$0x6]  }
0x7a: {  	v2 =	vld [tilespmem:$0x1E6F0];
	[tilespmem:s17], [sflag:$0x9] =	stream.linear.gather [hbm4b:s16+s4], $0x40, $0x38  }
0x7b: {  	_ =	swait.ge [sflag:s12], $0x40  }
0x7c: {  	[sflag:s12] =	ssyncset.done $0x0  }
0x7d: {  	s11 =	simm.s32 $0x1B980;
	s18 =	rddreg [dreg:$0x7];
	[sflag:s12] =	ssyncadd.s32 $0xFFFFFFC0  }
0x7e: {  	[tilespmem:s11], [sflag:$0x9] =	stream.linear.gather [hbm4b:s18+s4], $0x40, $0x38;
	[tilespmem:$0x1E700] =	vst v63  }
0x7f: {  	_ =	swait.ge [sflag:s12], $0x40  }
0x80: {  	[sflag:s12] =	ssyncset.done $0x0  }
0x81: {  	s13 =	simm.s32 $0x1BA80;
	s26 =	rddreg [dreg:$0x8];
	[sflag:s12] =	ssyncadd.s32 $0xFFFFFFC0  }
0x82: {  	[tilespmem:s13], [sflag:$0x9] =	stream.linear.gather [hbm4b:s26+s4], $0x40, $0x38;
	[tilespmem:$0x1E700] =	vst v63  }
0x83: {  	_ =	swait.ge [sflag:s12], $0x40  }
0x84: {  	[sflag:s12] =	ssyncset.done $0x0  }
0x85: {  	[sflag:s12] =	ssyncadd.s32 $0xFFFFFFC0  }
0x86: {  	[tilespmem:s3], [sflag:$0x1] =	stream.indirect.gather [hbm4b:s1+s14], $0x80, s17, s14, $0xb8;
	[tilespmem:$0x1E700] =	vst v63  }
0x87: {  	_ = 	snop  }
0x88: {  	[tilespmem:s21], [sflag:$0x3] =	stream.indirect.gather [hbm4b:s5+s14], $0x80, s11, s14, $0xb8;
	[tilespmem:$0x1E700] =	vst v63  }
0x89: {  	s16 =	simm.s32 $0x1B900;
	s15 =	rddreg [dreg:$0x9]  }
0x8a: {  	[tilespmem:s16], [sflag:$0x6] =	stream.linear.gather [hbm4b:s15+s4], $0x40, $0x38;
	[tilespmem:$0x1E700] =	vst v63  }
0x8b: {  	s18 =	simm.s32 $0x1BA00;
	s17 =	rddreg [dreg:$0xa]  }
0x8c: {  	[tilespmem:s18], [sflag:$0x6] =	stream.linear.gather [hbm4b:s17+s4], $0x40, $0x38;
	[tilespmem:$0x1E700] =	vst v63  }
0x8d: {  	s26 =	simm.s32 $0x1BB00;
	s21 =	rddreg [dreg:$0xb];
	s11 =	simm.s32 $0x0  }
0x8e: {  	[tilespmem:s26], [sflag:$0x6] =	stream.linear.gather [hbm4b:s21+s4], $0x40, $0x38;
	[tilespmem:$0x1E700] =	vst v63  }
.LBB2_6:
0x8f: {  	p1 =	seq.s32 s11, $0x0  }
0x90: {  	s0 =	simm.s32 @!p1 $0x8  }
0x91: {  	_ =	swait.ge @!p1 [sflag:s0], $0x2000  }
0x92: {  	[sflag:s0] =	ssyncset.done @!p1 $0x0  }
0x93: {  	[sflag:s0] =	ssyncadd.s32 @!p1 $0xFFFFE000  }
0x94: {  	_ =	swait.ge [sflag:s19], $0x40  }
0x95: {  	[sflag:s19] =	ssyncset.done $0x0  }
0x96: {  	[sflag:s19] =	ssyncadd.s32 $0xFFFFFFC0  }
0x97: {  	_ =	swait.ge [sflag:s19], $0x40  }
0x98: {  	[sflag:s19] =	ssyncset.done $0x0  }
0x99: {  	[sflag:s19] =	ssyncadd.s32 $0xFFFFFFC0  }
0x9a: {  	_ =	swait.ge [sflag:s19], $0x40  }
0x9b: {  	[sflag:s19] =	ssyncset.done $0x0  }
0x9c: {  	s17 =	simm.s32 $0x1B900;
	[sflag:s19] =	ssyncadd.s32 $0xFFFFFFC0  }
0x9d: {  	[tilespmem:s20], [sflag:$0x2] =	stream.indirect.gather [hbm4b:s1+s14], $0x80, s17, s14, $0xb8;
	[tilespmem:$0x1E700] =	vst v63  }
0x9e: {  	s18 =	simm.s32 $0x1BA00;
	s3 =	simm.s32 $0x19880  }
0x9f: {  	[tilespmem:s3], [sflag:$0x4] =	stream.indirect.gather [hbm4b:s5+s14], $0x80, s18, s14, $0xb8;
	[tilespmem:$0x1E700] =	vst v63  }
0xa0: {  	_ =	swait.ge [sflag:s22], $0x2000  }
0xa1: {  	[sflag:s22] =	ssyncset.done $0x0  }
0xa2: {  	[sflag:s22] =	ssyncadd.s32 $0xFFFFE000  }
0xa3: {  	_ =	swait.ge [sflag:s23], $0x2000  }
0xa4: {  	[sflag:s23] =	ssyncset.done $0x0  }
0xa5: {  	[sflag:s23] =	ssyncadd.s32 $0xFFFFE000  }
0xa6: {  	v10 =	vld [tilespmem:$0x1B880]  }
0xa7: {  	v11 =	vld [tilespmem:$0x1BA80]  }
0xa8: {  	v12 =	vld [tilespmem:$0x1B890]  }
0xa9: {  	v13 =	vld [tilespmem:$0x1BA90]  }
0xaa: {  	v14 =	vld [tilespmem:$0x1B8A0]  }
0xab: {  	v55 =	vld [tilespmem:$0x1BAB0];
	[tilespmem:$0x1BB80] =	vst v10  }
0xac: {  	v10 =	vld [tilespmem:$0x1BAA0];
	[tilespmem:$0x1BC80] =	vst v11  }
0xad: {  	v11 =	vld [tilespmem:$0x1B8B0];
	[tilespmem:$0x1BB90] =	vst v12  }
0xae: {  	[tilespmem:$0x1BC90] =	vst v13  }
0xaf: {  	s10 =	sshll.u32 s11, $0x7;
	p1 =	seq.s32 s11, $0x4D;
	s0 =	rddreg [dreg:$0xc];
	[tilespmem:$0x1BBA0] =	vst v14  }
0xb0: {  	s0 =	sadd.s32 @!p1 s10, s0;
	[tilespmem:$0x1BCB0] =	vst v55  }
0xb1: {  	s0 =	sshrl.u32 @!p1 s0, $0x3;
	[tilespmem:$0x1BCA0] =	vst v10  }
0xb2: {  	s13 =	simm.s32 @!p1 $0x0;
	s15 =	simm.s32 @!p1 $0x1B880;
	s3 =	sadd.s32 @!p1 s6, s0;
	[tilespmem:$0x1BBB0] =	vst v11  }
0xb3: {  	[tilespmem:s15], [sflag:$0x5] =	stream.linear.gather @!p1 [hbm4b:s3+s13], $0x40, $0x38;
	[tilespmem:$0x1E700] =	vst v63  }
0xb4: {  	s3 =	sadd.s32 @!p1 s7, s0;
	s15 =	simm.s32 @!p1 $0x1B980  }
0xb5: {  	[tilespmem:s15], [sflag:$0x5] =	stream.linear.gather @!p1 [hbm4b:s3+s13], $0x40, $0x38;
	[tilespmem:$0x1E700] =	vst v63  }
0xb6: {  	s16 =	simm.s32 $0x0;
	s0 =	sadd.s32 @!p1 s8, s0;
	s3 =	simm.s32 @!p1 $0x1BA80  }
0xb7: {  	v10 =	vmov s4;
	[tilespmem:s3], [sflag:$0x5] =	stream.linear.gather @!p1 [hbm4b:s0+s13], $0x40, $0x38;
	[tilespmem:$0x1E700] =	vst v63  }
0xb8: {  	v10 =	vand.u32 $0xFFFFFFF8, v10;
	v16 =	vld [tilespmem:s16+$0x13880]  }
0xb9: {  	s26 =	sor.u32 $0x6, s4;
	v57 =	vbroadcast v10, $0x0;
	v17 =	vld [tilespmem:s16+$0x17880]  }
0xba: {  	s3 =	sor.u32 $0x7, s4;
	s0 =	sshll.u32 s26, $0x7;
	v19 =	vld [tilespmem:s16+$0x13890]  }
0xbb: {  	s13 =	sor.u32 $0x2, s4;
	v11 =	vmov s3;
	v0 =	vld [tilespmem:s0+$0x178A0]  }
0xbc: {  	s17 =	sor.u32 $0x3, s4;
	v56 =	vmov s13;
	v20 =	vld [tilespmem:s16+$0x17890]  }
0xbd: {  	s21 =	sor.u32 $0x4, s4;
	v58 =	vmov s17;
	v22 =	vld [tilespmem:s16+$0x138A0];
	v10 =	vand.u32 $0xFFFFFFFA, v56  }
0xbe: {  	v60 =	vmov s21;
	v23 =	vld [tilespmem:s16+$0x178A0];
	v59 =	vbroadcast v10, $0x0;
	v10 =	vand.u32 $0xFFFFFFFB, v58  }
0xbf: {  	v25 =	vld.idx.msk [tilespmem:v57+s24+$0x0], $0xffff;
	v15 =	vbroadcast v10, $0x0;
	v10 =	vand.u32 $0xFFFFFFFC, v60  }
0xc0: {  	v18 =	vbroadcast v10, $0x0;
	v10 =	vld.idx.msk [tilespmem:v11+s24+$0x0], $0xffff;
	[tilespmem:$0x1FFF0] =	vst v0  }
0xc1: {  	v26 =	vld [tilespmem:s16+$0x138B0]  }
0xc2: {  	v27 =	vld [tilespmem:s16+$0x178B0]  }
0xc3: {  	v28 =	vld [tilespmem:s16+$0x138C0]  }
0xc4: {  	v29 =	vld [tilespmem:s16+$0x178C0]  }
0xc5: {  	v30 =	vld [tilespmem:s16+$0x138D0]  }
0xc6: {  	v31 =	vld [tilespmem:s16+$0x178D0]  }
0xc7: {  	v32 =	vld [tilespmem:s16+$0x138E0]  }
0xc8: {  	v33 =	vld [tilespmem:s16+$0x178E0]  }
0xc9: {  	v34 =	vld [tilespmem:s16+$0x138F0]  }
0xca: {  	v35 =	vld [tilespmem:s16+$0x178F0]  }
0xcb: {  	v36 =	vld [tilespmem:s0+$0x138B0]  }
0xcc: {  	v37 =	vld [tilespmem:s0+$0x178B0]  }
0xcd: {  	v38 =	vld [tilespmem:s0+$0x138C0]  }
0xce: {  	s18 =	sor.u32 $0x5, s4;
	v39 =	vld [tilespmem:s0+$0x178C0]  }
0xcf: {  	v61 =	vmov s18;
	v40 =	vld [tilespmem:s0+$0x138D0]  }
0xd0: {  	v12 =	vand.u32 $0xFFFFFFFD, v61;
	v41 =	vld [tilespmem:s0+$0x178D0]  }
0xd1: {  	v11 =	vbroadcast v12, $0x0;
	v42 =	vld [tilespmem:s0+$0x138F0]  }
0xd2: {  	v43 =	vld [tilespmem:s0+$0x178F0]  }
0xd3: {  	v44 =	vld [tilespmem:s0+$0x13880]  }
0xd4: {  	s15 =	sshll.u32 s21, $0x7;
	v45 =	vld [tilespmem:s0+$0x17880]  }
0xd5: {  	v46 =	vld [tilespmem:s15+$0x138C0]  }
0xd6: {  	v21 =	vmov s26;
	s26 =	sor.u32 $0x1, s4;
	v47 =	vld [tilespmem:s15+$0x178C0]  }
0xd7: {  	v63 =	vand.u32 $0xFFFFFFFE, v21;
	v21 =	vld.idx.msk [tilespmem:v11+s24+$0x0], $0xffff;
	v11 =	vmov s26  }
0xd8: {  	v12 =	vbroadcast v63, $0x0;
	v48 =	vld [tilespmem:s15+$0x138D0];
	v11 =	vand.u32 $0xFFFFFFF9, v11  }
0xd9: {  	s21 =	sshll.u32 s17, $0x7;
	v49 =	vld [tilespmem:s15+$0x178D0];
	v11 =	vbroadcast v11, $0x0  }
0xda: {  	v0 =	vld [tilespmem:s21+$0x178F0]  }
0xdb: {  	v24 =	vld.idx.msk [tilespmem:v59+s24+$0x0], $0xffff  }
0xdc: {  	v15 =	vld.idx.msk [tilespmem:v15+s24+$0x0], $0xffff  }
0xdd: {  	v14 =	vld.idx.msk [tilespmem:v18+s24+$0x0], $0xffff  }
0xde: {  	v12 =	vld.idx.msk [tilespmem:v12+s24+$0x0], $0xffff  }
0xdf: {  	s13 =	sshll.u32 s13, $0x7;
	v11 =	vld.idx.msk [tilespmem:v11+s24+$0x0], $0xffff;
	[tilespmem:$0x1FFD0] =	vst v0  }
0xe0: {  	v50 =	vld [tilespmem:s13+$0x13880]  }
0xe1: {  	v51 =	vld [tilespmem:s13+$0x17880]  }
0xe2: {  	v52 =	vld [tilespmem:s13+$0x13890]  }
0xe3: {  	v53 =	vld [tilespmem:s13+$0x17890]  }
0xe4: {  	v54 =	vld [tilespmem:s13+$0x138A0]  }
0xe5: {  	v55 =	vld [tilespmem:s13+$0x178A0]  }
0xe6: {  	v56 =	vld [tilespmem:s13+$0x138B0]  }
0xe7: {  	v0 =	vld [tilespmem:s13+$0x138D0]  }
0xe8: {  	v57 =	vld [tilespmem:s13+$0x178B0]  }
0xe9: {  	v58 =	vld [tilespmem:s13+$0x138C0]  }
0xea: {  	s18 =	sshll.u32 s18, $0x7;
	v59 =	vld [tilespmem:s13+$0x178C0]  }
0xeb: {  	v60 =	vld [tilespmem:s18+$0x13880]  }
0xec: {  	v61 =	vld [tilespmem:s18+$0x17880];
	[tilespmem:$0x1FF30] =	vst v0  }
0xed: {  	v0 =	vld [tilespmem:s18+$0x13890];
	_ =	sdelay $0x4  }
0xee: {  	v63 =	vld [tilespmem:s13+$0x178D0];
	[tilespmem:$0x1FF40] =	vst v0  }
0xef: {  	v0 =	vld [tilespmem:s18+$0x17890];
	_ =	sdelay $0x4  }
0xf0: {  	[tilespmem:$0x1FF50] =	vst v0  }
0xf1: {  	v0 =	vld [tilespmem:s18+$0x178A0];
	_ =	sdelay $0x4  }
0xf2: {  	v18 =	vld [tilespmem:s18+$0x138A0];
	[tilespmem:$0x1FF60] =	vst v0  }
0xf3: {  	v0 =	vld [tilespmem:s13+$0x138E0];
	_ =	sdelay $0x4  }
0xf4: {  	[tilespmem:$0x1FF80] =	vst v0  }
0xf5: {  	v1 =	vld [tilespmem:s18+$0x138B0];
	_ =	sdelay $0x4  }
0xf6: {  	[tilespmem:$0x1FF70] =	vst v1  }
0xf7: {  	v19 =	vadd.f32 v20, v19;
	v20 =	vld [tilespmem:s13+$0x178E0];
	_ =	sdelay $0x4  }
0xf8: {  	v22 =	vadd.f32 v23, v22;
	v23 =	vld [tilespmem:s18+$0x178B0];
	[tilespmem:$0x1FF90] =	vst v20  }
0xf9: {  	v13 =	vld [tilespmem:s18+$0x138C0];
	_ =	sdelay $0x1  }
0xfa: {  	v0 =	vmul.f32 v25, v6;
	_ =	sdelay $0x1  }
0xfb: {  	v0 =	vadd.f32 v19, v0  }
0xfc: {  	[tilespmem:$0x1FFA0] =	vst v13  }
0xfd: {  	v13 =	vmax.f32 v0, $0.0e+00;
	v0 =	vld [tilespmem:s18+$0x178C0];
	_ =	sdelay $0x4  }
0xfe: {  	[tilespmem:$0x1FFB0] =	vst v0  }
0xff: {  	v0 =	vld [tilespmem:s18+$0x138D0];
	_ =	sdelay $0x1  }
0x100: {  	v16 =	vadd.f32 v17, v16;
	v17 =	vmul.f32 v25, v5;
	_ =	sdelay $0x1  }
0x101: {  	v16 =	vadd.f32 v16, v17  }
0x102: {  	v35 =	vadd.f32 v35, v34;
	v34 =	vmul.f32 v14, v3;
	v1 =	vmul.f32 v25, v7;
	[tilespmem:$0x1FFC0] =	vst v0  }
0x103: {  	v28 =	vadd.f32 v29, v28;
	v29 =	vmul.f32 v25, v9;
	v32 =	vadd.f32 v33, v32;
	v33 =	vld [tilespmem:s13+$0x138F0]  }
0x104: {  	v30 =	vadd.f32 v31, v30;
	v31 =	vmul.f32 v25, v4;
	v1 =	vadd.f32 v22, v1;
	v22 =	vld [tilespmem:s13+$0x178F0];
	[tilespmem:$0x1FFE0] =	vst v34  }
0x105: {  	v29 =	vadd.f32 v28, v29;
	v20 =	vadd.f32 v27, v26;
	v26 =	vmul.f32 v25, v8;
	v28 =	vld [tilespmem:s18+$0x178D0]  }
0x106: {  	v40 =	vadd.f32 v41, v40;
	v30 =	vadd.f32 v30, v31;
	v31 =	vld [tilespmem:s18+$0x138E0]  }
0x107: {  	v26 =	vadd.f32 v20, v26;
	v20 =	vadd.f32 v37, v36;
	v0 =	vmul.f32 v25, v3;
	v37 =	vld [tilespmem:s18+$0x178E0]  }
0x108: {  	v43 =	vadd.f32 v43, v42;
	v48 =	vadd.f32 v49, v48;
	v41 =	vld [tilespmem:s18+$0x138F0]  }
0x109: {  	v58 =	vadd.f32 v59, v58;
	v19 =	vmul.f32 v12, v4;
	v0 =	vadd.f32 v32, v0;
	v32 =	vld [tilespmem:s18+$0x178F0]  }
0x10a: {  	v16 =	vmax.f32 v16, $0.0e+00;
	v60 =	vadd.f32 v61, v60;
	v36 =	vadd.f32 v39, v38;
	v38 =	vld [tilespmem:s21+$0x13880]  }
0x10b: {  	v40 =	vadd.f32 v40, v19;
	v27 =	vmul.f32 v12, v8;
	v39 =	vadd.f32 v45, v44;
	v44 =	vld [tilespmem:s21+$0x17880]  }
0x10c: {  	v17 =	vmul.f32 v12, v9;
	v19 =	vadd.f32 v51, v50;
	v45 =	vadd.f32 v47, v46;
	v47 =	vld [tilespmem:s21+$0x13890]  }
0x10d: {  	v46 =	vadd.f32 v53, v52;
	v34 =	vadd.f32 v20, v27;
	v27 =	vmul.f32 v24, v6;
	v51 =	vld [tilespmem:s21+$0x17890]  }
0x10e: {  	v1 =	vmax.f32 v1, $0.0e+00;
	v52 =	vadd.f32 v55, v54;
	v25 =	vmul.f32 v25, v2;
	v49 =	vld [tilespmem:s21+$0x178A0]  }
0x10f: {  	v42 =	vadd.f32 v36, v17;
	v36 =	vmul.f32 v12, v5;
	v53 =	vld [tilespmem:s21+$0x138B0];
	v50 =	vadd.f32 v46, v27  }
0x110: {  	v20 =	vmul.f32 v12, v2;
	v35 =	vadd.f32 v35, v25;
	v25 =	vmul.f32 v14, v9;
	v59 =	vld [tilespmem:s21+$0x138D0];
	[tilespmem:s16+$0x13880] =	vst v16  }
0x111: {  	v17 =	vmul.f32 v14, v4;
	v36 =	vadd.f32 v39, v36;
	v16 =	vmax.f32 v50, $0.0e+00;
	v50 =	vld [tilespmem:$0x1FF30]  }
0x112: {  	v43 =	vadd.f32 v43, v20;
	v20 =	vmul.f32 v24, v5;
	v46 =	vld [tilespmem:s21+$0x138C0];
	v39 =	vadd.f32 v45, v25  }
0x113: {  	v45 =	vld [tilespmem:s21+$0x138A0];
	v25 =	vmax.f32 v30, $0.0e+00;
	v30 =	vadd.f32 v48, v17;
	v17 =	vmul.f32 v24, v7  }
0x114: {  	v61 =	vmul.f32 v21, v5;
	v48 =	vadd.f32 v19, v20;
	v19 =	vadd.f32 v57, v56;
	v57 =	vld [tilespmem:s21+$0x178B0];
	[tilespmem:s16+$0x138A0] =	vst v1  }
0x115: {  	v54 =	vadd.f32 v52, v17;
	v17 =	vld [tilespmem:$0x1FF40]  }
0x116: {  	v1 =	vadd.f32 v60, v61;
	v61 =	vld [tilespmem:$0x1FF50];
	v50 =	vadd.f32 v63, v50;
	v63 =	vmul.f32 v24, v4  }
0x117: {  	v27 =	vmul.f32 v24, v9;
	v56 =	vld [tilespmem:s21+$0x178C0];
	[tilespmem:s16+$0x13890] =	vst v13  }
0x118: {  	v13 =	vadd.f32 v50, v63;
	v63 =	vld [tilespmem:$0x1FF60]  }
0x119: {  	v20 =	vmul.f32 v24, v8;
	v58 =	vadd.f32 v58, v27;
	v27 =	vld [tilespmem:s21+$0x138E0]  }
0x11a: {  	v26 =	vmax.f32 v26, $0.0e+00;
	v22 =	vadd.f32 v22, v33;
	v33 =	vld [tilespmem:s15+$0x138A0]  }
0x11b: {  	v60 =	vmul.f32 v21, v6;
	v55 =	vadd.f32 v19, v20;
	v19 =	vld [tilespmem:s21+$0x178D0];
	v61 =	vadd.f32 v61, v17  }
0x11c: {  	v29 =	vmax.f32 v29, $0.0e+00;
	v20 =	vld [tilespmem:s21+$0x178E0];
	[tilespmem:s16+$0x138B0] =	vst v26  }
0x11d: {  	v50 =	vmul.f32 v21, v7;
	v26 =	vadd.f32 v61, v60;
	v61 =	vld [tilespmem:$0x1FF70];
	[tilespmem:s16+$0x138C0] =	vst v29;
	v63 =	vadd.f32 v63, v18  }
0x11e: {  	v17 =	vld [tilespmem:$0x1FF80]  }
0x11f: {  	v29 =	vadd.f32 v63, v50;
	v63 =	vld [tilespmem:$0x1FF90]  }
0x120: {  	v44 =	vadd.f32 v44, v38;
	v38 =	vld [tilespmem:s15+$0x138F0]  }
0x121: {  	v32 =	vadd.f32 v32, v41;
	v41 =	vld [tilespmem:s15+$0x178F0]  }
0x122: {  	v20 =	vadd.f32 v20, v27;
	v27 =	vld [tilespmem:s0+$0x13890]  }
0x123: {  	v0 =	vmax.f32 v0, $0.0e+00;
	v60 =	vmul.f32 v21, v8;
	v18 =	vld [tilespmem:s21+$0x138F0];
	v23 =	vadd.f32 v23, v61;
	[tilespmem:s16+$0x138D0] =	vst v25  }
0x124: {  	v61 =	vld [tilespmem:s15+$0x13880];
	[tilespmem:s16+$0x138E0] =	vst v0;
	v50 =	vadd.f32 v63, v17;
	v63 =	vmul.f32 v24, v3  }
0x125: {  	v35 =	vmax.f32 v35, $0.0e+00;
	v23 =	vadd.f32 v23, v60;
	v60 =	vld [tilespmem:$0x1FFB0]  }
0x126: {  	v48 =	vmax.f32 v48, $0.0e+00;
	v0 =	vadd.f32 v50, v63;
	v50 =	vld [tilespmem:$0x1FFA0];
	[tilespmem:s16+$0x138F0] =	vst v35  }
0x127: {  	v17 =	vld [tilespmem:s15+$0x17880];
	[tilespmem:s13+$0x13880] =	vst v48  }
0x128: {  	v25 =	vmax.f32 v54, $0.0e+00;
	v35 =	vmax.f32 v58, $0.0e+00;
	v58 =	vld [tilespmem:$0x1FFC0];
	[tilespmem:s13+$0x13890] =	vst v16  }
0x129: {  	v1 =	vmax.f32 v1, $0.0e+00;
	v54 =	vmax.f32 v55, $0.0e+00;
	v55 =	vld [tilespmem:s15+$0x13890];
	v24 =	vmul.f32 v24, v2;
	[tilespmem:s13+$0x138A0] =	vst v25  }
0x12a: {  	v13 =	vmax.f32 v13, $0.0e+00;
	v26 =	vmax.f32 v26, $0.0e+00;
	v29 =	vmax.f32 v29, $0.0e+00;
	v63 =	vld [tilespmem:s15+$0x17890];
	[tilespmem:s13+$0x138B0] =	vst v54  }
0x12b: {  	v16 =	vadd.f32 v22, v24;
	v24 =	vld [tilespmem:s15+$0x138E0];
	[tilespmem:s18+$0x13880] =	vst v1;
	v1 =	vadd.f32 v51, v47;
	v54 =	vmul.f32 v15, v6  }
0x12c: {  	s26 =	sshll.u32 s26, $0x7;
	v23 =	vmax.f32 v23, $0.0e+00;
	[tilespmem:s13+$0x138C0] =	vst v35;
	v35 =	vld [tilespmem:s15+$0x178E0];
	v50 =	vadd.f32 v60, v50;
	v60 =	vmul.f32 v21, v9  }
0x12d: {  	[tilespmem:s13+$0x138D0] =	vst v13;
	v47 =	vld [tilespmem:s26+$0x17890];
	v0 =	vmax.f32 v0, $0.0e+00;
	v1 =	vadd.f32 v1, v54;
	v17 =	vadd.f32 v17, v61  }
0x12e: {  	[tilespmem:s18+$0x13890] =	vst v26;
	v26 =	vld [tilespmem:s26+$0x138B0];
	v61 =	vmul.f32 v14, v5;
	v28 =	vadd.f32 v28, v58;
	v48 =	vadd.f32 v50, v60  }
0x12f: {  	[tilespmem:s18+$0x138A0] =	vst v29;
	v29 =	vld [tilespmem:s26+$0x138C0];
	v50 =	vmul.f32 v21, v4;
	v60 =	vadd.f32 v37, v31;
	v37 =	vmul.f32 v21, v3  }
0x130: {  	s16 =	sshll.u32 s3, $0x7;
	[tilespmem:s18+$0x138B0] =	vst v23;
	v16 =	vmax.f32 v16, $0.0e+00;
	v54 =	vadd.f32 v56, v46;
	v46 =	vld [tilespmem:s26+$0x138A0];
	v17 =	vadd.f32 v17, v61  }
0x131: {  	[tilespmem:s13+$0x138E0] =	vst v0;
	v61 =	vld [tilespmem:s16+$0x13880];
	v25 =	vadd.f32 v28, v50;
	v22 =	vadd.f32 v60, v37;
	v60 =	vmul.f32 v21, v2  }
0x132: {  	v52 =	vmul.f32 v11, v5;
	v30 =	vmax.f32 v30, $0.0e+00;
	[tilespmem:s13+$0x138F0] =	vst v16;
	v58 =	vld [tilespmem:s15+$0x178A0];
	v0 =	vmax.f32 v48, $0.0e+00  }
0x133: {  	v19 =	vadd.f32 v19, v59;
	v31 =	vld [tilespmem:s15+$0x138B0];
	[tilespmem:s18+$0x138C0] =	vst v0;
	v25 =	vmax.f32 v25, $0.0e+00;
	v13 =	vadd.f32 v32, v60  }
0x134: {  	v56 =	vmul.f32 v15, v4;
	v1 =	vmax.f32 v1, $0.0e+00;
	v28 =	vld [tilespmem:s15+$0x178B0];
	v16 =	vmax.f32 v22, $0.0e+00;
	[tilespmem:s18+$0x138D0] =	vst v25  }
0x135: {  	v50 =	vmul.f32 v15, v5;
	v48 =	vadd.f32 v49, v45;
	v45 =	vld [tilespmem:s26+$0x13890];
	[tilespmem:s18+$0x138E0] =	vst v16;
	v13 =	vmax.f32 v13, $0.0e+00  }
0x136: {  	v59 =	vadd.f32 v19, v56;
	v24 =	vadd.f32 v35, v24;
	v49 =	vmul.f32 v15, v8;
	v22 =	vld [tilespmem:s26+$0x13880];
	[tilespmem:s18+$0x138F0] =	vst v13  }
0x137: {  	v21 =	vadd.f32 v44, v50;
	v60 =	vmul.f32 v15, v7;
	v50 =	vadd.f32 v57, v53;
	v13 =	vld [tilespmem:$0x1FFD0]  }
0x138: {  	v37 =	vmul.f32 v14, v6;
	v44 =	vld [tilespmem:s26+$0x17880];
	v53 =	vmul.f32 v15, v9;
	v16 =	vmax.f32 v59, $0.0e+00  }
0x139: {  	v32 =	vld [tilespmem:s26+$0x178A0];
	v21 =	vmax.f32 v21, $0.0e+00;
	v51 =	vadd.f32 v48, v60;
	v0 =	vadd.f32 v50, v49  }
0x13a: {  	v25 =	vld [tilespmem:s26+$0x138D0];
	v57 =	vadd.f32 v54, v53;
	v60 =	vmul.f32 v15, v3;
	v15 =	vmul.f32 v15, v2;
	[tilespmem:s21+$0x13880] =	vst v21  }
0x13b: {  	v48 =	vadd.f32 v63, v55;
	v49 =	vmul.f32 v14, v7;
	v50 =	vadd.f32 v58, v33;
	v33 =	vld [tilespmem:s0+$0x138A0];
	[tilespmem:s21+$0x13890] =	vst v1  }
0x13c: {  	v54 =	vmax.f32 v34, $0.0e+00;
	v34 =	vld [tilespmem:s26+$0x138E0];
	v23 =	vmax.f32 v51, $0.0e+00;
	[tilespmem:s21+$0x138D0] =	vst v16;
	v13 =	vadd.f32 v13, v18  }
0x13d: {  	v55 =	vmax.f32 v42, $0.0e+00;
	v63 =	vld [tilespmem:s16+$0x17880];
	v0 =	vmax.f32 v0, $0.0e+00;
	v19 =	vadd.f32 v20, v60;
	[tilespmem:s21+$0x138A0] =	vst v23  }
0x13e: {  	v42 =	vld [tilespmem:s16+$0x13890];
	v53 =	vadd.f32 v28, v31;
	[tilespmem:s21+$0x138B0] =	vst v0;
	v0 =	vmax.f32 v57, $0.0e+00;
	v1 =	vadd.f32 v13, v15  }
0x13f: {  	v28 =	vld [tilespmem:s0+$0x178E0];
	v59 =	vadd.f32 v47, v45;
	v47 =	vmax.f32 v40, $0.0e+00;
	[tilespmem:s21+$0x138C0] =	vst v0;
	v19 =	vmax.f32 v19, $0.0e+00  }
0x140: {  	v31 =	vld [tilespmem:s0+$0x138E0];
	v51 =	vmul.f32 v14, v8;
	v14 =	vmul.f32 v14, v2;
	[tilespmem:s21+$0x138E0] =	vst v19;
	v1 =	vmax.f32 v1, $0.0e+00  }
0x141: {  	v40 =	vld [tilespmem:s26+$0x178F0];
	v57 =	vadd.f32 v41, v38;
	v13 =	vadd.f32 v48, v37;
	[tilespmem:s21+$0x138F0] =	vst v1;
	v1 =	vmax.f32 v39, $0.0e+00  }
0x142: {  	v45 =	vmul.f32 v11, v8;
	v60 =	vmul.f32 v11, v6;
	v0 =	vadd.f32 v50, v49;
	v56 =	vld [tilespmem:$0x1FFE0];
	[tilespmem:s15+$0x138C0] =	vst v1  }
0x143: {  	v21 =	vld [tilespmem:s26+$0x178B0];
	v22 =	vadd.f32 v44, v22;
	v14 =	vadd.f32 v57, v14;
	v13 =	vmax.f32 v13, $0.0e+00;
	[tilespmem:s15+$0x138D0] =	vst v30  }
0x144: {  	v23 =	vld [tilespmem:s26+$0x178D0];
	v32 =	vadd.f32 v32, v46;
	v41 =	vmul.f32 v12, v6;
	v0 =	vmax.f32 v0, $0.0e+00;
	[tilespmem:s15+$0x13890] =	vst v13  }
0x145: {  	v20 =	vadd.f32 v53, v51;
	v50 =	vmax.f32 v36, $0.0e+00;
	v18 =	vld [tilespmem:s0+$0x17890];
	v14 =	vmax.f32 v14, $0.0e+00;
	[tilespmem:s15+$0x138A0] =	vst v0  }
0x146: {  	v46 =	vld [tilespmem:s16+$0x17890];
	v53 =	vmul.f32 v12, v7;
	v12 =	vmul.f32 v12, v3;
	v35 =	vadd.f32 v63, v61;
	[tilespmem:s15+$0x138F0] =	vst v14  }
0x147: {  	v49 =	vld [tilespmem:s16+$0x138A0];
	v28 =	vadd.f32 v28, v31;
	v1 =	vmax.f32 v17, $0.0e+00;
	[tilespmem:s0+$0x138B0] =	vst v54;
	v24 =	vadd.f32 v24, v56  }
0x148: {  	v57 =	vmul.f32 v11, v9;
	v63 =	vmul.f32 v10, v6;
	v15 =	vld [tilespmem:s26+$0x178C0];
	[tilespmem:s15+$0x13880] =	vst v1;
	v1 =	vmax.f32 v20, $0.0e+00  }
0x149: {  	v44 =	vadd.f32 v21, v26;
	v12 =	vadd.f32 v28, v12;
	v30 =	vld [tilespmem:s26+$0x178E0];
	[tilespmem:s15+$0x138B0] =	vst v1;
	v58 =	vmax.f32 v24, $0.0e+00  }
0x14a: {  	v48 =	vmax.f32 v43, $0.0e+00;
	v18 =	vadd.f32 v18, v27;
	v13 =	vadd.f32 v22, v52;
	v52 =	vld [tilespmem:s16+$0x178A0];
	[tilespmem:s15+$0x138E0] =	vst v58  }
0x14b: {  	v12 =	vmax.f32 v12, $0.0e+00;
	v39 =	vmul.f32 v11, v4;
	v54 =	vmul.f32 v10, v5;
	v51 =	vld [tilespmem:$0x1FFF0];
	[tilespmem:s0+$0x138C0] =	vst v55  }
0x14c: {  	v17 =	vld [tilespmem:s26+$0x138F0];
	v0 =	vmul.f32 v11, v7;
	v18 =	vadd.f32 v18, v41;
	v20 =	vadd.f32 v44, v45;
	[tilespmem:s0+$0x138D0] =	vst v47  }
0x14d: {  	v41 =	vmul.f32 v10, v7;
	v1 =	vadd.f32 v59, v60;
	v59 =	vadd.f32 v35, v54;
	v60 =	vld [tilespmem:s16+$0x138C0];
	[tilespmem:s0+$0x138F0] =	vst v48  }
0x14e: {  	v44 =	vadd.f32 v23, v25;
	v0 =	vadd.f32 v32, v0;
	v35 =	vld [tilespmem:s16+$0x178C0];
	v18 =	vmax.f32 v18, $0.0e+00;
	[tilespmem:s0+$0x13880] =	vst v50  }
0x14f: {  	v38 =	vld [tilespmem:s16+$0x138D0];
	v43 =	vmax.f32 v13, $0.0e+00;
	v37 =	vmax.f32 v59, $0.0e+00;
	v56 =	vadd.f32 v15, v29;
	[tilespmem:s0+$0x13890] =	vst v18  }
0x150: {  	v45 =	vld [tilespmem:s16+$0x138E0];
	v1 =	vmax.f32 v1, $0.0e+00;
	v0 =	vmax.f32 v0, $0.0e+00;
	v22 =	vadd.f32 v52, v49;
	[tilespmem:s16+$0x13880] =	vst v37  }
0x151: {  	v52 =	vmul.f32 v10, v8;
	v14 =	vadd.f32 v56, v57;
	v58 =	vld [tilespmem:s16+$0x178B0];
	[tilespmem:s0+$0x138E0] =	vst v12;
	v47 =	vadd.f32 v30, v34  }
0x152: {  	v55 =	vld [tilespmem:s16+$0x138B0];
	v48 =	vmul.f32 v11, v3;
	[tilespmem:s26+$0x13890] =	vst v1;
	v1 =	vmul.f32 v11, v2;
	v11 =	vadd.f32 v40, v17  }
0x153: {  	v49 =	vld [tilespmem:s16+$0x178E0];
	v56 =	vmul.f32 v10, v9;
	v57 =	vadd.f32 v35, v60;
	v60 =	vmul.f32 v10, v3;
	[tilespmem:s26+$0x13880] =	vst v43  }
0x154: {  	[tilespmem:s26+$0x138A0] =	vst v0;
	v0 =	vmax.f32 v20, $0.0e+00;
	v13 =	vadd.f32 v47, v48;
	v1 =	vadd.f32 v11, v1;
	v11 =	vld [tilespmem:s16+$0x178F0]  }
0x155: {  	v14 =	vmax.f32 v14, $0.0e+00;
	[tilespmem:s26+$0x138B0] =	vst v0;
	v21 =	vadd.f32 v51, v33;
	v33 =	vadd.f32 v46, v42;
	v42 =	vld [tilespmem:s16+$0x178D0]  }
0x156: {  	v59 =	vadd.f32 v57, v56;
	[tilespmem:s26+$0x138C0] =	vst v14;
	v54 =	vmax.f32 v13, $0.0e+00;
	v46 =	vadd.f32 v44, v39;
	v51 =	vld [tilespmem:s16+$0x138F0]  }
0x157: {  	v1 =	vmax.f32 v1, $0.0e+00;
	[tilespmem:s26+$0x138E0] =	vst v54;
	v61 =	vadd.f32 v21, v53;
	v53 =	vadd.f32 v58, v55  }
0x158: {  	[tilespmem:s26+$0x138F0] =	vst v1;
	v1 =	vmul.f32 v10, v2;
	v19 =	vadd.f32 v33, v63;
	v0 =	vmax.f32 v46, $0.0e+00  }
0x159: {  	[tilespmem:s26+$0x138D0] =	vst v0;
	v0 =	vmul.f32 v10, v4;
	v16 =	vmax.f32 v61, $0.0e+00;
	v55 =	vadd.f32 v53, v52  }
0x15a: {  	v19 =	vmax.f32 v19, $0.0e+00;
	v61 =	vadd.f32 v49, v45;
	[tilespmem:s0+$0x138A0] =	vst v16;
	v58 =	vadd.f32 v42, v38  }
0x15b: {  	v16 =	vadd.f32 v22, v41;
	[tilespmem:s16+$0x13890] =	vst v19;
	v10 =	vadd.f32 v11, v51;
	v11 =	vmax.f32 v59, $0.0e+00  }
0x15c: {  	v13 =	vmax.f32 v55, $0.0e+00;
	[tilespmem:s16+$0x138C0] =	vst v11;
	v0 =	vadd.f32 v58, v0  }
0x15d: {  	v63 =	vadd.f32 v61, v60;
	v50 =	vmax.f32 v16, $0.0e+00;
	[tilespmem:s16+$0x138B0] =	vst v13  }
0x15e: {  	v1 =	vadd.f32 v10, v1;
	[tilespmem:s16+$0x138A0] =	vst v50;
	v0 =	vmax.f32 v0, $0.0e+00  }
0x15f: {  	[tilespmem:s16+$0x138D0] =	vst v0;
	v0 =	vmax.f32 v63, $0.0e+00  }
0x160: {  	s3 =	simm.s32 $0x8;
	v10 =	vmax.f32 v1, $0.0e+00;
	[tilespmem:s16+$0x138E0] =	vst v0  }
.LBB2_7:
0x161: {  	s15 =	sshll.u32 s3, $0x7  }
0x162: {  	v0 =	vmov s3;
	s17 =	sor.u32 $0x2, s3;
	s21 =	sor.u32 $0x7, s3;
	[tilespmem:s16+$0x138F0] =	vst v10;
	s26 =	smov.u32 s3  }
0x163: {  	p2 =	slt.u32 s3, $0x38;
	s3 =	sadd.s32 $0x8, s3;
	v0 =	vand.u32 $0xFFFFFFF8, v0;
	v1 =	vld [tilespmem:s15+$0x13880];
	s0 =	sor.u32 $0x1, s26;
	v10 =	vmov s17;
	v11 =	vmov s21  }
0x164: {  	s16 =	sor.u32 $0x3, s26;
	v0 =	vbroadcast v0, $0x0;
	v12 =	vld [tilespmem:s15+$0x17880];
	v13 =	vmov s0;
	v10 =	vand.u32 $0xFFFFFFFA, v10  }
0x165: {  	s18 =	sor.u32 $0x4, s26;
	v15 =	vmov s16;
	v14 =	vld [tilespmem:s15+$0x13890];
	v13 =	vand.u32 $0xFFFFFFF9, v13  }
0x166: {  	s13 =	sor.u32 $0x5, s26;
	v17 =	vbroadcast v10, $0x0;
	v10 =	vand.u32 $0xFFFFFFFB, v15;
	v15 =	vmov s18;
	v16 =	vld [tilespmem:s15+$0x17890]  }
0x167: {  	s26 =	sor.u32 $0x6, s26;
	v19 =	vbroadcast v10, $0x0;
	v10 =	vand.u32 $0xFFFFFFFC, v15;
	v15 =	vmov s13;
	v18 =	vld [tilespmem:s15+$0x138A0]  }
0x168: {  	v20 =	vmov s26;
	v21 =	vbroadcast v10, $0x0;
	v15 =	vand.u32 $0xFFFFFFFD, v15;
	v10 =	vld.idx.msk [tilespmem:v11+s24+$0x0], $0xffff  }
0x169: {  	v22 =	vbroadcast v15, $0x0;
	v1 =	vadd.f32 v12, v1;
	v11 =	vld [tilespmem:s15+$0x178A0];
	v12 =	vand.u32 $0xFFFFFFFE, v20  }
0x16a: {  	s26 =	sshll.u32 s26, $0x7;
	v0 =	vld.idx.msk [tilespmem:v0+s24+$0x0], $0xffff;
	v23 =	vbroadcast v12, $0x0  }
0x16b: {  	v14 =	vadd.f32 v16, v14;
	v12 =	vld [tilespmem:s26+$0x178A0]  }
0x16c: {  	v20 =	vld.idx.msk [tilespmem:v17+s24+$0x0], $0xffff  }
0x16d: {  	v17 =	vld.idx.msk [tilespmem:v19+s24+$0x0], $0xffff  }
0x16e: {  	v16 =	vadd.f32 v11, v18;
	v15 =	vld.idx.msk [tilespmem:v21+s24+$0x0], $0xffff  }
0x16f: {  	v19 =	vld.idx.msk [tilespmem:v22+s24+$0x0], $0xffff  }
0x170: {  	v18 =	vmul.f32 v0, v5;
	v21 =	vmul.f32 v0, v6;
	v11 =	vld.idx.msk [tilespmem:v23+s24+$0x0], $0xffff  }
0x171: {  	v22 =	vmul.f32 v0, v7;
	v23 =	vld [tilespmem:s15+$0x138B0]  }
0x172: {  	v1 =	vadd.f32 v1, v18;
	v14 =	vadd.f32 v14, v21;
	v18 =	vld [tilespmem:s15+$0x178B0]  }
0x173: {  	v21 =	vadd.f32 v16, v22;
	v22 =	vld [tilespmem:s15+$0x138C0]  }
0x174: {  	v1 =	vmax.f32 v1, $0.0e+00;
	v14 =	vmax.f32 v14, $0.0e+00;
	v16 =	vmul.f32 v15, v3;
	v24 =	vld [tilespmem:s15+$0x178C0]  }
0x175: {  	v13 =	vbroadcast v13, $0x0;
	[tilespmem:s15+$0x13880] =	vst v1;
	v1 =	vmax.f32 v21, $0.0e+00;
	v21 =	vld [tilespmem:s15+$0x138D0]  }
0x176: {  	[tilespmem:s15+$0x138A0] =	vst v1;
	v1 =	vld [tilespmem:s15+$0x178D0]  }
0x177: {  	[tilespmem:s15+$0x13890] =	vst v14;
	v14 =	vadd.f32 v18, v23;
	v18 =	vmul.f32 v0, v8;
	v23 =	vld [tilespmem:s15+$0x138E0]  }
0x178: {  	v25 =	vld [tilespmem:s15+$0x178E0]  }
0x179: {  	v14 =	vadd.f32 v14, v18;
	v18 =	vadd.f32 v24, v22;
	v22 =	vmul.f32 v0, v9;
	v24 =	vld [tilespmem:s15+$0x138F0]  }
0x17a: {  	v26 =	vld [tilespmem:s15+$0x178F0]  }
0x17b: {  	v18 =	vadd.f32 v18, v22;
	v1 =	vadd.f32 v1, v21;
	v21 =	vmul.f32 v0, v4;
	v13 =	vld.idx.msk [tilespmem:v13+s24+$0x0], $0xffff  }
0x17c: {  	v14 =	vmax.f32 v14, $0.0e+00;
	v22 =	vld [tilespmem:s26+$0x138B0]  }
0x17d: {  	[tilespmem:s15+$0x138B0] =	vst v14;
	v1 =	vadd.f32 v1, v21;
	v14 =	vadd.f32 v25, v23;
	v21 =	vmul.f32 v0, v3;
	v23 =	vld [tilespmem:s26+$0x178B0]  }
0x17e: {  	v18 =	vmax.f32 v18, $0.0e+00;
	v25 =	vld [tilespmem:s26+$0x138C0]  }
0x17f: {  	v0 =	vmul.f32 v0, v2;
	[tilespmem:s15+$0x138C0] =	vst v18;
	v21 =	vadd.f32 v14, v21;
	v14 =	vadd.f32 v26, v24;
	v24 =	vld [tilespmem:s26+$0x178C0]  }
0x180: {  	v1 =	vmax.f32 v1, $0.0e+00;
	v26 =	vld [tilespmem:s26+$0x138D0]  }
0x181: {  	v18 =	vmul.f32 v13, v5;
	[tilespmem:s15+$0x138D0] =	vst v1;
	v0 =	vadd.f32 v14, v0;
	v14 =	vmul.f32 v13, v4;
	v1 =	vld [tilespmem:s26+$0x178D0]  }
0x182: {  	v21 =	vmax.f32 v21, $0.0e+00;
	v22 =	vadd.f32 v23, v22;
	v23 =	vmul.f32 v11, v8;
	v27 =	vld [tilespmem:s26+$0x138F0]  }
0x183: {  	[tilespmem:s15+$0x138E0] =	vst v21;
	v0 =	vmax.f32 v0, $0.0e+00;
	v21 =	vld [tilespmem:s26+$0x178F0]  }
0x184: {  	[tilespmem:s15+$0x138F0] =	vst v0;
	v0 =	vld [tilespmem:s26+$0x13880];
	v22 =	vadd.f32 v22, v23;
	v23 =	vadd.f32 v24, v25;
	v24 =	vmul.f32 v11, v9  }
0x185: {  	v28 =	vmul.f32 v11, v4;
	s15 =	sshll.u32 s18, $0x7;
	v25 =	vld [tilespmem:s26+$0x17880]  }
0x186: {  	v29 =	vld [tilespmem:s15+$0x138C0];
	v22 =	vmax.f32 v22, $0.0e+00;
	v23 =	vadd.f32 v23, v24;
	v1 =	vadd.f32 v1, v26  }
0x187: {  	v24 =	vld [tilespmem:s15+$0x178C0];
	[tilespmem:s26+$0x138B0] =	vst v22;
	v22 =	vmul.f32 v11, v2  }
0x188: {  	v26 =	vld [tilespmem:s15+$0x138D0];
	v23 =	vmax.f32 v23, $0.0e+00;
	v1 =	vadd.f32 v1, v28;
	v27 =	vadd.f32 v21, v27  }
0x189: {  	s16 =	sshll.u32 s16, $0x7;
	v30 =	vmul.f32 v11, v5;
	v28 =	vld [tilespmem:s15+$0x178D0];
	[tilespmem:s26+$0x138C0] =	vst v23  }
0x18a: {  	s17 =	sshll.u32 s17, $0x7;
	v21 =	vld [tilespmem:s16+$0x178F0];
	v0 =	vadd.f32 v25, v0;
	v1 =	vmax.f32 v1, $0.0e+00;
	v22 =	vadd.f32 v27, v22  }
0x18b: {  	v25 =	vmul.f32 v15, v9;
	v23 =	vld [tilespmem:s17+$0x13880];
	[tilespmem:s26+$0x138D0] =	vst v1  }
0x18c: {  	v1 =	vld [tilespmem:s17+$0x17880];
	v24 =	vadd.f32 v24, v29;
	v0 =	vadd.f32 v0, v30;
	v22 =	vmax.f32 v22, $0.0e+00  }
0x18d: {  	v29 =	vmul.f32 v15, v4;
	v27 =	vld [tilespmem:s17+$0x13890];
	[tilespmem:s26+$0x138F0] =	vst v22  }
0x18e: {  	v22 =	vld [tilespmem:s17+$0x17890];
	v24 =	vadd.f32 v24, v25;
	v25 =	vadd.f32 v28, v26;
	v0 =	vmax.f32 v0, $0.0e+00  }
0x18f: {  	v26 =	vld [tilespmem:s17+$0x138A0];
	[tilespmem:s26+$0x13880] =	vst v0  }
0x190: {  	v0 =	vld [tilespmem:s17+$0x178A0];
	v24 =	vmax.f32 v24, $0.0e+00;
	v25 =	vadd.f32 v25, v29  }
0x191: {  	v1 =	vadd.f32 v1, v23;
	v23 =	vmul.f32 v20, v5;
	v28 =	vld [tilespmem:s17+$0x138B0];
	[tilespmem:s15+$0x138C0] =	vst v24  }
0x192: {  	v24 =	vld [tilespmem:s17+$0x178B0];
	v25 =	vmax.f32 v25, $0.0e+00  }
0x193: {  	v1 =	vadd.f32 v1, v23;
	v22 =	vadd.f32 v22, v27;
	v23 =	vmul.f32 v20, v6;
	v27 =	vld [tilespmem:s17+$0x138C0];
	[tilespmem:s15+$0x138D0] =	vst v25  }
0x194: {  	s13 =	sshll.u32 s13, $0x7;
	v25 =	vld [tilespmem:s17+$0x178C0]  }
0x195: {  	v22 =	vadd.f32 v22, v23;
	v0 =	vadd.f32 v0, v26;
	v23 =	vmul.f32 v20, v7;
	v26 =	vld [tilespmem:s13+$0x13880]  }
0x196: {  	v1 =	vmax.f32 v1, $0.0e+00;
	v29 =	vld [tilespmem:s13+$0x17880]  }
0x197: {  	[tilespmem:s17+$0x13880] =	vst v1;
	v0 =	vadd.f32 v0, v23;
	v1 =	vadd.f32 v24, v28;
	v23 =	vmul.f32 v20, v8;
	v24 =	vld [tilespmem:s17+$0x138D0]  }
0x198: {  	v22 =	vmax.f32 v22, $0.0e+00;
	v28 =	vld [tilespmem:s17+$0x178D0]  }
0x199: {  	[tilespmem:s17+$0x13890] =	vst v22;
	v1 =	vadd.f32 v1, v23;
	v22 =	vadd.f32 v25, v27;
	v23 =	vmul.f32 v20, v9;
	v25 =	vld [tilespmem:s13+$0x13890]  }
0x19a: {  	v0 =	vmax.f32 v0, $0.0e+00;
	v27 =	vmul.f32 v19, v5;
	v30 =	vld [tilespmem:s13+$0x17890]  }
0x19b: {  	[tilespmem:s17+$0x138A0] =	vst v0;
	v0 =	vmax.f32 v1, $0.0e+00;
	v1 =	vadd.f32 v22, v23;
	v22 =	vadd.f32 v29, v26;
	v23 =	vld [tilespmem:s13+$0x138A0]  }
0x19c: {  	[tilespmem:s17+$0x138B0] =	vst v0;
	v0 =	vmul.f32 v20, v4;
	v26 =	vld [tilespmem:s13+$0x178A0]  }
0x19d: {  	v1 =	vmax.f32 v1, $0.0e+00;
	v24 =	vadd.f32 v28, v24;
	v28 =	vld [tilespmem:s17+$0x138E0];
	v22 =	vadd.f32 v22, v27  }
0x19e: {  	[tilespmem:s17+$0x138C0] =	vst v1;
	v1 =	vmul.f32 v19, v6;
	v27 =	vld [tilespmem:s13+$0x138B0]  }
0x19f: {  	v0 =	vadd.f32 v24, v0;
	v22 =	vmax.f32 v22, $0.0e+00;
	v24 =	vadd.f32 v30, v25;
	v25 =	vld [tilespmem:s13+$0x178B0]  }
0x1a0: {  	v29 =	vld [tilespmem:s17+$0x178E0];
	[tilespmem:s13+$0x13880] =	vst v22;
	v22 =	vmul.f32 v19, v7  }
0x1a1: {  	v0 =	vmax.f32 v0, $0.0e+00;
	v1 =	vadd.f32 v24, v1;
	v23 =	vadd.f32 v26, v23;
	v24 =	vld [tilespmem:s13+$0x138C0]  }
0x1a2: {  	[tilespmem:s17+$0x138D0] =	vst v0;
	v0 =	vld [tilespmem:s13+$0x178C0]  }
0x1a3: {  	v1 =	vmax.f32 v1, $0.0e+00;
	v22 =	vadd.f32 v23, v22;
	v23 =	vld [tilespmem:s13+$0x138D0]  }
0x1a4: {  	v26 =	vld [tilespmem:s17+$0x138F0];
	[tilespmem:s13+$0x13890] =	vst v1;
	v1 =	vadd.f32 v25, v27;
	v25 =	vmul.f32 v19, v8  }
0x1a5: {  	v27 =	vadd.f32 v29, v28;
	v28 =	vmul.f32 v20, v3;
	v29 =	vld [tilespmem:s17+$0x178F0];
	v22 =	vmax.f32 v22, $0.0e+00  }
0x1a6: {  	[tilespmem:s13+$0x138A0] =	vst v22;
	v1 =	vadd.f32 v1, v25;
	v22 =	vld [tilespmem:s13+$0x178D0]  }
0x1a7: {  	v25 =	vadd.f32 v27, v28;
	v0 =	vadd.f32 v0, v24;
	v24 =	vmul.f32 v19, v9;
	v27 =	vld [tilespmem:s13+$0x138E0]  }
0x1a8: {  	v1 =	vmax.f32 v1, $0.0e+00;
	v28 =	vld [tilespmem:s13+$0x178E0]  }
0x1a9: {  	v25 =	vmax.f32 v25, $0.0e+00;
	[tilespmem:s13+$0x138B0] =	vst v1;
	v0 =	vadd.f32 v0, v24;
	v1 =	vld [tilespmem:s13+$0x138F0]  }
0x1aa: {  	v20 =	vmul.f32 v20, v2;
	[tilespmem:s17+$0x138E0] =	vst v25;
	v24 =	vadd.f32 v29, v26;
	v25 =	vld [tilespmem:s13+$0x178F0]  }
0x1ab: {  	v26 =	vld [tilespmem:s16+$0x13880];
	v0 =	vmax.f32 v0, $0.0e+00;
	v22 =	vadd.f32 v22, v23;
	v23 =	vmul.f32 v19, v4  }
0x1ac: {  	v20 =	vadd.f32 v24, v20;
	v24 =	vld [tilespmem:s16+$0x17880];
	[tilespmem:s13+$0x138C0] =	vst v0  }
0x1ad: {  	v0 =	vld [tilespmem:s16+$0x13890];
	v22 =	vadd.f32 v22, v23;
	v23 =	vadd.f32 v28, v27;
	v27 =	vmul.f32 v19, v3  }
0x1ae: {  	v20 =	vmax.f32 v20, $0.0e+00;
	v28 =	vld [tilespmem:s16+$0x17890]  }
0x1af: {  	v19 =	vmul.f32 v19, v2;
	[tilespmem:s17+$0x138F0] =	vst v20;
	v20 =	vld [tilespmem:s16+$0x138A0];
	v23 =	vadd.f32 v23, v27;
	v1 =	vadd.f32 v25, v1  }
0x1b0: {  	v22 =	vmax.f32 v22, $0.0e+00;
	v25 =	vld [tilespmem:s16+$0x178A0]  }
0x1b1: {  	v24 =	vadd.f32 v24, v26;
	v26 =	vmul.f32 v17, v5;
	v27 =	vld [tilespmem:s16+$0x138B0];
	[tilespmem:s13+$0x138D0] =	vst v22;
	v1 =	vadd.f32 v1, v19  }
0x1b2: {  	v22 =	vmax.f32 v23, $0.0e+00;
	v19 =	vld [tilespmem:s16+$0x178B0]  }
0x1b3: {  	v23 =	vadd.f32 v24, v26;
	v0 =	vadd.f32 v28, v0;
	v24 =	vmul.f32 v17, v6;
	v26 =	vld [tilespmem:s16+$0x138C0];
	[tilespmem:s13+$0x138E0] =	vst v22  }
0x1b4: {  	v22 =	vmul.f32 v17, v7;
	v1 =	vmax.f32 v1, $0.0e+00;
	v28 =	vld [tilespmem:s16+$0x178C0]  }
0x1b5: {  	v23 =	vmax.f32 v23, $0.0e+00;
	v0 =	vadd.f32 v0, v24;
	v20 =	vadd.f32 v25, v20;
	v24 =	vld [tilespmem:s16+$0x138D0];
	[tilespmem:s13+$0x138F0] =	vst v1  }
0x1b6: {  	v1 =	vmul.f32 v17, v8;
	[tilespmem:s16+$0x13880] =	vst v23;
	v23 =	vld [tilespmem:s16+$0x178D0]  }
0x1b7: {  	v0 =	vmax.f32 v0, $0.0e+00;
	v20 =	vadd.f32 v20, v22;
	v19 =	vadd.f32 v19, v27;
	v22 =	vld [tilespmem:s16+$0x138E0]  }
0x1b8: {  	[tilespmem:s16+$0x13890] =	vst v0;
	v0 =	vmul.f32 v17, v9;
	v25 =	vld [tilespmem:s16+$0x178E0]  }
0x1b9: {  	v20 =	vmax.f32 v20, $0.0e+00;
	v1 =	vadd.f32 v19, v1;
	v19 =	vadd.f32 v28, v26;
	v26 =	vld [tilespmem:s16+$0x138F0]  }
0x1ba: {  	[tilespmem:s16+$0x138A0] =	vst v20;
	v20 =	vmul.f32 v17, v4;
	v27 =	vld [tilespmem:s15+$0x13880]  }
0x1bb: {  	v1 =	vmax.f32 v1, $0.0e+00;
	v0 =	vadd.f32 v19, v0;
	v19 =	vadd.f32 v23, v24;
	v23 =	vld [tilespmem:s15+$0x17880]  }
0x1bc: {  	[tilespmem:s16+$0x138B0] =	vst v1;
	v1 =	vmul.f32 v17, v3;
	v24 =	vld [tilespmem:s15+$0x13890]  }
0x1bd: {  	v0 =	vmax.f32 v0, $0.0e+00;
	v19 =	vadd.f32 v19, v20;
	v20 =	vadd.f32 v25, v22;
	v22 =	vld [tilespmem:s15+$0x17890]  }
0x1be: {  	v17 =	vmul.f32 v17, v2;
	[tilespmem:s16+$0x138C0] =	vst v0;
	v0 =	vadd.f32 v21, v26;
	v21 =	vld [tilespmem:s15+$0x138A0]  }
0x1bf: {  	v19 =	vmax.f32 v19, $0.0e+00;
	v1 =	vadd.f32 v20, v1;
	v20 =	vld [tilespmem:s15+$0x178A0]  }
0x1c0: {  	[tilespmem:s16+$0x138D0] =	vst v19;
	v0 =	vadd.f32 v0, v17;
	v17 =	vadd.f32 v23, v27;
	v19 =	vmul.f32 v15, v5;
	v23 =	vld [tilespmem:s15+$0x138B0]  }
0x1c1: {  	v25 =	vmul.f32 v15, v6;
	v1 =	vmax.f32 v1, $0.0e+00;
	v26 =	vld [tilespmem:s15+$0x178B0]  }
0x1c2: {  	[tilespmem:s16+$0x138E0] =	vst v1;
	v0 =	vmax.f32 v0, $0.0e+00;
	v1 =	vadd.f32 v17, v19;
	v17 =	vadd.f32 v22, v24;
	v19 =	vld [tilespmem:s15+$0x138E0]  }
0x1c3: {  	[tilespmem:s16+$0x138F0] =	vst v0;
	v0 =	vmul.f32 v15, v7;
	v22 =	vld [tilespmem:s15+$0x178E0]  }
0x1c4: {  	v1 =	vmax.f32 v1, $0.0e+00;
	v17 =	vadd.f32 v17, v25;
	v20 =	vadd.f32 v20, v21;
	v21 =	vld [tilespmem:s15+$0x138F0]  }
0x1c5: {  	s0 =	sshll.u32 s0, $0x7;
	[tilespmem:s15+$0x13880] =	vst v1;
	v1 =	vmul.f32 v15, v8;
	v24 =	vld [tilespmem:s15+$0x178F0]  }
0x1c6: {  	v25 =	vld [tilespmem:s0+$0x13880];
	v17 =	vmax.f32 v17, $0.0e+00;
	v0 =	vadd.f32 v20, v0;
	v20 =	vadd.f32 v26, v23  }
0x1c7: {  	v23 =	vld [tilespmem:s0+$0x17880];
	[tilespmem:s15+$0x13890] =	vst v17  }
0x1c8: {  	v17 =	vld [tilespmem:s0+$0x13890];
	v0 =	vmax.f32 v0, $0.0e+00;
	v1 =	vadd.f32 v20, v1;
	v19 =	vadd.f32 v22, v19  }
0x1c9: {  	v20 =	vld [tilespmem:s0+$0x17890];
	[tilespmem:s15+$0x138A0] =	vst v0;
	v0 =	vmul.f32 v15, v2  }
0x1ca: {  	v15 =	vld [tilespmem:s0+$0x138A0];
	v1 =	vmax.f32 v1, $0.0e+00;
	v16 =	vadd.f32 v19, v16;
	v19 =	vadd.f32 v24, v21  }
0x1cb: {  	v21 =	vld [tilespmem:s0+$0x178A0];
	[tilespmem:s15+$0x138B0] =	vst v1  }
0x1cc: {  	v1 =	vadd.f32 v23, v25;
	v22 =	vld [tilespmem:s0+$0x138B0];
	v16 =	vmax.f32 v16, $0.0e+00;
	v0 =	vadd.f32 v19, v0  }
0x1cd: {  	[tilespmem:s15+$0x138E0] =	vst v16;
	v16 =	vld [tilespmem:s26+$0x13890]  }
0x1ce: {  	v1 =	vadd.f32 v1, v18;
	v17 =	vadd.f32 v20, v17;
	v18 =	vmul.f32 v13, v6;
	v19 =	vld [tilespmem:s26+$0x17890]  }
0x1cf: {  	v20 =	vmul.f32 v13, v7;
	v0 =	vmax.f32 v0, $0.0e+00;
	v23 =	vld [tilespmem:s0+$0x178B0]  }
0x1d0: {  	v1 =	vmax.f32 v1, $0.0e+00;
	v17 =	vadd.f32 v17, v18;
	v15 =	vadd.f32 v21, v15;
	v18 =	vld [tilespmem:s0+$0x138C0];
	[tilespmem:s15+$0x138F0] =	vst v0  }
0x1d1: {  	[tilespmem:s0+$0x13880] =	vst v1;
	v0 =	vld [tilespmem:s26+$0x138A0]  }
0x1d2: {  	v1 =	vmax.f32 v17, $0.0e+00;
	v15 =	vadd.f32 v15, v20;
	v17 =	vld [tilespmem:s0+$0x178C0]  }
0x1d3: {  	[tilespmem:s0+$0x13890] =	vst v1;
	v1 =	vld [tilespmem:s0+$0x138D0];
	v16 =	vadd.f32 v19, v16;
	v19 =	vmul.f32 v11, v6  }
0x1d4: {  	v21 =	vmul.f32 v13, v8;
	v15 =	vmax.f32 v15, $0.0e+00;
	v20 =	vadd.f32 v23, v22;
	v22 =	vld [tilespmem:s26+$0x178E0]  }
0x1d5: {  	[tilespmem:s0+$0x138A0] =	vst v15;
	v15 =	vld [tilespmem:s0+$0x178D0];
	v16 =	vadd.f32 v16, v19  }
0x1d6: {  	v19 =	vadd.f32 v20, v21;
	v0 =	vadd.f32 v12, v0;
	v12 =	vmul.f32 v11, v7;
	v20 =	vld [tilespmem:s26+$0x138E0]  }
0x1d7: {  	v17 =	vadd.f32 v17, v18;
	v18 =	vmul.f32 v13, v9;
	v21 =	vld [tilespmem:s0+$0x138E0];
	v16 =	vmax.f32 v16, $0.0e+00  }
0x1d8: {  	v19 =	vmax.f32 v19, $0.0e+00;
	v23 =	vld [tilespmem:s0+$0x178E0];
	[tilespmem:s26+$0x13890] =	vst v16;
	v0 =	vadd.f32 v0, v12  }
0x1d9: {  	[tilespmem:s0+$0x138B0] =	vst v19;
	v12 =	vadd.f32 v17, v18;
	v16 =	vld [tilespmem:s0+$0x138F0]  }
0x1da: {  	s16 =	sshll.u32 s21, $0x7;
	v1 =	vadd.f32 v15, v1;
	v15 =	vld [tilespmem:s0+$0x178F0];
	v0 =	vmax.f32 v0, $0.0e+00  }
0x1db: {  	v11 =	vmul.f32 v11, v3;
	v12 =	vmax.f32 v12, $0.0e+00;
	[tilespmem:s26+$0x138A0] =	vst v0;
	v0 =	vadd.f32 v22, v20;
	v17 =	vld [tilespmem:s16+$0x13880]  }
0x1dc: {  	[tilespmem:s0+$0x138C0] =	vst v12;
	v1 =	vadd.f32 v1, v14;
	v12 =	vld [tilespmem:s16+$0x17880]  }
0x1dd: {  	v18 =	vmul.f32 v13, v3;
	v14 =	vadd.f32 v23, v21;
	v0 =	vadd.f32 v0, v11;
	v11 =	vld [tilespmem:s16+$0x13890]  }
0x1de: {  	v13 =	vmul.f32 v13, v2;
	v1 =	vmax.f32 v1, $0.0e+00;
	v19 =	vld [tilespmem:s16+$0x17890]  }
0x1df: {  	[tilespmem:s0+$0x138D0] =	vst v1;
	v1 =	vadd.f32 v14, v18;
	v14 =	vadd.f32 v15, v16;
	v0 =	vmax.f32 v0, $0.0e+00;
	v15 =	vld [tilespmem:s16+$0x138A0]  }
0x1e0: {  	[tilespmem:s26+$0x138E0] =	vst v0;
	v0 =	vmul.f32 v10, v5;
	v16 =	vld [tilespmem:s16+$0x178A0]  }
0x1e1: {  	v1 =	vmax.f32 v1, $0.0e+00;
	v13 =	vadd.f32 v14, v13;
	v12 =	vadd.f32 v12, v17;
	v14 =	vld [tilespmem:s16+$0x138B0]  }
0x1e2: {  	[tilespmem:s0+$0x138E0] =	vst v1;
	v1 =	vmul.f32 v10, v6;
	v17 =	vld [tilespmem:s16+$0x178B0]  }
0x1e3: {  	v13 =	vmax.f32 v13, $0.0e+00;
	v0 =	vadd.f32 v12, v0;
	v11 =	vadd.f32 v19, v11;
	v12 =	vld [tilespmem:s16+$0x138C0]  }
0x1e4: {  	[tilespmem:s0+$0x138F0] =	vst v13;
	v13 =	vmul.f32 v10, v7;
	v18 =	vld [tilespmem:s16+$0x178C0]  }
0x1e5: {  	v0 =	vmax.f32 v0, $0.0e+00;
	v1 =	vadd.f32 v11, v1;
	v11 =	vadd.f32 v16, v15;
	v15 =	vld [tilespmem:s16+$0x138D0]  }
0x1e6: {  	[tilespmem:s16+$0x13880] =	vst v0;
	v0 =	vmul.f32 v10, v8;
	v16 =	vld [tilespmem:s16+$0x178D0]  }
0x1e7: {  	v1 =	vmax.f32 v1, $0.0e+00;
	v11 =	vadd.f32 v11, v13;
	v13 =	vadd.f32 v17, v14;
	v14 =	vld [tilespmem:s16+$0x138E0]  }
0x1e8: {  	[tilespmem:s16+$0x13890] =	vst v1;
	v1 =	vmul.f32 v10, v9;
	v17 =	vld [tilespmem:s16+$0x178E0]  }
0x1e9: {  	v11 =	vmax.f32 v11, $0.0e+00;
	v0 =	vadd.f32 v13, v0;
	v12 =	vadd.f32 v18, v12;
	v13 =	vld [tilespmem:s16+$0x138F0]  }
0x1ea: {  	[tilespmem:s16+$0x138A0] =	vst v11;
	v11 =	vmul.f32 v10, v4;
	v18 =	vld [tilespmem:s16+$0x178F0]  }
0x1eb: {  	v0 =	vmax.f32 v0, $0.0e+00;
	v1 =	vadd.f32 v12, v1;
	v12 =	vadd.f32 v16, v15  }
0x1ec: {  	[tilespmem:s16+$0x138B0] =	vst v0;
	v0 =	vmul.f32 v10, v3  }
0x1ed: {  	v1 =	vmax.f32 v1, $0.0e+00;
	v11 =	vadd.f32 v12, v11;
	v12 =	vadd.f32 v17, v14  }
0x1ee: {  	[tilespmem:s16+$0x138C0] =	vst v1;
	v1 =	vmul.f32 v10, v2  }
.Ltmp2:
0x1ef: {  	v10 =	vmax.f32 v11, $0.0e+00;
	v0 =	vadd.f32 v12, v0;
	v11 =	vadd.f32 v18, v13;
	(pc) =	sbr.rel @p2 .LBB2_7-.Ltmp2, $4  }
0x1f0: {  	[tilespmem:s16+$0x138D0] =	vst v10  }
0x1f1: {  	v0 =	vmax.f32 v0, $0.0e+00;
	v1 =	vadd.f32 v11, v1  }
0x1f2: {  	[tilespmem:s16+$0x138E0] =	vst v0  }
0x1f3: {  	v10 =	vmax.f32 v1, $0.0e+00  }
0x1f4: {  	[tilespmem:s16+$0x138F0] =	vst v10  }
0x1f5: {  	v0 =	vld [tilespmem:$0x1BB80];
	_ =	sdelay $0x6  }
0x1f6: {  	v1 =	vimm.f32 $1.000000000e+00  }
0x1f7: {  	[tilespmem:v0+s25+$0x0] =	vst.idx.add.f32.msk $0xffff, v1  }
0x1f8: {  	v0 =	vld [tilespmem:$0x1BB90];
	_ =	sdelay $0x7  }
0x1f9: {  	[tilespmem:v0+s25+$0x0] =	vst.idx.add.f32.msk $0xffff, v1  }
0x1fa: {  	v0 =	vld [tilespmem:$0x1BBA0];
	_ =	sdelay $0x7  }
0x1fb: {  	[tilespmem:v0+s25+$0x0] =	vst.idx.add.f32.msk $0xffff, v1  }
0x1fc: {  	v0 =	vld [tilespmem:$0x1BBB0];
	_ =	sdelay $0x7  }
0x1fd: {  	s0 =	simm.s32 $0x13880;
	s3 =	simm.s32 $0x1BB80;
	[tilespmem:v0+s25+$0x0] =	vst.idx.add.f32.msk $0xffff, v1  }
0x1fe: {  	[spmem:s2] =	stream.indirect.scatter.add.f32 [tilespmem:s0], [sflag:$0x7], $0x80, s3, s14, $0xb8;
	[tilespmem:$0x1E700] =	vst v63  }
0x1ff: {  	_ =	swait.ge [sflag:s28], $0x2000  }
0x200: {  	[sflag:s28] =	ssyncset.done $0x0  }
0x201: {  	s0 =	simm.s32 @!p1 $0x5;
	[sflag:s28] =	ssyncadd.s32 $0xFFFFE000  }
0x202: {  	_ =	swait.ge @!p1 [sflag:s0], $0x40  }
0x203: {  	[sflag:s0] =	ssyncset.done @!p1 $0x0  }
0x204: {  	[sflag:s0] =	ssyncadd.s32 @!p1 $0xFFFFFFC0  }
0x205: {  	_ =	swait.ge @!p1 [sflag:s0], $0x40  }
0x206: {  	[sflag:s0] =	ssyncset.done @!p1 $0x0  }
0x207: {  	[sflag:s0] =	ssyncadd.s32 @!p1 $0xFFFFFFC0  }
0x208: {  	_ =	swait.ge @!p1 [sflag:s0], $0x40  }
0x209: {  	s13 =	simm.s32 @!p1 $0x13880;
	[sflag:s0] =	ssyncset.done @!p1 $0x0  }
0x20a: {  	s3 =	simm.s32 @!p1 $0x1B880;
	[sflag:s0] =	ssyncadd.s32 @!p1 $0xFFFFFFC0;
	s0 =	simm.s32 @!p1 $0x40  }
0x20b: {  	[tilespmem:s13], [sflag:$0x1] =	stream.indirect.gather @!p1 [hbm4b:s1+s0], $0x80, s3, s0, $0xb8;
	[tilespmem:$0x1E700] =	vst v63  }
0x20c: {  	s3 =	simm.s32 @!p1 $0x1B980;
	s13 =	simm.s32 @!p1 $0x17880  }
0x20d: {  	[tilespmem:s13], [sflag:$0x3] =	stream.indirect.gather @!p1 [hbm4b:s5+s0], $0x80, s3, s0, $0xb8;
	[tilespmem:$0x1E700] =	vst v63  }
0x20e: {  	_ =	swait.ge [sflag:s29], $0x2000  }
0x20f: {  	[sflag:s29] =	ssyncset.done $0x0  }
0x210: {  	[sflag:s29] =	ssyncadd.s32 $0xFFFFE000  }
0x211: {  	_ =	swait.ge [sflag:s30], $0x2000  }
0x212: {  	[sflag:s30] =	ssyncset.done $0x0  }
0x213: {  	[sflag:s30] =	ssyncadd.s32 $0xFFFFE000  }
0x214: {  	v0 =	vld [tilespmem:$0x1B900]  }
0x215: {  	v1 =	vld [tilespmem:$0x1BB00]  }
0x216: {  	v10 =	vld [tilespmem:$0x1B910]  }
0x217: {  	v11 =	vld [tilespmem:$0x1BB10]  }
0x218: {  	v12 =	vld [tilespmem:$0x1B920]  }
0x219: {  	[tilespmem:$0x1BC00] =	vst v0;
	v0 =	vld [tilespmem:$0x1BB20]  }
0x21a: {  	[tilespmem:$0x1BD00] =	vst v1;
	v1 =	vld [tilespmem:$0x1B930]  }
0x21b: {  	[tilespmem:$0x1BC10] =	vst v10;
	v10 =	vld [tilespmem:$0x1BB30]  }
0x21c: {  	[tilespmem:$0x1BD10] =	vst v11  }
0x21d: {  	s0 =	rddreg [dreg:$0xd];
	[tilespmem:$0x1BC20] =	vst v12  }
0x21e: {  	s0 =	sadd.s32 @!p1 s10, s0;
	[tilespmem:$0x1BD20] =	vst v0  }
0x21f: {  	s0 =	sshrl.u32 @!p1 s0, $0x3;
	[tilespmem:$0x1BC30] =	vst v1  }
0x220: {  	s13 =	simm.s32 @!p1 $0x1B900;
	s10 =	simm.s32 @!p1 $0x0;
	s3 =	sadd.s32 @!p1 s6, s0;
	[tilespmem:$0x1BD30] =	vst v10  }
0x221: {  	[tilespmem:s13], [sflag:$0x6] =	stream.linear.gather @!p1 [hbm4b:s3+s10], $0x40, $0x38;
	[tilespmem:$0x1E700] =	vst v63  }
0x222: {  	s3 =	sadd.s32 @!p1 s7, s0;
	s13 =	simm.s32 @!p1 $0x1BA00  }
0x223: {  	[tilespmem:s13], [sflag:$0x6] =	stream.linear.gather @!p1 [hbm4b:s3+s10], $0x40, $0x38;
	[tilespmem:$0x1E700] =	vst v63  }
0x224: {  	s16 =	simm.s32 $0x0;
	s0 =	sadd.s32 @!p1 s8, s0;
	s3 =	simm.s32 @!p1 $0x1BB00  }
0x225: {  	[tilespmem:s3], [sflag:$0x6] =	stream.linear.gather @!p1 [hbm4b:s0+s10], $0x40, $0x38;
	[tilespmem:$0x1E700] =	vst v63  }
0x226: {  	s0 =	sor.u32 $0x7, s16  }
0x227: {  	v10 =	vmov s0;
	_ =	sdelay $0x1  }
0x228: {  	s26 =	simm.s32 $0x0  }
0x229: {  	s21 =	sor.u32 $0x2, s16;
	v0 =	vmov s16;
	v1 =	vld [tilespmem:s26+$0x15880]  }
0x22a: {  	s15 =	sor.u32 $0x3, s16;
	v11 =	vmov s21;
	v0 =	vand.u32 $0xFFFFFFF8, v0;
	s13 =	sor.u32 $0x6, s16;
	v18 =	vld [tilespmem:s26+$0x19880]  }
0x22b: {  	s18 =	sor.u32 $0x4, s16;
	v58 =	vmov s15;
	v11 =	vand.u32 $0xFFFFFFFA, v11;
	v0 =	vbroadcast v0, $0x0;
	s3 =	sshll.u32 s13, $0x7;
	v26 =	vld.idx.msk [tilespmem:v10+s31+$0x0], $0xffff  }
0x22c: {  	s17 =	sor.u32 $0x5, s16;
	v13 =	vmov s18;
	v12 =	vand.u32 $0xFFFFFFFB, v58;
	v11 =	vbroadcast v11, $0x0;
	v10 =	vld [tilespmem:s3+$0x198A0]  }
0x22d: {  	v14 =	vmov s17;
	v13 =	vand.u32 $0xFFFFFFFC, v13;
	v12 =	vbroadcast v12, $0x0;
	v20 =	vld [tilespmem:s26+$0x15890]  }
0x22e: {  	v59 =	vand.u32 $0xFFFFFFFD, v14;
	v16 =	vbroadcast v13, $0x0;
	v60 =	vmov s13;
	v21 =	vld [tilespmem:s26+$0x19890]  }
0x22f: {  	v17 =	vbroadcast v59, $0x0;
	v61 =	vand.u32 $0xFFFFFFFE, v60;
	v23 =	vld [tilespmem:s26+$0x158A0]  }
0x230: {  	v24 =	vld [tilespmem:s26+$0x198A0];
	v22 =	vbroadcast v61, $0x0  }
0x231: {  	v0 =	vld.idx.msk [tilespmem:v0+s31+$0x0], $0xffff;
	[tilespmem:$0x1FF20] =	vst v10  }
0x232: {  	v19 =	vld.idx.msk [tilespmem:v11+s31+$0x0], $0xffff  }
0x233: {  	v15 =	vld.idx.msk [tilespmem:v12+s31+$0x0], $0xffff  }
0x234: {  	v14 =	vld.idx.msk [tilespmem:v16+s31+$0x0], $0xffff  }
0x235: {  	v17 =	vld.idx.msk [tilespmem:v17+s31+$0x0], $0xffff  }
0x236: {  	v11 =	vld.idx.msk [tilespmem:v22+s31+$0x0], $0xffff  }
0x237: {  	v25 =	vld [tilespmem:s26+$0x158B0]  }
0x238: {  	v27 =	vld [tilespmem:s26+$0x198B0]  }
0x239: {  	v28 =	vld [tilespmem:s26+$0x158C0]  }
0x23a: {  	v29 =	vld [tilespmem:s26+$0x198C0]  }
0x23b: {  	v30 =	vld [tilespmem:s26+$0x158D0]  }
0x23c: {  	v31 =	vld [tilespmem:s26+$0x198D0]  }
0x23d: {  	v32 =	vld [tilespmem:s26+$0x158E0]  }
0x23e: {  	v33 =	vld [tilespmem:s26+$0x198E0]  }
0x23f: {  	v34 =	vld [tilespmem:s26+$0x158F0]  }
0x240: {  	v35 =	vld [tilespmem:s26+$0x198F0]  }
0x241: {  	v36 =	vld [tilespmem:s3+$0x158B0]  }
0x242: {  	v37 =	vld [tilespmem:s3+$0x198B0]  }
0x243: {  	v38 =	vld [tilespmem:s3+$0x158C0]  }
0x244: {  	v39 =	vld [tilespmem:s3+$0x198C0]  }
0x245: {  	v40 =	vld [tilespmem:s3+$0x158D0]  }
0x246: {  	v41 =	vld [tilespmem:s3+$0x198D0]  }
0x247: {  	s13 =	sor.u32 $0x1, s16;
	v42 =	vld [tilespmem:s3+$0x158F0]  }
0x248: {  	v63 =	vmov s13;
	v43 =	vld [tilespmem:s3+$0x198F0]  }
0x249: {  	v12 =	vand.u32 $0xFFFFFFF9, v63;
	v44 =	vld [tilespmem:s3+$0x15880]  }
0x24a: {  	s15 =	sshll.u32 s15, $0x7;
	v45 =	vld [tilespmem:s3+$0x19880];
	v12 =	vbroadcast v12, $0x0  }
0x24b: {  	s10 =	sshll.u32 s18, $0x7;
	v10 =	vld [tilespmem:s15+$0x198F0]  }
0x24c: {  	v46 =	vld [tilespmem:s10+$0x158C0]  }
0x24d: {  	v47 =	vld [tilespmem:s10+$0x198C0]  }
0x24e: {  	v48 =	vld [tilespmem:s10+$0x158D0]  }
0x24f: {  	v49 =	vld [tilespmem:s10+$0x198D0]  }
0x250: {  	s21 =	sshll.u32 s21, $0x7;
	v12 =	vld.idx.msk [tilespmem:v12+s31+$0x0], $0xffff;
	[tilespmem:$0x1FF00] =	vst v10  }
0x251: {  	v50 =	vld [tilespmem:s21+$0x15880]  }
0x252: {  	v51 =	vld [tilespmem:s21+$0x19880]  }
0x253: {  	v52 =	vld [tilespmem:s21+$0x15890]  }
0x254: {  	v53 =	vld [tilespmem:s21+$0x19890]  }
0x255: {  	v54 =	vld [tilespmem:s21+$0x158A0]  }
0x256: {  	v55 =	vld [tilespmem:s21+$0x198A0]  }
0x257: {  	v56 =	vld [tilespmem:s21+$0x158B0]  }
0x258: {  	v57 =	vld [tilespmem:s21+$0x198B0]  }
0x259: {  	s18 =	sshll.u32 s17, $0x7;
	v58 =	vld [tilespmem:s21+$0x158C0]  }
0x25a: {  	v10 =	vld [tilespmem:s18+$0x15890]  }
0x25b: {  	v59 =	vld [tilespmem:s21+$0x198C0]  }
0x25c: {  	v60 =	vld [tilespmem:s18+$0x15880]  }
0x25d: {  	v61 =	vld [tilespmem:s18+$0x19880]  }
0x25e: {  	v63 =	vld [tilespmem:s21+$0x158D0]  }
0x25f: {  	v16 =	vld [tilespmem:s21+$0x198D0];
	[tilespmem:$0x1FE80] =	vst v10  }
0x260: {  	v10 =	vld [tilespmem:s18+$0x158A0];
	_ =	sdelay $0x4  }
0x261: {  	v22 =	vld [tilespmem:s18+$0x19890];
	[tilespmem:$0x1FE90] =	vst v10  }
0x262: {  	v10 =	vld [tilespmem:s18+$0x198A0];
	_ =	sdelay $0x4  }
0x263: {  	[tilespmem:$0x1FEA0] =	vst v10  }
0x264: {  	v18 =	vadd.f32 v18, v1;
	v1 =	vld [tilespmem:s21+$0x158E0];
	_ =	sdelay $0x4  }
0x265: {  	[tilespmem:$0x1FEC0] =	vst v1  }
0x266: {  	v10 =	vld [tilespmem:s18+$0x158B0];
	_ =	sdelay $0x4  }
0x267: {  	[tilespmem:$0x1FEB0] =	vst v10  }
0x268: {  	v20 =	vadd.f32 v21, v20;
	v21 =	vadd.f32 v27, v25;
	v27 =	vld [tilespmem:s18+$0x158C0];
	_ =	sdelay $0x1  }
0x269: {  	v1 =	vmul.f32 v0, v6;
	_ =	sdelay $0x1  }
0x26a: {  	v23 =	vadd.f32 v24, v23;
	v13 =	vmul.f32 v0, v5;
	v1 =	vadd.f32 v20, v1;
	v24 =	vld [tilespmem:s18+$0x198B0]  }
0x26b: {  	v20 =	vld [tilespmem:s21+$0x198E0];
	[tilespmem:$0x1FED0] =	vst v27  }
0x26c: {  	v18 =	vadd.f32 v18, v13;
	v13 =	vmax.f32 v1, $0.0e+00;
	v1 =	vld [tilespmem:s18+$0x158D0];
	_ =	sdelay $0x2  }
0x26d: {  	v10 =	vmul.f32 v0, v7;
	_ =	sdelay $0x1  }
0x26e: {  	v10 =	vadd.f32 v23, v10;
	v23 =	vld [tilespmem:s18+$0x198C0];
	[tilespmem:$0x1FEF0] =	vst v1  }
0x26f: {  	v18 =	vmax.f32 v18, $0.0e+00;
	v1 =	vld [tilespmem:s21+$0x158F0]  }
0x270: {  	v25 =	vmul.f32 v0, v8;
	v29 =	vadd.f32 v29, v28;
	v28 =	vmul.f32 v0, v9  }
0x271: {  	v30 =	vadd.f32 v31, v30;
	v31 =	vmul.f32 v0, v4;
	v32 =	vadd.f32 v33, v32  }
0x272: {  	v35 =	vadd.f32 v35, v34;
	v34 =	vmul.f32 v14, v3;
	v36 =	vadd.f32 v37, v36  }
0x273: {  	v38 =	vadd.f32 v39, v38;
	v39 =	vmul.f32 v11, v9;
	v41 =	vadd.f32 v41, v40  }
0x274: {  	v42 =	vadd.f32 v43, v42;
	v44 =	vadd.f32 v45, v44;
	v45 =	vmul.f32 v14, v9;
	[tilespmem:$0x1FEE0] =	vst v1  }
0x275: {  	v46 =	vadd.f32 v47, v46;
	v47 =	vmul.f32 v14, v4;
	v28 =	vadd.f32 v29, v28;
	v27 =	vld [tilespmem:s21+$0x198F0];
	[tilespmem:$0x1FF10] =	vst v34  }
0x276: {  	v29 =	vadd.f32 v30, v31;
	v1 =	vmul.f32 v0, v3;
	v0 =	vmul.f32 v0, v2;
	v31 =	vld [tilespmem:s18+$0x198D0]  }
0x277: {  	v48 =	vadd.f32 v49, v48;
	v25 =	vadd.f32 v21, v25;
	v21 =	vmul.f32 v11, v8;
	v34 =	vld [tilespmem:s18+$0x158E0]  }
0x278: {  	v38 =	vadd.f32 v38, v39;
	v35 =	vadd.f32 v35, v0;
	v33 =	vld [tilespmem:s18+$0x198E0];
	v0 =	vmul.f32 v11, v4  }
0x279: {  	v36 =	vadd.f32 v36, v21;
	v21 =	vmul.f32 v11, v2;
	v30 =	vmax.f32 v10, $0.0e+00;
	v40 =	vld [tilespmem:s18+$0x158F0];
	[tilespmem:s26+$0x15880] =	vst v18  }
0x27a: {  	v25 =	vmax.f32 v25, $0.0e+00;
	v43 =	vld [tilespmem:s18+$0x198F0];
	[tilespmem:s26+$0x158A0] =	vst v30;
	v0 =	vadd.f32 v41, v0;
	v41 =	vmul.f32 v11, v5  }
0x27b: {  	v28 =	vmax.f32 v28, $0.0e+00;
	v37 =	vadd.f32 v42, v21;
	v49 =	vadd.f32 v51, v50;
	v39 =	vld [tilespmem:s15+$0x15880];
	[tilespmem:s26+$0x15890] =	vst v13  }
0x27c: {  	v50 =	vmul.f32 v19, v5;
	v32 =	vadd.f32 v32, v1;
	v42 =	vld [tilespmem:s15+$0x19880];
	[tilespmem:s26+$0x158B0] =	vst v25;
	v41 =	vadd.f32 v44, v41  }
0x27d: {  	v21 =	vld [tilespmem:s15+$0x15890];
	[tilespmem:s26+$0x158C0] =	vst v28;
	v44 =	vadd.f32 v46, v45;
	v46 =	vmax.f32 v29, $0.0e+00;
	v29 =	vadd.f32 v53, v52  }
0x27e: {  	v1 =	vld [tilespmem:$0x1FE80];
	v52 =	vadd.f32 v55, v54;
	v55 =	vadd.f32 v57, v56;
	v56 =	vmul.f32 v19, v8  }
0x27f: {  	v47 =	vadd.f32 v48, v47;
	v58 =	vadd.f32 v59, v58;
	v59 =	vmul.f32 v19, v9;
	v51 =	vld [tilespmem:s15+$0x19890]  }
0x280: {  	v48 =	vadd.f32 v49, v50;
	v49 =	vld [tilespmem:s15+$0x198A0];
	v55 =	vadd.f32 v55, v56  }
0x281: {  	v58 =	vadd.f32 v58, v59;
	v59 =	vld [tilespmem:s15+$0x158D0]  }
0x282: {  	v16 =	vadd.f32 v16, v63;
	v10 =	vld [tilespmem:s15+$0x198D0];
	[tilespmem:s26+$0x158D0] =	vst v46;
	v25 =	vmax.f32 v55, $0.0e+00;
	v55 =	vmul.f32 v19, v4  }
0x283: {  	v22 =	vadd.f32 v22, v1;
	v1 =	vld [tilespmem:$0x1FE90]  }
0x284: {  	v16 =	vadd.f32 v16, v55;
	v55 =	vld [tilespmem:$0x1FEA0]  }
0x285: {  	v63 =	vld [tilespmem:s10+$0x15880]  }
0x286: {  	v45 =	vld [tilespmem:s15+$0x158A0]  }
0x287: {  	v50 =	vmul.f32 v19, v6;
	v53 =	vld [tilespmem:s15+$0x158B0]  }
0x288: {  	v32 =	vmax.f32 v32, $0.0e+00;
	v35 =	vmax.f32 v35, $0.0e+00;
	v57 =	vld [tilespmem:s15+$0x198B0]  }
0x289: {  	v46 =	vmul.f32 v17, v7;
	v50 =	vadd.f32 v29, v50;
	v29 =	vld [tilespmem:s15+$0x158C0];
	[tilespmem:s26+$0x158E0] =	vst v32;
	v55 =	vadd.f32 v55, v1  }
0x28a: {  	v36 =	vmax.f32 v36, $0.0e+00;
	v32 =	vld [tilespmem:$0x1FEB0];
	[tilespmem:s26+$0x158F0] =	vst v35  }
0x28b: {  	v38 =	vmax.f32 v38, $0.0e+00;
	v35 =	vadd.f32 v55, v46;
	v55 =	vld [tilespmem:$0x1FEC0];
	[tilespmem:s3+$0x158B0] =	vst v36  }
0x28c: {  	v18 =	vmax.f32 v37, $0.0e+00;
	v54 =	vmul.f32 v19, v7;
	v0 =	vmax.f32 v0, $0.0e+00;
	v36 =	vld [tilespmem:$0x1FED0];
	[tilespmem:s3+$0x158C0] =	vst v38  }
0x28d: {  	v30 =	vmax.f32 v47, $0.0e+00;
	v37 =	vmax.f32 v41, $0.0e+00;
	v41 =	vmax.f32 v44, $0.0e+00;
	v44 =	vld [tilespmem:s15+$0x158E0];
	[tilespmem:s3+$0x158D0] =	vst v0  }
0x28e: {  	v47 =	vmax.f32 v48, $0.0e+00;
	v54 =	vadd.f32 v52, v54;
	v48 =	vmax.f32 v50, $0.0e+00;
	v50 =	vld [tilespmem:s15+$0x198E0];
	[tilespmem:s3+$0x158F0] =	vst v18  }
0x28f: {  	v38 =	vmax.f32 v58, $0.0e+00;
	v58 =	vld [tilespmem:$0x1FEE0];
	[tilespmem:s3+$0x15880] =	vst v37  }
0x290: {  	v13 =	vmax.f32 v54, $0.0e+00;
	v54 =	vadd.f32 v61, v60;
	v60 =	vmul.f32 v17, v5;
	v37 =	vld [tilespmem:$0x1FEF0];
	[tilespmem:s10+$0x158C0] =	vst v41  }
0x291: {  	v56 =	vld [tilespmem:s15+$0x198C0];
	[tilespmem:s10+$0x158D0] =	vst v30  }
0x292: {  	v61 =	vld [tilespmem:s15+$0x158F0];
	v28 =	vadd.f32 v54, v60;
	v54 =	vmul.f32 v17, v6;
	[tilespmem:s21+$0x15880] =	vst v47  }
0x293: {  	v60 =	vld [tilespmem:s10+$0x19880];
	[tilespmem:s21+$0x15890] =	vst v48  }
0x294: {  	s13 =	sshll.u32 s13, $0x7;
	v22 =	vadd.f32 v22, v54;
	v54 =	vld [tilespmem:s10+$0x19890];
	[tilespmem:s21+$0x158A0] =	vst v13  }
0x295: {  	v10 =	vadd.f32 v10, v59;
	v59 =	vadd.f32 v50, v44;
	v44 =	vld [tilespmem:s13+$0x198B0];
	[tilespmem:s21+$0x158B0] =	vst v25  }
0x296: {  	v28 =	vmax.f32 v28, $0.0e+00;
	v1 =	vld [tilespmem:s10+$0x15890];
	v24 =	vadd.f32 v24, v32;
	v32 =	vmul.f32 v17, v8;
	[tilespmem:s21+$0x158C0] =	vst v38  }
0x297: {  	v0 =	vmax.f32 v16, $0.0e+00;
	v18 =	vmax.f32 v35, $0.0e+00;
	v35 =	vadd.f32 v43, v40;
	v40 =	vld [tilespmem:s13+$0x15880];
	[tilespmem:s18+$0x15880] =	vst v28  }
0x298: {  	v24 =	vadd.f32 v24, v32;
	v16 =	vmax.f32 v22, $0.0e+00;
	v43 =	vld [tilespmem:s13+$0x158A0];
	[tilespmem:s21+$0x158D0] =	vst v0  }
0x299: {  	v41 =	vld [tilespmem:s13+$0x19880];
	[tilespmem:s18+$0x15890] =	vst v16  }
0x29a: {  	v24 =	vmax.f32 v24, $0.0e+00;
	v38 =	vld [tilespmem:s13+$0x158B0];
	[tilespmem:s18+$0x158A0] =	vst v18  }
0x29b: {  	v52 =	vmul.f32 v12, v5;
	[tilespmem:s18+$0x158B0] =	vst v24;
	v20 =	vadd.f32 v20, v55;
	v55 =	vld [tilespmem:s10+$0x158A0]  }
0x29c: {  	v29 =	vadd.f32 v56, v29;
	v46 =	vmul.f32 v19, v3;
	v19 =	vmul.f32 v19, v2;
	v24 =	vld [tilespmem:$0x1FF00]  }
0x29d: {  	v32 =	vmul.f32 v17, v9;
	v48 =	vadd.f32 v51, v21;
	v23 =	vadd.f32 v23, v36;
	v36 =	vld [tilespmem:s10+$0x198A0]  }
0x29e: {  	v47 =	vmul.f32 v15, v5;
	v20 =	vadd.f32 v20, v46;
	v46 =	vld [tilespmem:s10+$0x158B0];
	v27 =	vadd.f32 v27, v58  }
0x29f: {  	v58 =	vmul.f32 v17, v4;
	v22 =	vadd.f32 v23, v32;
	v23 =	vld [tilespmem:s10+$0x198B0];
	v31 =	vadd.f32 v31, v37  }
0x2a0: {  	v51 =	vmul.f32 v15, v6;
	v1 =	vadd.f32 v54, v1;
	v32 =	vld [tilespmem:s10+$0x158E0];
	v20 =	vmax.f32 v20, $0.0e+00  }
0x2a1: {  	v37 =	vld [tilespmem:s10+$0x198E0];
	v19 =	vadd.f32 v27, v19;
	v22 =	vmax.f32 v22, $0.0e+00;
	v30 =	vadd.f32 v31, v58  }
0x2a2: {  	v27 =	vld [tilespmem:s10+$0x158F0];
	v31 =	vadd.f32 v33, v34;
	v58 =	vmul.f32 v17, v3;
	v24 =	vadd.f32 v24, v61  }
0x2a3: {  	v34 =	vld [tilespmem:s10+$0x198F0];
	v17 =	vmul.f32 v17, v2;
	v61 =	vadd.f32 v60, v63;
	v50 =	vadd.f32 v36, v55  }
0x2a4: {  	v33 =	vld [tilespmem:s3+$0x19890];
	v63 =	vmul.f32 v14, v5;
	v31 =	vadd.f32 v31, v58;
	v58 =	vadd.f32 v42, v39  }
0x2a5: {  	v19 =	vmax.f32 v19, $0.0e+00;
	v36 =	vld [tilespmem:s13+$0x198C0];
	v13 =	vadd.f32 v35, v17;
	v17 =	vadd.f32 v48, v51  }
0x2a6: {  	[tilespmem:s18+$0x158C0] =	vst v22;
	v22 =	vld [tilespmem:s13+$0x158D0];
	v48 =	vmul.f32 v15, v8;
	v51 =	vmul.f32 v15, v9;
	v56 =	vmax.f32 v30, $0.0e+00  }
0x2a7: {  	v35 =	vld [tilespmem:s13+$0x15890];
	v23 =	vadd.f32 v23, v46;
	v55 =	vadd.f32 v37, v32;
	v46 =	vmul.f32 v12, v7  }
0x2a8: {  	v42 =	vld [tilespmem:s13+$0x19890];
	v25 =	vadd.f32 v58, v47;
	v58 =	vmul.f32 v15, v7;
	v47 =	vadd.f32 v49, v45  }
0x2a9: {  	v39 =	vld [tilespmem:s13+$0x198A0];
	v49 =	vadd.f32 v57, v53;
	v53 =	vmul.f32 v15, v4;
	v57 =	vmax.f32 v31, $0.0e+00  }
0x2aa: {  	s0 =	sshll.u32 s0, $0x7;
	v30 =	vld [tilespmem:s13+$0x198D0];
	v29 =	vadd.f32 v29, v51;
	v13 =	vmax.f32 v13, $0.0e+00;
	v60 =	vadd.f32 v34, v27  }
0x2ab: {  	[tilespmem:s21+$0x158E0] =	vst v20;
	v37 =	vld [tilespmem:s0+$0x15880];
	v17 =	vmax.f32 v17, $0.0e+00;
	v28 =	vadd.f32 v47, v58;
	v0 =	vadd.f32 v49, v48  }
0x2ac: {  	[tilespmem:s21+$0x158F0] =	vst v19;
	v31 =	vld [tilespmem:s3+$0x15890];
	v10 =	vadd.f32 v10, v53;
	v58 =	vmul.f32 v15, v3;
	v15 =	vmul.f32 v15, v2  }
0x2ad: {  	[tilespmem:s18+$0x158D0] =	vst v56;
	v45 =	vld [tilespmem:s13+$0x158C0];
	v47 =	vmul.f32 v14, v6;
	v48 =	vadd.f32 v61, v63;
	v49 =	vmul.f32 v14, v7  }
0x2ae: {  	[tilespmem:s18+$0x158E0] =	vst v57;
	v27 =	vld [tilespmem:s13+$0x198E0];
	v51 =	vmax.f32 v25, $0.0e+00;
	v53 =	vmul.f32 v14, v8;
	v56 =	vmax.f32 v29, $0.0e+00  }
0x2af: {  	[tilespmem:s18+$0x158F0] =	vst v13;
	v25 =	vld [tilespmem:s3+$0x198E0];
	v14 =	vmul.f32 v14, v2;
	v61 =	vadd.f32 v41, v40;
	v40 =	vadd.f32 v42, v35  }
0x2b0: {  	[tilespmem:s15+$0x15890] =	vst v17;
	v29 =	vld [tilespmem:s13+$0x158F0];
	v41 =	vmul.f32 v12, v6;
	v18 =	vadd.f32 v59, v58;
	v15 =	vadd.f32 v24, v15  }
0x2b1: {  	[tilespmem:s15+$0x15880] =	vst v51;
	v42 =	vld [tilespmem:s0+$0x19880];
	v51 =	vmul.f32 v11, v6;
	v1 =	vadd.f32 v1, v47;
	v20 =	vadd.f32 v50, v49  }
0x2b2: {  	v54 =	vmax.f32 v28, $0.0e+00;
	v0 =	vmax.f32 v0, $0.0e+00;
	v21 =	vadd.f32 v23, v53;
	v58 =	vld [tilespmem:$0x1FF10];
	[tilespmem:s15+$0x158C0] =	vst v56  }
0x2b3: {  	v24 =	vld [tilespmem:s3+$0x158A0];
	v10 =	vmax.f32 v10, $0.0e+00;
	v14 =	vadd.f32 v60, v14;
	v47 =	vadd.f32 v39, v43;
	[tilespmem:s15+$0x158A0] =	vst v54  }
0x2b4: {  	v23 =	vld [tilespmem:s3+$0x158E0];
	v59 =	vmax.f32 v48, $0.0e+00;
	[tilespmem:s15+$0x158D0] =	vst v10;
	v10 =	vadd.f32 v61, v52;
	v49 =	vadd.f32 v40, v41  }
0x2b5: {  	v28 =	vld [tilespmem:s13+$0x158E0];
	v60 =	vmul.f32 v26, v5;
	[tilespmem:s15+$0x158B0] =	vst v0;
	v50 =	vadd.f32 v33, v31;
	v54 =	vadd.f32 v44, v38  }
0x2b6: {  	v48 =	vld [tilespmem:s0+$0x15890];
	[tilespmem:s10+$0x15880] =	vst v59;
	v38 =	vmul.f32 v26, v6;
	v57 =	vmax.f32 v18, $0.0e+00;
	v15 =	vmax.f32 v15, $0.0e+00  }
0x2b7: {  	v56 =	vld [tilespmem:s0+$0x158A0];
	v0 =	vmax.f32 v1, $0.0e+00;
	v1 =	vmax.f32 v20, $0.0e+00;
	v63 =	vmax.f32 v21, $0.0e+00;
	[tilespmem:s15+$0x158E0] =	vst v57  }
0x2b8: {  	v43 =	vld [tilespmem:s0+$0x198C0];
	v14 =	vmax.f32 v14, $0.0e+00;
	v53 =	vadd.f32 v47, v46;
	v47 =	vmul.f32 v26, v7;
	[tilespmem:s15+$0x158F0] =	vst v15  }
0x2b9: {  	v52 =	vld [tilespmem:s0+$0x19890];
	[tilespmem:s10+$0x15890] =	vst v0;
	v0 =	vadd.f32 v50, v51;
	v10 =	vmax.f32 v10, $0.0e+00;
	v15 =	vmax.f32 v49, $0.0e+00  }
0x2ba: {  	v57 =	vld [tilespmem:$0x1FF20];
	v19 =	vadd.f32 v42, v37;
	[tilespmem:s10+$0x158B0] =	vst v63;
	v63 =	vadd.f32 v36, v45;
	v36 =	vmul.f32 v12, v9  }
0x2bb: {  	v40 =	vld [tilespmem:s0+$0x158C0];
	v42 =	vadd.f32 v30, v22;
	[tilespmem:s13+$0x15880] =	vst v10;
	v10 =	vmul.f32 v12, v4;
	v13 =	vmax.f32 v53, $0.0e+00  }
0x2bc: {  	v59 =	vld [tilespmem:s0+$0x198A0];
	[tilespmem:s10+$0x158A0] =	vst v1;
	v53 =	vmul.f32 v12, v3;
	v18 =	vadd.f32 v55, v58;
	v55 =	vmul.f32 v12, v8  }
0x2bd: {  	v61 =	vld [tilespmem:s0+$0x158B0];
	[tilespmem:s10+$0x158F0] =	vst v14;
	v58 =	vmul.f32 v11, v7;
	v46 =	vadd.f32 v25, v23;
	v17 =	vadd.f32 v19, v60  }
0x2be: {  	v37 =	vld [tilespmem:s0+$0x198B0];
	[tilespmem:s13+$0x15890] =	vst v15;
	v0 =	vmax.f32 v0, $0.0e+00;
	v39 =	vadd.f32 v52, v48;
	v41 =	vadd.f32 v63, v36  }
0x2bf: {  	v45 =	vld [tilespmem:s13+$0x198F0];
	v11 =	vmul.f32 v11, v3;
	v10 =	vadd.f32 v42, v10;
	[tilespmem:s3+$0x15890] =	vst v0;
	v0 =	vadd.f32 v27, v28  }
0x2c0: {  	[tilespmem:s13+$0x158A0] =	vst v13;
	v60 =	vadd.f32 v43, v40;
	v18 =	vmax.f32 v18, $0.0e+00;
	v1 =	vadd.f32 v54, v55  }
0x2c1: {  	v44 =	vld [tilespmem:s0+$0x158D0];
	v11 =	vadd.f32 v46, v11;
	[tilespmem:s10+$0x158E0] =	vst v18;
	v17 =	vmax.f32 v17, $0.0e+00;
	v18 =	vadd.f32 v39, v38  }
0x2c2: {  	v48 =	vld [tilespmem:s0+$0x198D0];
	v0 =	vadd.f32 v0, v53;
	v14 =	vmax.f32 v41, $0.0e+00;
	v10 =	vmax.f32 v10, $0.0e+00;
	[tilespmem:s0+$0x15880] =	vst v17  }
0x2c3: {  	v50 =	vld [tilespmem:s0+$0x158E0];
	v20 =	vadd.f32 v57, v24;
	v24 =	vadd.f32 v59, v56;
	v1 =	vmax.f32 v1, $0.0e+00;
	[tilespmem:s13+$0x158C0] =	vst v14  }
0x2c4: {  	v54 =	vld [tilespmem:s0+$0x198E0];
	v55 =	vadd.f32 v45, v29;
	v21 =	vadd.f32 v37, v61;
	v11 =	vmax.f32 v11, $0.0e+00;
	[tilespmem:s13+$0x158D0] =	vst v10  }
0x2c5: {  	v57 =	vld [tilespmem:s0+$0x158F0];
	v10 =	vmul.f32 v26, v9;
	v49 =	vmax.f32 v18, $0.0e+00;
	[tilespmem:s13+$0x158B0] =	vst v1;
	v1 =	vmul.f32 v12, v2  }
0x2c6: {  	v59 =	vld [tilespmem:s0+$0x198F0];
	v0 =	vmax.f32 v0, $0.0e+00;
	[tilespmem:s3+$0x158E0] =	vst v11;
	v11 =	vmul.f32 v26, v4;
	v52 =	vadd.f32 v24, v47  }
0x2c7: {  	v20 =	vadd.f32 v20, v58;
	[tilespmem:s0+$0x15890] =	vst v49;
	v58 =	vmul.f32 v26, v8;
	v61 =	vadd.f32 v48, v44  }
0x2c8: {  	[tilespmem:s13+$0x158E0] =	vst v0;
	v0 =	vadd.f32 v60, v10;
	v1 =	vadd.f32 v55, v1;
	v56 =	vmax.f32 v52, $0.0e+00  }
0x2c9: {  	v10 =	vmul.f32 v26, v3;
	v63 =	vadd.f32 v54, v50;
	v51 =	vmax.f32 v20, $0.0e+00;
	[tilespmem:s0+$0x158A0] =	vst v56  }
0x2ca: {  	v13 =	vadd.f32 v21, v58;
	v0 =	vmax.f32 v0, $0.0e+00;
	[tilespmem:s3+$0x158A0] =	vst v51;
	v1 =	vmax.f32 v1, $0.0e+00  }
0x2cb: {  	v12 =	vadd.f32 v59, v57;
	[tilespmem:s13+$0x158F0] =	vst v1;
	v1 =	vadd.f32 v61, v11;
	v11 =	vmul.f32 v26, v2  }
0x2cc: {  	v10 =	vadd.f32 v63, v10;
	[tilespmem:s0+$0x158C0] =	vst v0;
	v13 =	vmax.f32 v13, $0.0e+00  }
0x2cd: {  	[tilespmem:s0+$0x158B0] =	vst v13;
	v0 =	vmax.f32 v1, $0.0e+00;
	v1 =	vadd.f32 v12, v11  }
0x2ce: {  	[tilespmem:s0+$0x158D0] =	vst v0;
	v0 =	vmax.f32 v10, $0.0e+00  }
0x2cf: {  	s3 =	simm.s32 $0x8;
	[tilespmem:s0+$0x158E0] =	vst v0;
	v10 =	vmax.f32 v1, $0.0e+00  }
.LBB2_9:
0x2d0: {  	s15 =	sshll.u32 s3, $0x7  }
0x2d1: {  	v0 =	vmov s3;
	s17 =	sor.u32 $0x2, s3;
	s10 =	sor.u32 $0x7, s3;
	[tilespmem:s0+$0x158F0] =	vst v10;
	s21 =	smov.u32 s3  }
0x2d2: {  	p1 =	slt.u32 s3, $0x38;
	s3 =	sadd.s32 $0x8, s3;
	v0 =	vand.u32 $0xFFFFFFF8, v0;
	v1 =	vld [tilespmem:s15+$0x15880];
	s0 =	sor.u32 $0x1, s21;
	v10 =	vmov s17;
	v11 =	vmov s10  }
0x2d3: {  	s16 =	sor.u32 $0x3, s21;
	v0 =	vbroadcast v0, $0x0;
	v12 =	vld [tilespmem:s15+$0x19880];
	v13 =	vmov s0;
	v10 =	vand.u32 $0xFFFFFFFA, v10  }
0x2d4: {  	s18 =	sor.u32 $0x4, s21;
	v15 =	vmov s16;
	v14 =	vld [tilespmem:s15+$0x15890];
	v13 =	vand.u32 $0xFFFFFFF9, v13  }
0x2d5: {  	s13 =	sor.u32 $0x5, s21;
	v17 =	vbroadcast v10, $0x0;
	v10 =	vand.u32 $0xFFFFFFFB, v15;
	v15 =	vmov s18;
	v16 =	vld [tilespmem:s15+$0x19890]  }
0x2d6: {  	s21 =	sor.u32 $0x6, s21;
	v19 =	vbroadcast v10, $0x0;
	v10 =	vand.u32 $0xFFFFFFFC, v15;
	v15 =	vmov s13;
	v18 =	vld [tilespmem:s15+$0x158A0]  }
0x2d7: {  	v20 =	vmov s21;
	v21 =	vbroadcast v10, $0x0;
	v15 =	vand.u32 $0xFFFFFFFD, v15;
	v10 =	vld.idx.msk [tilespmem:v11+s31+$0x0], $0xffff  }
0x2d8: {  	v22 =	vbroadcast v15, $0x0;
	v1 =	vadd.f32 v12, v1;
	v11 =	vld [tilespmem:s15+$0x198A0];
	v12 =	vand.u32 $0xFFFFFFFE, v20  }
0x2d9: {  	s21 =	sshll.u32 s21, $0x7;
	v0 =	vld.idx.msk [tilespmem:v0+s31+$0x0], $0xffff;
	v23 =	vbroadcast v12, $0x0  }
0x2da: {  	v14 =	vadd.f32 v16, v14;
	v12 =	vld [tilespmem:s21+$0x198A0]  }
0x2db: {  	v20 =	vld.idx.msk [tilespmem:v17+s31+$0x0], $0xffff  }
0x2dc: {  	v17 =	vld.idx.msk [tilespmem:v19+s31+$0x0], $0xffff  }
0x2dd: {  	v16 =	vadd.f32 v11, v18;
	v15 =	vld.idx.msk [tilespmem:v21+s31+$0x0], $0xffff  }
0x2de: {  	v19 =	vld.idx.msk [tilespmem:v22+s31+$0x0], $0xffff  }
0x2df: {  	v18 =	vmul.f32 v0, v5;
	v21 =	vmul.f32 v0, v6;
	v11 =	vld.idx.msk [tilespmem:v23+s31+$0x0], $0xffff  }
0x2e0: {  	v22 =	vmul.f32 v0, v7;
	v23 =	vld [tilespmem:s15+$0x158B0]  }
0x2e1: {  	v1 =	vadd.f32 v1, v18;
	v14 =	vadd.f32 v14, v21;
	v18 =	vld [tilespmem:s15+$0x198B0]  }
0x2e2: {  	v21 =	vadd.f32 v16, v22;
	v22 =	vld [tilespmem:s15+$0x158C0]  }
0x2e3: {  	v1 =	vmax.f32 v1, $0.0e+00;
	v14 =	vmax.f32 v14, $0.0e+00;
	v16 =	vmul.f32 v15, v3;
	v24 =	vld [tilespmem:s15+$0x198C0]  }
0x2e4: {  	v13 =	vbroadcast v13, $0x0;
	[tilespmem:s15+$0x15880] =	vst v1;
	v1 =	vmax.f32 v21, $0.0e+00;
	v21 =	vld [tilespmem:s15+$0x158D0]  }
0x2e5: {  	[tilespmem:s15+$0x158A0] =	vst v1;
	v1 =	vld [tilespmem:s15+$0x198D0]  }
0x2e6: {  	[tilespmem:s15+$0x15890] =	vst v14;
	v14 =	vadd.f32 v18, v23;
	v18 =	vmul.f32 v0, v8;
	v23 =	vld [tilespmem:s15+$0x158E0]  }
0x2e7: {  	v25 =	vld [tilespmem:s15+$0x198E0]  }
0x2e8: {  	v14 =	vadd.f32 v14, v18;
	v18 =	vadd.f32 v24, v22;
	v22 =	vmul.f32 v0, v9;
	v24 =	vld [tilespmem:s15+$0x158F0]  }
0x2e9: {  	v26 =	vld [tilespmem:s15+$0x198F0]  }
0x2ea: {  	v18 =	vadd.f32 v18, v22;
	v1 =	vadd.f32 v1, v21;
	v21 =	vmul.f32 v0, v4;
	v13 =	vld.idx.msk [tilespmem:v13+s31+$0x0], $0xffff  }
0x2eb: {  	v14 =	vmax.f32 v14, $0.0e+00;
	v22 =	vld [tilespmem:s21+$0x158B0]  }
0x2ec: {  	[tilespmem:s15+$0x158B0] =	vst v14;
	v1 =	vadd.f32 v1, v21;
	v14 =	vadd.f32 v25, v23;
	v21 =	vmul.f32 v0, v3;
	v23 =	vld [tilespmem:s21+$0x198B0]  }
0x2ed: {  	v18 =	vmax.f32 v18, $0.0e+00;
	v25 =	vld [tilespmem:s21+$0x158C0]  }
0x2ee: {  	v0 =	vmul.f32 v0, v2;
	[tilespmem:s15+$0x158C0] =	vst v18;
	v21 =	vadd.f32 v14, v21;
	v14 =	vadd.f32 v26, v24;
	v24 =	vld [tilespmem:s21+$0x198C0]  }
0x2ef: {  	v1 =	vmax.f32 v1, $0.0e+00;
	v26 =	vld [tilespmem:s21+$0x158D0]  }
0x2f0: {  	v18 =	vmul.f32 v13, v5;
	[tilespmem:s15+$0x158D0] =	vst v1;
	v0 =	vadd.f32 v14, v0;
	v14 =	vmul.f32 v13, v4;
	v1 =	vld [tilespmem:s21+$0x198D0]  }
0x2f1: {  	v21 =	vmax.f32 v21, $0.0e+00;
	v22 =	vadd.f32 v23, v22;
	v23 =	vmul.f32 v11, v8;
	v27 =	vld [tilespmem:s21+$0x158F0]  }
0x2f2: {  	[tilespmem:s15+$0x158E0] =	vst v21;
	v0 =	vmax.f32 v0, $0.0e+00;
	v21 =	vld [tilespmem:s21+$0x198F0]  }
0x2f3: {  	[tilespmem:s15+$0x158F0] =	vst v0;
	v0 =	vld [tilespmem:s21+$0x15880];
	v22 =	vadd.f32 v22, v23;
	v23 =	vadd.f32 v24, v25;
	v24 =	vmul.f32 v11, v9  }
0x2f4: {  	v28 =	vmul.f32 v11, v4;
	s15 =	sshll.u32 s18, $0x7;
	v25 =	vld [tilespmem:s21+$0x19880]  }
0x2f5: {  	v29 =	vld [tilespmem:s15+$0x158C0];
	v22 =	vmax.f32 v22, $0.0e+00;
	v23 =	vadd.f32 v23, v24;
	v1 =	vadd.f32 v1, v26  }
0x2f6: {  	v24 =	vld [tilespmem:s15+$0x198C0];
	[tilespmem:s21+$0x158B0] =	vst v22;
	v22 =	vmul.f32 v11, v2  }
0x2f7: {  	v26 =	vld [tilespmem:s15+$0x158D0];
	v23 =	vmax.f32 v23, $0.0e+00;
	v1 =	vadd.f32 v1, v28;
	v27 =	vadd.f32 v21, v27  }
0x2f8: {  	s16 =	sshll.u32 s16, $0x7;
	v30 =	vmul.f32 v11, v5;
	v28 =	vld [tilespmem:s15+$0x198D0];
	[tilespmem:s21+$0x158C0] =	vst v23  }
0x2f9: {  	s17 =	sshll.u32 s17, $0x7;
	v21 =	vld [tilespmem:s16+$0x198F0];
	v0 =	vadd.f32 v25, v0;
	v1 =	vmax.f32 v1, $0.0e+00;
	v22 =	vadd.f32 v27, v22  }
0x2fa: {  	v25 =	vmul.f32 v15, v9;
	v23 =	vld [tilespmem:s17+$0x15880];
	[tilespmem:s21+$0x158D0] =	vst v1  }
0x2fb: {  	v1 =	vld [tilespmem:s17+$0x19880];
	v24 =	vadd.f32 v24, v29;
	v0 =	vadd.f32 v0, v30;
	v22 =	vmax.f32 v22, $0.0e+00  }
0x2fc: {  	v29 =	vmul.f32 v15, v4;
	v27 =	vld [tilespmem:s17+$0x15890];
	[tilespmem:s21+$0x158F0] =	vst v22  }
0x2fd: {  	v22 =	vld [tilespmem:s17+$0x19890];
	v24 =	vadd.f32 v24, v25;
	v25 =	vadd.f32 v28, v26;
	v0 =	vmax.f32 v0, $0.0e+00  }
0x2fe: {  	v26 =	vld [tilespmem:s17+$0x158A0];
	[tilespmem:s21+$0x15880] =	vst v0  }
0x2ff: {  	v0 =	vld [tilespmem:s17+$0x198A0];
	v24 =	vmax.f32 v24, $0.0e+00;
	v25 =	vadd.f32 v25, v29  }
0x300: {  	v1 =	vadd.f32 v1, v23;
	v23 =	vmul.f32 v20, v5;
	v28 =	vld [tilespmem:s17+$0x158B0];
	[tilespmem:s15+$0x158C0] =	vst v24  }
0x301: {  	v24 =	vld [tilespmem:s17+$0x198B0];
	v25 =	vmax.f32 v25, $0.0e+00  }
0x302: {  	v1 =	vadd.f32 v1, v23;
	v22 =	vadd.f32 v22, v27;
	v23 =	vmul.f32 v20, v6;
	v27 =	vld [tilespmem:s17+$0x158C0];
	[tilespmem:s15+$0x158D0] =	vst v25  }
0x303: {  	s13 =	sshll.u32 s13, $0x7;
	v25 =	vld [tilespmem:s17+$0x198C0]  }
0x304: {  	v22 =	vadd.f32 v22, v23;
	v0 =	vadd.f32 v0, v26;
	v23 =	vmul.f32 v20, v7;
	v26 =	vld [tilespmem:s13+$0x15880]  }
0x305: {  	v1 =	vmax.f32 v1, $0.0e+00;
	v29 =	vld [tilespmem:s13+$0x19880]  }
0x306: {  	[tilespmem:s17+$0x15880] =	vst v1;
	v0 =	vadd.f32 v0, v23;
	v1 =	vadd.f32 v24, v28;
	v23 =	vmul.f32 v20, v8;
	v24 =	vld [tilespmem:s17+$0x158D0]  }
0x307: {  	v22 =	vmax.f32 v22, $0.0e+00;
	v28 =	vld [tilespmem:s17+$0x198D0]  }
0x308: {  	[tilespmem:s17+$0x15890] =	vst v22;
	v1 =	vadd.f32 v1, v23;
	v22 =	vadd.f32 v25, v27;
	v23 =	vmul.f32 v20, v9;
	v25 =	vld [tilespmem:s13+$0x15890]  }
0x309: {  	v0 =	vmax.f32 v0, $0.0e+00;
	v27 =	vmul.f32 v19, v5;
	v30 =	vld [tilespmem:s13+$0x19890]  }
0x30a: {  	[tilespmem:s17+$0x158A0] =	vst v0;
	v0 =	vmax.f32 v1, $0.0e+00;
	v1 =	vadd.f32 v22, v23;
	v22 =	vadd.f32 v29, v26;
	v23 =	vld [tilespmem:s13+$0x158A0]  }
0x30b: {  	[tilespmem:s17+$0x158B0] =	vst v0;
	v0 =	vmul.f32 v20, v4;
	v26 =	vld [tilespmem:s13+$0x198A0]  }
0x30c: {  	v1 =	vmax.f32 v1, $0.0e+00;
	v24 =	vadd.f32 v28, v24;
	v28 =	vld [tilespmem:s17+$0x158E0];
	v22 =	vadd.f32 v22, v27  }
0x30d: {  	[tilespmem:s17+$0x158C0] =	vst v1;
	v1 =	vmul.f32 v19, v6;
	v27 =	vld [tilespmem:s13+$0x158B0]  }
0x30e: {  	v0 =	vadd.f32 v24, v0;
	v22 =	vmax.f32 v22, $0.0e+00;
	v24 =	vadd.f32 v30, v25;
	v25 =	vld [tilespmem:s13+$0x198B0]  }
0x30f: {  	v29 =	vld [tilespmem:s17+$0x198E0];
	[tilespmem:s13+$0x15880] =	vst v22;
	v22 =	vmul.f32 v19, v7  }
0x310: {  	v0 =	vmax.f32 v0, $0.0e+00;
	v1 =	vadd.f32 v24, v1;
	v23 =	vadd.f32 v26, v23;
	v24 =	vld [tilespmem:s13+$0x158C0]  }
0x311: {  	[tilespmem:s17+$0x158D0] =	vst v0;
	v0 =	vld [tilespmem:s13+$0x198C0]  }
0x312: {  	v1 =	vmax.f32 v1, $0.0e+00;
	v22 =	vadd.f32 v23, v22;
	v23 =	vld [tilespmem:s13+$0x158D0]  }
0x313: {  	v26 =	vld [tilespmem:s17+$0x158F0];
	[tilespmem:s13+$0x15890] =	vst v1;
	v1 =	vadd.f32 v25, v27;
	v25 =	vmul.f32 v19, v8  }
0x314: {  	v27 =	vadd.f32 v29, v28;
	v28 =	vmul.f32 v20, v3;
	v29 =	vld [tilespmem:s17+$0x198F0];
	v22 =	vmax.f32 v22, $0.0e+00  }
0x315: {  	[tilespmem:s13+$0x158A0] =	vst v22;
	v1 =	vadd.f32 v1, v25;
	v22 =	vld [tilespmem:s13+$0x198D0]  }
0x316: {  	v25 =	vadd.f32 v27, v28;
	v0 =	vadd.f32 v0, v24;
	v24 =	vmul.f32 v19, v9;
	v27 =	vld [tilespmem:s13+$0x158E0]  }
0x317: {  	v1 =	vmax.f32 v1, $0.0e+00;
	v28 =	vld [tilespmem:s13+$0x198E0]  }
0x318: {  	v25 =	vmax.f32 v25, $0.0e+00;
	[tilespmem:s13+$0x158B0] =	vst v1;
	v0 =	vadd.f32 v0, v24;
	v1 =	vld [tilespmem:s13+$0x158F0]  }
0x319: {  	v20 =	vmul.f32 v20, v2;
	[tilespmem:s17+$0x158E0] =	vst v25;
	v24 =	vadd.f32 v29, v26;
	v25 =	vld [tilespmem:s13+$0x198F0]  }
0x31a: {  	v26 =	vld [tilespmem:s16+$0x15880];
	v0 =	vmax.f32 v0, $0.0e+00;
	v22 =	vadd.f32 v22, v23;
	v23 =	vmul.f32 v19, v4  }
0x31b: {  	v20 =	vadd.f32 v24, v20;
	v24 =	vld [tilespmem:s16+$0x19880];
	[tilespmem:s13+$0x158C0] =	vst v0  }
0x31c: {  	v0 =	vld [tilespmem:s16+$0x15890];
	v22 =	vadd.f32 v22, v23;
	v23 =	vadd.f32 v28, v27;
	v27 =	vmul.f32 v19, v3  }
0x31d: {  	v20 =	vmax.f32 v20, $0.0e+00;
	v28 =	vld [tilespmem:s16+$0x19890]  }
0x31e: {  	v19 =	vmul.f32 v19, v2;
	[tilespmem:s17+$0x158F0] =	vst v20;
	v20 =	vld [tilespmem:s16+$0x158A0];
	v23 =	vadd.f32 v23, v27;
	v1 =	vadd.f32 v25, v1  }
0x31f: {  	v22 =	vmax.f32 v22, $0.0e+00;
	v25 =	vld [tilespmem:s16+$0x198A0]  }
0x320: {  	v24 =	vadd.f32 v24, v26;
	v26 =	vmul.f32 v17, v5;
	v27 =	vld [tilespmem:s16+$0x158B0];
	[tilespmem:s13+$0x158D0] =	vst v22;
	v1 =	vadd.f32 v1, v19  }
0x321: {  	v22 =	vmax.f32 v23, $0.0e+00;
	v19 =	vld [tilespmem:s16+$0x198B0]  }
0x322: {  	v23 =	vadd.f32 v24, v26;
	v0 =	vadd.f32 v28, v0;
	v24 =	vmul.f32 v17, v6;
	v26 =	vld [tilespmem:s16+$0x158C0];
	[tilespmem:s13+$0x158E0] =	vst v22  }
0x323: {  	v22 =	vmul.f32 v17, v7;
	v1 =	vmax.f32 v1, $0.0e+00;
	v28 =	vld [tilespmem:s16+$0x198C0]  }
0x324: {  	v23 =	vmax.f32 v23, $0.0e+00;
	v0 =	vadd.f32 v0, v24;
	v20 =	vadd.f32 v25, v20;
	v24 =	vld [tilespmem:s16+$0x158D0];
	[tilespmem:s13+$0x158F0] =	vst v1  }
0x325: {  	v1 =	vmul.f32 v17, v8;
	[tilespmem:s16+$0x15880] =	vst v23;
	v23 =	vld [tilespmem:s16+$0x198D0]  }
0x326: {  	v0 =	vmax.f32 v0, $0.0e+00;
	v20 =	vadd.f32 v20, v22;
	v19 =	vadd.f32 v19, v27;
	v22 =	vld [tilespmem:s16+$0x158E0]  }
0x327: {  	[tilespmem:s16+$0x15890] =	vst v0;
	v0 =	vmul.f32 v17, v9;
	v25 =	vld [tilespmem:s16+$0x198E0]  }
0x328: {  	v20 =	vmax.f32 v20, $0.0e+00;
	v1 =	vadd.f32 v19, v1;
	v19 =	vadd.f32 v28, v26;
	v26 =	vld [tilespmem:s16+$0x158F0]  }
0x329: {  	[tilespmem:s16+$0x158A0] =	vst v20;
	v20 =	vmul.f32 v17, v4;
	v27 =	vld [tilespmem:s15+$0x15880]  }
0x32a: {  	v1 =	vmax.f32 v1, $0.0e+00;
	v0 =	vadd.f32 v19, v0;
	v19 =	vadd.f32 v23, v24;
	v23 =	vld [tilespmem:s15+$0x19880]  }
0x32b: {  	[tilespmem:s16+$0x158B0] =	vst v1;
	v1 =	vmul.f32 v17, v3;
	v24 =	vld [tilespmem:s15+$0x15890]  }
0x32c: {  	v0 =	vmax.f32 v0, $0.0e+00;
	v19 =	vadd.f32 v19, v20;
	v20 =	vadd.f32 v25, v22;
	v22 =	vld [tilespmem:s15+$0x19890]  }
0x32d: {  	v17 =	vmul.f32 v17, v2;
	[tilespmem:s16+$0x158C0] =	vst v0;
	v0 =	vadd.f32 v21, v26;
	v21 =	vld [tilespmem:s15+$0x158A0]  }
0x32e: {  	v19 =	vmax.f32 v19, $0.0e+00;
	v1 =	vadd.f32 v20, v1;
	v20 =	vld [tilespmem:s15+$0x198A0]  }
0x32f: {  	[tilespmem:s16+$0x158D0] =	vst v19;
	v0 =	vadd.f32 v0, v17;
	v17 =	vadd.f32 v23, v27;
	v19 =	vmul.f32 v15, v5;
	v23 =	vld [tilespmem:s15+$0x158B0]  }
0x330: {  	v25 =	vmul.f32 v15, v6;
	v1 =	vmax.f32 v1, $0.0e+00;
	v26 =	vld [tilespmem:s15+$0x198B0]  }
0x331: {  	[tilespmem:s16+$0x158E0] =	vst v1;
	v0 =	vmax.f32 v0, $0.0e+00;
	v1 =	vadd.f32 v17, v19;
	v17 =	vadd.f32 v22, v24;
	v19 =	vld [tilespmem:s15+$0x158E0]  }
0x332: {  	[tilespmem:s16+$0x158F0] =	vst v0;
	v0 =	vmul.f32 v15, v7;
	v22 =	vld [tilespmem:s15+$0x198E0]  }
0x333: {  	v1 =	vmax.f32 v1, $0.0e+00;
	v17 =	vadd.f32 v17, v25;
	v20 =	vadd.f32 v20, v21;
	v21 =	vld [tilespmem:s15+$0x158F0]  }
0x334: {  	s13 =	sshll.u32 s0, $0x7;
	[tilespmem:s15+$0x15880] =	vst v1;
	v1 =	vmul.f32 v15, v8;
	v24 =	vld [tilespmem:s15+$0x198F0]  }
0x335: {  	v25 =	vld [tilespmem:s13+$0x15880];
	v17 =	vmax.f32 v17, $0.0e+00;
	v0 =	vadd.f32 v20, v0;
	v20 =	vadd.f32 v26, v23  }
0x336: {  	v23 =	vld [tilespmem:s13+$0x19880];
	[tilespmem:s15+$0x15890] =	vst v17  }
0x337: {  	v17 =	vld [tilespmem:s13+$0x15890];
	v0 =	vmax.f32 v0, $0.0e+00;
	v1 =	vadd.f32 v20, v1;
	v19 =	vadd.f32 v22, v19  }
0x338: {  	v20 =	vld [tilespmem:s13+$0x19890];
	[tilespmem:s15+$0x158A0] =	vst v0;
	v0 =	vmul.f32 v15, v2  }
0x339: {  	v15 =	vld [tilespmem:s13+$0x158A0];
	v1 =	vmax.f32 v1, $0.0e+00;
	v16 =	vadd.f32 v19, v16;
	v19 =	vadd.f32 v24, v21  }
0x33a: {  	v21 =	vld [tilespmem:s13+$0x198A0];
	[tilespmem:s15+$0x158B0] =	vst v1  }
0x33b: {  	v1 =	vadd.f32 v23, v25;
	v22 =	vld [tilespmem:s13+$0x158B0];
	v16 =	vmax.f32 v16, $0.0e+00;
	v0 =	vadd.f32 v19, v0  }
0x33c: {  	[tilespmem:s15+$0x158E0] =	vst v16;
	v16 =	vld [tilespmem:s21+$0x15890]  }
0x33d: {  	v1 =	vadd.f32 v1, v18;
	v17 =	vadd.f32 v20, v17;
	v18 =	vmul.f32 v13, v6;
	v19 =	vld [tilespmem:s21+$0x19890]  }
0x33e: {  	v20 =	vmul.f32 v13, v7;
	v0 =	vmax.f32 v0, $0.0e+00;
	v23 =	vld [tilespmem:s13+$0x198B0]  }
0x33f: {  	v1 =	vmax.f32 v1, $0.0e+00;
	v17 =	vadd.f32 v17, v18;
	v15 =	vadd.f32 v21, v15;
	v18 =	vld [tilespmem:s13+$0x158C0];
	[tilespmem:s15+$0x158F0] =	vst v0  }
0x340: {  	[tilespmem:s13+$0x15880] =	vst v1;
	v0 =	vld [tilespmem:s21+$0x158A0]  }
0x341: {  	v1 =	vmax.f32 v17, $0.0e+00;
	v15 =	vadd.f32 v15, v20;
	v17 =	vld [tilespmem:s13+$0x198C0]  }
0x342: {  	[tilespmem:s13+$0x15890] =	vst v1;
	v1 =	vld [tilespmem:s13+$0x158D0];
	v16 =	vadd.f32 v19, v16;
	v19 =	vmul.f32 v11, v6  }
0x343: {  	v21 =	vmul.f32 v13, v8;
	v15 =	vmax.f32 v15, $0.0e+00;
	v20 =	vadd.f32 v23, v22;
	v22 =	vld [tilespmem:s21+$0x198E0]  }
0x344: {  	[tilespmem:s13+$0x158A0] =	vst v15;
	v15 =	vld [tilespmem:s13+$0x198D0];
	v16 =	vadd.f32 v16, v19  }
0x345: {  	v19 =	vadd.f32 v20, v21;
	v0 =	vadd.f32 v12, v0;
	v12 =	vmul.f32 v11, v7;
	v20 =	vld [tilespmem:s21+$0x158E0]  }
0x346: {  	v17 =	vadd.f32 v17, v18;
	v18 =	vmul.f32 v13, v9;
	v21 =	vld [tilespmem:s13+$0x158E0];
	v16 =	vmax.f32 v16, $0.0e+00  }
0x347: {  	v19 =	vmax.f32 v19, $0.0e+00;
	v23 =	vld [tilespmem:s13+$0x198E0];
	[tilespmem:s21+$0x15890] =	vst v16;
	v0 =	vadd.f32 v0, v12  }
0x348: {  	[tilespmem:s13+$0x158B0] =	vst v19;
	v12 =	vadd.f32 v17, v18;
	v16 =	vld [tilespmem:s13+$0x158F0]  }
0x349: {  	s0 =	sshll.u32 s10, $0x7;
	v1 =	vadd.f32 v15, v1;
	v15 =	vld [tilespmem:s13+$0x198F0];
	v0 =	vmax.f32 v0, $0.0e+00  }
0x34a: {  	v11 =	vmul.f32 v11, v3;
	v12 =	vmax.f32 v12, $0.0e+00;
	[tilespmem:s21+$0x158A0] =	vst v0;
	v0 =	vadd.f32 v22, v20;
	v17 =	vld [tilespmem:s0+$0x15880]  }
0x34b: {  	[tilespmem:s13+$0x158C0] =	vst v12;
	v1 =	vadd.f32 v1, v14;
	v12 =	vld [tilespmem:s0+$0x19880]  }
0x34c: {  	v18 =	vmul.f32 v13, v3;
	v14 =	vadd.f32 v23, v21;
	v0 =	vadd.f32 v0, v11;
	v11 =	vld [tilespmem:s0+$0x15890]  }
0x34d: {  	v13 =	vmul.f32 v13, v2;
	v1 =	vmax.f32 v1, $0.0e+00;
	v19 =	vld [tilespmem:s0+$0x19890]  }
0x34e: {  	[tilespmem:s13+$0x158D0] =	vst v1;
	v1 =	vadd.f32 v14, v18;
	v14 =	vadd.f32 v15, v16;
	v0 =	vmax.f32 v0, $0.0e+00;
	v15 =	vld [tilespmem:s0+$0x158A0]  }
0x34f: {  	[tilespmem:s21+$0x158E0] =	vst v0;
	v0 =	vmul.f32 v10, v5;
	v16 =	vld [tilespmem:s0+$0x198A0]  }
0x350: {  	v1 =	vmax.f32 v1, $0.0e+00;
	v13 =	vadd.f32 v14, v13;
	v12 =	vadd.f32 v12, v17;
	v14 =	vld [tilespmem:s0+$0x158B0]  }
0x351: {  	[tilespmem:s13+$0x158E0] =	vst v1;
	v1 =	vmul.f32 v10, v6;
	v17 =	vld [tilespmem:s0+$0x198B0]  }
0x352: {  	v13 =	vmax.f32 v13, $0.0e+00;
	v0 =	vadd.f32 v12, v0;
	v11 =	vadd.f32 v19, v11;
	v12 =	vld [tilespmem:s0+$0x158C0]  }
0x353: {  	[tilespmem:s13+$0x158F0] =	vst v13;
	v13 =	vmul.f32 v10, v7;
	v18 =	vld [tilespmem:s0+$0x198C0]  }
0x354: {  	v0 =	vmax.f32 v0, $0.0e+00;
	v1 =	vadd.f32 v11, v1;
	v11 =	vadd.f32 v16, v15;
	v15 =	vld [tilespmem:s0+$0x158D0]  }
0x355: {  	[tilespmem:s0+$0x15880] =	vst v0;
	v0 =	vmul.f32 v10, v8;
	v16 =	vld [tilespmem:s0+$0x198D0]  }
0x356: {  	v1 =	vmax.f32 v1, $0.0e+00;
	v11 =	vadd.f32 v11, v13;
	v13 =	vadd.f32 v17, v14;
	v14 =	vld [tilespmem:s0+$0x158E0]  }
0x357: {  	[tilespmem:s0+$0x15890] =	vst v1;
	v1 =	vmul.f32 v10, v9;
	v17 =	vld [tilespmem:s0+$0x198E0]  }
0x358: {  	v11 =	vmax.f32 v11, $0.0e+00;
	v0 =	vadd.f32 v13, v0;
	v12 =	vadd.f32 v18, v12;
	v13 =	vld [tilespmem:s0+$0x158F0]  }
0x359: {  	[tilespmem:s0+$0x158A0] =	vst v11;
	v11 =	vmul.f32 v10, v4;
	v18 =	vld [tilespmem:s0+$0x198F0]  }
0x35a: {  	v0 =	vmax.f32 v0, $0.0e+00;
	v1 =	vadd.f32 v12, v1;
	v12 =	vadd.f32 v16, v15  }
0x35b: {  	[tilespmem:s0+$0x158B0] =	vst v0;
	v0 =	vmul.f32 v10, v3  }
0x35c: {  	v1 =	vmax.f32 v1, $0.0e+00;
	v11 =	vadd.f32 v12, v11;
	v12 =	vadd.f32 v17, v14  }
0x35d: {  	[tilespmem:s0+$0x158C0] =	vst v1;
	v1 =	vmul.f32 v10, v2  }
.Ltmp3:
0x35e: {  	v10 =	vmax.f32 v11, $0.0e+00;
	v0 =	vadd.f32 v12, v0;
	v11 =	vadd.f32 v18, v13;
	(pc) =	sbr.rel @p1 .LBB2_9-.Ltmp3, $4  }
0x35f: {  	[tilespmem:s0+$0x158D0] =	vst v10  }
0x360: {  	v0 =	vmax.f32 v0, $0.0e+00;
	v1 =	vadd.f32 v11, v1  }
0x361: {  	[tilespmem:s0+$0x158E0] =	vst v0  }
0x362: {  	v10 =	vmax.f32 v1, $0.0e+00  }
0x363: {  	[tilespmem:s0+$0x158F0] =	vst v10  }
0x364: {  	v0 =	vld [tilespmem:$0x1BC00];
	_ =	sdelay $0x6  }
0x365: {  	v1 =	vimm.f32 $1.000000000e+00  }
0x366: {  	[tilespmem:v0+s25+$0x0] =	vst.idx.add.f32.msk $0xffff, v1  }
0x367: {  	v0 =	vld [tilespmem:$0x1BC10];
	_ =	sdelay $0x7  }
0x368: {  	[tilespmem:v0+s25+$0x0] =	vst.idx.add.f32.msk $0xffff, v1  }
0x369: {  	v0 =	vld [tilespmem:$0x1BC20];
	_ =	sdelay $0x7  }
0x36a: {  	[tilespmem:v0+s25+$0x0] =	vst.idx.add.f32.msk $0xffff, v1  }
0x36b: {  	v0 =	vld [tilespmem:$0x1BC30];
	_ =	sdelay $0x2  }
0x36c: {  	s11 =	sadd.s32 $0x1, s11  }
0x36d: {  	p1 =	sne.s32 s11, $0x4E  }
.Ltmp4:
0x36e: {  	_ = 	snop;
	(pc) =	sbr.rel @p1 .LBB2_6-.Ltmp4, $3  }
0x36f: {  	_ =	sdelay $0x1  }
0x370: {  	s26 =	simm.s32 $0x1BC00;
	[tilespmem:v0+s25+$0x0] =	vst.idx.add.f32.msk $0xffff, v1  }
0x371: {  	v36 =	vimm.f32 $1.000000000e+00;
	[spmem:s2] =	stream.indirect.scatter.add.f32 [tilespmem:s20], [sflag:$0x8], $0x80, s26, s14, $0xb8;
	[tilespmem:$0x1E700] =	vst v63  }
0x372: {  	s0 =	simm.s32 $0x8  }
0x373: {  	_ =	swait.ge [sflag:s0], $0x2000  }
0x374: {  	s3 =	simm.s32 $0x0;
	[sflag:s0] =	ssyncset.done $0x0  }
0x375: {  	s26 =	simm.s32 $0x1BD80;
	s15 =	rddreg [dreg:$0xe];
	[sflag:s0] =	ssyncadd.s32 $0xFFFFE000  }
0x376: {  	[tilespmem:s26], [sflag:$0x9] =	stream.linear.gather [hbm4b:s15+s3], $0x10, $0x38;
	[tilespmem:$0x1E700] =	vst v63  }
0x377: {  	_ =	swait.ge [sflag:s12], $0x10  }
0x378: {  	[sflag:s12] =	ssyncset.done $0x0  }
0x379: {  	s4 =	simm.s32 $0x1BE00;
	s16 =	rddreg [dreg:$0x10];
	[sflag:s12] =	ssyncadd.s32 $0xFFFFFFF0  }
0x37a: {  	[tilespmem:s4], [sflag:$0x9] =	stream.linear.gather [hbm4b:s16+s3], $0x10, $0x38;
	[tilespmem:$0x1E700] =	vst v63  }
0x37b: {  	_ =	swait.ge [sflag:s12], $0x10  }
0x37c: {  	[sflag:s12] =	ssyncset.done $0x0  }
0x37d: {  	s17 =	rddreg [dreg:$0x11];
	[sflag:s12] =	ssyncadd.s32 $0xFFFFFFF0  }
0x37e: {  	[tilespmem:s9], [sflag:$0x9] =	stream.linear.gather [hbm4b:s17+s3], $0x10, $0x38;
	[tilespmem:$0x1E700] =	vst v63  }
0x37f: {  	_ =	swait.ge [sflag:s12], $0x10  }
0x380: {  	[sflag:s12] =	ssyncset.done $0x0  }
0x381: {  	s18 =	simm.s32 $0x13880;
	s10 =	simm.s32 $0x10;
	[sflag:s12] =	ssyncadd.s32 $0xFFFFFFF0  }
0x382: {  	[tilespmem:s18], [sflag:$0x9] =	stream.indirect.gather [hbm4b:s1+s10], $0x80, s26, s10, $0xb8;
	[tilespmem:$0x1E700] =	vst v63  }
0x383: {  	_ =	swait.ge [sflag:s12], $0x800  }
0x384: {  	s21 =	simm.s32 $0x1;
	[sflag:s12] =	ssyncset.done $0x0  }
0x385: {  	v0 =	vmov s21;
	s21 =	simm.s32 $0x17880;
	[sflag:s12] =	ssyncadd.s32 $0xFFFFF800  }
0x386: {  	v0 =	vand.u32 $0xFFFFFFFD, v0;
	[tilespmem:s21], [sflag:$0x9] =	stream.indirect.gather [hbm4b:s5+s10], $0x80, s4, s10, $0xb8;
	[tilespmem:$0x1E700] =	vst v63  }
0x387: {  	s11 =	simm.s32 $0x2;
	v0 =	vbroadcast v0, $0x0;
	_ =	swait.ge [sflag:s12], $0x800  }
0x388: {  	v1 =	vmov s11;
	[sflag:s12] =	ssyncset.done $0x0  }
0x389: {  	s13 =	simm.s32 $0x17980;
	v1 =	vand.u32 $0xFFFFFFFE, v1;
	[sflag:s12] =	ssyncadd.s32 $0xFFFFF800  }
0x38a: {  	v10 =	vmov s3;
	v1 =	vbroadcast v1, $0x0;
	v11 =	vld [tilespmem:s13+$0xFFFFFF00]  }
0x38b: {  	v10 =	vand.u32 $0xFFFFFFFC, v10;
	s4 =	simm.s32 $0x13980;
	v12 =	vld [tilespmem:s13+$0xFFFFFF80]  }
0x38c: {  	v10 =	vbroadcast v10, $0x0;
	v13 =	vld [tilespmem:s4+$0xFFFFFF80]  }
0x38d: {  	v14 =	vld.idx.msk [tilespmem:v0+s9+$0x0], $0xffff  }
0x38e: {  	s15 =	simm.s32 $0x3;
	v0 =	vld [tilespmem:s13+$0x0]  }
0x38f: {  	v16 =	vmov s15;
	v18 =	vld [tilespmem:s4+$0x0]  }
0x390: {  	v17 =	vld.idx.msk [tilespmem:v1+s9+$0x0], $0xffff  }
0x391: {  	v1 =	vld [tilespmem:s4+$0xFFFFFF00]  }
0x392: {  	v15 =	vld.idx.msk [tilespmem:v10+s9+$0x0], $0xffff  }
0x393: {  	v10 =	vadd.f32 v12, v13;
	v12 =	vmul.f32 v14, v5  }
0x394: {  	v16 =	vld.idx.msk [tilespmem:v16+s9+$0x0], $0xffff  }
0x395: {  	v13 =	vld [tilespmem:s4+$0x80];
	v0 =	vadd.f32 v0, v18;
	v18 =	vmul.f32 v17, v5;
	v10 =	vadd.f32 v10, v12  }
0x396: {  	v1 =	vadd.f32 v11, v1;
	v12 =	vld [tilespmem:s13+$0x80]  }
0x397: {  	v11 =	vmul.f32 v15, v5;
	v0 =	vadd.f32 v0, v18;
	v10 =	vmax.f32 v10, $0.0e+00  }
0x398: {  	[tilespmem:s4+$0xFFFFFF80] =	vst v10;
	v10 =	vld [tilespmem:s4+$0xFFFFFF90]  }
0x399: {  	v1 =	vadd.f32 v1, v11;
	v0 =	vmax.f32 v0, $0.0e+00;
	v11 =	vld [tilespmem:s13+$0xFFFFFF90]  }
0x39a: {  	v18 =	vld [tilespmem:s4+$0x10];
	[tilespmem:s4+$0x0] =	vst v0  }
0x39b: {  	v0 =	vmax.f32 v1, $0.0e+00;
	v1 =	vld [tilespmem:s13+$0x10];
	v12 =	vadd.f32 v12, v13;
	v13 =	vmul.f32 v16, v5  }
0x39c: {  	v19 =	vld [tilespmem:s4+$0xFFFFFF10];
	[tilespmem:s4+$0xFFFFFF00] =	vst v0  }
0x39d: {  	v0 =	vadd.f32 v12, v13;
	v12 =	vld [tilespmem:s13+$0xFFFFFF10]  }
0x39e: {  	v10 =	vadd.f32 v11, v10;
	v11 =	vmul.f32 v14, v6  }
0x39f: {  	v0 =	vmax.f32 v0, $0.0e+00  }
0x3a0: {  	v13 =	vld [tilespmem:s4+$0x90];
	v1 =	vadd.f32 v1, v18;
	[tilespmem:s4+$0x80] =	vst v0;
	v10 =	vadd.f32 v10, v11;
	v11 =	vmul.f32 v17, v6  }
0x3a1: {  	v0 =	vld [tilespmem:s13+$0x90]  }
0x3a2: {  	v18 =	vmul.f32 v15, v6;
	v12 =	vadd.f32 v12, v19;
	v1 =	vadd.f32 v1, v11  }
0x3a3: {  	v19 =	vld [tilespmem:s4+$0xFFFFFFA0];
	v10 =	vmax.f32 v10, $0.0e+00  }
0x3a4: {  	[tilespmem:s4+$0xFFFFFF90] =	vst v10;
	v10 =	vadd.f32 v12, v18;
	v12 =	vld [tilespmem:s4+$0x20];
	v1 =	vmax.f32 v1, $0.0e+00  }
0x3a5: {  	v11 =	vld [tilespmem:s13+$0xFFFFFFA0];
	[tilespmem:s4+$0x10] =	vst v1  }
0x3a6: {  	v0 =	vadd.f32 v0, v13;
	v13 =	vmul.f32 v16, v6;
	v1 =	vmax.f32 v10, $0.0e+00;
	v10 =	vld [tilespmem:s13+$0x20]  }
0x3a7: {  	[tilespmem:s4+$0xFFFFFF10] =	vst v1;
	v1 =	vld [tilespmem:s4+$0xFFFFFF20]  }
0x3a8: {  	v0 =	vadd.f32 v0, v13;
	v13 =	vld [tilespmem:s13+$0xFFFFFF20];
	_ =	sdelay $0x1  }
0x3a9: {  	v0 =	vmax.f32 v0, $0.0e+00;
	v11 =	vadd.f32 v11, v19;
	v19 =	vmul.f32 v14, v7  }
0x3aa: {  	v18 =	vld [tilespmem:s4+$0xA0];
	[tilespmem:s4+$0x90] =	vst v0  }
0x3ab: {  	v0 =	vld [tilespmem:s13+$0xA0];
	v11 =	vadd.f32 v11, v19;
	v10 =	vadd.f32 v10, v12;
	v12 =	vmul.f32 v17, v7  }
0x3ac: {  	v1 =	vadd.f32 v13, v1  }
0x3ad: {  	v21 =	vld [tilespmem:s4+$0x70];
	v13 =	vmul.f32 v15, v7;
	v11 =	vmax.f32 v11, $0.0e+00;
	v10 =	vadd.f32 v10, v12  }
0x3ae: {  	[tilespmem:s4+$0xFFFFFFA0] =	vst v11;
	v11 =	vld [tilespmem:s4+$0xFFFFFFB0]  }
0x3af: {  	v1 =	vadd.f32 v1, v13;
	v13 =	vld [tilespmem:s13+$0xFFFFFFB0];
	v10 =	vmax.f32 v10, $0.0e+00  }
0x3b0: {  	v0 =	vadd.f32 v0, v18;
	v18 =	vld [tilespmem:s4+$0x30];
	[tilespmem:s4+$0x20] =	vst v10  }
0x3b1: {  	v10 =	vld [tilespmem:s13+$0x30]  }
0x3b2: {  	v23 =	vld [tilespmem:s4+$0x50]  }
0x3b3: {  	v25 =	vld [tilespmem:s4+$0xD0];
	v12 =	vmul.f32 v16, v7;
	v1 =	vmax.f32 v1, $0.0e+00  }
0x3b4: {  	[tilespmem:s4+$0xFFFFFF20] =	vst v1;
	v1 =	vld [tilespmem:s4+$0xFFFFFF30];
	v11 =	vadd.f32 v13, v11;
	v13 =	vmul.f32 v14, v8  }
0x3b5: {  	v0 =	vadd.f32 v0, v12;
	v12 =	vld [tilespmem:s13+$0xFFFFFF30]  }
0x3b6: {  	v26 =	vld [tilespmem:s4+$0x60];
	v11 =	vadd.f32 v11, v13;
	v10 =	vadd.f32 v10, v18;
	v13 =	vmul.f32 v17, v8  }
0x3b7: {  	v28 =	vld [tilespmem:s4+$0xFFFFFFE0];
	v0 =	vmax.f32 v0, $0.0e+00  }
0x3b8: {  	[tilespmem:s4+$0xA0] =	vst v0;
	v0 =	vld [tilespmem:s4+$0xB0];
	v10 =	vadd.f32 v10, v13  }
0x3b9: {  	v20 =	vld [tilespmem:s13+$0xB0]  }
0x3ba: {  	v1 =	vadd.f32 v12, v1;
	v12 =	vld [tilespmem:s4+$0xFFFFFFC0];
	v10 =	vmax.f32 v10, $0.0e+00  }
0x3bb: {  	v11 =	vmax.f32 v11, $0.0e+00;
	v13 =	vld [tilespmem:s4+$0x40];
	[tilespmem:s4+$0x30] =	vst v10  }
0x3bc: {  	[tilespmem:s4+$0xFFFFFFB0] =	vst v11;
	v10 =	vld [tilespmem:s13+$0x40]  }
0x3bd: {  	s10 =	simm.s32 $0x17B80;
	v18 =	vld [tilespmem:s13+$0xFFFFFFC0]  }
0x3be: {  	v29 =	vld [tilespmem:s10+$0xFFFFFF00]  }
0x3bf: {  	v30 =	vld [tilespmem:s10+$0x0];
	v11 =	vmul.f32 v15, v8  }
0x3c0: {  	s3 =	simm.s32 $0x13B80;
	v31 =	vld [tilespmem:s10+$0xFFFFFF80];
	v0 =	vadd.f32 v20, v0;
	v20 =	vmul.f32 v16, v8  }
0x3c1: {  	v32 =	vld [tilespmem:s3+$0xFFFFFF80];
	v1 =	vadd.f32 v1, v11;
	v10 =	vadd.f32 v10, v13;
	v13 =	vmul.f32 v17, v9  }
0x3c2: {  	v34 =	vld [tilespmem:s3+$0x0];
	v0 =	vadd.f32 v0, v20;
	v11 =	vadd.f32 v18, v12;
	v12 =	vmul.f32 v14, v9  }
0x3c3: {  	v37 =	vld [tilespmem:s3+$0xFFFFFF10];
	v10 =	vadd.f32 v10, v13  }
0x3c4: {  	v38 =	vld [tilespmem:s3+$0x10];
	v0 =	vmax.f32 v0, $0.0e+00;
	v11 =	vadd.f32 v11, v12  }
0x3c5: {  	s16 =	simm.s32 $0x5;
	[tilespmem:s4+$0xB0] =	vst v0;
	v0 =	vld [tilespmem:s4+$0xC0];
	v10 =	vmax.f32 v10, $0.0e+00  }
0x3c6: {  	s17 =	simm.s32 $0x6;
	v22 =	vld [tilespmem:s13+$0xC0];
	v11 =	vmax.f32 v11, $0.0e+00;
	[tilespmem:s4+$0x40] =	vst v10;
	v10 =	vmov s16  }
0x3c7: {  	s18 =	simm.s32 $0x4;
	v13 =	vmov s17;
	[tilespmem:s4+$0xFFFFFFC0] =	vst v11;
	v11 =	vld [tilespmem:s4+$0xFFFFFFD0];
	v10 =	vand.u32 $0xFFFFFFFD, v10  }
0x3c8: {  	v27 =	vmov s18;
	v13 =	vand.u32 $0xFFFFFFFE, v13;
	v12 =	vld [tilespmem:s13+$0xFFFFFFD0];
	v10 =	vbroadcast v10, $0x0  }
0x3c9: {  	v27 =	vand.u32 $0xFFFFFFFC, v27;
	v39 =	vld [tilespmem:s3+$0xFFFFFF90];
	v13 =	vbroadcast v13, $0x0  }
0x3ca: {  	v27 =	vbroadcast v27, $0x0;
	v43 =	vld [tilespmem:s3+$0x90]  }
0x3cb: {  	v48 =	vld [tilespmem:s3+$0xFFFFFFA0];
	v0 =	vadd.f32 v22, v0;
	v22 =	vmul.f32 v16, v9  }
0x3cc: {  	v24 =	vld [tilespmem:s13+$0x50]  }
0x3cd: {  	v33 =	vmul.f32 v14, v4;
	v0 =	vadd.f32 v0, v22;
	v22 =	vld [tilespmem:s3+$0xFFFFFF00];
	v12 =	vadd.f32 v12, v11  }
0x3ce: {  	v11 =	vld.idx.msk [tilespmem:v10+s9+$0x0], $0xffff  }
0x3cf: {  	s11 =	simm.s32 $0x7;
	v33 =	vadd.f32 v12, v33;
	v12 =	vld.idx.msk [tilespmem:v13+s9+$0x0], $0xffff  }
0x3d0: {  	v35 =	vmov s11;
	v10 =	vld.idx.msk [tilespmem:v27+s9+$0x0], $0xffff  }
0x3d1: {  	v51 =	vld [tilespmem:s4+$0xFFFFFF50]  }
0x3d2: {  	v52 =	vld [tilespmem:s3+$0xA0];
	v31 =	vadd.f32 v31, v32;
	v0 =	vmax.f32 v0, $0.0e+00  }
0x3d3: {  	[tilespmem:s4+$0xC0] =	vst v0;
	v0 =	vadd.f32 v30, v34;
	v23 =	vadd.f32 v24, v23;
	v24 =	vld [tilespmem:s10+$0x80];
	v58 =	vmul.f32 v11, v5  }
0x3d4: {  	v22 =	vadd.f32 v29, v22;
	v13 =	vmax.f32 v33, $0.0e+00;
	v27 =	vld [tilespmem:s3+$0x80];
	v60 =	vmul.f32 v12, v5  }
0x3d5: {  	[tilespmem:s4+$0xFFFFFFD0] =	vst v13;
	v13 =	vld.idx.msk [tilespmem:v35+s9+$0x0], $0xffff;
	v61 =	vmul.f32 v10, v5;
	v31 =	vadd.f32 v31, v58  }
0x3d6: {  	v59 =	vld [tilespmem:s13+$0xD0];
	v0 =	vadd.f32 v0, v60  }
0x3d7: {  	v56 =	vld [tilespmem:s4+$0xFFFFFF70];
	v22 =	vadd.f32 v22, v61;
	v31 =	vmax.f32 v31, $0.0e+00  }
0x3d8: {  	v63 =	vmul.f32 v17, v4;
	v19 =	vld [tilespmem:s4+$0xFFFFFFF0];
	v0 =	vmax.f32 v0, $0.0e+00;
	[tilespmem:s3+$0xFFFFFF80] =	vst v31  }
0x3d9: {  	v1 =	vmax.f32 v1, $0.0e+00;
	[tilespmem:s3+$0x0] =	vst v0;
	v22 =	vmax.f32 v22, $0.0e+00;
	v0 =	vld [tilespmem:s10+$0xFFFFFF90]  }
0x3da: {  	v23 =	vadd.f32 v23, v63;
	v24 =	vadd.f32 v24, v27;
	v27 =	vmul.f32 v13, v5;
	[tilespmem:s3+$0xFFFFFF00] =	vst v22;
	v22 =	vld [tilespmem:s10+$0x10]  }
0x3db: {  	v41 =	vmul.f32 v16, v4;
	[tilespmem:s4+$0xFFFFFF30] =	vst v1;
	v1 =	vld [tilespmem:s4+$0xFFFFFF40];
	v25 =	vadd.f32 v59, v25  }
0x3dc: {  	v23 =	vmax.f32 v23, $0.0e+00;
	v24 =	vadd.f32 v24, v27;
	v42 =	vld [tilespmem:s10+$0xFFFFFF10]  }
0x3dd: {  	[tilespmem:s4+$0x50] =	vst v23;
	v23 =	vld [tilespmem:s13+$0xFFFFFF40];
	v25 =	vadd.f32 v25, v41  }
0x3de: {  	v18 =	vld [tilespmem:s4+$0xE0];
	v44 =	vmul.f32 v11, v6;
	v24 =	vmax.f32 v24, $0.0e+00;
	v0 =	vadd.f32 v0, v39  }
0x3df: {  	v57 =	vld [tilespmem:s13+$0xFFFFFFE0];
	v25 =	vmax.f32 v25, $0.0e+00;
	[tilespmem:s3+$0x80] =	vst v24;
	v24 =	vmul.f32 v12, v6;
	v22 =	vadd.f32 v22, v38  }
0x3e0: {  	[tilespmem:s4+$0xD0] =	vst v25;
	v25 =	vld [tilespmem:s10+$0x90];
	v0 =	vadd.f32 v0, v44  }
0x3e1: {  	v47 =	vmul.f32 v10, v6;
	v27 =	vld [tilespmem:s13+$0x60];
	v46 =	vadd.f32 v42, v37;
	v22 =	vadd.f32 v22, v24  }
0x3e2: {  	v1 =	vadd.f32 v23, v1;
	v23 =	vld [tilespmem:s13+$0xE0];
	v24 =	vmul.f32 v15, v9;
	v0 =	vmax.f32 v0, $0.0e+00  }
0x3e3: {  	v29 =	vadd.f32 v46, v47;
	[tilespmem:s3+$0xFFFFFF90] =	vst v0;
	v0 =	vmax.f32 v22, $0.0e+00;
	v22 =	vld [tilespmem:s3+$0x20]  }
0x3e4: {  	v1 =	vadd.f32 v1, v24;
	v24 =	vld [tilespmem:s10+$0xFFFFFFA0];
	[tilespmem:s3+$0x10] =	vst v0  }
0x3e5: {  	v49 =	vmul.f32 v13, v6;
	v25 =	vadd.f32 v25, v43;
	v0 =	vmax.f32 v29, $0.0e+00;
	v50 =	vld [tilespmem:s10+$0x20]  }
0x3e6: {  	[tilespmem:s3+$0xFFFFFF10] =	vst v0;
	v0 =	vmax.f32 v1, $0.0e+00;
	v1 =	vld [tilespmem:s3+$0xFFFFFF20]  }
0x3e7: {  	v40 =	vmul.f32 v14, v3;
	v28 =	vadd.f32 v57, v28;
	[tilespmem:s4+$0xFFFFFF40] =	vst v0;
	v0 =	vadd.f32 v25, v49;
	v25 =	vld [tilespmem:s10+$0xFFFFFF20]  }
0x3e8: {  	v53 =	vmul.f32 v11, v7;
	v26 =	vadd.f32 v27, v26;
	v27 =	vld [tilespmem:s13+$0xFFFFFF50]  }
0x3e9: {  	v20 =	vld [tilespmem:s4+$0xF0];
	v28 =	vadd.f32 v28, v40;
	v0 =	vmax.f32 v0, $0.0e+00;
	v24 =	vadd.f32 v24, v48  }
0x3ea: {  	v63 =	vld [tilespmem:s3+$0x40];
	[tilespmem:s3+$0x90] =	vst v0;
	v0 =	vadd.f32 v50, v22;
	v22 =	vmul.f32 v12, v7  }
0x3eb: {  	v55 =	vmul.f32 v17, v3;
	v28 =	vmax.f32 v28, $0.0e+00;
	v54 =	vld [tilespmem:s10+$0xA0];
	v24 =	vadd.f32 v24, v53  }
0x3ec: {  	v57 =	vld [tilespmem:s3+$0xFFFFFFB0];
	[tilespmem:s4+$0xFFFFFFE0] =	vst v28;
	v1 =	vadd.f32 v25, v1;
	v25 =	vmul.f32 v10, v7;
	v0 =	vadd.f32 v0, v22  }
0x3ed: {  	v45 =	vld [tilespmem:s13+$0xFFFFFFF0];
	v18 =	vadd.f32 v23, v18;
	v27 =	vadd.f32 v27, v51;
	v24 =	vmax.f32 v24, $0.0e+00  }
0x3ee: {  	v23 =	vld [tilespmem:s3+$0xFFFFFF30];
	v1 =	vadd.f32 v1, v25;
	[tilespmem:s3+$0xFFFFFFA0] =	vst v24;
	v24 =	vmul.f32 v15, v4;
	v0 =	vmax.f32 v0, $0.0e+00  }
0x3ef: {  	v26 =	vadd.f32 v26, v55;
	v25 =	vld [tilespmem:s3+$0x30];
	[tilespmem:s3+$0x20] =	vst v0;
	v0 =	vmul.f32 v13, v7  }
0x3f0: {  	v29 =	vadd.f32 v54, v52;
	v58 =	vld [tilespmem:s10+$0xFFFFFFB0];
	v1 =	vmax.f32 v1, $0.0e+00;
	v24 =	vadd.f32 v27, v24  }
0x3f1: {  	v26 =	vmax.f32 v26, $0.0e+00;
	v27 =	vld [tilespmem:s10+$0x30];
	[tilespmem:s3+$0xFFFFFF20] =	vst v1;
	v1 =	vmul.f32 v16, v3  }
0x3f2: {  	[tilespmem:s4+$0x60] =	vst v26;
	v0 =	vadd.f32 v29, v0;
	v26 =	vld [tilespmem:s10+$0xFFFFFF30];
	v24 =	vmax.f32 v24, $0.0e+00  }
0x3f3: {  	v22 =	vld [tilespmem:s4+$0xFFFFFF60];
	v1 =	vadd.f32 v18, v1;
	[tilespmem:s4+$0xFFFFFF50] =	vst v24  }
0x3f4: {  	v0 =	vmax.f32 v0, $0.0e+00;
	v24 =	vld [tilespmem:s13+$0xFFFFFF60]  }
0x3f5: {  	v60 =	vmul.f32 v11, v8;
	v18 =	vadd.f32 v58, v57;
	[tilespmem:s3+$0xA0] =	vst v0;
	v0 =	vmax.f32 v1, $0.0e+00;
	v1 =	vld [tilespmem:s3+$0xB0]  }
0x3f6: {  	[tilespmem:s4+$0xE0] =	vst v0;
	v0 =	vadd.f32 v27, v25;
	v25 =	vmul.f32 v12, v8;
	v27 =	vld [tilespmem:s10+$0xB0]  }
0x3f7: {  	v59 =	vld [tilespmem:s13+$0x70];
	v28 =	vadd.f32 v18, v60;
	v23 =	vadd.f32 v26, v23;
	v26 =	vmul.f32 v10, v8  }
0x3f8: {  	v61 =	vld [tilespmem:s13+$0xF0];
	v0 =	vadd.f32 v0, v25  }
0x3f9: {  	v18 =	vld [tilespmem:s3+$0xFFFFFFF0];
	v25 =	vmax.f32 v28, $0.0e+00;
	v23 =	vadd.f32 v23, v26  }
0x3fa: {  	[tilespmem:s3+$0xFFFFFFB0] =	vst v25;
	v22 =	vadd.f32 v24, v22;
	v24 =	vmul.f32 v15, v3;
	v25 =	vld [tilespmem:s3+$0xFFFFFFC0];
	v0 =	vmax.f32 v0, $0.0e+00  }
0x3fb: {  	v26 =	vld [tilespmem:s10+$0xFFFFFFC0];
	[tilespmem:s3+$0x30] =	vst v0;
	v0 =	vadd.f32 v27, v1;
	v1 =	vmul.f32 v13, v8  }
0x3fc: {  	v23 =	vmax.f32 v23, $0.0e+00;
	v22 =	vadd.f32 v22, v24;
	v24 =	vld [tilespmem:s10+$0x40]  }
0x3fd: {  	[tilespmem:s3+$0xFFFFFF30] =	vst v23;
	v23 =	vld [tilespmem:s3+$0xFFFFFF40];
	v0 =	vadd.f32 v0, v1  }
0x3fe: {  	v1 =	vadd.f32 v45, v19;
	v19 =	vmul.f32 v14, v2;
	v27 =	vld [tilespmem:s10+$0xFFFFFF40];
	v22 =	vmax.f32 v22, $0.0e+00  }
0x3ff: {  	v17 =	vmul.f32 v17, v2;
	v21 =	vadd.f32 v59, v21;
	v14 =	vld [tilespmem:s3+$0xF0];
	[tilespmem:s4+$0xFFFFFF60] =	vst v22;
	v0 =	vmax.f32 v0, $0.0e+00  }
0x400: {  	v1 =	vadd.f32 v1, v19;
	v19 =	vld [tilespmem:s13+$0xFFFFFF70];
	v22 =	vadd.f32 v26, v25;
	v25 =	vmul.f32 v11, v9  }
0x401: {  	v16 =	vmul.f32 v16, v2;
	[tilespmem:s3+$0xB0] =	vst v0;
	v0 =	vadd.f32 v21, v17;
	v17 =	vadd.f32 v61, v20;
	v26 =	vld [tilespmem:s3+$0xC0]  }
0x402: {  	v21 =	vmul.f32 v12, v9;
	v20 =	vadd.f32 v24, v63;
	v24 =	vld [tilespmem:s10+$0xC0];
	v22 =	vadd.f32 v22, v25  }
0x403: {  	v1 =	vmax.f32 v1, $0.0e+00;
	v25 =	vadd.f32 v17, v16;
	v16 =	vld [tilespmem:s3+$0xE0];
	v23 =	vadd.f32 v27, v23  }
0x404: {  	[tilespmem:s4+$0xFFFFFFF0] =	vst v1;
	v1 =	vmul.f32 v10, v9;
	v17 =	vld [tilespmem:s3+$0x70];
	v0 =	vmax.f32 v0, $0.0e+00;
	v27 =	vadd.f32 v20, v21  }
0x405: {  	v15 =	vmul.f32 v15, v2;
	v20 =	vld [tilespmem:s3+$0x50];
	[tilespmem:s4+$0x70] =	vst v0;
	v21 =	vmax.f32 v22, $0.0e+00;
	v19 =	vadd.f32 v19, v56  }
0x406: {  	v0 =	vmax.f32 v25, $0.0e+00;
	v1 =	vadd.f32 v23, v1;
	[tilespmem:s3+$0xFFFFFFC0] =	vst v21;
	v21 =	vld [tilespmem:s3+$0xFFFFFFD0];
	v23 =	vmax.f32 v27, $0.0e+00  }
0x407: {  	v25 =	vmul.f32 v13, v9;
	v22 =	vld [tilespmem:s10+$0xFFFFFFD0];
	[tilespmem:s3+$0x40] =	vst v23;
	v24 =	vadd.f32 v24, v26;
	v15 =	vadd.f32 v19, v15  }
0x408: {  	[tilespmem:s4+$0xF0] =	vst v0;
	v0 =	vmax.f32 v1, $0.0e+00;
	v23 =	vld [tilespmem:s10+$0x50]  }
0x409: {  	s11 =	simm.s32 $0x13D80;
	s0 =	simm.s32 $0x17B80;
	s13 =	simm.s32 $0x8;
	[tilespmem:s3+$0xFFFFFF40] =	vst v0;
	v19 =	vld [tilespmem:s3+$0xD0];
	v24 =	vadd.f32 v24, v25;
	v15 =	vmax.f32 v15, $0.0e+00  }
.LBB2_12:
0x40a: {  	s16 =	sadd.s32 $0x1, s13;
	s17 =	sadd.s32 $0x2, s13;
	s18 =	smov.u32 s13  }
0x40b: {  	v0 =	vmov s13;
	v1 =	vmul.f32 v11, v4;
	v25 =	vmul.f32 v12, v4;
	v26 =	vld [tilespmem:s3+$0x60];
	[tilespmem:s4+$0xFFFFFF70] =	vst v15;
	s15 =	sadd.s32 $0x4, s13;
	s4 =	smov.u32 s3;
	s3 =	smov.u32 s11  }
0x40c: {  	p1 =	slt.u32 s13, $0xC;
	v0 =	vand.u32 $0xFFFFFFFC, v0;
	v15 =	vmov s16;
	v27 =	vmov s17;
	v28 =	vld [tilespmem:s11+$0x80]  }
0x40d: {  	s10 =	sadd.s32 $0x200, s10;
	v15 =	vand.u32 $0xFFFFFFFD, v15;
	v27 =	vand.u32 $0xFFFFFFFE, v27;
	v21 =	vadd.f32 v22, v21;
	v22 =	vld [tilespmem:s4+$0xFFFFFFE0]  }
0x40e: {  	v29 =	vld [tilespmem:s10+$0xFFFFFF00];
	v15 =	vbroadcast v15, $0x0;
	v20 =	vadd.f32 v23, v20;
	v23 =	vmax.f32 v24, $0.0e+00  }
0x40f: {  	v24 =	vbroadcast v27, $0x0;
	v27 =	vld [tilespmem:s10+$0x0];
	v1 =	vadd.f32 v21, v1;
	[tilespmem:s4+$0xC0] =	vst v23  }
0x410: {  	v21 =	vld [tilespmem:s10+$0xFFFFFF80];
	v20 =	vadd.f32 v20, v25  }
0x411: {  	v0 =	vbroadcast v0, $0x0;
	v23 =	vld [tilespmem:s11+$0xFFFFFF80];
	v1 =	vmax.f32 v1, $0.0e+00  }
0x412: {  	v25 =	vld [tilespmem:s11+$0x0];
	[tilespmem:s4+$0xFFFFFFD0] =	vst v1;
	v1 =	vmax.f32 v20, $0.0e+00  }
0x413: {  	s13 =	sadd.s32 $0x3, s18;
	v20 =	vld [tilespmem:s0+$0xFFFFFFE0];
	[tilespmem:s4+$0x50] =	vst v1  }
0x414: {  	v30 =	vmov s13;
	v1 =	vld.idx.msk [tilespmem:v15+s9+$0x0], $0xffff  }
0x415: {  	v24 =	vld.idx.msk [tilespmem:v24+s9+$0x0], $0xffff  }
0x416: {  	v31 =	vld [tilespmem:s0+$0x60]  }
0x417: {  	v15 =	vld.idx.msk [tilespmem:v0+s9+$0x0], $0xffff;
	v0 =	vadd.f32 v27, v25  }
0x418: {  	v25 =	vld [tilespmem:s11+$0xFFFFFF00];
	v20 =	vadd.f32 v20, v22;
	v22 =	vmul.f32 v11, v3  }
0x419: {  	v27 =	vld.idx.msk [tilespmem:v30+s9+$0x0], $0xffff  }
0x41a: {  	v21 =	vadd.f32 v21, v23;
	v23 =	vmul.f32 v1, v5;
	v20 =	vadd.f32 v20, v22;
	v22 =	vld [tilespmem:s0+$0xD0]  }
0x41b: {  	v30 =	vmul.f32 v24, v5;
	v32 =	vld [tilespmem:s10+$0x80];
	v26 =	vadd.f32 v31, v26  }
0x41c: {  	v21 =	vadd.f32 v21, v23;
	v23 =	vmul.f32 v12, v3;
	v31 =	vld [tilespmem:s11+$0xFFFFFF10];
	v20 =	vmax.f32 v20, $0.0e+00  }
0x41d: {  	v0 =	vadd.f32 v0, v30;
	v25 =	vadd.f32 v29, v25;
	v29 =	vmul.f32 v15, v5;
	v30 =	vld [tilespmem:s11+$0x10];
	[tilespmem:s4+$0xFFFFFFE0] =	vst v20  }
0x41e: {  	v20 =	vmax.f32 v21, $0.0e+00;
	v23 =	vadd.f32 v26, v23;
	v26 =	vmul.f32 v13, v4;
	v21 =	vld [tilespmem:s0+$0xFFFFFFF0]  }
0x41f: {  	v0 =	vmax.f32 v0, $0.0e+00;
	v25 =	vadd.f32 v25, v29;
	[tilespmem:s11+$0xFFFFFF80] =	vst v20;
	v20 =	vld [tilespmem:s11+$0xFFFFFF90];
	v19 =	vadd.f32 v22, v19  }
0x420: {  	v23 =	vmax.f32 v23, $0.0e+00;
	v22 =	vld [tilespmem:s10+$0xFFFFFF90];
	[tilespmem:s11+$0x0] =	vst v0;
	v0 =	vadd.f32 v32, v28;
	v28 =	vmul.f32 v27, v5  }
0x421: {  	v25 =	vmax.f32 v25, $0.0e+00;
	v29 =	vld [tilespmem:s10+$0x10];
	[tilespmem:s4+$0x60] =	vst v23;
	v19 =	vadd.f32 v19, v26  }
0x422: {  	[tilespmem:s11+$0xFFFFFF00] =	vst v25;
	v0 =	vadd.f32 v0, v28;
	v23 =	vld [tilespmem:s0+$0x70]  }
0x423: {  	v25 =	vld [tilespmem:s10+$0xFFFFFF10];
	v18 =	vadd.f32 v21, v18;
	v21 =	vmul.f32 v11, v2;
	v19 =	vmax.f32 v19, $0.0e+00;
	v11 =	vmovc v1  }
0x424: {  	v0 =	vmax.f32 v0, $0.0e+00;
	v1 =	vld [tilespmem:s11+$0x90];
	[tilespmem:s4+$0xD0] =	vst v19  }
0x425: {  	v19 =	vadd.f32 v22, v20;
	v20 =	vmul.f32 v11, v6;
	[tilespmem:s11+$0x80] =	vst v0;
	v0 =	vadd.f32 v18, v21;
	v18 =	vld [tilespmem:s0+$0xE0]  }
0x426: {  	v28 =	vmul.f32 v12, v2;
	v12 =	vmovc v24;
	v22 =	vmul.f32 v24, v6;
	v21 =	vadd.f32 v29, v30;
	v26 =	vld [tilespmem:s10+$0x90]  }
0x427: {  	v19 =	vadd.f32 v19, v20;
	v20 =	vld [tilespmem:s4+$0xFFFFFF50];
	v0 =	vmax.f32 v0, $0.0e+00;
	v17 =	vadd.f32 v23, v17  }
0x428: {  	v24 =	vmul.f32 v15, v6;
	v23 =	vadd.f32 v25, v31;
	v21 =	vadd.f32 v21, v22;
	v22 =	vld [tilespmem:s11+$0xA0];
	[tilespmem:s4+$0xFFFFFFF0] =	vst v0  }
0x429: {  	v25 =	vmul.f32 v13, v3;
	v0 =	vmax.f32 v19, $0.0e+00;
	v19 =	vld [tilespmem:s11+$0xFFFFFFA0];
	v17 =	vadd.f32 v17, v28  }
0x42a: {  	v23 =	vadd.f32 v23, v24;
	[tilespmem:s11+$0xFFFFFF90] =	vst v0;
	v0 =	vmax.f32 v21, $0.0e+00;
	v21 =	vld [tilespmem:s11+$0x20];
	v16 =	vadd.f32 v18, v16  }
0x42b: {  	v18 =	vld [tilespmem:s10+$0xFFFFFFA0];
	[tilespmem:s11+$0x10] =	vst v0;
	v0 =	vadd.f32 v26, v1;
	v1 =	vmul.f32 v27, v6;
	v17 =	vmax.f32 v17, $0.0e+00  }
0x42c: {  	v23 =	vmax.f32 v23, $0.0e+00;
	v24 =	vld [tilespmem:s10+$0x20];
	[tilespmem:s4+$0x70] =	vst v17;
	v16 =	vadd.f32 v16, v25  }
0x42d: {  	[tilespmem:s11+$0xFFFFFF10] =	vst v23;
	v17 =	vld [tilespmem:s11+$0xFFFFFF20];
	v0 =	vadd.f32 v0, v1  }
0x42e: {  	v1 =	vld [tilespmem:s10+$0xFFFFFF20];
	v16 =	vmax.f32 v16, $0.0e+00  }
0x42f: {  	v0 =	vmax.f32 v0, $0.0e+00;
	v23 =	vld [tilespmem:s0+$0xFFFFFF50];
	[tilespmem:s4+$0xE0] =	vst v16  }
0x430: {  	v16 =	vadd.f32 v18, v19;
	v18 =	vmul.f32 v11, v7;
	[tilespmem:s11+$0x90] =	vst v0;
	v0 =	vld [tilespmem:s0+$0xF0]  }
0x431: {  	v19 =	vadd.f32 v24, v21;
	v21 =	vmul.f32 v12, v7;
	v24 =	vld [tilespmem:s10+$0xA0]  }
0x432: {  	v26 =	vmul.f32 v13, v2;
	v13 =	vmovc v27;
	v16 =	vadd.f32 v16, v18;
	v18 =	vmul.f32 v10, v4;
	v25 =	vld [tilespmem:s4+$0xFFFFFF70]  }
0x433: {  	v1 =	vadd.f32 v1, v17;
	v17 =	vmul.f32 v15, v7;
	v19 =	vadd.f32 v19, v21;
	v21 =	vld [tilespmem:s4+$0xFFFFFF60]  }
0x434: {  	v28 =	vmul.f32 v13, v7;
	v16 =	vmax.f32 v16, $0.0e+00;
	v27 =	vld [tilespmem:s11+$0x30];
	v20 =	vadd.f32 v23, v20  }
0x435: {  	v1 =	vadd.f32 v1, v17;
	[tilespmem:s11+$0xFFFFFFA0] =	vst v16;
	v16 =	vld [tilespmem:s11+$0xFFFFFFB0];
	v17 =	vmax.f32 v19, $0.0e+00;
	v0 =	vadd.f32 v0, v14  }
0x436: {  	v14 =	vld [tilespmem:s10+$0xFFFFFFB0];
	[tilespmem:s11+$0x20] =	vst v17;
	v17 =	vadd.f32 v24, v22;
	v18 =	vadd.f32 v20, v18  }
0x437: {  	v1 =	vmax.f32 v1, $0.0e+00;
	v19 =	vld [tilespmem:s10+$0x30];
	v0 =	vadd.f32 v0, v26  }
0x438: {  	[tilespmem:s11+$0xFFFFFF20] =	vst v1;
	v1 =	vld [tilespmem:s11+$0xFFFFFF30];
	v17 =	vadd.f32 v17, v28;
	v18 =	vmax.f32 v18, $0.0e+00  }
0x439: {  	v20 =	vld [tilespmem:s10+$0xFFFFFF30];
	[tilespmem:s4+$0xFFFFFF50] =	vst v18;
	v0 =	vmax.f32 v0, $0.0e+00  }
0x43a: {  	v17 =	vmax.f32 v17, $0.0e+00;
	v22 =	vld [tilespmem:s0+$0xFFFFFF60];
	[tilespmem:s4+$0xF0] =	vst v0  }
0x43b: {  	v0 =	vadd.f32 v14, v16;
	v14 =	vmul.f32 v11, v8;
	[tilespmem:s11+$0xA0] =	vst v17;
	v16 =	vld [tilespmem:s11+$0xB0]  }
0x43c: {  	v17 =	vadd.f32 v19, v27;
	v19 =	vmul.f32 v12, v8;
	v23 =	vld [tilespmem:s10+$0xB0]  }
0x43d: {  	v0 =	vadd.f32 v0, v14;
	v18 =	vld [tilespmem:s11+$0xFFFFFFF0]  }
0x43e: {  	v1 =	vadd.f32 v20, v1;
	v20 =	vmul.f32 v15, v8;
	v17 =	vadd.f32 v17, v19;
	v14 =	vld [tilespmem:s11+$0xF0]  }
0x43f: {  	v0 =	vmax.f32 v0, $0.0e+00;
	v19 =	vld [tilespmem:s11+$0x40];
	v21 =	vadd.f32 v22, v21;
	v22 =	vmul.f32 v10, v3  }
0x440: {  	v1 =	vadd.f32 v1, v20;
	[tilespmem:s11+$0xFFFFFFB0] =	vst v0;
	v0 =	vld [tilespmem:s11+$0xFFFFFFC0];
	v17 =	vmax.f32 v17, $0.0e+00  }
0x441: {  	v20 =	vld [tilespmem:s10+$0xFFFFFFC0];
	[tilespmem:s11+$0x30] =	vst v17;
	v16 =	vadd.f32 v23, v16;
	v17 =	vmul.f32 v13, v8;
	v21 =	vadd.f32 v21, v22  }
0x442: {  	v1 =	vmax.f32 v1, $0.0e+00;
	v22 =	vld [tilespmem:s10+$0x40]  }
0x443: {  	[tilespmem:s11+$0xFFFFFF30] =	vst v1;
	v1 =	vld [tilespmem:s11+$0xFFFFFF40];
	v16 =	vadd.f32 v16, v17;
	v17 =	vmax.f32 v21, $0.0e+00  }
0x444: {  	v21 =	vld [tilespmem:s10+$0xFFFFFF40];
	[tilespmem:s4+$0xFFFFFF60] =	vst v17  }
0x445: {  	v16 =	vmax.f32 v16, $0.0e+00;
	v23 =	vld [tilespmem:s0+$0xFFFFFF70];
	s0 =	smov.u32 s10  }
0x446: {  	v17 =	vmul.f32 v11, v9;
	v0 =	vadd.f32 v20, v0;
	[tilespmem:s11+$0xB0] =	vst v16;
	v24 =	vld [tilespmem:s11+$0xC0]  }
0x447: {  	v20 =	vmul.f32 v12, v9;
	v19 =	vadd.f32 v22, v19;
	v26 =	vld [tilespmem:s10+$0xC0]  }
0x448: {  	v0 =	vadd.f32 v0, v17;
	v16 =	vld [tilespmem:s11+$0xE0]  }
0x449: {  	v1 =	vadd.f32 v21, v1;
	v21 =	vmul.f32 v15, v9;
	v19 =	vadd.f32 v19, v20;
	v17 =	vld [tilespmem:s11+$0x70]  }
.Ltmp5:
0x44a: {  	v0 =	vmax.f32 v0, $0.0e+00;
	v20 =	vld [tilespmem:s11+$0x50];
	v23 =	vadd.f32 v23, v25;
	v25 =	vmul.f32 v10, v2;
	v10 =	vmovc v15;
	(pc) =	sbr.rel @p1 .LBB2_12-.Ltmp5, $4  }
0x44b: {  	v1 =	vadd.f32 v1, v21;
	[tilespmem:s11+$0xFFFFFFC0] =	vst v0;
	v21 =	vld [tilespmem:s11+$0xFFFFFFD0];
	v0 =	vmax.f32 v19, $0.0e+00  }
0x44c: {  	v15 =	vmul.f32 v13, v9;
	v22 =	vld [tilespmem:s10+$0xFFFFFFD0];
	[tilespmem:s11+$0x40] =	vst v0;
	v0 =	vadd.f32 v26, v24;
	v25 =	vadd.f32 v23, v25  }
0x44d: {  	v1 =	vmax.f32 v1, $0.0e+00;
	v23 =	vld [tilespmem:s10+$0x50]  }
0x44e: {  	s13 =	smov.u32 s15;
	s11 =	sadd.s32 $0x200, s11;
	[tilespmem:s3+$0xFFFFFF40] =	vst v1;
	v24 =	vadd.f32 v0, v15;
	v19 =	vld [tilespmem:s3+$0xD0];
	v15 =	vmax.f32 v25, $0.0e+00  }
0x44f: {  	_ = 	snop  }
0x450: {  	v1 =	vld [tilespmem:s3+$0xFFFFFF50];
	v0 =	vmax.f32 v24, $0.0e+00  }
0x451: {  	v7 =	vld [tilespmem:s0+$0xFFFFFF50];
	[tilespmem:s3+$0xC0] =	vst v0  }
0x452: {  	v0 =	vld [tilespmem:s0+$0xD0];
	_ =	sdelay $0x1  }
0x453: {  	v5 =	vmul.f32 v11, v4;
	v6 =	vadd.f32 v22, v21  }
0x454: {  	v8 =	vmul.f32 v12, v4;
	v9 =	vadd.f32 v23, v20  }
0x455: {  	v42 =	vmul.f32 v10, v4;
	v5 =	vadd.f32 v6, v5;
	v1 =	vadd.f32 v7, v1  }
0x456: {  	v38 =	vld [tilespmem:s3+$0xFFFFFFE0];
	v39 =	vmul.f32 v13, v4;
	v37 =	vadd.f32 v9, v8;
	v0 =	vadd.f32 v0, v19  }
0x457: {  	v40 =	vld [tilespmem:s3+$0x60];
	v5 =	vmax.f32 v5, $0.0e+00;
	v1 =	vadd.f32 v1, v42  }
0x458: {  	v45 =	vld [tilespmem:s3+$0xFFFFFF60];
	[tilespmem:s3+$0xFFFFFFD0] =	vst v5;
	v41 =	vmax.f32 v37, $0.0e+00;
	v0 =	vadd.f32 v0, v39  }
0x459: {  	v43 =	vld [tilespmem:s0+$0xFFFFFFE0];
	[tilespmem:s3+$0x50] =	vst v41;
	v1 =	vmax.f32 v1, $0.0e+00  }
0x45a: {  	v5 =	vld [tilespmem:s0+$0x60];
	[tilespmem:s3+$0xFFFFFF50] =	vst v1;
	v0 =	vmax.f32 v0, $0.0e+00  }
0x45b: {  	v1 =	vld [tilespmem:s0+$0xFFFFFF60];
	[tilespmem:s3+$0xD0] =	vst v0  }
0x45c: {  	v46 =	vld [tilespmem:s0+$0xE0];
	_ =	sdelay $0x1  }
0x45d: {  	v47 =	vmul.f32 v11, v3;
	v6 =	vadd.f32 v43, v38  }
0x45e: {  	v48 =	vmul.f32 v12, v3;
	v5 =	vadd.f32 v5, v40  }
0x45f: {  	v50 =	vmul.f32 v10, v3;
	v6 =	vadd.f32 v6, v47;
	v0 =	vadd.f32 v1, v45  }
0x460: {  	v49 =	vmul.f32 v13, v3;
	v5 =	vadd.f32 v5, v48;
	v7 =	vadd.f32 v46, v16  }
0x461: {  	v51 =	vmax.f32 v6, $0.0e+00;
	v0 =	vadd.f32 v0, v50  }
0x462: {  	v44 =	vld [tilespmem:s3+$0xFFFFFF70];
	[tilespmem:s3+$0xFFFFFFE0] =	vst v51;
	v53 =	vmax.f32 v5, $0.0e+00;
	v52 =	vadd.f32 v7, v49  }
0x463: {  	v54 =	vld [tilespmem:s0+$0xFFFFFFF0];
	[tilespmem:s3+$0x60] =	vst v53;
	v0 =	vmax.f32 v0, $0.0e+00  }
0x464: {  	v56 =	vld [tilespmem:s0+$0x70];
	[tilespmem:s3+$0xFFFFFF60] =	vst v0;
	v55 =	vmax.f32 v52, $0.0e+00  }
0x465: {  	v0 =	vld [tilespmem:s0+$0xFFFFFF70];
	[tilespmem:s3+$0xE0] =	vst v55  }
0x466: {  	v3 =	vld [tilespmem:s0+$0xF0];
	_ =	sdelay $0x1  }
0x467: {  	v57 =	vmul.f32 v11, v2;
	v1 =	vadd.f32 v54, v18  }
0x468: {  	v58 =	vmul.f32 v12, v2;
	v5 =	vadd.f32 v56, v17  }
0x469: {  	v60 =	vmul.f32 v10, v2;
	v1 =	vadd.f32 v1, v57;
	v0 =	vadd.f32 v0, v44  }
0x46a: {  	v59 =	vmul.f32 v13, v2;
	v5 =	vadd.f32 v5, v58;
	v3 =	vadd.f32 v3, v14  }
0x46b: {  	[tilespmem:s4+$0xFFFFFF70] =	vst v15;
	v1 =	vmax.f32 v1, $0.0e+00;
	v0 =	vadd.f32 v0, v60  }
0x46c: {  	[tilespmem:s3+$0xFFFFFFF0] =	vst v1;
	v61 =	vmax.f32 v5, $0.0e+00;
	v3 =	vadd.f32 v3, v59  }
0x46d: {  	[tilespmem:s3+$0x70] =	vst v61;
	v0 =	vmax.f32 v0, $0.0e+00  }
0x46e: {  	[tilespmem:s3+$0xFFFFFF70] =	vst v0;
	v63 =	vmax.f32 v3, $0.0e+00  }
0x46f: {  	[tilespmem:s3+$0xF0] =	vst v63  }
0x470: {  	v0 =	vld [tilespmem:$0x1BD80];
	_ =	sdelay $0x7  }
0x471: {  	s17 =	simm.s32 $0x13880;
	s18 =	simm.s32 $0x10;
	[tilespmem:v0+s25+$0x0] =	vst.idx.add.f32.msk $0xffff, v36  }
0x472: {  	[spmem:s2] =	stream.indirect.scatter.add.f32 [tilespmem:s17], [sflag:$0x9], $0x80, s26, s18, $0xb8;
	[tilespmem:$0x1E700] =	vst v63  }
0x473: {  	_ =	swait.ge [sflag:s12], $0x800  }
0x474: {  	[sflag:s12] =	ssyncset.done $0x0  }
0x475: {  	[sflag:s12] =	ssyncadd.s32 $0xFFFFF800  }
0x476: {  	s4 =	stileid.u32;
	[bflag:$0x0] =	sbarrier.arrive $0xFFFF  }
0x477: {  	s0 =	sshll.u32 s4, $0x6;
	s16 =	rddreg [dreg:$0x5]  }
0x478: {  	s0 =	sor.u32 $0x1C09, s0;
	s11 =	rddreg [dreg:$0xf];
	s10 =	sshrl.u32 s16, $0x3  }
0x479: {  	[hbm:s11], [sflag:s0] =	dma.local [spmem:s10], $0x2700  }
0x47a: {  	_ =	swait.ge [sflag:s12], $0x2700  }
0x47b: {  	[sflag:s12] =	ssyncset.done $0x0;
	s10 =	rddreg [dreg:$0x1e]  }
0x47c: {  	s4 =	rddreg [dreg:$0x12];
	[sflag:s12] =	ssyncadd.s32 $0xFFFFD900;
	s3 =	sshrl.u32 @!p0 s10, $0x3  }
0x47d: {  	[hbm:s4], [sflag:s0] =	dma.local @!p0 [spmem:s3], $0x100  }
0x47e: {  	s0 =	simm.s32 @!p0 $0x9  }
0x47f: {  	_ =	swait.ge @!p0 [sflag:s0], $0x100  }
0x480: {  	s15 =	simm.s32 $0x80;
	[sflag:s0] =	ssyncset.done @!p0 $0x0  }
0x481: {  	s17 =	simm.s32 $0x400;
	s13 =	rddreg [dreg:$0x13];
	[sflag:s0] =	ssyncadd.s32 @!p0 $0xFFFFFF00  }
0x482: {  	[hbm4b:s13+s15] =	stream.strided.scatter [tilespmem:s25], [sflag:$0x9], $0x2780, s17, s15, $0x38;
	[tilespmem:$0x1E700] =	vst v63  }
0x483: {  	_ =	swait.ge [sflag:s12], $0x2780  }
0x484: {  	s18 =	rddreg [dreg:$0x1f]  }
0x485: {  	s26 =	rddreg [dreg:$0x14];
	s3 =	sadd.s32 $0x1, s18  }
0x486: {  	p1 =	sne.s32 s3, s26  }
.Ltmp6:
0x487: {  	_ = 	snop;
	(pc) =	sbr.rel @p1 .LBB2_1-.Ltmp6, $3  }
0x488: {  	_ =	sdelay $0x1  }
0x489: {  	[sflag:s12] =	ssyncset.done $0x0  }
0x48a: {  	[sflag:s12] =	ssyncadd.s32 $0xFFFFD880  }
0x48b: {  	_ =	sfence.sel $0x180000  }
0x48c: {  	[bflag:$0x0] =	sbarrier.arrive $0xFFFF  }
0x48d: {  	_ =	strace $0x90000047  }
0x48e: {  	s0 =	stileid.u32;
	[bflag:$0x2] =	sbarrier.arrive $0xFFFF  }
0x48f: {  	p0 =	sne.s32 s0, $0x0;
	s0 =	rddreg [dreg:$0x3]  }
0x490: {  	s0 =	sadd.s32 @!p0 $0x100000, s0  }
0x491: {  	[sflag:s0] =	ssyncadd.tile.s32 @!p0 $0x1;
	_ =	shalt  }
.Lfunc_end2:
_tile_overlayer_lowered:
.L_overlay_start_2:
0x492: {  	(tag) =	ssettag $0x2  }
0x493: {  	s0 =	rddreg [dreg:$0x0];
	s2 =	stileid.u32  }
0x494: {  	s1 =	rddreg [dreg:$0x1];
	p0 =	sne.s32 s2, $0x0  }
0x495: {  	s3 =	rddreg [dreg:$0x2];
	[bflag:$0x3] =	sbarrier.arrive $0xFFFF;
	s2 =	simm.s32 @!p0 $0x1C09  }
0x496: {  	[timem:s3], [sflag:s2] =	dma.local @!p0 [hbm:s0], s1  }
0x497: {  	s0 =	simm.s32 @!p0 $0x9  }
0x498: {  	_ =	swait.ge @!p0 [sflag:s0], s1  }
0x499: {  	s1 =	ssub.s32 @!p0 $0x0, s1;
	[sflag:s0] =	ssyncset.done @!p0 $0x0  }
0x49a: {  	[sflag:s0] =	ssyncadd.s32 @!p0 s1  }
0x49b: {  	[bflag:$0x3] =	sbarrier.arrive $0xFFFF  }
0x49c: {  	_ =	shalt  }

</sc_bundles>
